<compile_context>
chip_gen: v7x
topology: tpu7x:2x2x1
jax: 0.10.2.dev20260603
libtpu: 0.0.44.dev20260713+nightly
codegen_flags: <defaults>
</compile_context>

<pallas_src>
import functools

import jax
import jax.numpy as jnp
from jax import lax
from jax.experimental import pallas as pl
from jax.experimental.pallas import tpu as pltpu
from jax.experimental.pallas import tpu_sc as plsc

N = 10000
E = 320000
D = 128

NC = 2
NS = 16
NW = NC * NS
RW = 128
SUB = 32
QN = RW // SUB
NROW = E // RW
SC_ROWS = 8
NSUPER = -(-NROW // SC_ROWS)
MAX_SUPER = -(-NSUPER // NW)
PAD_ROWS = MAX_SUPER * NW * SC_ROWS
TROWS = MAX_SUPER * SC_ROWS
ROWS_PER_TILE = 624
CP = 104
TAIL_R0 = NS * ROWS_PER_TILE
TAIL_ROWS = N - TAIL_R0
NLANE = D // 16


def _sc_aggregate(node_hbm, edge_hbm, src_hbm, dst_hbm, out_hbm,
                  shared_agg, idx_s, idx_d, sid0, sid1,
                  buf_g0, buf_g1, buf_e0, buf_e1, buf_m0, buf_m1,
                  sem_i, sem_g0, sem_g1, sem_e0, sem_e1, sem_s0, sem_s1):
    c = lax.axis_index("c")
    s = lax.axis_index("s")
    wid = s * NC + c

    nsc = NSUPER // NW + jnp.where(wid < (NSUPER % NW), 1, 0)
    nch = nsc * SC_ROWS * QN

    idx_cps = []
    for i in range(MAX_SUPER):
        r0 = SC_ROWS * (wid + NW * i)
        idx_cps.append(pltpu.async_copy(
            src_hbm.at[pl.ds(r0, SC_ROWS)],
            idx_s.at[pl.ds(SC_ROWS * i, SC_ROWS)], sem_i))
        idx_cps.append(pltpu.async_copy(
            dst_hbm.at[pl.ds(r0, SC_ROWS)],
            idx_d.at[pl.ds(SC_ROWS * i, SC_ROWS)], sem_i))

    row0 = s * ROWS_PER_TILE
    is_tail = s == NS - 1

    @pl.when(c == 0)
    def _():
        for k in range(ROWS_PER_TILE // CP):
            r0 = row0 + k * CP
            pltpu.sync_copy(node_hbm.at[pl.ds(r0, CP)],
                            shared_agg.at[pl.ds(r0, CP)])

        @pl.when(is_tail)
        def _():
            pltpu.sync_copy(node_hbm.at[pl.ds(TAIL_R0, TAIL_ROWS)],
                            shared_agg.at[pl.ds(TAIL_R0, TAIL_ROWS)])

    @pl.when(c != 0)
    def _():
        def zrow(r, carry):
            for j in range(NLANE):
                buf_g0[r, pl.ds(j * 16, 16)] = jnp.zeros((16,), jnp.float32)
            return carry
        lax.fori_loop(0, SUB, zrow, 0)
        for k in range(ROWS_PER_TILE // CP):
            r0 = row0 + k * CP
            for b in range(0, CP, SUB):
                nrow = min(SUB, CP - b)
                pltpu.sync_copy(buf_g0.at[pl.ds(0, nrow)],
                                shared_agg.at[pl.ds(r0 + b, nrow)])

        @pl.when(is_tail)
        def _():
            pltpu.sync_copy(buf_g0.at[pl.ds(0, TAIL_ROWS)],
                            shared_agg.at[pl.ds(TAIL_R0, TAIL_ROWS)])

    del idx_cps
    pltpu.make_async_copy(src_hbm.at[pl.ds(0, TROWS)], idx_s, sem_i).wait()
    pltpu.make_async_copy(src_hbm.at[pl.ds(0, TROWS)], idx_d, sem_i).wait()

    plsc.subcore_barrier()

    bufs = ((buf_g0, buf_e0, buf_m0, sid0, sem_g0, sem_e0, sem_s0),
            (buf_g1, buf_e1, buf_m1, sid1, sem_g1, sem_e1, sem_s1))

    def locate(t):
        lrow = t // QN
        q = t % QN
        grow = SC_ROWS * (wid + NW * (lrow // SC_ROWS)) + lrow % SC_ROWS
        return lrow, q, grow

    def issue_loads(t, bg, be, sg, se):
        lrow, q, grow = locate(t)
        pltpu.async_copy(
            node_hbm.at[idx_s.at[lrow, pl.ds(SUB * q, SUB)]], bg, sg)
        eoff = jnp.where(grow < NROW, grow, 0) * RW + SUB * q
        pltpu.async_copy(edge_hbm.at[pl.ds(eoff, SUB)], be, se)

    issue_loads(jnp.int32(0), buf_g0, buf_e0, sem_g0, sem_e0)
    issue_loads(jnp.int32(1), buf_g1, buf_e1, sem_g1, sem_e1)

    def pair_body(u, carry):
        for p in range(2):
            bg, be, bm, sid, sg, se, ss = bufs[p]
            t = 2 * u + p
            lrow, q, grow = locate(t)
            pltpu.make_async_copy(
                node_hbm.at[idx_s.at[lrow, pl.ds(SUB * q, SUB)]],
                bg, sg).wait()
            eoff = jnp.where(grow < NROW, grow, 0) * RW + SUB * q
            pltpu.make_async_copy(
                edge_hbm.at[pl.ds(eoff, SUB)], be, se).wait()

            @pl.when(u >= 1)
            def _():
                pltpu.make_async_copy(bm, shared_agg.at[sid], ss).wait()

            is_pad = grow >= NROW

            @pl.when(jnp.logical_not(is_pad))
            def _():
                def rbody(r, rc):
                    for j in range(NLANE):
                        sl = pl.ds(j * 16, 16)
                        bm[r, sl] = jnp.maximum(bg[r, sl] + be[r, sl], 0.0)
                    return rc
                lax.fori_loop(0, SUB, rbody, 0)

            @pl.when(is_pad)
            def _():
                def zbody(r, rc):
                    for j in range(NLANE):
                        bm[r, pl.ds(j * 16, 16)] = jnp.zeros((16,),
                                                             jnp.float32)
                    return rc
                lax.fori_loop(0, SUB, zbody, 0)

            sid[pl.ds(0, 16)] = idx_d[lrow, pl.ds(SUB * q, 16)]
            sid[pl.ds(16, 16)] = idx_d[lrow, pl.ds(SUB * q + 16, 16)]

            pltpu.async_copy(bm, shared_agg.at[sid], ss, add=True)

            @pl.when(t + 2 < nch)
            def _():
                issue_loads(t + 2, bg, be, sg, se)
        return carry

    lax.fori_loop(0, nch // 2, pair_body, 0)

    for p in range(2):
        bg, be, bm, sid, sg, se, ss = bufs[p]
        pltpu.make_async_copy(bm, shared_agg.at[sid], ss).wait()

    plsc.subcore_barrier()

    for k in range(ROWS_PER_TILE // CP):
        r0 = row0 + k * CP
        pltpu.sync_copy(shared_agg.at[pl.ds(r0, CP)],
                        out_hbm.at[c, pl.ds(r0, CP)])

    @pl.when(is_tail)
    def _():
        pltpu.sync_copy(shared_agg.at[pl.ds(TAIL_R0, TAIL_ROWS)],
                        out_hbm.at[c, pl.ds(TAIL_R0, TAIL_ROWS)])


_sc_call = functools.partial(
    pl.kernel,
    out_type=jax.ShapeDtypeStruct((NC, N, D), jnp.float32),
    mesh=plsc.VectorSubcoreMesh(core_axis_name="c", subcore_axis_name="s"),
    scratch_types=[
        pltpu.VMEM_SHARED((N, D), jnp.float32),
        pltpu.VMEM((TROWS, RW), jnp.int32),
        pltpu.VMEM((TROWS, RW), jnp.int32),
        pltpu.VMEM((SUB,), jnp.int32),
        pltpu.VMEM((SUB,), jnp.int32),
        pltpu.VMEM((SUB, D), jnp.float32),
        pltpu.VMEM((SUB, D), jnp.float32),
        pltpu.VMEM((SUB, D), jnp.float32),
        pltpu.VMEM((SUB, D), jnp.float32),
        pltpu.VMEM((SUB, D), jnp.float32),
        pltpu.VMEM((SUB, D), jnp.float32),
        pltpu.SemaphoreType.DMA,
        pltpu.SemaphoreType.DMA,
        pltpu.SemaphoreType.DMA,
        pltpu.SemaphoreType.DMA,
        pltpu.SemaphoreType.DMA,
        pltpu.SemaphoreType.DMA,
        pltpu.SemaphoreType.DMA,
    ],
)(_sc_aggregate)


def _mlp_bn(agg_ref, W1_ref, b1_ref, W2_ref, b2_ref, gamma_ref, beta_ref,
            out_ref):
    h0 = agg_ref[0] + agg_ref[1]
    h1 = jnp.maximum(
        jnp.dot(h0, W1_ref[...], preferred_element_type=jnp.float32)
        + b1_ref[...], 0.0)
    h2 = (jnp.dot(h1, W2_ref[...], preferred_element_type=jnp.float32)
          + b2_ref[...])
    mean = jnp.mean(h2, axis=0, keepdims=True)
    var = jnp.mean(h2 * h2, axis=0, keepdims=True) - mean * mean
    inv = jax.lax.rsqrt(var + 1e-5)
    out_ref[...] = (h2 - mean) * inv * gamma_ref[...] + beta_ref[...]


@jax.jit
def kernel(node_feats, edge_feats, W1, b1, W2, b2, gamma, beta, edge_index):
    pad = PAD_ROWS * RW - E
    src = jnp.pad(edge_index[0], (0, pad)).reshape(PAD_ROWS, RW)
    dst = jnp.pad(edge_index[1], (0, pad)).reshape(PAD_ROWS, RW)
    agg = _sc_call(node_feats, edge_feats, src, dst)
    out = pl.pallas_call(
        _mlp_bn,
        out_shape=jax.ShapeDtypeStruct((N, D), jnp.float32),
    )(agg, W1, b1.reshape(1, D), W2, b2.reshape(1, D),
      gamma.reshape(1, D), beta.reshape(1, D))
    return out

# --- scband reference (transcript-rebuilt; emitter-appended) ---
"""Pipeline reference for scband-ginlayer-17291538334094 (READ-ONLY COPY).

The authoritative reference and input builder live on the scoring server;
editing this copy changes nothing except your own understanding.
"""

import jax, jax.numpy as jnp
import numpy as np

N = 10000
E = 320000
D = 128


def setup_inputs(seed: int = 0) -> dict:
    key = jax.random.key(seed)
    ks = jax.random.split(key, 8)
    node_feats = jax.random.normal(ks[0], (N, D), dtype=jnp.float32)
    edge_index = jax.random.randint(ks[1], (2, E), 0, N, dtype=jnp.int32)
    edge_feats = jax.random.normal(ks[2], (E, D), dtype=jnp.float32)
    # MLP params (Linear(D,D) -> ReLU -> Linear(D,D)), Kaiming-ish init
    W1 = jax.random.normal(ks[3], (D, D), dtype=jnp.float32) * (1.0 / np.sqrt(D))
    b1 = jnp.zeros((D,), dtype=jnp.float32)
    W2 = jax.random.normal(ks[4], (D, D), dtype=jnp.float32) * (1.0 / np.sqrt(D))
    b2 = jnp.zeros((D,), dtype=jnp.float32)
    # BatchNorm1d affine params
    gamma = jnp.ones((D,), dtype=jnp.float32)
    beta = jnp.zeros((D,), dtype=jnp.float32)
    return {
        "node_feats": node_feats,
        "edge_feats": edge_feats,
        "W1": W1,
        "b1": b1,
        "W2": W2,
        "b2": b2,
        "gamma": gamma,
        "beta": beta,
        "edge_index": edge_index,
    }


def reference(node_feats, edge_feats, W1, b1, W2, b2, gamma, beta, edge_index):
    src = edge_index[0]
    dst = edge_index[1]
    # GINEConv (eps=0, no apply_func): m_ij = ReLU(x_src + e_ij), sum-aggregate to dst
    msg = jax.nn.relu(jnp.take(node_feats, src, axis=0) + edge_feats)
    agg = jax.ops.segment_sum(msg, dst, num_segments=N)
    h = (1.0 + 0.0) * node_feats + agg
    # MLP: Linear -> ReLU -> Linear
    h = jax.nn.relu(h @ W1 + b1) @ W2 + b2
    # BatchNorm1d (training mode: batch statistics, biased variance)
    mean = jnp.mean(h, axis=0)
    var = jnp.var(h, axis=0)
    h = (h - mean) / jnp.sqrt(var + 1e-5) * gamma + beta
    # activation is None
    return h

if __name__ == "__main__":
    import jax
    _d = setup_inputs()
    print(jax.jit(kernel)(*tuple(_d.values())))

</pallas_src>

<mosaic_0001>
#map = affine_map<(d0, d1) -> (0, 0)>
#map1 = affine_map<(d0, d1) -> (0, 0, 0)>
module attributes {stable_mosaic.version = 14 : i64} {
  func.func @_sc_aggregate(%arg0: i32, %arg1: i32, %arg2: memref<10000x128xf32, #tpu.memory_space<hbm>>, %arg3: memref<320000x128xf32, #tpu.memory_space<hbm>>, %arg4: memref<2560x128xi32, #tpu.memory_space<hbm>>, %arg5: memref<2560x128xi32, #tpu.memory_space<hbm>>, %arg6: memref<2x10000x128xf32, #tpu.memory_space<hbm>>, %arg7: memref<10000x128xf32, #tpu.memory_space<vmem_shared>>, %arg8: memref<80x128xi32, #tpu.memory_space<vmem>>, %arg9: memref<80x128xi32, #tpu.memory_space<vmem>>, %arg10: memref<32xi32, #tpu.memory_space<vmem>>, %arg11: memref<32xi32, #tpu.memory_space<vmem>>, %arg12: memref<32x128xf32, #tpu.memory_space<vmem>>, %arg13: memref<32x128xf32, #tpu.memory_space<vmem>>, %arg14: memref<32x128xf32, #tpu.memory_space<vmem>>, %arg15: memref<32x128xf32, #tpu.memory_space<vmem>>, %arg16: memref<32x128xf32, #tpu.memory_space<vmem>>, %arg17: memref<32x128xf32, #tpu.memory_space<vmem>>, %arg18: memref<!tpu.dma_semaphore, #tpu.memory_space<semaphore_mem>>, %arg19: memref<!tpu.dma_semaphore, #tpu.memory_space<semaphore_mem>>, %arg20: memref<!tpu.dma_semaphore, #tpu.memory_space<semaphore_mem>>, %arg21: memref<!tpu.dma_semaphore, #tpu.memory_space<semaphore_mem>>, %arg22: memref<!tpu.dma_semaphore, #tpu.memory_space<semaphore_mem>>, %arg23: memref<!tpu.dma_semaphore, #tpu.memory_space<semaphore_mem>>, %arg24: memref<!tpu.dma_semaphore, #tpu.memory_space<semaphore_mem>>) attributes {dimension_semantics = [#tpu.dimension_semantics<core_parallel>, #tpu.dimension_semantics<subcore_parallel>], iteration_bounds = array<i64: 2, 16>, scalar_prefetch = 0 : i64, scratch_operands = 18 : i64, tpu.core_type = #tpu.core_type<sc_vector_subcore>, window_params = [{transform_indices = #map}, {transform_indices = #map}, {transform_indices = #map}, {transform_indices = #map}, {transform_indices = #map1}]} {
    %mul3A = arith.constant 2 : i32
    %mul3A_0 = arith.muli %arg1, %mul3A : i32
    %add3A = arith.addi %mul3A_0, %arg0 : i32
    %lt3A = arith.constant 25 : i32
    %lt3A_1 = arith.cmpi slt, %add3A, %lt3A : i32
    %jit3A = arith.constant 1 : i32
    %jit3A_2 = arith.constant 0 : i32
    %select_n3A = arith.select %lt3A_1, %jit3A, %jit3A_2 : i32
    %add3A_3 = arith.constant 9 : i32
    %add3A_4 = arith.addi %add3A_3, %select_n3A : i32
    %mul3A_5 = arith.constant 8 : i32
    %mul3A_6 = arith.muli %add3A_4, %mul3A_5 : i32
    %mul3A_7 = arith.constant 4 : i32
    %mul3A_8 = arith.muli %mul3A_6, %mul3A_7 : i32
    %add3A_9 = arith.constant 0 : i32
    %add3A_10 = arith.addi %add3A, %add3A_9 : i32
    %mul3A_11 = arith.constant 8 : i32
    %mul3A_12 = arith.muli %mul3A_11, %add3A_10 : i32
    %dma_start3A = arith.constant 0 : i32
    %dma_start3A_13 = arith.constant 0 : i32
    %dma_start3A_14 = tpu.memref_slice %arg8[%dma_start3A, %dma_start3A_13] : memref<80x128xi32, #tpu.memory_space<vmem>> -> memref<8x128xi32, #tpu.memory_space<vmem>>
    %dma_start3A_15 = arith.constant 0 : i32
    %dma_start3A_16 = tpu.memref_slice %arg4[%mul3A_12, %dma_start3A_15] : memref<2560x128xi32, #tpu.memory_space<hbm>> -> memref<8x128xi32, #tpu.memory_space<hbm>>
    %dma_start3A_17 = arith.constant 0 : i32
    %dma_start3A_18 = arith.constant 0 : i32
    %dma_start3A_19 = tpu.memref_slice %arg8[%dma_start3A_17, %dma_start3A_18] : memref<80x128xi32, #tpu.memory_space<vmem>> -> memref<8x128xi32, #tpu.memory_space<vmem>>
    %dma_start3A_20 = arith.constant 0 : i32
    %dma_start3A_21 = tpu.memref_slice %arg4[%mul3A_12, %dma_start3A_20] : memref<2560x128xi32, #tpu.memory_space<hbm>> -> memref<8x128xi32, #tpu.memory_space<hbm>>
    tpu.enqueue_dma source(%dma_start3A_21 : memref<8x128xi32, #tpu.memory_space<hbm>>) target(%dma_start3A_19 : memref<8x128xi32, #tpu.memory_space<vmem>>) target_semaphore(%arg18 : memref<!tpu.dma_semaphore, #tpu.memory_space<semaphore_mem>>)
    %dma_start3A_22 = arith.constant 0 : i32
    %dma_start3A_23 = arith.constant 0 : i32
    %dma_start3A_24 = tpu.memref_slice %arg9[%dma_start3A_22, %dma_start3A_23] : memref<80x128xi32, #tpu.memory_space<vmem>> -> memref<8x128xi32, #tpu.memory_space<vmem>>
    %dma_start3A_25 = arith.constant 0 : i32
    %dma_start3A_26 = tpu.memref_slice %arg5[%mul3A_12, %dma_start3A_25] : memref<2560x128xi32, #tpu.memory_space<hbm>> -> memref<8x128xi32, #tpu.memory_space<hbm>>
    %dma_start3A_27 = arith.constant 0 : i32
    %dma_start3A_28 = arith.constant 0 : i32
    %dma_start3A_29 = tpu.memref_slice %arg9[%dma_start3A_27, %dma_start3A_28] : memref<80x128xi32, #tpu.memory_space<vmem>> -> memref<8x128xi32, #tpu.memory_space<vmem>>
    %dma_start3A_30 = arith.constant 0 : i32
    %dma_start3A_31 = tpu.memref_slice %arg5[%mul3A_12, %dma_start3A_30] : memref<2560x128xi32, #tpu.memory_space<hbm>> -> memref<8x128xi32, #tpu.memory_space<hbm>>
    tpu.enqueue_dma source(%dma_start3A_31 : memref<8x128xi32, #tpu.memory_space<hbm>>) target(%dma_start3A_29 : memref<8x128xi32, #tpu.memory_space<vmem>>) target_semaphore(%arg18 : memref<!tpu.dma_semaphore, #tpu.memory_space<semaphore_mem>>)
    %add3A_32 = arith.constant 32 : i32
    %add3A_33 = arith.addi %add3A, %add3A_32 : i32
    %mul3A_34 = arith.constant 8 : i32
    %mul3A_35 = arith.muli %mul3A_34, %add3A_33 : i32
    %dma_start3A_36 = arith.constant 8 : i32
    %dma_start3A_37 = arith.constant 0 : i32
    %dma_start3A_38 = tpu.memref_slice %arg8[%dma_start3A_36, %dma_start3A_37] : memref<80x128xi32, #tpu.memory_space<vmem>> -> memref<8x128xi32, #tpu.memory_space<vmem>>
    %dma_start3A_39 = arith.constant 0 : i32
    %dma_start3A_40 = tpu.memref_slice %arg4[%mul3A_35, %dma_start3A_39] : memref<2560x128xi32, #tpu.memory_space<hbm>> -> memref<8x128xi32, #tpu.memory_space<hbm>>
    %dma_start3A_41 = arith.constant 8 : i32
    %dma_start3A_42 = arith.constant 0 : i32
    %dma_start3A_43 = tpu.memref_slice %arg8[%dma_start3A_41, %dma_start3A_42] : memref<80x128xi32, #tpu.memory_space<vmem>> -> memref<8x128xi32, #tpu.memory_space<vmem>>
    %dma_start3A_44 = arith.constant 0 : i32
    %dma_start3A_45 = tpu.memref_slice %arg4[%mul3A_35, %dma_start3A_44] : memref<2560x128xi32, #tpu.memory_space<hbm>> -> memref<8x128xi32, #tpu.memory_space<hbm>>
    tpu.enqueue_dma source(%dma_start3A_45 : memref<8x128xi32, #tpu.memory_space<hbm>>) target(%dma_start3A_43 : memref<8x128xi32, #tpu.memory_space<vmem>>) target_semaphore(%arg18 : memref<!tpu.dma_semaphore, #tpu.memory_space<semaphore_mem>>)
    %dma_start3A_46 = arith.constant 8 : i32
    %dma_start3A_47 = arith.constant 0 : i32
    %dma_start3A_48 = tpu.memref_slice %arg9[%dma_start3A_46, %dma_start3A_47] : memref<80x128xi32, #tpu.memory_space<vmem>> -> memref<8x128xi32, #tpu.memory_space<vmem>>
    %dma_start3A_49 = arith.constant 0 : i32
    %dma_start3A_50 = tpu.memref_slice %arg5[%mul3A_35, %dma_start3A_49] : memref<2560x128xi32, #tpu.memory_space<hbm>> -> memref<8x128xi32, #tpu.memory_space<hbm>>
    %dma_start3A_51 = arith.constant 8 : i32
    %dma_start3A_52 = arith.constant 0 : i32
    %dma_start3A_53 = tpu.memref_slice %arg9[%dma_start3A_51, %dma_start3A_52] : memref<80x128xi32, #tpu.memory_space<vmem>> -> memref<8x128xi32, #tpu.memory_space<vmem>>
    %dma_start3A_54 = arith.constant 0 : i32
    %dma_start3A_55 = tpu.memref_slice %arg5[%mul3A_35, %dma_start3A_54] : memref<2560x128xi32, #tpu.memory_space<hbm>> -> memref<8x128xi32, #tpu.memory_space<hbm>>
    tpu.enqueue_dma source(%dma_start3A_55 : memref<8x128xi32, #tpu.memory_space<hbm>>) target(%dma_start3A_53 : memref<8x128xi32, #tpu.memory_space<vmem>>) target_semaphore(%arg18 : memref<!tpu.dma_semaphore, #tpu.memory_space<semaphore_mem>>)
    %add3A_56 = arith.constant 64 : i32
    %add3A_57 = arith.addi %add3A, %add3A_56 : i32
    %mul3A_58 = arith.constant 8 : i32
    %mul3A_59 = arith.muli %mul3A_58, %add3A_57 : i32
    %dma_start3A_60 = arith.constant 16 : i32
    %dma_start3A_61 = arith.constant 0 : i32
    %dma_start3A_62 = tpu.memref_slice %arg8[%dma_start3A_60, %dma_start3A_61] : memref<80x128xi32, #tpu.memory_space<vmem>> -> memref<8x128xi32, #tpu.memory_space<vmem>>
    %dma_start3A_63 = arith.constant 0 : i32
    %dma_start3A_64 = tpu.memref_slice %arg4[%mul3A_59, %dma_start3A_63] : memref<2560x128xi32, #tpu.memory_space<hbm>> -> memref<8x128xi32, #tpu.memory_space<hbm>>
    %dma_start3A_65 = arith.constant 16 : i32
    %dma_start3A_66 = arith.constant 0 : i32
    %dma_start3A_67 = tpu.memref_slice %arg8[%dma_start3A_65, %dma_start3A_66] : memref<80x128xi32, #tpu.memory_space<vmem>> -> memref<8x128xi32, #tpu.memory_space<vmem>>
    %dma_start3A_68 = arith.constant 0 : i32
    %dma_start3A_69 = tpu.memref_slice %arg4[%mul3A_59, %dma_start3A_68] : memref<2560x128xi32, #tpu.memory_space<hbm>> -> memref<8x128xi32, #tpu.memory_space<hbm>>
    tpu.enqueue_dma source(%dma_start3A_69 : memref<8x128xi32, #tpu.memory_space<hbm>>) target(%dma_start3A_67 : memref<8x128xi32, #tpu.memory_space<vmem>>) target_semaphore(%arg18 : memref<!tpu.dma_semaphore, #tpu.memory_space<semaphore_mem>>)
    %dma_start3A_70 = arith.constant 16 : i32
    %dma_start3A_71 = arith.constant 0 : i32
    %dma_start3A_72 = tpu.memref_slice %arg9[%dma_start3A_70, %dma_start3A_71] : memref<80x128xi32, #tpu.memory_space<vmem>> -> memref<8x128xi32, #tpu.memory_space<vmem>>
    %dma_start3A_73 = arith.constant 0 : i32
    %dma_start3A_74 = tpu.memref_slice %arg5[%mul3A_59, %dma_start3A_73] : memref<2560x128xi32, #tpu.memory_space<hbm>> -> memref<8x128xi32, #tpu.memory_space<hbm>>
    %dma_start3A_75 = arith.constant 16 : i32
    %dma_start3A_76 = arith.constant 0 : i32
    %dma_start3A_77 = tpu.memref_slice %arg9[%dma_start3A_75, %dma_start3A_76] : memref<80x128xi32, #tpu.memory_space<vmem>> -> memref<8x128xi32, #tpu.memory_space<vmem>>
    %dma_start3A_78 = arith.constant 0 : i32
    %dma_start3A_79 = tpu.memref_slice %arg5[%mul3A_59, %dma_start3A_78] : memref<2560x128xi32, #tpu.memory_space<hbm>> -> memref<8x128xi32, #tpu.memory_space<hbm>>
    tpu.enqueue_dma source(%dma_start3A_79 : memref<8x128xi32, #tpu.memory_space<hbm>>) target(%dma_start3A_77 : memref<8x128xi32, #tpu.memory_space<vmem>>) target_semaphore(%arg18 : memref<!tpu.dma_semaphore, #tpu.memory_space<semaphore_mem>>)
    %add3A_80 = arith.constant 96 : i32
    %add3A_81 = arith.addi %add3A, %add3A_80 : i32
    %mul3A_82 = arith.constant 8 : i32
    %mul3A_83 = arith.muli %mul3A_82, %add3A_81 : i32
    %dma_start3A_84 = arith.constant 24 : i32
    %dma_start3A_85 = arith.constant 0 : i32
    %dma_start3A_86 = tpu.memref_slice %arg8[%dma_start3A_84, %dma_start3A_85] : memref<80x128xi32, #tpu.memory_space<vmem>> -> memref<8x128xi32, #tpu.memory_space<vmem>>
    %dma_start3A_87 = arith.constant 0 : i32
    %dma_start3A_88 = tpu.memref_slice %arg4[%mul3A_83, %dma_start3A_87] : memref<2560x128xi32, #tpu.memory_space<hbm>> -> memref<8x128xi32, #tpu.memory_space<hbm>>
    %dma_start3A_89 = arith.constant 24 : i32
    %dma_start3A_90 = arith.constant 0 : i32
    %dma_start3A_91 = tpu.memref_slice %arg8[%dma_start3A_89, %dma_start3A_90] : memref<80x128xi32, #tpu.memory_space<vmem>> -> memref<8x128xi32, #tpu.memory_space<vmem>>
    %dma_start3A_92 = arith.constant 0 : i32
    %dma_start3A_93 = tpu.memref_slice %arg4[%mul3A_83, %dma_start3A_92] : memref<2560x128xi32, #tpu.memory_space<hbm>> -> memref<8x128xi32, #tpu.memory_space<hbm>>
    tpu.enqueue_dma source(%dma_start3A_93 : memref<8x128xi32, #tpu.memory_space<hbm>>) target(%dma_start3A_91 : memref<8x128xi32, #tpu.memory_space<vmem>>) target_semaphore(%arg18 : memref<!tpu.dma_semaphore, #tpu.memory_space<semaphore_mem>>)
    %dma_start3A_94 = arith.constant 24 : i32
    %dma_start3A_95 = arith.constant 0 : i32
    %dma_start3A_96 = tpu.memref_slice %arg9[%dma_start3A_94, %dma_start3A_95] : memref<80x128xi32, #tpu.memory_space<vmem>> -> memref<8x128xi32, #tpu.memory_space<vmem>>
    %dma_start3A_97 = arith.constant 0 : i32
    %dma_start3A_98 = tpu.memref_slice %arg5[%mul3A_83, %dma_start3A_97] : memref<2560x128xi32, #tpu.memory_space<hbm>> -> memref<8x128xi32, #tpu.memory_space<hbm>>
    %dma_start3A_99 = arith.constant 24 : i32
    %dma_start3A_100 = arith.constant 0 : i32
    %dma_start3A_101 = tpu.memref_slice %arg9[%dma_start3A_99, %dma_start3A_100] : memref<80x128xi32, #tpu.memory_space<vmem>> -> memref<8x128xi32, #tpu.memory_space<vmem>>
    %dma_start3A_102 = arith.constant 0 : i32
    %dma_start3A_103 = tpu.memref_slice %arg5[%mul3A_83, %dma_start3A_102] : memref<2560x128xi32, #tpu.memory_space<hbm>> -> memref<8x128xi32, #tpu.memory_space<hbm>>
    tpu.enqueue_dma source(%dma_start3A_103 : memref<8x128xi32, #tpu.memory_space<hbm>>) target(%dma_start3A_101 : memref<8x128xi32, #tpu.memory_space<vmem>>) target_semaphore(%arg18 : memref<!tpu.dma_semaphore, #tpu.memory_space<semaphore_mem>>)
    %add3A_104 = arith.constant 128 : i32
    %add3A_105 = arith.addi %add3A, %add3A_104 : i32
    %mul3A_106 = arith.constant 8 : i32
    %mul3A_107 = arith.muli %mul3A_106, %add3A_105 : i32
    %dma_start3A_108 = arith.constant 32 : i32
    %dma_start3A_109 = arith.constant 0 : i32
    %dma_start3A_110 = tpu.memref_slice %arg8[%dma_start3A_108, %dma_start3A_109] : memref<80x128xi32, #tpu.memory_space<vmem>> -> memref<8x128xi32, #tpu.memory_space<vmem>>
    %dma_start3A_111 = arith.constant 0 : i32
    %dma_start3A_112 = tpu.memref_slice %arg4[%mul3A_107, %dma_start3A_111] : memref<2560x128xi32, #tpu.memory_space<hbm>> -> memref<8x128xi32, #tpu.memory_space<hbm>>
    %dma_start3A_113 = arith.constant 32 : i32
    %dma_start3A_114 = arith.constant 0 : i32
    %dma_start3A_115 = tpu.memref_slice %arg8[%dma_start3A_113, %dma_start3A_114] : memref<80x128xi32, #tpu.memory_space<vmem>> -> memref<8x128xi32, #tpu.memory_space<vmem>>
    %dma_start3A_116 = arith.constant 0 : i32
    %dma_start3A_117 = tpu.memref_slice %arg4[%mul3A_107, %dma_start3A_116] : memref<2560x128xi32, #tpu.memory_space<hbm>> -> memref<8x128xi32, #tpu.memory_space<hbm>>
    tpu.enqueue_dma source(%dma_start3A_117 : memref<8x128xi32, #tpu.memory_space<hbm>>) target(%dma_start3A_115 : memref<8x128xi32, #tpu.memory_space<vmem>>) target_semaphore(%arg18 : memref<!tpu.dma_semaphore, #tpu.memory_space<semaphore_mem>>)
    %dma_start3A_118 = arith.constant 32 : i32
    %dma_start3A_119 = arith.constant 0 : i32
    %dma_start3A_120 = tpu.memref_slice %arg9[%dma_start3A_118, %dma_start3A_119] : memref<80x128xi32, #tpu.memory_space<vmem>> -> memref<8x128xi32, #tpu.memory_space<vmem>>
    %dma_start3A_121 = arith.constant 0 : i32
    %dma_start3A_122 = tpu.memref_slice %arg5[%mul3A_107, %dma_start3A_121] : memref<2560x128xi32, #tpu.memory_space<hbm>> -> memref<8x128xi32, #tpu.memory_space<hbm>>
    %dma_start3A_123 = arith.constant 32 : i32
    %dma_start3A_124 = arith.constant 0 : i32
    %dma_start3A_125 = tpu.memref_slice %arg9[%dma_start3A_123, %dma_start3A_124] : memref<80x128xi32, #tpu.memory_space<vmem>> -> memref<8x128xi32, #tpu.memory_space<vmem>>
    %dma_start3A_126 = arith.constant 0 : i32
    %dma_start3A_127 = tpu.memref_slice %arg5[%mul3A_107, %dma_start3A_126] : memref<2560x128xi32, #tpu.memory_space<hbm>> -> memref<8x128xi32, #tpu.memory_space<hbm>>
    tpu.enqueue_dma source(%dma_start3A_127 : memref<8x128xi32, #tpu.memory_space<hbm>>) target(%dma_start3A_125 : memref<8x128xi32, #tpu.memory_space<vmem>>) target_semaphore(%arg18 : memref<!tpu.dma_semaphore, #tpu.memory_space<semaphore_mem>>)
    %add3A_128 = arith.constant 160 : i32
    %add3A_129 = arith.addi %add3A, %add3A_128 : i32
    %mul3A_130 = arith.constant 8 : i32
    %mul3A_131 = arith.muli %mul3A_130, %add3A_129 : i32
    %dma_start3A_132 = arith.constant 40 : i32
    %dma_start3A_133 = arith.constant 0 : i32
    %dma_start3A_134 = tpu.memref_slice %arg8[%dma_start3A_132, %dma_start3A_133] : memref<80x128xi32, #tpu.memory_space<vmem>> -> memref<8x128xi32, #tpu.memory_space<vmem>>
    %dma_start3A_135 = arith.constant 0 : i32
    %dma_start3A_136 = tpu.memref_slice %arg4[%mul3A_131, %dma_start3A_135] : memref<2560x128xi32, #tpu.memory_space<hbm>> -> memref<8x128xi32, #tpu.memory_space<hbm>>
    %dma_start3A_137 = arith.constant 40 : i32
    %dma_start3A_138 = arith.constant 0 : i32
    %dma_start3A_139 = tpu.memref_slice %arg8[%dma_start3A_137, %dma_start3A_138] : memref<80x128xi32, #tpu.memory_space<vmem>> -> memref<8x128xi32, #tpu.memory_space<vmem>>
    %dma_start3A_140 = arith.constant 0 : i32
    %dma_start3A_141 = tpu.memref_slice %arg4[%mul3A_131, %dma_start3A_140] : memref<2560x128xi32, #tpu.memory_space<hbm>> -> memref<8x128xi32, #tpu.memory_space<hbm>>
    tpu.enqueue_dma source(%dma_start3A_141 : memref<8x128xi32, #tpu.memory_space<hbm>>) target(%dma_start3A_139 : memref<8x128xi32, #tpu.memory_space<vmem>>) target_semaphore(%arg18 : memref<!tpu.dma_semaphore, #tpu.memory_space<semaphore_mem>>)
    %dma_start3A_142 = arith.constant 40 : i32
    %dma_start3A_143 = arith.constant 0 : i32
    %dma_start3A_144 = tpu.memref_slice %arg9[%dma_start3A_142, %dma_start3A_143] : memref<80x128xi32, #tpu.memory_space<vmem>> -> memref<8x128xi32, #tpu.memory_space<vmem>>
    %dma_start3A_145 = arith.constant 0 : i32
    %dma_start3A_146 = tpu.memref_slice %arg5[%mul3A_131, %dma_start3A_145] : memref<2560x128xi32, #tpu.memory_space<hbm>> -> memref<8x128xi32, #tpu.memory_space<hbm>>
    %dma_start3A_147 = arith.constant 40 : i32
    %dma_start3A_148 = arith.constant 0 : i32
    %dma_start3A_149 = tpu.memref_slice %arg9[%dma_start3A_147, %dma_start3A_148] : memref<80x128xi32, #tpu.memory_space<vmem>> -> memref<8x128xi32, #tpu.memory_space<vmem>>
    %dma_start3A_150 = arith.constant 0 : i32
    %dma_start3A_151 = tpu.memref_slice %arg5[%mul3A_131, %dma_start3A_150] : memref<2560x128xi32, #tpu.memory_space<hbm>> -> memref<8x128xi32, #tpu.memory_space<hbm>>
    tpu.enqueue_dma source(%dma_start3A_151 : memref<8x128xi32, #tpu.memory_space<hbm>>) target(%dma_start3A_149 : memref<8x128xi32, #tpu.memory_space<vmem>>) target_semaphore(%arg18 : memref<!tpu.dma_semaphore, #tpu.memory_space<semaphore_mem>>)
    %add3A_152 = arith.constant 192 : i32
    %add3A_153 = arith.addi %add3A, %add3A_152 : i32
    %mul3A_154 = arith.constant 8 : i32
    %mul3A_155 = arith.muli %mul3A_154, %add3A_153 : i32
    %dma_start3A_156 = arith.constant 48 : i32
    %dma_start3A_157 = arith.constant 0 : i32
    %dma_start3A_158 = tpu.memref_slice %arg8[%dma_start3A_156, %dma_start3A_157] : memref<80x128xi32, #tpu.memory_space<vmem>> -> memref<8x128xi32, #tpu.memory_space<vmem>>
    %dma_start3A_159 = arith.constant 0 : i32
    %dma_start3A_160 = tpu.memref_slice %arg4[%mul3A_155, %dma_start3A_159] : memref<2560x128xi32, #tpu.memory_space<hbm>> -> memref<8x128xi32, #tpu.memory_space<hbm>>
    %dma_start3A_161 = arith.constant 48 : i32
    %dma_start3A_162 = arith.constant 0 : i32
    %dma_start3A_163 = tpu.memref_slice %arg8[%dma_start3A_161, %dma_start3A_162] : memref<80x128xi32, #tpu.memory_space<vmem>> -> memref<8x128xi32, #tpu.memory_space<vmem>>
    %dma_start3A_164 = arith.constant 0 : i32
    %dma_start3A_165 = tpu.memref_slice %arg4[%mul3A_155, %dma_start3A_164] : memref<2560x128xi32, #tpu.memory_space<hbm>> -> memref<8x128xi32, #tpu.memory_space<hbm>>
    tpu.enqueue_dma source(%dma_start3A_165 : memref<8x128xi32, #tpu.memory_space<hbm>>) target(%dma_start3A_163 : memref<8x128xi32, #tpu.memory_space<vmem>>) target_semaphore(%arg18 : memref<!tpu.dma_semaphore, #tpu.memory_space<semaphore_mem>>)
    %dma_start3A_166 = arith.constant 48 : i32
    %dma_start3A_167 = arith.constant 0 : i32
    %dma_start3A_168 = tpu.memref_slice %arg9[%dma_start3A_166, %dma_start3A_167] : memref<80x128xi32, #tpu.memory_space<vmem>> -> memref<8x128xi32, #tpu.memory_space<vmem>>
    %dma_start3A_169 = arith.constant 0 : i32
    %dma_start3A_170 = tpu.memref_slice %arg5[%mul3A_155, %dma_start3A_169] : memref<2560x128xi32, #tpu.memory_space<hbm>> -> memref<8x128xi32, #tpu.memory_space<hbm>>
    %dma_start3A_171 = arith.constant 48 : i32
    %dma_start3A_172 = arith.constant 0 : i32
    %dma_start3A_173 = tpu.memref_slice %arg9[%dma_start3A_171, %dma_start3A_172] : memref<80x128xi32, #tpu.memory_space<vmem>> -> memref<8x128xi32, #tpu.memory_space<vmem>>
    %dma_start3A_174 = arith.constant 0 : i32
    %dma_start3A_175 = tpu.memref_slice %arg5[%mul3A_155, %dma_start3A_174] : memref<2560x128xi32, #tpu.memory_space<hbm>> -> memref<8x128xi32, #tpu.memory_space<hbm>>
    tpu.enqueue_dma source(%dma_start3A_175 : memref<8x128xi32, #tpu.memory_space<hbm>>) target(%dma_start3A_173 : memref<8x128xi32, #tpu.memory_space<vmem>>) target_semaphore(%arg18 : memref<!tpu.dma_semaphore, #tpu.memory_space<semaphore_mem>>)
    %add3A_176 = arith.constant 224 : i32
    %add3A_177 = arith.addi %add3A, %add3A_176 : i32
    %mul3A_178 = arith.constant 8 : i32
    %mul3A_179 = arith.muli %mul3A_178, %add3A_177 : i32
    %dma_start3A_180 = arith.constant 56 : i32
    %dma_start3A_181 = arith.constant 0 : i32
    %dma_start3A_182 = tpu.memref_slice %arg8[%dma_start3A_180, %dma_start3A_181] : memref<80x128xi32, #tpu.memory_space<vmem>> -> memref<8x128xi32, #tpu.memory_space<vmem>>
    %dma_start3A_183 = arith.constant 0 : i32
    %dma_start3A_184 = tpu.memref_slice %arg4[%mul3A_179, %dma_start3A_183] : memref<2560x128xi32, #tpu.memory_space<hbm>> -> memref<8x128xi32, #tpu.memory_space<hbm>>
    %dma_start3A_185 = arith.constant 56 : i32
    %dma_start3A_186 = arith.constant 0 : i32
    %dma_start3A_187 = tpu.memref_slice %arg8[%dma_start3A_185, %dma_start3A_186] : memref<80x128xi32, #tpu.memory_space<vmem>> -> memref<8x128xi32, #tpu.memory_space<vmem>>
    %dma_start3A_188 = arith.constant 0 : i32
    %dma_start3A_189 = tpu.memref_slice %arg4[%mul3A_179, %dma_start3A_188] : memref<2560x128xi32, #tpu.memory_space<hbm>> -> memref<8x128xi32, #tpu.memory_space<hbm>>
    tpu.enqueue_dma source(%dma_start3A_189 : memref<8x128xi32, #tpu.memory_space<hbm>>) target(%dma_start3A_187 : memref<8x128xi32, #tpu.memory_space<vmem>>) target_semaphore(%arg18 : memref<!tpu.dma_semaphore, #tpu.memory_space<semaphore_mem>>)
    %dma_start3A_190 = arith.constant 56 : i32
    %dma_start3A_191 = arith.constant 0 : i32
    %dma_start3A_192 = tpu.memref_slice %arg9[%dma_start3A_190, %dma_start3A_191] : memref<80x128xi32, #tpu.memory_space<vmem>> -> memref<8x128xi32, #tpu.memory_space<vmem>>
    %dma_start3A_193 = arith.constant 0 : i32
    %dma_start3A_194 = tpu.memref_slice %arg5[%mul3A_179, %dma_start3A_193] : memref<2560x128xi32, #tpu.memory_space<hbm>> -> memref<8x128xi32, #tpu.memory_space<hbm>>
    %dma_start3A_195 = arith.constant 56 : i32
    %dma_start3A_196 = arith.constant 0 : i32
    %dma_start3A_197 = tpu.memref_slice %arg9[%dma_start3A_195, %dma_start3A_196] : memref<80x128xi32, #tpu.memory_space<vmem>> -> memref<8x128xi32, #tpu.memory_space<vmem>>
    %dma_start3A_198 = arith.constant 0 : i32
    %dma_start3A_199 = tpu.memref_slice %arg5[%mul3A_179, %dma_start3A_198] : memref<2560x128xi32, #tpu.memory_space<hbm>> -> memref<8x128xi32, #tpu.memory_space<hbm>>
    tpu.enqueue_dma source(%dma_start3A_199 : memref<8x128xi32, #tpu.memory_space<hbm>>) target(%dma_start3A_197 : memref<8x128xi32, #tpu.memory_space<vmem>>) target_semaphore(%arg18 : memref<!tpu.dma_semaphore, #tpu.memory_space<semaphore_mem>>)
    %add3A_200 = arith.constant 256 : i32
    %add3A_201 = arith.addi %add3A, %add3A_200 : i32
    %mul3A_202 = arith.constant 8 : i32
    %mul3A_203 = arith.muli %mul3A_202, %add3A_201 : i32
    %dma_start3A_204 = arith.constant 64 : i32
    %dma_start3A_205 = arith.constant 0 : i32
    %dma_start3A_206 = tpu.memref_slice %arg8[%dma_start3A_204, %dma_start3A_205] : memref<80x128xi32, #tpu.memory_space<vmem>> -> memref<8x128xi32, #tpu.memory_space<vmem>>
    %dma_start3A_207 = arith.constant 0 : i32
    %dma_start3A_208 = tpu.memref_slice %arg4[%mul3A_203, %dma_start3A_207] : memref<2560x128xi32, #tpu.memory_space<hbm>> -> memref<8x128xi32, #tpu.memory_space<hbm>>
    %dma_start3A_209 = arith.constant 64 : i32
    %dma_start3A_210 = arith.constant 0 : i32
    %dma_start3A_211 = tpu.memref_slice %arg8[%dma_start3A_209, %dma_start3A_210] : memref<80x128xi32, #tpu.memory_space<vmem>> -> memref<8x128xi32, #tpu.memory_space<vmem>>
    %dma_start3A_212 = arith.constant 0 : i32
    %dma_start3A_213 = tpu.memref_slice %arg4[%mul3A_203, %dma_start3A_212] : memref<2560x128xi32, #tpu.memory_space<hbm>> -> memref<8x128xi32, #tpu.memory_space<hbm>>
    tpu.enqueue_dma source(%dma_start3A_213 : memref<8x128xi32, #tpu.memory_space<hbm>>) target(%dma_start3A_211 : memref<8x128xi32, #tpu.memory_space<vmem>>) target_semaphore(%arg18 : memref<!tpu.dma_semaphore, #tpu.memory_space<semaphore_mem>>)
    %dma_start3A_214 = arith.constant 64 : i32
    %dma_start3A_215 = arith.constant 0 : i32
    %dma_start3A_216 = tpu.memref_slice %arg9[%dma_start3A_214, %dma_start3A_215] : memref<80x128xi32, #tpu.memory_space<vmem>> -> memref<8x128xi32, #tpu.memory_space<vmem>>
    %dma_start3A_217 = arith.constant 0 : i32
    %dma_start3A_218 = tpu.memref_slice %arg5[%mul3A_203, %dma_start3A_217] : memref<2560x128xi32, #tpu.memory_space<hbm>> -> memref<8x128xi32, #tpu.memory_space<hbm>>
    %dma_start3A_219 = arith.constant 64 : i32
    %dma_start3A_220 = arith.constant 0 : i32
    %dma_start3A_221 = tpu.memref_slice %arg9[%dma_start3A_219, %dma_start3A_220] : memref<80x128xi32, #tpu.memory_space<vmem>> -> memref<8x128xi32, #tpu.memory_space<vmem>>
    %dma_start3A_222 = arith.constant 0 : i32
    %dma_start3A_223 = tpu.memref_slice %arg5[%mul3A_203, %dma_start3A_222] : memref<2560x128xi32, #tpu.memory_space<hbm>> -> memref<8x128xi32, #tpu.memory_space<hbm>>
    tpu.enqueue_dma source(%dma_start3A_223 : memref<8x128xi32, #tpu.memory_space<hbm>>) target(%dma_start3A_221 : memref<8x128xi32, #tpu.memory_space<vmem>>) target_semaphore(%arg18 : memref<!tpu.dma_semaphore, #tpu.memory_space<semaphore_mem>>)
    %add3A_224 = arith.constant 288 : i32
    %add3A_225 = arith.addi %add3A, %add3A_224 : i32
    %mul3A_226 = arith.constant 8 : i32
    %mul3A_227 = arith.muli %mul3A_226, %add3A_225 : i32
    %dma_start3A_228 = arith.constant 72 : i32
    %dma_start3A_229 = arith.constant 0 : i32
    %dma_start3A_230 = tpu.memref_slice %arg8[%dma_start3A_228, %dma_start3A_229] : memref<80x128xi32, #tpu.memory_space<vmem>> -> memref<8x128xi32, #tpu.memory_space<vmem>>
    %dma_start3A_231 = arith.constant 0 : i32
    %dma_start3A_232 = tpu.memref_slice %arg4[%mul3A_227, %dma_start3A_231] : memref<2560x128xi32, #tpu.memory_space<hbm>> -> memref<8x128xi32, #tpu.memory_space<hbm>>
    %dma_start3A_233 = arith.constant 72 : i32
    %dma_start3A_234 = arith.constant 0 : i32
    %dma_start3A_235 = tpu.memref_slice %arg8[%dma_start3A_233, %dma_start3A_234] : memref<80x128xi32, #tpu.memory_space<vmem>> -> memref<8x128xi32, #tpu.memory_space<vmem>>
    %dma_start3A_236 = arith.constant 0 : i32
    %dma_start3A_237 = tpu.memref_slice %arg4[%mul3A_227, %dma_start3A_236] : memref<2560x128xi32, #tpu.memory_space<hbm>> -> memref<8x128xi32, #tpu.memory_space<hbm>>
    tpu.enqueue_dma source(%dma_start3A_237 : memref<8x128xi32, #tpu.memory_space<hbm>>) target(%dma_start3A_235 : memref<8x128xi32, #tpu.memory_space<vmem>>) target_semaphore(%arg18 : memref<!tpu.dma_semaphore, #tpu.memory_space<semaphore_mem>>)
    %dma_start3A_238 = arith.constant 72 : i32
    %dma_start3A_239 = arith.constant 0 : i32
    %dma_start3A_240 = tpu.memref_slice %arg9[%dma_start3A_238, %dma_start3A_239] : memref<80x128xi32, #tpu.memory_space<vmem>> -> memref<8x128xi32, #tpu.memory_space<vmem>>
    %dma_start3A_241 = arith.constant 0 : i32
    %dma_start3A_242 = tpu.memref_slice %arg5[%mul3A_227, %dma_start3A_241] : memref<2560x128xi32, #tpu.memory_space<hbm>> -> memref<8x128xi32, #tpu.memory_space<hbm>>
    %dma_start3A_243 = arith.constant 72 : i32
    %dma_start3A_244 = arith.constant 0 : i32
    %dma_start3A_245 = tpu.memref_slice %arg9[%dma_start3A_243, %dma_start3A_244] : memref<80x128xi32, #tpu.memory_space<vmem>> -> memref<8x128xi32, #tpu.memory_space<vmem>>
    %dma_start3A_246 = arith.constant 0 : i32
    %dma_start3A_247 = tpu.memref_slice %arg5[%mul3A_227, %dma_start3A_246] : memref<2560x128xi32, #tpu.memory_space<hbm>> -> memref<8x128xi32, #tpu.memory_space<hbm>>
    tpu.enqueue_dma source(%dma_start3A_247 : memref<8x128xi32, #tpu.memory_space<hbm>>) target(%dma_start3A_245 : memref<8x128xi32, #tpu.memory_space<vmem>>) target_semaphore(%arg18 : memref<!tpu.dma_semaphore, #tpu.memory_space<semaphore_mem>>)
    %mul3A_248 = arith.constant 624 : i32
    %mul3A_249 = arith.muli %arg1, %mul3A_248 : i32
    %eq3A = arith.constant 15 : i32
    %eq3A_250 = arith.cmpi eq, %arg1, %eq3A : i32
    %eq3A_251 = arith.constant 0 : i32
    %eq3A_252 = arith.cmpi eq, %arg0, %eq3A_251 : i32
    %convert_element_type3A = arith.extui %eq3A_252 : i1 to i32
    %cond3A = arith.constant 0 : i32
    %cond3A_253 = arith.cmpi ne, %convert_element_type3A, %cond3A : i32
    scf.if %cond3A_253 {
      %add3A_535 = arith.constant 0 : i32
      %add3A_536 = arith.addi %mul3A_249, %add3A_535 : i32
      "tpu.region"() ({
        %run_scoped3A = tpu.sem_alloc : memref<!tpu.dma_semaphore, #tpu.memory_space<semaphore_mem>>
        %dma_start3A_550 = arith.constant 0 : i32
        %dma_start3A_551 = tpu.memref_slice %arg7[%add3A_536, %dma_start3A_550] : memref<10000x128xf32, #tpu.memory_space<vmem_shared>> -> memref<104x128xf32, #tpu.memory_space<vmem_shared>>
        %dma_start3A_552 = arith.constant 0 : i32
        %dma_start3A_553 = tpu.memref_slice %arg2[%add3A_536, %dma_start3A_552] : memref<10000x128xf32, #tpu.memory_space<hbm>> -> memref<104x128xf32, #tpu.memory_space<hbm>>
        tpu.enqueue_dma source(%dma_start3A_553 : memref<104x128xf32, #tpu.memory_space<hbm>>) target(%dma_start3A_551 : memref<104x128xf32, #tpu.memory_space<vmem_shared>>) target_semaphore(%run_scoped3A : memref<!tpu.dma_semaphore, #tpu.memory_space<semaphore_mem>>)
        %dma_wait3A_554 = arith.constant 0 : i32
        %dma_wait3A_555 = tpu.memref_slice %arg7[%add3A_536, %dma_wait3A_554] : memref<10000x128xf32, #tpu.memory_space<vmem_shared>> -> memref<104x128xf32, #tpu.memory_space<vmem_shared>>
        %dma_wait3A_556 = arith.constant 0 : i32
        %dma_wait3A_557 = tpu.memref_slice %arg2[%add3A_536, %dma_wait3A_556] : memref<10000x128xf32, #tpu.memory_space<hbm>> -> memref<104x128xf32, #tpu.memory_space<hbm>>
        tpu.wait_dma2 semaphore(%run_scoped3A : memref<!tpu.dma_semaphore, #tpu.memory_space<semaphore_mem>>) src(%dma_wait3A_557 : memref<104x128xf32, #tpu.memory_space<hbm>>) dst(%dma_wait3A_555 : memref<104x128xf32, #tpu.memory_space<vmem_shared>>)
        tpu.yield
      }) : () -> ()
      %add3A_537 = arith.constant 104 : i32
      %add3A_538 = arith.addi %mul3A_249, %add3A_537 : i32
      "tpu.region"() ({
        %run_scoped3A = tpu.sem_alloc : memref<!tpu.dma_semaphore, #tpu.memory_space<semaphore_mem>>
        %dma_start3A_550 = arith.constant 0 : i32
        %dma_start3A_551 = tpu.memref_slice %arg7[%add3A_538, %dma_start3A_550] : memref<10000x128xf32, #tpu.memory_space<vmem_shared>> -> memref<104x128xf32, #tpu.memory_space<vmem_shared>>
        %dma_start3A_552 = arith.constant 0 : i32
        %dma_start3A_553 = tpu.memref_slice %arg2[%add3A_538, %dma_start3A_552] : memref<10000x128xf32, #tpu.memory_space<hbm>> -> memref<104x128xf32, #tpu.memory_space<hbm>>
        tpu.enqueue_dma source(%dma_start3A_553 : memref<104x128xf32, #tpu.memory_space<hbm>>) target(%dma_start3A_551 : memref<104x128xf32, #tpu.memory_space<vmem_shared>>) target_semaphore(%run_scoped3A : memref<!tpu.dma_semaphore, #tpu.memory_space<semaphore_mem>>)
        %dma_wait3A_554 = arith.constant 0 : i32
        %dma_wait3A_555 = tpu.memref_slice %arg7[%add3A_538, %dma_wait3A_554] : memref<10000x128xf32, #tpu.memory_space<vmem_shared>> -> memref<104x128xf32, #tpu.memory_space<vmem_shared>>
        %dma_wait3A_556 = arith.constant 0 : i32
        %dma_wait3A_557 = tpu.memref_slice %arg2[%add3A_538, %dma_wait3A_556] : memref<10000x128xf32, #tpu.memory_space<hbm>> -> memref<104x128xf32, #tpu.memory_space<hbm>>
        tpu.wait_dma2 semaphore(%run_scoped3A : memref<!tpu.dma_semaphore, #tpu.memory_space<semaphore_mem>>) src(%dma_wait3A_557 : memref<104x128xf32, #tpu.memory_space<hbm>>) dst(%dma_wait3A_555 : memref<104x128xf32, #tpu.memory_space<vmem_shared>>)
        tpu.yield
      }) : () -> ()
      %add3A_539 = arith.constant 208 : i32
      %add3A_540 = arith.addi %mul3A_249, %add3A_539 : i32
      "tpu.region"() ({
        %run_scoped3A = tpu.sem_alloc : memref<!tpu.dma_semaphore, #tpu.memory_space<semaphore_mem>>
        %dma_start3A_550 = arith.constant 0 : i32
        %dma_start3A_551 = tpu.memref_slice %arg7[%add3A_540, %dma_start3A_550] : memref<10000x128xf32, #tpu.memory_space<vmem_shared>> -> memref<104x128xf32, #tpu.memory_space<vmem_shared>>
        %dma_start3A_552 = arith.constant 0 : i32
        %dma_start3A_553 = tpu.memref_slice %arg2[%add3A_540, %dma_start3A_552] : memref<10000x128xf32, #tpu.memory_space<hbm>> -> memref<104x128xf32, #tpu.memory_space<hbm>>
        tpu.enqueue_dma source(%dma_start3A_553 : memref<104x128xf32, #tpu.memory_space<hbm>>) target(%dma_start3A_551 : memref<104x128xf32, #tpu.memory_space<vmem_shared>>) target_semaphore(%run_scoped3A : memref<!tpu.dma_semaphore, #tpu.memory_space<semaphore_mem>>)
        %dma_wait3A_554 = arith.constant 0 : i32
        %dma_wait3A_555 = tpu.memref_slice %arg7[%add3A_540, %dma_wait3A_554] : memref<10000x128xf32, #tpu.memory_space<vmem_shared>> -> memref<104x128xf32, #tpu.memory_space<vmem_shared>>
        %dma_wait3A_556 = arith.constant 0 : i32
        %dma_wait3A_557 = tpu.memref_slice %arg2[%add3A_540, %dma_wait3A_556] : memref<10000x128xf32, #tpu.memory_space<hbm>> -> memref<104x128xf32, #tpu.memory_space<hbm>>
        tpu.wait_dma2 semaphore(%run_scoped3A : memref<!tpu.dma_semaphore, #tpu.memory_space<semaphore_mem>>) src(%dma_wait3A_557 : memref<104x128xf32, #tpu.memory_space<hbm>>) dst(%dma_wait3A_555 : memref<104x128xf32, #tpu.memory_space<vmem_shared>>)
        tpu.yield
      }) : () -> ()
      %add3A_541 = arith.constant 312 : i32
      %add3A_542 = arith.addi %mul3A_249, %add3A_541 : i32
      "tpu.region"() ({
        %run_scoped3A = tpu.sem_alloc : memref<!tpu.dma_semaphore, #tpu.memory_space<semaphore_mem>>
        %dma_start3A_550 = arith.constant 0 : i32
        %dma_start3A_551 = tpu.memref_slice %arg7[%add3A_542, %dma_start3A_550] : memref<10000x128xf32, #tpu.memory_space<vmem_shared>> -> memref<104x128xf32, #tpu.memory_space<vmem_shared>>
        %dma_start3A_552 = arith.constant 0 : i32
        %dma_start3A_553 = tpu.memref_slice %arg2[%add3A_542, %dma_start3A_552] : memref<10000x128xf32, #tpu.memory_space<hbm>> -> memref<104x128xf32, #tpu.memory_space<hbm>>
        tpu.enqueue_dma source(%dma_start3A_553 : memref<104x128xf32, #tpu.memory_space<hbm>>) target(%dma_start3A_551 : memref<104x128xf32, #tpu.memory_space<vmem_shared>>) target_semaphore(%run_scoped3A : memref<!tpu.dma_semaphore, #tpu.memory_space<semaphore_mem>>)
        %dma_wait3A_554 = arith.constant 0 : i32
        %dma_wait3A_555 = tpu.memref_slice %arg7[%add3A_542, %dma_wait3A_554] : memref<10000x128xf32, #tpu.memory_space<vmem_shared>> -> memref<104x128xf32, #tpu.memory_space<vmem_shared>>
        %dma_wait3A_556 = arith.constant 0 : i32
        %dma_wait3A_557 = tpu.memref_slice %arg2[%add3A_542, %dma_wait3A_556] : memref<10000x128xf32, #tpu.memory_space<hbm>> -> memref<104x128xf32, #tpu.memory_space<hbm>>
        tpu.wait_dma2 semaphore(%run_scoped3A : memref<!tpu.dma_semaphore, #tpu.memory_space<semaphore_mem>>) src(%dma_wait3A_557 : memref<104x128xf32, #tpu.memory_space<hbm>>) dst(%dma_wait3A_555 : memref<104x128xf32, #tpu.memory_space<vmem_shared>>)
        tpu.yield
      }) : () -> ()
      %add3A_543 = arith.constant 416 : i32
      %add3A_544 = arith.addi %mul3A_249, %add3A_543 : i32
      "tpu.region"() ({
        %run_scoped3A = tpu.sem_alloc : memref<!tpu.dma_semaphore, #tpu.memory_space<semaphore_mem>>
        %dma_start3A_550 = arith.constant 0 : i32
        %dma_start3A_551 = tpu.memref_slice %arg7[%add3A_544, %dma_start3A_550] : memref<10000x128xf32, #tpu.memory_space<vmem_shared>> -> memref<104x128xf32, #tpu.memory_space<vmem_shared>>
        %dma_start3A_552 = arith.constant 0 : i32
        %dma_start3A_553 = tpu.memref_slice %arg2[%add3A_544, %dma_start3A_552] : memref<10000x128xf32, #tpu.memory_space<hbm>> -> memref<104x128xf32, #tpu.memory_space<hbm>>
        tpu.enqueue_dma source(%dma_start3A_553 : memref<104x128xf32, #tpu.memory_space<hbm>>) target(%dma_start3A_551 : memref<104x128xf32, #tpu.memory_space<vmem_shared>>) target_semaphore(%run_scoped3A : memref<!tpu.dma_semaphore, #tpu.memory_space<semaphore_mem>>)
        %dma_wait3A_554 = arith.constant 0 : i32
        %dma_wait3A_555 = tpu.memref_slice %arg7[%add3A_544, %dma_wait3A_554] : memref<10000x128xf32, #tpu.memory_space<vmem_shared>> -> memref<104x128xf32, #tpu.memory_space<vmem_shared>>
        %dma_wait3A_556 = arith.constant 0 : i32
        %dma_wait3A_557 = tpu.memref_slice %arg2[%add3A_544, %dma_wait3A_556] : memref<10000x128xf32, #tpu.memory_space<hbm>> -> memref<104x128xf32, #tpu.memory_space<hbm>>
        tpu.wait_dma2 semaphore(%run_scoped3A : memref<!tpu.dma_semaphore, #tpu.memory_space<semaphore_mem>>) src(%dma_wait3A_557 : memref<104x128xf32, #tpu.memory_space<hbm>>) dst(%dma_wait3A_555 : memref<104x128xf32, #tpu.memory_space<vmem_shared>>)
        tpu.yield
      }) : () -> ()
      %add3A_545 = arith.constant 520 : i32
      %add3A_546 = arith.addi %mul3A_249, %add3A_545 : i32
      "tpu.region"() ({
        %run_scoped3A = tpu.sem_alloc : memref<!tpu.dma_semaphore, #tpu.memory_space<semaphore_mem>>
        %dma_start3A_550 = arith.constant 0 : i32
        %dma_start3A_551 = tpu.memref_slice %arg7[%add3A_546, %dma_start3A_550] : memref<10000x128xf32, #tpu.memory_space<vmem_shared>> -> memref<104x128xf32, #tpu.memory_space<vmem_shared>>
        %dma_start3A_552 = arith.constant 0 : i32
        %dma_start3A_553 = tpu.memref_slice %arg2[%add3A_546, %dma_start3A_552] : memref<10000x128xf32, #tpu.memory_space<hbm>> -> memref<104x128xf32, #tpu.memory_space<hbm>>
        tpu.enqueue_dma source(%dma_start3A_553 : memref<104x128xf32, #tpu.memory_space<hbm>>) target(%dma_start3A_551 : memref<104x128xf32, #tpu.memory_space<vmem_shared>>) target_semaphore(%run_scoped3A : memref<!tpu.dma_semaphore, #tpu.memory_space<semaphore_mem>>)
        %dma_wait3A_554 = arith.constant 0 : i32
        %dma_wait3A_555 = tpu.memref_slice %arg7[%add3A_546, %dma_wait3A_554] : memref<10000x128xf32, #tpu.memory_space<vmem_shared>> -> memref<104x128xf32, #tpu.memory_space<vmem_shared>>
        %dma_wait3A_556 = arith.constant 0 : i32
        %dma_wait3A_557 = tpu.memref_slice %arg2[%add3A_546, %dma_wait3A_556] : memref<10000x128xf32, #tpu.memory_space<hbm>> -> memref<104x128xf32, #tpu.memory_space<hbm>>
        tpu.wait_dma2 semaphore(%run_scoped3A : memref<!tpu.dma_semaphore, #tpu.memory_space<semaphore_mem>>) src(%dma_wait3A_557 : memref<104x128xf32, #tpu.memory_space<hbm>>) dst(%dma_wait3A_555 : memref<104x128xf32, #tpu.memory_space<vmem_shared>>)
        tpu.yield
      }) : () -> ()
      %convert_element_type3A_547 = arith.extui %eq3A_250 : i1 to i32
      %cond3A_548 = arith.constant 0 : i32
      %cond3A_549 = arith.cmpi ne, %convert_element_type3A_547, %cond3A_548 : i32
      scf.if %cond3A_549 {
        "tpu.region"() ({
          %run_scoped3A = tpu.sem_alloc : memref<!tpu.dma_semaphore, #tpu.memory_space<semaphore_mem>>
          %dma_start3A_550 = arith.constant 9984 : i32
          %dma_start3A_551 = arith.constant 0 : i32
          %dma_start3A_552 = tpu.memref_slice %arg7[%dma_start3A_550, %dma_start3A_551] : memref<10000x128xf32, #tpu.memory_space<vmem_shared>> -> memref<16x128xf32, #tpu.memory_space<vmem_shared>>
          %dma_start3A_553 = arith.constant 9984 : i32
          %dma_start3A_554 = arith.constant 0 : i32
          %dma_start3A_555 = tpu.memref_slice %arg2[%dma_start3A_553, %dma_start3A_554] : memref<10000x128xf32, #tpu.memory_space<hbm>> -> memref<16x128xf32, #tpu.memory_space<hbm>>
          tpu.enqueue_dma source(%dma_start3A_555 : memref<16x128xf32, #tpu.memory_space<hbm>>) target(%dma_start3A_552 : memref<16x128xf32, #tpu.memory_space<vmem_shared>>) target_semaphore(%run_scoped3A : memref<!tpu.dma_semaphore, #tpu.memory_space<semaphore_mem>>)
          %dma_wait3A_556 = arith.constant 9984 : i32
          %dma_wait3A_557 = arith.constant 0 : i32
          %dma_wait3A_558 = tpu.memref_slice %arg7[%dma_wait3A_556, %dma_wait3A_557] : memref<10000x128xf32, #tpu.memory_space<vmem_shared>> -> memref<16x128xf32, #tpu.memory_space<vmem_shared>>
          %dma_wait3A_559 = arith.constant 9984 : i32
          %dma_wait3A_560 = arith.constant 0 : i32
          %dma_wait3A_561 = tpu.memref_slice %arg2[%dma_wait3A_559, %dma_wait3A_560] : memref<10000x128xf32, #tpu.memory_space<hbm>> -> memref<16x128xf32, #tpu.memory_space<hbm>>
          tpu.wait_dma2 semaphore(%run_scoped3A : memref<!tpu.dma_semaphore, #tpu.memory_space<semaphore_mem>>) src(%dma_wait3A_561 : memref<16x128xf32, #tpu.memory_space<hbm>>) dst(%dma_wait3A_558 : memref<16x128xf32, #tpu.memory_space<vmem_shared>>)
          tpu.yield
        }) : () -> ()
      } else {
      }
    } else {
    }
    %ne3A = arith.constant 0 : i32
    %ne3A_254 = arith.cmpi ne, %arg0, %ne3A : i32
    %convert_element_type3A_255 = arith.extui %ne3A_254 : i1 to i32
    %cond3A_256 = arith.constant 0 : i32
    %cond3A_257 = arith.cmpi ne, %convert_element_type3A_255, %cond3A_256 : i32
    scf.if %cond3A_257 {
      %scan3A = arith.constant 0 : i32
      %scan3A_535 = arith.constant 0 : i32
      %scan3A_536 = arith.constant 32 : i32
      %scan3A_537 = arith.addi %scan3A_535, %scan3A_536 : i32
      %scan3A_538 = arith.constant 1 : i32
      scf.for %scan3A_603 = %scan3A_535 to %scan3A_537 step %scan3A_538  : i32 {
        %broadcast_in_dim3A = arith.constant 0.000000e+00 : f32
        %broadcast_in_dim3A_604 = vector.broadcast %broadcast_in_dim3A : f32 to vector<16xf32>
        %swap3A = arith.index_cast %scan3A_603 : i32 to index
        %swap3A_605 = arith.constant 0 : index
        %swap3A_606 = tpu.vector_load %arg12[%swap3A, %swap3A_605] {strides = array<i32>} : memref<32x128xf32, #tpu.memory_space<vmem>>, vector<1x16xf32>,
        %swap3A_607 = vector.shape_cast %swap3A_606 : vector<1x16xf32> to vector<16xf32>
        %swap3A_608 = vector.shape_cast %broadcast_in_dim3A_604 : vector<16xf32> to vector<1x16xf32>
        tpu.vector_store %arg12[%swap3A, %swap3A_605], %swap3A_608 {strides = array<i32>} : memref<32x128xf32, #tpu.memory_space<vmem>>, vector<1x16xf32>,
        %broadcast_in_dim3A_609 = arith.constant 0.000000e+00 : f32
        %broadcast_in_dim3A_610 = vector.broadcast %broadcast_in_dim3A_609 : f32 to vector<16xf32>
        %swap3A_611 = arith.index_cast %scan3A_603 : i32 to index
        %swap3A_612 = arith.constant 16 : index
        %swap3A_613 = tpu.vector_load %arg12[%swap3A_611, %swap3A_612] {strides = array<i32>} : memref<32x128xf32, #tpu.memory_space<vmem>>, vector<1x16xf32>,
        %swap3A_614 = vector.shape_cast %swap3A_613 : vector<1x16xf32> to vector<16xf32>
        %swap3A_615 = vector.shape_cast %broadcast_in_dim3A_610 : vector<16xf32> to vector<1x16xf32>
        tpu.vector_store %arg12[%swap3A_611, %swap3A_612], %swap3A_615 {strides = array<i32>} : memref<32x128xf32, #tpu.memory_space<vmem>>, vector<1x16xf32>,
        %broadcast_in_dim3A_616 = arith.constant 0.000000e+00 : f32
        %broadcast_in_dim3A_617 = vector.broadcast %broadcast_in_dim3A_616 : f32 to vector<16xf32>
        %swap3A_618 = arith.index_cast %scan3A_603 : i32 to index
        %swap3A_619 = arith.constant 32 : index
        %swap3A_620 = tpu.vector_load %arg12[%swap3A_618, %swap3A_619] {strides = array<i32>} : memref<32x128xf32, #tpu.memory_space<vmem>>, vector<1x16xf32>,
        %swap3A_621 = vector.shape_cast %swap3A_620 : vector<1x16xf32> to vector<16xf32>
        %swap3A_622 = vector.shape_cast %broadcast_in_dim3A_617 : vector<16xf32> to vector<1x16xf32>
        tpu.vector_store %arg12[%swap3A_618, %swap3A_619], %swap3A_622 {strides = array<i32>} : memref<32x128xf32, #tpu.memory_space<vmem>>, vector<1x16xf32>,
        %broadcast_in_dim3A_623 = arith.constant 0.000000e+00 : f32
        %broadcast_in_dim3A_624 = vector.broadcast %broadcast_in_dim3A_623 : f32 to vector<16xf32>
        %swap3A_625 = arith.index_cast %scan3A_603 : i32 to index
        %swap3A_626 = arith.constant 48 : index
        %swap3A_627 = tpu.vector_load %arg12[%swap3A_625, %swap3A_626] {strides = array<i32>} : memref<32x128xf32, #tpu.memory_space<vmem>>, vector<1x16xf32>,
        %swap3A_628 = vector.shape_cast %swap3A_627 : vector<1x16xf32> to vector<16xf32>
        %swap3A_629 = vector.shape_cast %broadcast_in_dim3A_624 : vector<16xf32> to vector<1x16xf32>
        tpu.vector_store %arg12[%swap3A_625, %swap3A_626], %swap3A_629 {strides = array<i32>} : memref<32x128xf32, #tpu.memory_space<vmem>>, vector<1x16xf32>,
        %broadcast_in_dim3A_630 = arith.constant 0.000000e+00 : f32
        %broadcast_in_dim3A_631 = vector.broadcast %broadcast_in_dim3A_630 : f32 to vector<16xf32>
        %swap3A_632 = arith.index_cast %scan3A_603 : i32 to index
        %swap3A_633 = arith.constant 64 : index
        %swap3A_634 = tpu.vector_load %arg12[%swap3A_632, %swap3A_633] {strides = array<i32>} : memref<32x128xf32, #tpu.memory_space<vmem>>, vector<1x16xf32>,
        %swap3A_635 = vector.shape_cast %swap3A_634 : vector<1x16xf32> to vector<16xf32>
        %swap3A_636 = vector.shape_cast %broadcast_in_dim3A_631 : vector<16xf32> to vector<1x16xf32>
        tpu.vector_store %arg12[%swap3A_632, %swap3A_633], %swap3A_636 {strides = array<i32>} : memref<32x128xf32, #tpu.memory_space<vmem>>, vector<1x16xf32>,
        %broadcast_in_dim3A_637 = arith.constant 0.000000e+00 : f32
        %broadcast_in_dim3A_638 = vector.broadcast %broadcast_in_dim3A_637 : f32 to vector<16xf32>
        %swap3A_639 = arith.index_cast %scan3A_603 : i32 to index
        %swap3A_640 = arith.constant 80 : index
        %swap3A_641 = tpu.vector_load %arg12[%swap3A_639, %swap3A_640] {strides = array<i32>} : memref<32x128xf32, #tpu.memory_space<vmem>>, vector<1x16xf32>,
        %swap3A_642 = vector.shape_cast %swap3A_641 : vector<1x16xf32> to vector<16xf32>
        %swap3A_643 = vector.shape_cast %broadcast_in_dim3A_638 : vector<16xf32> to vector<1x16xf32>
        tpu.vector_store %arg12[%swap3A_639, %swap3A_640], %swap3A_643 {strides = array<i32>} : memref<32x128xf32, #tpu.memory_space<vmem>>, vector<1x16xf32>,
        %broadcast_in_dim3A_644 = arith.constant 0.000000e+00 : f32
        %broadcast_in_dim3A_645 = vector.broadcast %broadcast_in_dim3A_644 : f32 to vector<16xf32>
        %swap3A_646 = arith.index_cast %scan3A_603 : i32 to index
        %swap3A_647 = arith.constant 96 : index
        %swap3A_648 = tpu.vector_load %arg12[%swap3A_646, %swap3A_647] {strides = array<i32>} : memref<32x128xf32, #tpu.memory_space<vmem>>, vector<1x16xf32>,
        %swap3A_649 = vector.shape_cast %swap3A_648 : vector<1x16xf32> to vector<16xf32>
        %swap3A_650 = vector.shape_cast %broadcast_in_dim3A_645 : vector<16xf32> to vector<1x16xf32>
        tpu.vector_store %arg12[%swap3A_646, %swap3A_647], %swap3A_650 {strides = array<i32>} : memref<32x128xf32, #tpu.memory_space<vmem>>, vector<1x16xf32>,
        %broadcast_in_dim3A_651 = arith.constant 0.000000e+00 : f32
        %broadcast_in_dim3A_652 = vector.broadcast %broadcast_in_dim3A_651 : f32 to vector<16xf32>
        %swap3A_653 = arith.index_cast %scan3A_603 : i32 to index
        %swap3A_654 = arith.constant 112 : index
        %swap3A_655 = tpu.vector_load %arg12[%swap3A_653, %swap3A_654] {strides = array<i32>} : memref<32x128xf32, #tpu.memory_space<vmem>>, vector<1x16xf32>,
        %swap3A_656 = vector.shape_cast %swap3A_655 : vector<1x16xf32> to vector<16xf32>
        %swap3A_657 = vector.shape_cast %broadcast_in_dim3A_652 : vector<16xf32> to vector<1x16xf32>
        tpu.vector_store %arg12[%swap3A_653, %swap3A_654], %swap3A_657 {strides = array<i32>} : memref<32x128xf32, #tpu.memory_space<vmem>>, vector<1x16xf32>,
      }
      %scan3A_539 = arith.constant 32 : i32
      %add3A_540 = arith.constant 0 : i32
      %add3A_541 = arith.addi %mul3A_249, %add3A_540 : i32
      %add3A_542 = arith.constant 0 : i32
      %add3A_543 = arith.addi %add3A_541, %add3A_542 : i32
      "tpu.region"() ({
        %run_scoped3A = tpu.sem_alloc : memref<!tpu.dma_semaphore, #tpu.memory_space<semaphore_mem>>
        %dma_start3A_603 = arith.constant 0 : i32
        %dma_start3A_604 = arith.constant 0 : i32
        %dma_start3A_605 = tpu.memref_slice %arg12[%dma_start3A_603, %dma_start3A_604] : memref<32x128xf32, #tpu.memory_space<vmem>> -> memref<32x128xf32, #tpu.memory_space<vmem>>
        %dma_start3A_606 = arith.constant 0 : i32
        %dma_start3A_607 = tpu.memref_slice %arg7[%add3A_543, %dma_start3A_606] : memref<10000x128xf32, #tpu.memory_space<vmem_shared>> -> memref<32x128xf32, #tpu.memory_space<vmem_shared>>
        %dma_start3A_608 = arith.constant 0 : i32
        %dma_start3A_609 = tpu.memref_slice %arg7[%add3A_543, %dma_start3A_608] : memref<10000x128xf32, #tpu.memory_space<vmem_shared>> -> memref<32x128xf32, #tpu.memory_space<vmem_shared>>
        %dma_start3A_610 = arith.constant 0 : i32
        %dma_start3A_611 = arith.constant 0 : i32
        %dma_start3A_612 = tpu.memref_slice %arg12[%dma_start3A_610, %dma_start3A_611] : memref<32x128xf32, #tpu.memory_space<vmem>> -> memref<32x128xf32, #tpu.memory_space<vmem>>
        tpu.enqueue_dma source(%dma_start3A_612 : memref<32x128xf32, #tpu.memory_space<vmem>>) target(%dma_start3A_609 : memref<32x128xf32, #tpu.memory_space<vmem_shared>>) target_semaphore(%run_scoped3A : memref<!tpu.dma_semaphore, #tpu.memory_space<semaphore_mem>>)
        %dma_wait3A_613 = arith.constant 0 : i32
        %dma_wait3A_614 = arith.constant 0 : i32
        %dma_wait3A_615 = tpu.memref_slice %arg12[%dma_wait3A_613, %dma_wait3A_614] : memref<32x128xf32, #tpu.memory_space<vmem>> -> memref<32x128xf32, #tpu.memory_space<vmem>>
        %dma_wait3A_616 = arith.constant 0 : i32
        %dma_wait3A_617 = tpu.memref_slice %arg7[%add3A_543, %dma_wait3A_616] : memref<10000x128xf32, #tpu.memory_space<vmem_shared>> -> memref<32x128xf32, #tpu.memory_space<vmem_shared>>
        %dma_wait3A_618 = arith.constant 0 : i32
        %dma_wait3A_619 = tpu.memref_slice %arg7[%add3A_543, %dma_wait3A_618] : memref<10000x128xf32, #tpu.memory_space<vmem_shared>> -> memref<32x128xf32, #tpu.memory_space<vmem_shared>>
        %dma_wait3A_620 = arith.constant 0 : i32
        %dma_wait3A_621 = arith.constant 0 : i32
        %dma_wait3A_622 = tpu.memref_slice %arg12[%dma_wait3A_620, %dma_wait3A_621] : memref<32x128xf32, #tpu.memory_space<vmem>> -> memref<32x128xf32, #tpu.memory_space<vmem>>
        tpu.wait_dma2 semaphore(%run_scoped3A : memref<!tpu.dma_semaphore, #tpu.memory_space<semaphore_mem>>) src(%dma_wait3A_622 : memref<32x128xf32, #tpu.memory_space<vmem>>) dst(%dma_wait3A_619 : memref<32x128xf32, #tpu.memory_space<vmem_shared>>)
        tpu.yield
      }) : () -> ()
      %add3A_544 = arith.constant 32 : i32
      %add3A_545 = arith.addi %add3A_541, %add3A_544 : i32
      "tpu.region"() ({
        %run_scoped3A = tpu.sem_alloc : memref<!tpu.dma_semaphore, #tpu.memory_space<semaphore_mem>>
        %dma_start3A_603 = arith.constant 0 : i32
        %dma_start3A_604 = arith.constant 0 : i32
        %dma_start3A_605 = tpu.memref_slice %arg12[%dma_start3A_603, %dma_start3A_604] : memref<32x128xf32, #tpu.memory_space<vmem>> -> memref<32x128xf32, #tpu.memory_space<vmem>>
        %dma_start3A_606 = arith.constant 0 : i32
        %dma_start3A_607 = tpu.memref_slice %arg7[%add3A_545, %dma_start3A_606] : memref<10000x128xf32, #tpu.memory_space<vmem_shared>> -> memref<32x128xf32, #tpu.memory_space<vmem_shared>>
        %dma_start3A_608 = arith.constant 0 : i32
        %dma_start3A_609 = tpu.memref_slice %arg7[%add3A_545, %dma_start3A_608] : memref<10000x128xf32, #tpu.memory_space<vmem_shared>> -> memref<32x128xf32, #tpu.memory_space<vmem_shared>>
        %dma_start3A_610 = arith.constant 0 : i32
        %dma_start3A_611 = arith.constant 0 : i32
        %dma_start3A_612 = tpu.memref_slice %arg12[%dma_start3A_610, %dma_start3A_611] : memref<32x128xf32, #tpu.memory_space<vmem>> -> memref<32x128xf32, #tpu.memory_space<vmem>>
        tpu.enqueue_dma source(%dma_start3A_612 : memref<32x128xf32, #tpu.memory_space<vmem>>) target(%dma_start3A_609 : memref<32x128xf32, #tpu.memory_space<vmem_shared>>) target_semaphore(%run_scoped3A : memref<!tpu.dma_semaphore, #tpu.memory_space<semaphore_mem>>)
        %dma_wait3A_613 = arith.constant 0 : i32
        %dma_wait3A_614 = arith.constant 0 : i32
        %dma_wait3A_615 = tpu.memref_slice %arg12[%dma_wait3A_613, %dma_wait3A_614] : memref<32x128xf32, #tpu.memory_space<vmem>> -> memref<32x128xf32, #tpu.memory_space<vmem>>
        %dma_wait3A_616 = arith.constant 0 : i32
        %dma_wait3A_617 = tpu.memref_slice %arg7[%add3A_545, %dma_wait3A_616] : memref<10000x128xf32, #tpu.memory_space<vmem_shared>> -> memref<32x128xf32, #tpu.memory_space<vmem_shared>>
        %dma_wait3A_618 = arith.constant 0 : i32
        %dma_wait3A_619 = tpu.memref_slice %arg7[%add3A_545, %dma_wait3A_618] : memref<10000x128xf32, #tpu.memory_space<vmem_shared>> -> memref<32x128xf32, #tpu.memory_space<vmem_shared>>
        %dma_wait3A_620 = arith.constant 0 : i32
        %dma_wait3A_621 = arith.constant 0 : i32
        %dma_wait3A_622 = tpu.memref_slice %arg12[%dma_wait3A_620, %dma_wait3A_621] : memref<32x128xf32, #tpu.memory_space<vmem>> -> memref<32x128xf32, #tpu.memory_space<vmem>>
        tpu.wait_dma2 semaphore(%run_scoped3A : memref<!tpu.dma_semaphore, #tpu.memory_space<semaphore_mem>>) src(%dma_wait3A_622 : memref<32x128xf32, #tpu.memory_space<vmem>>) dst(%dma_wait3A_619 : memref<32x128xf32, #tpu.memory_space<vmem_shared>>)
        tpu.yield
      }) : () -> ()
      %add3A_546 = arith.constant 64 : i32
      %add3A_547 = arith.addi %add3A_541, %add3A_546 : i32
      "tpu.region"() ({
        %run_scoped3A = tpu.sem_alloc : memref<!tpu.dma_semaphore, #tpu.memory_space<semaphore_mem>>
        %dma_start3A_603 = arith.constant 0 : i32
        %dma_start3A_604 = arith.constant 0 : i32
        %dma_start3A_605 = tpu.memref_slice %arg12[%dma_start3A_603, %dma_start3A_604] : memref<32x128xf32, #tpu.memory_space<vmem>> -> memref<32x128xf32, #tpu.memory_space<vmem>>
        %dma_start3A_606 = arith.constant 0 : i32
        %dma_start3A_607 = tpu.memref_slice %arg7[%add3A_547, %dma_start3A_606] : memref<10000x128xf32, #tpu.memory_space<vmem_shared>> -> memref<32x128xf32, #tpu.memory_space<vmem_shared>>
        %dma_start3A_608 = arith.constant 0 : i32
        %dma_start3A_609 = tpu.memref_slice %arg7[%add3A_547, %dma_start3A_608] : memref<10000x128xf32, #tpu.memory_space<vmem_shared>> -> memref<32x128xf32, #tpu.memory_space<vmem_shared>>
        %dma_start3A_610 = arith.constant 0 : i32
        %dma_start3A_611 = arith.constant 0 : i32
        %dma_start3A_612 = tpu.memref_slice %arg12[%dma_start3A_610, %dma_start3A_611] : memref<32x128xf32, #tpu.memory_space<vmem>> -> memref<32x128xf32, #tpu.memory_space<vmem>>
        tpu.enqueue_dma source(%dma_start3A_612 : memref<32x128xf32, #tpu.memory_space<vmem>>) target(%dma_start3A_609 : memref<32x128xf32, #tpu.memory_space<vmem_shared>>) target_semaphore(%run_scoped3A : memref<!tpu.dma_semaphore, #tpu.memory_space<semaphore_mem>>)
        %dma_wait3A_613 = arith.constant 0 : i32
        %dma_wait3A_614 = arith.constant 0 : i32
        %dma_wait3A_615 = tpu.memref_slice %arg12[%dma_wait3A_613, %dma_wait3A_614] : memref<32x128xf32, #tpu.memory_space<vmem>> -> memref<32x128xf32, #tpu.memory_space<vmem>>
        %dma_wait3A_616 = arith.constant 0 : i32
        %dma_wait3A_617 = tpu.memref_slice %arg7[%add3A_547, %dma_wait3A_616] : memref<10000x128xf32, #tpu.memory_space<vmem_shared>> -> memref<32x128xf32, #tpu.memory_space<vmem_shared>>
        %dma_wait3A_618 = arith.constant 0 : i32
        %dma_wait3A_619 = tpu.memref_slice %arg7[%add3A_547, %dma_wait3A_618] : memref<10000x128xf32, #tpu.memory_space<vmem_shared>> -> memref<32x128xf32, #tpu.memory_space<vmem_shared>>
        %dma_wait3A_620 = arith.constant 0 : i32
        %dma_wait3A_621 = arith.constant 0 : i32
        %dma_wait3A_622 = tpu.memref_slice %arg12[%dma_wait3A_620, %dma_wait3A_621] : memref<32x128xf32, #tpu.memory_space<vmem>> -> memref<32x128xf32, #tpu.memory_space<vmem>>
        tpu.wait_dma2 semaphore(%run_scoped3A : memref<!tpu.dma_semaphore, #tpu.memory_space<semaphore_mem>>) src(%dma_wait3A_622 : memref<32x128xf32, #tpu.memory_space<vmem>>) dst(%dma_wait3A_619 : memref<32x128xf32, #tpu.memory_space<vmem_shared>>)
        tpu.yield
      }) : () -> ()
      %add3A_548 = arith.constant 96 : i32
      %add3A_549 = arith.addi %add3A_541, %add3A_548 : i32
      "tpu.region"() ({
        %run_scoped3A = tpu.sem_alloc : memref<!tpu.dma_semaphore, #tpu.memory_space<semaphore_mem>>
        %dma_start3A_603 = arith.constant 0 : i32
        %dma_start3A_604 = arith.constant 0 : i32
        %dma_start3A_605 = tpu.memref_slice %arg12[%dma_start3A_603, %dma_start3A_604] : memref<32x128xf32, #tpu.memory_space<vmem>> -> memref<8x128xf32, #tpu.memory_space<vmem>>
        %dma_start3A_606 = arith.constant 0 : i32
        %dma_start3A_607 = tpu.memref_slice %arg7[%add3A_549, %dma_start3A_606] : memref<10000x128xf32, #tpu.memory_space<vmem_shared>> -> memref<8x128xf32, #tpu.memory_space<vmem_shared>>
        %dma_start3A_608 = arith.constant 0 : i32
        %dma_start3A_609 = tpu.memref_slice %arg7[%add3A_549, %dma_start3A_608] : memref<10000x128xf32, #tpu.memory_space<vmem_shared>> -> memref<8x128xf32, #tpu.memory_space<vmem_shared>>
        %dma_start3A_610 = arith.constant 0 : i32
        %dma_start3A_611 = arith.constant 0 : i32
        %dma_start3A_612 = tpu.memref_slice %arg12[%dma_start3A_610, %dma_start3A_611] : memref<32x128xf32, #tpu.memory_space<vmem>> -> memref<8x128xf32, #tpu.memory_space<vmem>>
        tpu.enqueue_dma source(%dma_start3A_612 : memref<8x128xf32, #tpu.memory_space<vmem>>) target(%dma_start3A_609 : memref<8x128xf32, #tpu.memory_space<vmem_shared>>) target_semaphore(%run_scoped3A : memref<!tpu.dma_semaphore, #tpu.memory_space<semaphore_mem>>)
        %dma_wait3A_613 = arith.constant 0 : i32
        %dma_wait3A_614 = arith.constant 0 : i32
        %dma_wait3A_615 = tpu.memref_slice %arg12[%dma_wait3A_613, %dma_wait3A_614] : memref<32x128xf32, #tpu.memory_space<vmem>> -> memref<8x128xf32, #tpu.memory_space<vmem>>
        %dma_wait3A_616 = arith.constant 0 : i32
        %dma_wait3A_617 = tpu.memref_slice %arg7[%add3A_549, %dma_wait3A_616] : memref<10000x128xf32, #tpu.memory_space<vmem_shared>> -> memref<8x128xf32, #tpu.memory_space<vmem_shared>>
        %dma_wait3A_618 = arith.constant 0 : i32
        %dma_wait3A_619 = tpu.memref_slice %arg7[%add3A_549, %dma_wait3A_618] : memref<10000x128xf32, #tpu.memory_space<vmem_shared>> -> memref<8x128xf32, #tpu.memory_space<vmem_shared>>
        %dma_wait3A_620 = arith.constant 0 : i32
        %dma_wait3A_621 = arith.constant 0 : i32
        %dma_wait3A_622 = tpu.memref_slice %arg12[%dma_wait3A_620, %dma_wait3A_621] : memref<32x128xf32, #tpu.memory_space<vmem>> -> memref<8x128xf32, #tpu.memory_space<vmem>>
        tpu.wait_dma2 semaphore(%run_scoped3A : memref<!tpu.dma_semaphore, #tpu.memory_space<semaphore_mem>>) src(%dma_wait3A_622 : memref<8x128xf32, #tpu.memory_space<vmem>>) dst(%dma_wait3A_619 : memref<8x128xf32, #tpu.memory_space<vmem_shared>>)
        tpu.yield
      }) : () -> ()
      %add3A_550 = arith.constant 104 : i32
      %add3A_551 = arith.addi %mul3A_249, %add3A_550 : i32
      %add3A_552 = arith.constant 0 : i32
      %add3A_553 = arith.addi %add3A_551, %add3A_552 : i32
      "tpu.region"() ({
        %run_scoped3A = tpu.sem_alloc : memref<!tpu.dma_semaphore, #tpu.memory_space<semaphore_mem>>
        %dma_start3A_603 = arith.constant 0 : i32
        %dma_start3A_604 = arith.constant 0 : i32
        %dma_start3A_605 = tpu.memref_slice %arg12[%dma_start3A_603, %dma_start3A_604] : memref<32x128xf32, #tpu.memory_space<vmem>> -> memref<32x128xf32, #tpu.memory_space<vmem>>
        %dma_start3A_606 = arith.constant 0 : i32
        %dma_start3A_607 = tpu.memref_slice %arg7[%add3A_553, %dma_start3A_606] : memref<10000x128xf32, #tpu.memory_space<vmem_shared>> -> memref<32x128xf32, #tpu.memory_space<vmem_shared>>
        %dma_start3A_608 = arith.constant 0 : i32
        %dma_start3A_609 = tpu.memref_slice %arg7[%add3A_553, %dma_start3A_608] : memref<10000x128xf32, #tpu.memory_space<vmem_shared>> -> memref<32x128xf32, #tpu.memory_space<vmem_shared>>
        %dma_start3A_610 = arith.constant 0 : i32
        %dma_start3A_611 = arith.constant 0 : i32
        %dma_start3A_612 = tpu.memref_slice %arg12[%dma_start3A_610, %dma_start3A_611] : memref<32x128xf32, #tpu.memory_space<vmem>> -> memref<32x128xf32, #tpu.memory_space<vmem>>
        tpu.enqueue_dma source(%dma_start3A_612 : memref<32x128xf32, #tpu.memory_space<vmem>>) target(%dma_start3A_609 : memref<32x128xf32, #tpu.memory_space<vmem_shared>>) target_semaphore(%run_scoped3A : memref<!tpu.dma_semaphore, #tpu.memory_space<semaphore_mem>>)
        %dma_wait3A_613 = arith.constant 0 : i32
        %dma_wait3A_614 = arith.constant 0 : i32
        %dma_wait3A_615 = tpu.memref_slice %arg12[%dma_wait3A_613, %dma_wait3A_614] : memref<32x128xf32, #tpu.memory_space<vmem>> -> memref<32x128xf32, #tpu.memory_space<vmem>>
        %dma_wait3A_616 = arith.constant 0 : i32
        %dma_wait3A_617 = tpu.memref_slice %arg7[%add3A_553, %dma_wait3A_616] : memref<10000x128xf32, #tpu.memory_space<vmem_shared>> -> memref<32x128xf32, #tpu.memory_space<vmem_shared>>
        %dma_wait3A_618 = arith.constant 0 : i32
        %dma_wait3A_619 = tpu.memref_slice %arg7[%add3A_553, %dma_wait3A_618] : memref<10000x128xf32, #tpu.memory_space<vmem_shared>> -> memref<32x128xf32, #tpu.memory_space<vmem_shared>>
        %dma_wait3A_620 = arith.constant 0 : i32
        %dma_wait3A_621 = arith.constant 0 : i32
        %dma_wait3A_622 = tpu.memref_slice %arg12[%dma_wait3A_620, %dma_wait3A_621] : memref<32x128xf32, #tpu.memory_space<vmem>> -> memref<32x128xf32, #tpu.memory_space<vmem>>
        tpu.wait_dma2 semaphore(%run_scoped3A : memref<!tpu.dma_semaphore, #tpu.memory_space<semaphore_mem>>) src(%dma_wait3A_622 : memref<32x128xf32, #tpu.memory_space<vmem>>) dst(%dma_wait3A_619 : memref<32x128xf32, #tpu.memory_space<vmem_shared>>)
        tpu.yield
      }) : () -> ()
      %add3A_554 = arith.constant 32 : i32
      %add3A_555 = arith.addi %add3A_551, %add3A_554 : i32
      "tpu.region"() ({
        %run_scoped3A = tpu.sem_alloc : memref<!tpu.dma_semaphore, #tpu.memory_space<semaphore_mem>>
        %dma_start3A_603 = arith.constant 0 : i32
        %dma_start3A_604 = arith.constant 0 : i32
        %dma_start3A_605 = tpu.memref_slice %arg12[%dma_start3A_603, %dma_start3A_604] : memref<32x128xf32, #tpu.memory_space<vmem>> -> memref<32x128xf32, #tpu.memory_space<vmem>>
        %dma_start3A_606 = arith.constant 0 : i32
        %dma_start3A_607 = tpu.memref_slice %arg7[%add3A_555, %dma_start3A_606] : memref<10000x128xf32, #tpu.memory_space<vmem_shared>> -> memref<32x128xf32, #tpu.memory_space<vmem_shared>>
        %dma_start3A_608 = arith.constant 0 : i32
        %dma_start3A_609 = tpu.memref_slice %arg7[%add3A_555, %dma_start3A_608] : memref<10000x128xf32, #tpu.memory_space<vmem_shared>> -> memref<32x128xf32, #tpu.memory_space<vmem_shared>>
        %dma_start3A_610 = arith.constant 0 : i32
        %dma_start3A_611 = arith.constant 0 : i32
        %dma_start3A_612 = tpu.memref_slice %arg12[%dma_start3A_610, %dma_start3A_611] : memref<32x128xf32, #tpu.memory_space<vmem>> -> memref<32x128xf32, #tpu.memory_space<vmem>>
        tpu.enqueue_dma source(%dma_start3A_612 : memref<32x128xf32, #tpu.memory_space<vmem>>) target(%dma_start3A_609 : memref<32x128xf32, #tpu.memory_space<vmem_shared>>) target_semaphore(%run_scoped3A : memref<!tpu.dma_semaphore, #tpu.memory_space<semaphore_mem>>)
        %dma_wait3A_613 = arith.constant 0 : i32
        %dma_wait3A_614 = arith.constant 0 : i32
        %dma_wait3A_615 = tpu.memref_slice %arg12[%dma_wait3A_613, %dma_wait3A_614] : memref<32x128xf32, #tpu.memory_space<vmem>> -> memref<32x128xf32, #tpu.memory_space<vmem>>
        %dma_wait3A_616 = arith.constant 0 : i32
        %dma_wait3A_617 = tpu.memref_slice %arg7[%add3A_555, %dma_wait3A_616] : memref<10000x128xf32, #tpu.memory_space<vmem_shared>> -> memref<32x128xf32, #tpu.memory_space<vmem_shared>>
        %dma_wait3A_618 = arith.constant 0 : i32
        %dma_wait3A_619 = tpu.memref_slice %arg7[%add3A_555, %dma_wait3A_618] : memref<10000x128xf32, #tpu.memory_space<vmem_shared>> -> memref<32x128xf32, #tpu.memory_space<vmem_shared>>
        %dma_wait3A_620 = arith.constant 0 : i32
        %dma_wait3A_621 = arith.constant 0 : i32
        %dma_wait3A_622 = tpu.memref_slice %arg12[%dma_wait3A_620, %dma_wait3A_621] : memref<32x128xf32, #tpu.memory_space<vmem>> -> memref<32x128xf32, #tpu.memory_space<vmem>>
        tpu.wait_dma2 semaphore(%run_scoped3A : memref<!tpu.dma_semaphore, #tpu.memory_space<semaphore_mem>>) src(%dma_wait3A_622 : memref<32x128xf32, #tpu.memory_space<vmem>>) dst(%dma_wait3A_619 : memref<32x128xf32, #tpu.memory_space<vmem_shared>>)
        tpu.yield
      }) : () -> ()
      %add3A_556 = arith.constant 64 : i32
      %add3A_557 = arith.addi %add3A_551, %add3A_556 : i32
      "tpu.region"() ({
        %run_scoped3A = tpu.sem_alloc : memref<!tpu.dma_semaphore, #tpu.memory_space<semaphore_mem>>
        %dma_start3A_603 = arith.constant 0 : i32
        %dma_start3A_604 = arith.constant 0 : i32
        %dma_start3A_605 = tpu.memref_slice %arg12[%dma_start3A_603, %dma_start3A_604] : memref<32x128xf32, #tpu.memory_space<vmem>> -> memref<32x128xf32, #tpu.memory_space<vmem>>
        %dma_start3A_606 = arith.constant 0 : i32
        %dma_start3A_607 = tpu.memref_slice %arg7[%add3A_557, %dma_start3A_606] : memref<10000x128xf32, #tpu.memory_space<vmem_shared>> -> memref<32x128xf32, #tpu.memory_space<vmem_shared>>
        %dma_start3A_608 = arith.constant 0 : i32
        %dma_start3A_609 = tpu.memref_slice %arg7[%add3A_557, %dma_start3A_608] : memref<10000x128xf32, #tpu.memory_space<vmem_shared>> -> memref<32x128xf32, #tpu.memory_space<vmem_shared>>
        %dma_start3A_610 = arith.constant 0 : i32
        %dma_start3A_611 = arith.constant 0 : i32
        %dma_start3A_612 = tpu.memref_slice %arg12[%dma_start3A_610, %dma_start3A_611] : memref<32x128xf32, #tpu.memory_space<vmem>> -> memref<32x128xf32, #tpu.memory_space<vmem>>
        tpu.enqueue_dma source(%dma_start3A_612 : memref<32x128xf32, #tpu.memory_space<vmem>>) target(%dma_start3A_609 : memref<32x128xf32, #tpu.memory_space<vmem_shared>>) target_semaphore(%run_scoped3A : memref<!tpu.dma_semaphore, #tpu.memory_space<semaphore_mem>>)
        %dma_wait3A_613 = arith.constant 0 : i32
        %dma_wait3A_614 = arith.constant 0 : i32
        %dma_wait3A_615 = tpu.memref_slice %arg12[%dma_wait3A_613, %dma_wait3A_614] : memref<32x128xf32, #tpu.memory_space<vmem>> -> memref<32x128xf32, #tpu.memory_space<vmem>>
        %dma_wait3A_616 = arith.constant 0 : i32
        %dma_wait3A_617 = tpu.memref_slice %arg7[%add3A_557, %dma_wait3A_616] : memref<10000x128xf32, #tpu.memory_space<vmem_shared>> -> memref<32x128xf32, #tpu.memory_space<vmem_shared>>
        %dma_wait3A_618 = arith.constant 0 : i32
        %dma_wait3A_619 = tpu.memref_slice %arg7[%add3A_557, %dma_wait3A_618] : memref<10000x128xf32, #tpu.memory_space<vmem_shared>> -> memref<32x128xf32, #tpu.memory_space<vmem_shared>>
        %dma_wait3A_620 = arith.constant 0 : i32
        %dma_wait3A_621 = arith.constant 0 : i32
        %dma_wait3A_622 = tpu.memref_slice %arg12[%dma_wait3A_620, %dma_wait3A_621] : memref<32x128xf32, #tpu.memory_space<vmem>> -> memref<32x128xf32, #tpu.memory_space<vmem>>
        tpu.wait_dma2 semaphore(%run_scoped3A : memref<!tpu.dma_semaphore, #tpu.memory_space<semaphore_mem>>) src(%dma_wait3A_622 : memref<32x128xf32, #tpu.memory_space<vmem>>) dst(%dma_wait3A_619 : memref<32x128xf32, #tpu.memory_space<vmem_shared>>)
        tpu.yield
      }) : () -> ()
      %add3A_558 = arith.constant 96 : i32
      %add3A_559 = arith.addi %add3A_551, %add3A_558 : i32
      "tpu.region"() ({
        %run_scoped3A = tpu.sem_alloc : memref<!tpu.dma_semaphore, #tpu.memory_space<semaphore_mem>>
        %dma_start3A_603 = arith.constant 0 : i32
        %dma_start3A_604 = arith.constant 0 : i32
        %dma_start3A_605 = tpu.memref_slice %arg12[%dma_start3A_603, %dma_start3A_604] : memref<32x128xf32, #tpu.memory_space<vmem>> -> memref<8x128xf32, #tpu.memory_space<vmem>>
        %dma_start3A_606 = arith.constant 0 : i32
        %dma_start3A_607 = tpu.memref_slice %arg7[%add3A_559, %dma_start3A_606] : memref<10000x128xf32, #tpu.memory_space<vmem_shared>> -> memref<8x128xf32, #tpu.memory_space<vmem_shared>>
        %dma_start3A_608 = arith.constant 0 : i32
        %dma_start3A_609 = tpu.memref_slice %arg7[%add3A_559, %dma_start3A_608] : memref<10000x128xf32, #tpu.memory_space<vmem_shared>> -> memref<8x128xf32, #tpu.memory_space<vmem_shared>>
        %dma_start3A_610 = arith.constant 0 : i32
        %dma_start3A_611 = arith.constant 0 : i32
        %dma_start3A_612 = tpu.memref_slice %arg12[%dma_start3A_610, %dma_start3A_611] : memref<32x128xf32, #tpu.memory_space<vmem>> -> memref<8x128xf32, #tpu.memory_space<vmem>>
        tpu.enqueue_dma source(%dma_start3A_612 : memref<8x128xf32, #tpu.memory_space<vmem>>) target(%dma_start3A_609 : memref<8x128xf32, #tpu.memory_space<vmem_shared>>) target_semaphore(%run_scoped3A : memref<!tpu.dma_semaphore, #tpu.memory_space<semaphore_mem>>)
        %dma_wait3A_613 = arith.constant 0 : i32
        %dma_wait3A_614 = arith.constant 0 : i32
        %dma_wait3A_615 = tpu.memref_slice %arg12[%dma_wait3A_613, %dma_wait3A_614] : memref<32x128xf32, #tpu.memory_space<vmem>> -> memref<8x128xf32, #tpu.memory_space<vmem>>
        %dma_wait3A_616 = arith.constant 0 : i32
        %dma_wait3A_617 = tpu.memref_slice %arg7[%add3A_559, %dma_wait3A_616] : memref<10000x128xf32, #tpu.memory_space<vmem_shared>> -> memref<8x128xf32, #tpu.memory_space<vmem_shared>>
        %dma_wait3A_618 = arith.constant 0 : i32
        %dma_wait3A_619 = tpu.memref_slice %arg7[%add3A_559, %dma_wait3A_618] : memref<10000x128xf32, #tpu.memory_space<vmem_shared>> -> memref<8x128xf32, #tpu.memory_space<vmem_shared>>
        %dma_wait3A_620 = arith.constant 0 : i32
        %dma_wait3A_621 = arith.constant 0 : i32
        %dma_wait3A_622 = tpu.memref_slice %arg12[%dma_wait3A_620, %dma_wait3A_621] : memref<32x128xf32, #tpu.memory_space<vmem>> -> memref<8x128xf32, #tpu.memory_space<vmem>>
        tpu.wait_dma2 semaphore(%run_scoped3A : memref<!tpu.dma_semaphore, #tpu.memory_space<semaphore_mem>>) src(%dma_wait3A_622 : memref<8x128xf32, #tpu.memory_space<vmem>>) dst(%dma_wait3A_619 : memref<8x128xf32, #tpu.memory_space<vmem_shared>>)
        tpu.yield
      }) : () -> ()
      %add3A_560 = arith.constant 208 : i32
      %add3A_561 = arith.addi %mul3A_249, %add3A_560 : i32
      %add3A_562 = arith.constant 0 : i32
      %add3A_563 = arith.addi %add3A_561, %add3A_562 : i32
      "tpu.region"() ({
        %run_scoped3A = tpu.sem_alloc : memref<!tpu.dma_semaphore, #tpu.memory_space<semaphore_mem>>
        %dma_start3A_603 = arith.constant 0 : i32
        %dma_start3A_604 = arith.constant 0 : i32
        %dma_start3A_605 = tpu.memref_slice %arg12[%dma_start3A_603, %dma_start3A_604] : memref<32x128xf32, #tpu.memory_space<vmem>> -> memref<32x128xf32, #tpu.memory_space<vmem>>
        %dma_start3A_606 = arith.constant 0 : i32
        %dma_start3A_607 = tpu.memref_slice %arg7[%add3A_563, %dma_start3A_606] : memref<10000x128xf32, #tpu.memory_space<vmem_shared>> -> memref<32x128xf32, #tpu.memory_space<vmem_shared>>
        %dma_start3A_608 = arith.constant 0 : i32
        %dma_start3A_609 = tpu.memref_slice %arg7[%add3A_563, %dma_start3A_608] : memref<10000x128xf32, #tpu.memory_space<vmem_shared>> -> memref<32x128xf32, #tpu.memory_space<vmem_shared>>
        %dma_start3A_610 = arith.constant 0 : i32
        %dma_start3A_611 = arith.constant 0 : i32
        %dma_start3A_612 = tpu.memref_slice %arg12[%dma_start3A_610, %dma_start3A_611] : memref<32x128xf32, #tpu.memory_space<vmem>> -> memref<32x128xf32, #tpu.memory_space<vmem>>
        tpu.enqueue_dma source(%dma_start3A_612 : memref<32x128xf32, #tpu.memory_space<vmem>>) target(%dma_start3A_609 : memref<32x128xf32, #tpu.memory_space<vmem_shared>>) target_semaphore(%run_scoped3A : memref<!tpu.dma_semaphore, #tpu.memory_space<semaphore_mem>>)
        %dma_wait3A_613 = arith.constant 0 : i32
        %dma_wait3A_614 = arith.constant 0 : i32
        %dma_wait3A_615 = tpu.memref_slice %arg12[%dma_wait3A_613, %dma_wait3A_614] : memref<32x128xf32, #tpu.memory_space<vmem>> -> memref<32x128xf32, #tpu.memory_space<vmem>>
        %dma_wait3A_616 = arith.constant 0 : i32
        %dma_wait3A_617 = tpu.memref_slice %arg7[%add3A_563, %dma_wait3A_616] : memref<10000x128xf32, #tpu.memory_space<vmem_shared>> -> memref<32x128xf32, #tpu.memory_space<vmem_shared>>
        %dma_wait3A_618 = arith.constant 0 : i32
        %dma_wait3A_619 = tpu.memref_slice %arg7[%add3A_563, %dma_wait3A_618] : memref<10000x128xf32, #tpu.memory_space<vmem_shared>> -> memref<32x128xf32, #tpu.memory_space<vmem_shared>>
        %dma_wait3A_620 = arith.constant 0 : i32
        %dma_wait3A_621 = arith.constant 0 : i32
        %dma_wait3A_622 = tpu.memref_slice %arg12[%dma_wait3A_620, %dma_wait3A_621] : memref<32x128xf32, #tpu.memory_space<vmem>> -> memref<32x128xf32, #tpu.memory_space<vmem>>
        tpu.wait_dma2 semaphore(%run_scoped3A : memref<!tpu.dma_semaphore, #tpu.memory_space<semaphore_mem>>) src(%dma_wait3A_622 : memref<32x128xf32, #tpu.memory_space<vmem>>) dst(%dma_wait3A_619 : memref<32x128xf32, #tpu.memory_space<vmem_shared>>)
        tpu.yield
      }) : () -> ()
      %add3A_564 = arith.constant 32 : i32
      %add3A_565 = arith.addi %add3A_561, %add3A_564 : i32
      "tpu.region"() ({
        %run_scoped3A = tpu.sem_alloc : memref<!tpu.dma_semaphore, #tpu.memory_space<semaphore_mem>>
        %dma_start3A_603 = arith.constant 0 : i32
        %dma_start3A_604 = arith.constant 0 : i32
        %dma_start3A_605 = tpu.memref_slice %arg12[%dma_start3A_603, %dma_start3A_604] : memref<32x128xf32, #tpu.memory_space<vmem>> -> memref<32x128xf32, #tpu.memory_space<vmem>>
        %dma_start3A_606 = arith.constant 0 : i32
        %dma_start3A_607 = tpu.memref_slice %arg7[%add3A_565, %dma_start3A_606] : memref<10000x128xf32, #tpu.memory_space<vmem_shared>> -> memref<32x128xf32, #tpu.memory_space<vmem_shared>>
        %dma_start3A_608 = arith.constant 0 : i32
        %dma_start3A_609 = tpu.memref_slice %arg7[%add3A_565, %dma_start3A_608] : memref<10000x128xf32, #tpu.memory_space<vmem_shared>> -> memref<32x128xf32, #tpu.memory_space<vmem_shared>>
        %dma_start3A_610 = arith.constant 0 : i32
        %dma_start3A_611 = arith.constant 0 : i32
        %dma_start3A_612 = tpu.memref_slice %arg12[%dma_start3A_610, %dma_start3A_611] : memref<32x128xf32, #tpu.memory_space<vmem>> -> memref<32x128xf32, #tpu.memory_space<vmem>>
        tpu.enqueue_dma source(%dma_start3A_612 : memref<32x128xf32, #tpu.memory_space<vmem>>) target(%dma_start3A_609 : memref<32x128xf32, #tpu.memory_space<vmem_shared>>) target_semaphore(%run_scoped3A : memref<!tpu.dma_semaphore, #tpu.memory_space<semaphore_mem>>)
        %dma_wait3A_613 = arith.constant 0 : i32
        %dma_wait3A_614 = arith.constant 0 : i32
        %dma_wait3A_615 = tpu.memref_slice %arg12[%dma_wait3A_613, %dma_wait3A_614] : memref<32x128xf32, #tpu.memory_space<vmem>> -> memref<32x128xf32, #tpu.memory_space<vmem>>
        %dma_wait3A_616 = arith.constant 0 : i32
        %dma_wait3A_617 = tpu.memref_slice %arg7[%add3A_565, %dma_wait3A_616] : memref<10000x128xf32, #tpu.memory_space<vmem_shared>> -> memref<32x128xf32, #tpu.memory_space<vmem_shared>>
        %dma_wait3A_618 = arith.constant 0 : i32
        %dma_wait3A_619 = tpu.memref_slice %arg7[%add3A_565, %dma_wait3A_618] : memref<10000x128xf32, #tpu.memory_space<vmem_shared>> -> memref<32x128xf32, #tpu.memory_space<vmem_shared>>
        %dma_wait3A_620 = arith.constant 0 : i32
        %dma_wait3A_621 = arith.constant 0 : i32
        %dma_wait3A_622 = tpu.memref_slice %arg12[%dma_wait3A_620, %dma_wait3A_621] : memref<32x128xf32, #tpu.memory_space<vmem>> -> memref<32x128xf32, #tpu.memory_space<vmem>>
        tpu.wait_dma2 semaphore(%run_scoped3A : memref<!tpu.dma_semaphore, #tpu.memory_space<semaphore_mem>>) src(%dma_wait3A_622 : memref<32x128xf32, #tpu.memory_space<vmem>>) dst(%dma_wait3A_619 : memref<32x128xf32, #tpu.memory_space<vmem_shared>>)
        tpu.yield
      }) : () -> ()
      %add3A_566 = arith.constant 64 : i32
      %add3A_567 = arith.addi %add3A_561, %add3A_566 : i32
      "tpu.region"() ({
        %run_scoped3A = tpu.sem_alloc : memref<!tpu.dma_semaphore, #tpu.memory_space<semaphore_mem>>
        %dma_start3A_603 = arith.constant 0 : i32
        %dma_start3A_604 = arith.constant 0 : i32
        %dma_start3A_605 = tpu.memref_slice %arg12[%dma_start3A_603, %dma_start3A_604] : memref<32x128xf32, #tpu.memory_space<vmem>> -> memref<32x128xf32, #tpu.memory_space<vmem>>
        %dma_start3A_606 = arith.constant 0 : i32
        %dma_start3A_607 = tpu.memref_slice %arg7[%add3A_567, %dma_start3A_606] : memref<10000x128xf32, #tpu.memory_space<vmem_shared>> -> memref<32x128xf32, #tpu.memory_space<vmem_shared>>
        %dma_start3A_608 = arith.constant 0 : i32
        %dma_start3A_609 = tpu.memref_slice %arg7[%add3A_567, %dma_start3A_608] : memref<10000x128xf32, #tpu.memory_space<vmem_shared>> -> memref<32x128xf32, #tpu.memory_space<vmem_shared>>
        %dma_start3A_610 = arith.constant 0 : i32
        %dma_start3A_611 = arith.constant 0 : i32
        %dma_start3A_612 = tpu.memref_slice %arg12[%dma_start3A_610, %dma_start3A_611] : memref<32x128xf32, #tpu.memory_space<vmem>> -> memref<32x128xf32, #tpu.memory_space<vmem>>
        tpu.enqueue_dma source(%dma_start3A_612 : memref<32x128xf32, #tpu.memory_space<vmem>>) target(%dma_start3A_609 : memref<32x128xf32, #tpu.memory_space<vmem_shared>>) target_semaphore(%run_scoped3A : memref<!tpu.dma_semaphore, #tpu.memory_space<semaphore_mem>>)
        %dma_wait3A_613 = arith.constant 0 : i32
        %dma_wait3A_614 = arith.constant 0 : i32
        %dma_wait3A_615 = tpu.memref_slice %arg12[%dma_wait3A_613, %dma_wait3A_614] : memref<32x128xf32, #tpu.memory_space<vmem>> -> memref<32x128xf32, #tpu.memory_space<vmem>>
        %dma_wait3A_616 = arith.constant 0 : i32
        %dma_wait3A_617 = tpu.memref_slice %arg7[%add3A_567, %dma_wait3A_616] : memref<10000x128xf32, #tpu.memory_space<vmem_shared>> -> memref<32x128xf32, #tpu.memory_space<vmem_shared>>
        %dma_wait3A_618 = arith.constant 0 : i32
        %dma_wait3A_619 = tpu.memref_slice %arg7[%add3A_567, %dma_wait3A_618] : memref<10000x128xf32, #tpu.memory_space<vmem_shared>> -> memref<32x128xf32, #tpu.memory_space<vmem_shared>>
        %dma_wait3A_620 = arith.constant 0 : i32
        %dma_wait3A_621 = arith.constant 0 : i32
        %dma_wait3A_622 = tpu.memref_slice %arg12[%dma_wait3A_620, %dma_wait3A_621] : memref<32x128xf32, #tpu.memory_space<vmem>> -> memref<32x128xf32, #tpu.memory_space<vmem>>
        tpu.wait_dma2 semaphore(%run_scoped3A : memref<!tpu.dma_semaphore, #tpu.memory_space<semaphore_mem>>) src(%dma_wait3A_622 : memref<32x128xf32, #tpu.memory_space<vmem>>) dst(%dma_wait3A_619 : memref<32x128xf32, #tpu.memory_space<vmem_shared>>)
        tpu.yield
      }) : () -> ()
      %add3A_568 = arith.constant 96 : i32
      %add3A_569 = arith.addi %add3A_561, %add3A_568 : i32
      "tpu.region"() ({
        %run_scoped3A = tpu.sem_alloc : memref<!tpu.dma_semaphore, #tpu.memory_space<semaphore_mem>>
        %dma_start3A_603 = arith.constant 0 : i32
        %dma_start3A_604 = arith.constant 0 : i32
        %dma_start3A_605 = tpu.memref_slice %arg12[%dma_start3A_603, %dma_start3A_604] : memref<32x128xf32, #tpu.memory_space<vmem>> -> memref<8x128xf32, #tpu.memory_space<vmem>>
        %dma_start3A_606 = arith.constant 0 : i32
        %dma_start3A_607 = tpu.memref_slice %arg7[%add3A_569, %dma_start3A_606] : memref<10000x128xf32, #tpu.memory_space<vmem_shared>> -> memref<8x128xf32, #tpu.memory_space<vmem_shared>>
        %dma_start3A_608 = arith.constant 0 : i32
        %dma_start3A_609 = tpu.memref_slice %arg7[%add3A_569, %dma_start3A_608] : memref<10000x128xf32, #tpu.memory_space<vmem_shared>> -> memref<8x128xf32, #tpu.memory_space<vmem_shared>>
        %dma_start3A_610 = arith.constant 0 : i32
        %dma_start3A_611 = arith.constant 0 : i32
        %dma_start3A_612 = tpu.memref_slice %arg12[%dma_start3A_610, %dma_start3A_611] : memref<32x128xf32, #tpu.memory_space<vmem>> -> memref<8x128xf32, #tpu.memory_space<vmem>>
        tpu.enqueue_dma source(%dma_start3A_612 : memref<8x128xf32, #tpu.memory_space<vmem>>) target(%dma_start3A_609 : memref<8x128xf32, #tpu.memory_space<vmem_shared>>) target_semaphore(%run_scoped3A : memref<!tpu.dma_semaphore, #tpu.memory_space<semaphore_mem>>)
        %dma_wait3A_613 = arith.constant 0 : i32
        %dma_wait3A_614 = arith.constant 0 : i32
        %dma_wait3A_615 = tpu.memref_slice %arg12[%dma_wait3A_613, %dma_wait3A_614] : memref<32x128xf32, #tpu.memory_space<vmem>> -> memref<8x128xf32, #tpu.memory_space<vmem>>
        %dma_wait3A_616 = arith.constant 0 : i32
        %dma_wait3A_617 = tpu.memref_slice %arg7[%add3A_569, %dma_wait3A_616] : memref<10000x128xf32, #tpu.memory_space<vmem_shared>> -> memref<8x128xf32, #tpu.memory_space<vmem_shared>>
        %dma_wait3A_618 = arith.constant 0 : i32
        %dma_wait3A_619 = tpu.memref_slice %arg7[%add3A_569, %dma_wait3A_618] : memref<10000x128xf32, #tpu.memory_space<vmem_shared>> -> memref<8x128xf32, #tpu.memory_space<vmem_shared>>
        %dma_wait3A_620 = arith.constant 0 : i32
        %dma_wait3A_621 = arith.constant 0 : i32
        %dma_wait3A_622 = tpu.memref_slice %arg12[%dma_wait3A_620, %dma_wait3A_621] : memref<32x128xf32, #tpu.memory_space<vmem>> -> memref<8x128xf32, #tpu.memory_space<vmem>>
        tpu.wait_dma2 semaphore(%run_scoped3A : memref<!tpu.dma_semaphore, #tpu.memory_space<semaphore_mem>>) src(%dma_wait3A_622 : memref<8x128xf32, #tpu.memory_space<vmem>>) dst(%dma_wait3A_619 : memref<8x128xf32, #tpu.memory_space<vmem_shared>>)
        tpu.yield
      }) : () -> ()
      %add3A_570 = arith.constant 312 : i32
      %add3A_571 = arith.addi %mul3A_249, %add3A_570 : i32
      %add3A_572 = arith.constant 0 : i32
      %add3A_573 = arith.addi %add3A_571, %add3A_572 : i32
      "tpu.region"() ({
        %run_scoped3A = tpu.sem_alloc : memref<!tpu.dma_semaphore, #tpu.memory_space<semaphore_mem>>
        %dma_start3A_603 = arith.constant 0 : i32
        %dma_start3A_604 = arith.constant 0 : i32
        %dma_start3A_605 = tpu.memref_slice %arg12[%dma_start3A_603, %dma_start3A_604] : memref<32x128xf32, #tpu.memory_space<vmem>> -> memref<32x128xf32, #tpu.memory_space<vmem>>
        %dma_start3A_606 = arith.constant 0 : i32
        %dma_start3A_607 = tpu.memref_slice %arg7[%add3A_573, %dma_start3A_606] : memref<10000x128xf32, #tpu.memory_space<vmem_shared>> -> memref<32x128xf32, #tpu.memory_space<vmem_shared>>
        %dma_start3A_608 = arith.constant 0 : i32
        %dma_start3A_609 = tpu.memref_slice %arg7[%add3A_573, %dma_start3A_608] : memref<10000x128xf32, #tpu.memory_space<vmem_shared>> -> memref<32x128xf32, #tpu.memory_space<vmem_shared>>
        %dma_start3A_610 = arith.constant 0 : i32
        %dma_start3A_611 = arith.constant 0 : i32
        %dma_start3A_612 = tpu.memref_slice %arg12[%dma_start3A_610, %dma_start3A_611] : memref<32x128xf32, #tpu.memory_space<vmem>> -> memref<32x128xf32, #tpu.memory_space<vmem>>
        tpu.enqueue_dma source(%dma_start3A_612 : memref<32x128xf32, #tpu.memory_space<vmem>>) target(%dma_start3A_609 : memref<32x128xf32, #tpu.memory_space<vmem_shared>>) target_semaphore(%run_scoped3A : memref<!tpu.dma_semaphore, #tpu.memory_space<semaphore_mem>>)
        %dma_wait3A_613 = arith.constant 0 : i32
        %dma_wait3A_614 = arith.constant 0 : i32
        %dma_wait3A_615 = tpu.memref_slice %arg12[%dma_wait3A_613, %dma_wait3A_614] : memref<32x128xf32, #tpu.memory_space<vmem>> -> memref<32x128xf32, #tpu.memory_space<vmem>>
        %dma_wait3A_616 = arith.constant 0 : i32
        %dma_wait3A_617 = tpu.memref_slice %arg7[%add3A_573, %dma_wait3A_616] : memref<10000x128xf32, #tpu.memory_space<vmem_shared>> -> memref<32x128xf32, #tpu.memory_space<vmem_shared>>
        %dma_wait3A_618 = arith.constant 0 : i32
        %dma_wait3A_619 = tpu.memref_slice %arg7[%add3A_573, %dma_wait3A_618] : memref<10000x128xf32, #tpu.memory_space<vmem_shared>> -> memref<32x128xf32, #tpu.memory_space<vmem_shared>>
        %dma_wait3A_620 = arith.constant 0 : i32
        %dma_wait3A_621 = arith.constant 0 : i32
        %dma_wait3A_622 = tpu.memref_slice %arg12[%dma_wait3A_620, %dma_wait3A_621] : memref<32x128xf32, #tpu.memory_space<vmem>> -> memref<32x128xf32, #tpu.memory_space<vmem>>
        tpu.wait_dma2 semaphore(%run_scoped3A : memref<!tpu.dma_semaphore, #tpu.memory_space<semaphore_mem>>) src(%dma_wait3A_622 : memref<32x128xf32, #tpu.memory_space<vmem>>) dst(%dma_wait3A_619 : memref<32x128xf32, #tpu.memory_space<vmem_shared>>)
        tpu.yield
      }) : () -> ()
      %add3A_574 = arith.constant 32 : i32
      %add3A_575 = arith.addi %add3A_571, %add3A_574 : i32
      "tpu.region"() ({
        %run_scoped3A = tpu.sem_alloc : memref<!tpu.dma_semaphore, #tpu.memory_space<semaphore_mem>>
        %dma_start3A_603 = arith.constant 0 : i32
        %dma_start3A_604 = arith.constant 0 : i32
        %dma_start3A_605 = tpu.memref_slice %arg12[%dma_start3A_603, %dma_start3A_604] : memref<32x128xf32, #tpu.memory_space<vmem>> -> memref<32x128xf32, #tpu.memory_space<vmem>>
        %dma_start3A_606 = arith.constant 0 : i32
        %dma_start3A_607 = tpu.memref_slice %arg7[%add3A_575, %dma_start3A_606] : memref<10000x128xf32, #tpu.memory_space<vmem_shared>> -> memref<32x128xf32, #tpu.memory_space<vmem_shared>>
        %dma_start3A_608 = arith.constant 0 : i32
        %dma_start3A_609 = tpu.memref_slice %arg7[%add3A_575, %dma_start3A_608] : memref<10000x128xf32, #tpu.memory_space<vmem_shared>> -> memref<32x128xf32, #tpu.memory_space<vmem_shared>>
        %dma_start3A_610 = arith.constant 0 : i32
        %dma_start3A_611 = arith.constant 0 : i32
        %dma_start3A_612 = tpu.memref_slice %arg12[%dma_start3A_610, %dma_start3A_611] : memref<32x128xf32, #tpu.memory_space<vmem>> -> memref<32x128xf32, #tpu.memory_space<vmem>>
        tpu.enqueue_dma source(%dma_start3A_612 : memref<32x128xf32, #tpu.memory_space<vmem>>) target(%dma_start3A_609 : memref<32x128xf32, #tpu.memory_space<vmem_shared>>) target_semaphore(%run_scoped3A : memref<!tpu.dma_semaphore, #tpu.memory_space<semaphore_mem>>)
        %dma_wait3A_613 = arith.constant 0 : i32
        %dma_wait3A_614 = arith.constant 0 : i32
        %dma_wait3A_615 = tpu.memref_slice %arg12[%dma_wait3A_613, %dma_wait3A_614] : memref<32x128xf32, #tpu.memory_space<vmem>> -> memref<32x128xf32, #tpu.memory_space<vmem>>
        %dma_wait3A_616 = arith.constant 0 : i32
        %dma_wait3A_617 = tpu.memref_slice %arg7[%add3A_575, %dma_wait3A_616] : memref<10000x128xf32, #tpu.memory_space<vmem_shared>> -> memref<32x128xf32, #tpu.memory_space<vmem_shared>>
        %dma_wait3A_618 = arith.constant 0 : i32
        %dma_wait3A_619 = tpu.memref_slice %arg7[%add3A_575, %dma_wait3A_618] : memref<10000x128xf32, #tpu.memory_space<vmem_shared>> -> memref<32x128xf32, #tpu.memory_space<vmem_shared>>
        %dma_wait3A_620 = arith.constant 0 : i32
        %dma_wait3A_621 = arith.constant 0 : i32
        %dma_wait3A_622 = tpu.memref_slice %arg12[%dma_wait3A_620, %dma_wait3A_621] : memref<32x128xf32, #tpu.memory_space<vmem>> -> memref<32x128xf32, #tpu.memory_space<vmem>>
        tpu.wait_dma2 semaphore(%run_scoped3A : memref<!tpu.dma_semaphore, #tpu.memory_space<semaphore_mem>>) src(%dma_wait3A_622 : memref<32x128xf32, #tpu.memory_space<vmem>>) dst(%dma_wait3A_619 : memref<32x128xf32, #tpu.memory_space<vmem_shared>>)
        tpu.yield
      }) : () -> ()
      %add3A_576 = arith.constant 64 : i32
      %add3A_577 = arith.addi %add3A_571, %add3A_576 : i32
      "tpu.region"() ({
        %run_scoped3A = tpu.sem_alloc : memref<!tpu.dma_semaphore, #tpu.memory_space<semaphore_mem>>
        %dma_start3A_603 = arith.constant 0 : i32
        %dma_start3A_604 = arith.constant 0 : i32
        %dma_start3A_605 = tpu.memref_slice %arg12[%dma_start3A_603, %dma_start3A_604] : memref<32x128xf32, #tpu.memory_space<vmem>> -> memref<32x128xf32, #tpu.memory_space<vmem>>
        %dma_start3A_606 = arith.constant 0 : i32
        %dma_start3A_607 = tpu.memref_slice %arg7[%add3A_577, %dma_start3A_606] : memref<10000x128xf32, #tpu.memory_space<vmem_shared>> -> memref<32x128xf32, #tpu.memory_space<vmem_shared>>
        %dma_start3A_608 = arith.constant 0 : i32
        %dma_start3A_609 = tpu.memref_slice %arg7[%add3A_577, %dma_start3A_608] : memref<10000x128xf32, #tpu.memory_space<vmem_shared>> -> memref<32x128xf32, #tpu.memory_space<vmem_shared>>
        %dma_start3A_610 = arith.constant 0 : i32
        %dma_start3A_611 = arith.constant 0 : i32
        %dma_start3A_612 = tpu.memref_slice %arg12[%dma_start3A_610, %dma_start3A_611] : memref<32x128xf32, #tpu.memory_space<vmem>> -> memref<32x128xf32, #tpu.memory_space<vmem>>
        tpu.enqueue_dma source(%dma_start3A_612 : memref<32x128xf32, #tpu.memory_space<vmem>>) target(%dma_start3A_609 : memref<32x128xf32, #tpu.memory_space<vmem_shared>>) target_semaphore(%run_scoped3A : memref<!tpu.dma_semaphore, #tpu.memory_space<semaphore_mem>>)
        %dma_wait3A_613 = arith.constant 0 : i32
        %dma_wait3A_614 = arith.constant 0 : i32
        %dma_wait3A_615 = tpu.memref_slice %arg12[%dma_wait3A_613, %dma_wait3A_614] : memref<32x128xf32, #tpu.memory_space<vmem>> -> memref<32x128xf32, #tpu.memory_space<vmem>>
        %dma_wait3A_616 = arith.constant 0 : i32
        %dma_wait3A_617 = tpu.memref_slice %arg7[%add3A_577, %dma_wait3A_616] : memref<10000x128xf32, #tpu.memory_space<vmem_shared>> -> memref<32x128xf32, #tpu.memory_space<vmem_shared>>
        %dma_wait3A_618 = arith.constant 0 : i32
        %dma_wait3A_619 = tpu.memref_slice %arg7[%add3A_577, %dma_wait3A_618] : memref<10000x128xf32, #tpu.memory_space<vmem_shared>> -> memref<32x128xf32, #tpu.memory_space<vmem_shared>>
        %dma_wait3A_620 = arith.constant 0 : i32
        %dma_wait3A_621 = arith.constant 0 : i32
        %dma_wait3A_622 = tpu.memref_slice %arg12[%dma_wait3A_620, %dma_wait3A_621] : memref<32x128xf32, #tpu.memory_space<vmem>> -> memref<32x128xf32, #tpu.memory_space<vmem>>
        tpu.wait_dma2 semaphore(%run_scoped3A : memref<!tpu.dma_semaphore, #tpu.memory_space<semaphore_mem>>) src(%dma_wait3A_622 : memref<32x128xf32, #tpu.memory_space<vmem>>) dst(%dma_wait3A_619 : memref<32x128xf32, #tpu.memory_space<vmem_shared>>)
        tpu.yield
      }) : () -> ()
      %add3A_578 = arith.constant 96 : i32
      %add3A_579 = arith.addi %add3A_571, %add3A_578 : i32
      "tpu.region"() ({
        %run_scoped3A = tpu.sem_alloc : memref<!tpu.dma_semaphore, #tpu.memory_space<semaphore_mem>>
        %dma_start3A_603 = arith.constant 0 : i32
        %dma_start3A_604 = arith.constant 0 : i32
        %dma_start3A_605 = tpu.memref_slice %arg12[%dma_start3A_603, %dma_start3A_604] : memref<32x128xf32, #tpu.memory_space<vmem>> -> memref<8x128xf32, #tpu.memory_space<vmem>>
        %dma_start3A_606 = arith.constant 0 : i32
        %dma_start3A_607 = tpu.memref_slice %arg7[%add3A_579, %dma_start3A_606] : memref<10000x128xf32, #tpu.memory_space<vmem_shared>> -> memref<8x128xf32, #tpu.memory_space<vmem_shared>>
        %dma_start3A_608 = arith.constant 0 : i32
        %dma_start3A_609 = tpu.memref_slice %arg7[%add3A_579, %dma_start3A_608] : memref<10000x128xf32, #tpu.memory_space<vmem_shared>> -> memref<8x128xf32, #tpu.memory_space<vmem_shared>>
        %dma_start3A_610 = arith.constant 0 : i32
        %dma_start3A_611 = arith.constant 0 : i32
        %dma_start3A_612 = tpu.memref_slice %arg12[%dma_start3A_610, %dma_start3A_611] : memref<32x128xf32, #tpu.memory_space<vmem>> -> memref<8x128xf32, #tpu.memory_space<vmem>>
        tpu.enqueue_dma source(%dma_start3A_612 : memref<8x128xf32, #tpu.memory_space<vmem>>) target(%dma_start3A_609 : memref<8x128xf32, #tpu.memory_space<vmem_shared>>) target_semaphore(%run_scoped3A : memref<!tpu.dma_semaphore, #tpu.memory_space<semaphore_mem>>)
        %dma_wait3A_613 = arith.constant 0 : i32
        %dma_wait3A_614 = arith.constant 0 : i32
        %dma_wait3A_615 = tpu.memref_slice %arg12[%dma_wait3A_613, %dma_wait3A_614] : memref<32x128xf32, #tpu.memory_space<vmem>> -> memref<8x128xf32, #tpu.memory_space<vmem>>
        %dma_wait3A_616 = arith.constant 0 : i32
        %dma_wait3A_617 = tpu.memref_slice %arg7[%add3A_579, %dma_wait3A_616] : memref<10000x128xf32, #tpu.memory_space<vmem_shared>> -> memref<8x128xf32, #tpu.memory_space<vmem_shared>>
        %dma_wait3A_618 = arith.constant 0 : i32
        %dma_wait3A_619 = tpu.memref_slice %arg7[%add3A_579, %dma_wait3A_618] : memref<10000x128xf32, #tpu.memory_space<vmem_shared>> -> memref<8x128xf32, #tpu.memory_space<vmem_shared>>
        %dma_wait3A_620 = arith.constant 0 : i32
        %dma_wait3A_621 = arith.constant 0 : i32
        %dma_wait3A_622 = tpu.memref_slice %arg12[%dma_wait3A_620, %dma_wait3A_621] : memref<32x128xf32, #tpu.memory_space<vmem>> -> memref<8x128xf32, #tpu.memory_space<vmem>>
        tpu.wait_dma2 semaphore(%run_scoped3A : memref<!tpu.dma_semaphore, #tpu.memory_space<semaphore_mem>>) src(%dma_wait3A_622 : memref<8x128xf32, #tpu.memory_space<vmem>>) dst(%dma_wait3A_619 : memref<8x128xf32, #tpu.memory_space<vmem_shared>>)
        tpu.yield
      }) : () -> ()
      %add3A_580 = arith.constant 416 : i32
      %add3A_581 = arith.addi %mul3A_249, %add3A_580 : i32
      %add3A_582 = arith.constant 0 : i32
      %add3A_583 = arith.addi %add3A_581, %add3A_582 : i32
      "tpu.region"() ({
        %run_scoped3A = tpu.sem_alloc : memref<!tpu.dma_semaphore, #tpu.memory_space<semaphore_mem>>
        %dma_start3A_603 = arith.constant 0 : i32
        %dma_start3A_604 = arith.constant 0 : i32
        %dma_start3A_605 = tpu.memref_slice %arg12[%dma_start3A_603, %dma_start3A_604] : memref<32x128xf32, #tpu.memory_space<vmem>> -> memref<32x128xf32, #tpu.memory_space<vmem>>
        %dma_start3A_606 = arith.constant 0 : i32
        %dma_start3A_607 = tpu.memref_slice %arg7[%add3A_583, %dma_start3A_606] : memref<10000x128xf32, #tpu.memory_space<vmem_shared>> -> memref<32x128xf32, #tpu.memory_space<vmem_shared>>
        %dma_start3A_608 = arith.constant 0 : i32
        %dma_start3A_609 = tpu.memref_slice %arg7[%add3A_583, %dma_start3A_608] : memref<10000x128xf32, #tpu.memory_space<vmem_shared>> -> memref<32x128xf32, #tpu.memory_space<vmem_shared>>
        %dma_start3A_610 = arith.constant 0 : i32
        %dma_start3A_611 = arith.constant 0 : i32
        %dma_start3A_612 = tpu.memref_slice %arg12[%dma_start3A_610, %dma_start3A_611] : memref<32x128xf32, #tpu.memory_space<vmem>> -> memref<32x128xf32, #tpu.memory_space<vmem>>
        tpu.enqueue_dma source(%dma_start3A_612 : memref<32x128xf32, #tpu.memory_space<vmem>>) target(%dma_start3A_609 : memref<32x128xf32, #tpu.memory_space<vmem_shared>>) target_semaphore(%run_scoped3A : memref<!tpu.dma_semaphore, #tpu.memory_space<semaphore_mem>>)
        %dma_wait3A_613 = arith.constant 0 : i32
        %dma_wait3A_614 = arith.constant 0 : i32
        %dma_wait3A_615 = tpu.memref_slice %arg12[%dma_wait3A_613, %dma_wait3A_614] : memref<32x128xf32, #tpu.memory_space<vmem>> -> memref<32x128xf32, #tpu.memory_space<vmem>>
        %dma_wait3A_616 = arith.constant 0 : i32
        %dma_wait3A_617 = tpu.memref_slice %arg7[%add3A_583, %dma_wait3A_616] : memref<10000x128xf32, #tpu.memory_space<vmem_shared>> -> memref<32x128xf32, #tpu.memory_space<vmem_shared>>
        %dma_wait3A_618 = arith.constant 0 : i32
        %dma_wait3A_619 = tpu.memref_slice %arg7[%add3A_583, %dma_wait3A_618] : memref<10000x128xf32, #tpu.memory_space<vmem_shared>> -> memref<32x128xf32, #tpu.memory_space<vmem_shared>>
        %dma_wait3A_620 = arith.constant 0 : i32
        %dma_wait3A_621 = arith.constant 0 : i32
        %dma_wait3A_622 = tpu.memref_slice %arg12[%dma_wait3A_620, %dma_wait3A_621] : memref<32x128xf32, #tpu.memory_space<vmem>> -> memref<32x128xf32, #tpu.memory_space<vmem>>
        tpu.wait_dma2 semaphore(%run_scoped3A : memref<!tpu.dma_semaphore, #tpu.memory_space<semaphore_mem>>) src(%dma_wait3A_622 : memref<32x128xf32, #tpu.memory_space<vmem>>) dst(%dma_wait3A_619 : memref<32x128xf32, #tpu.memory_space<vmem_shared>>)
        tpu.yield
      }) : () -> ()
      %add3A_584 = arith.constant 32 : i32
      %add3A_585 = arith.addi %add3A_581, %add3A_584 : i32
      "tpu.region"() ({
        %run_scoped3A = tpu.sem_alloc : memref<!tpu.dma_semaphore, #tpu.memory_space<semaphore_mem>>
        %dma_start3A_603 = arith.constant 0 : i32
        %dma_start3A_604 = arith.constant 0 : i32
        %dma_start3A_605 = tpu.memref_slice %arg12[%dma_start3A_603, %dma_start3A_604] : memref<32x128xf32, #tpu.memory_space<vmem>> -> memref<32x128xf32, #tpu.memory_space<vmem>>
        %dma_start3A_606 = arith.constant 0 : i32
        %dma_start3A_607 = tpu.memref_slice %arg7[%add3A_585, %dma_start3A_606] : memref<10000x128xf32, #tpu.memory_space<vmem_shared>> -> memref<32x128xf32, #tpu.memory_space<vmem_shared>>
        %dma_start3A_608 = arith.constant 0 : i32
        %dma_start3A_609 = tpu.memref_slice %arg7[%add3A_585, %dma_start3A_608] : memref<10000x128xf32, #tpu.memory_space<vmem_shared>> -> memref<32x128xf32, #tpu.memory_space<vmem_shared>>
        %dma_start3A_610 = arith.constant 0 : i32
        %dma_start3A_611 = arith.constant 0 : i32
        %dma_start3A_612 = tpu.memref_slice %arg12[%dma_start3A_610, %dma_start3A_611] : memref<32x128xf32, #tpu.memory_space<vmem>> -> memref<32x128xf32, #tpu.memory_space<vmem>>
        tpu.enqueue_dma source(%dma_start3A_612 : memref<32x128xf32, #tpu.memory_space<vmem>>) target(%dma_start3A_609 : memref<32x128xf32, #tpu.memory_space<vmem_shared>>) target_semaphore(%run_scoped3A : memref<!tpu.dma_semaphore, #tpu.memory_space<semaphore_mem>>)
        %dma_wait3A_613 = arith.constant 0 : i32
        %dma_wait3A_614 = arith.constant 0 : i32
        %dma_wait3A_615 = tpu.memref_slice %arg12[%dma_wait3A_613, %dma_wait3A_614] : memref<32x128xf32, #tpu.memory_space<vmem>> -> memref<32x128xf32, #tpu.memory_space<vmem>>
        %dma_wait3A_616 = arith.constant 0 : i32
        %dma_wait3A_617 = tpu.memref_slice %arg7[%add3A_585, %dma_wait3A_616] : memref<10000x128xf32, #tpu.memory_space<vmem_shared>> -> memref<32x128xf32, #tpu.memory_space<vmem_shared>>
        %dma_wait3A_618 = arith.constant 0 : i32
        %dma_wait3A_619 = tpu.memref_slice %arg7[%add3A_585, %dma_wait3A_618] : memref<10000x128xf32, #tpu.memory_space<vmem_shared>> -> memref<32x128xf32, #tpu.memory_space<vmem_shared>>
        %dma_wait3A_620 = arith.constant 0 : i32
        %dma_wait3A_621 = arith.constant 0 : i32
        %dma_wait3A_622 = tpu.memref_slice %arg12[%dma_wait3A_620, %dma_wait3A_621] : memref<32x128xf32, #tpu.memory_space<vmem>> -> memref<32x128xf32, #tpu.memory_space<vmem>>
        tpu.wait_dma2 semaphore(%run_scoped3A : memref<!tpu.dma_semaphore, #tpu.memory_space<semaphore_mem>>) src(%dma_wait3A_622 : memref<32x128xf32, #tpu.memory_space<vmem>>) dst(%dma_wait3A_619 : memref<32x128xf32, #tpu.memory_space<vmem_shared>>)
        tpu.yield
      }) : () -> ()
      %add3A_586 = arith.constant 64 : i32
      %add3A_587 = arith.addi %add3A_581, %add3A_586 : i32
      "tpu.region"() ({
        %run_scoped3A = tpu.sem_alloc : memref<!tpu.dma_semaphore, #tpu.memory_space<semaphore_mem>>
        %dma_start3A_603 = arith.constant 0 : i32
        %dma_start3A_604 = arith.constant 0 : i32
        %dma_start3A_605 = tpu.memref_slice %arg12[%dma_start3A_603, %dma_start3A_604] : memref<32x128xf32, #tpu.memory_space<vmem>> -> memref<32x128xf32, #tpu.memory_space<vmem>>
        %dma_start3A_606 = arith.constant 0 : i32
        %dma_start3A_607 = tpu.memref_slice %arg7[%add3A_587, %dma_start3A_606] : memref<10000x128xf32, #tpu.memory_space<vmem_shared>> -> memref<32x128xf32, #tpu.memory_space<vmem_shared>>
        %dma_start3A_608 = arith.constant 0 : i32
        %dma_start3A_609 = tpu.memref_slice %arg7[%add3A_587, %dma_start3A_608] : memref<10000x128xf32, #tpu.memory_space<vmem_shared>> -> memref<32x128xf32, #tpu.memory_space<vmem_shared>>
        %dma_start3A_610 = arith.constant 0 : i32
        %dma_start3A_611 = arith.constant 0 : i32
        %dma_start3A_612 = tpu.memref_slice %arg12[%dma_start3A_610, %dma_start3A_611] : memref<32x128xf32, #tpu.memory_space<vmem>> -> memref<32x128xf32, #tpu.memory_space<vmem>>
        tpu.enqueue_dma source(%dma_start3A_612 : memref<32x128xf32, #tpu.memory_space<vmem>>) target(%dma_start3A_609 : memref<32x128xf32, #tpu.memory_space<vmem_shared>>) target_semaphore(%run_scoped3A : memref<!tpu.dma_semaphore, #tpu.memory_space<semaphore_mem>>)
        %dma_wait3A_613 = arith.constant 0 : i32
        %dma_wait3A_614 = arith.constant 0 : i32
        %dma_wait3A_615 = tpu.memref_slice %arg12[%dma_wait3A_613, %dma_wait3A_614] : memref<32x128xf32, #tpu.memory_space<vmem>> -> memref<32x128xf32, #tpu.memory_space<vmem>>
        %dma_wait3A_616 = arith.constant 0 : i32
        %dma_wait3A_617 = tpu.memref_slice %arg7[%add3A_587, %dma_wait3A_616] : memref<10000x128xf32, #tpu.memory_space<vmem_shared>> -> memref<32x128xf32, #tpu.memory_space<vmem_shared>>
        %dma_wait3A_618 = arith.constant 0 : i32
        %dma_wait3A_619 = tpu.memref_slice %arg7[%add3A_587, %dma_wait3A_618] : memref<10000x128xf32, #tpu.memory_space<vmem_shared>> -> memref<32x128xf32, #tpu.memory_space<vmem_shared>>
        %dma_wait3A_620 = arith.constant 0 : i32
        %dma_wait3A_621 = arith.constant 0 : i32
        %dma_wait3A_622 = tpu.memref_slice %arg12[%dma_wait3A_620, %dma_wait3A_621] : memref<32x128xf32, #tpu.memory_space<vmem>> -> memref<32x128xf32, #tpu.memory_space<vmem>>
        tpu.wait_dma2 semaphore(%run_scoped3A : memref<!tpu.dma_semaphore, #tpu.memory_space<semaphore_mem>>) src(%dma_wait3A_622 : memref<32x128xf32, #tpu.memory_space<vmem>>) dst(%dma_wait3A_619 : memref<32x128xf32, #tpu.memory_space<vmem_shared>>)
        tpu.yield
      }) : () -> ()
      %add3A_588 = arith.constant 96 : i32
      %add3A_589 = arith.addi %add3A_581, %add3A_588 : i32
      "tpu.region"() ({
        %run_scoped3A = tpu.sem_alloc : memref<!tpu.dma_semaphore, #tpu.memory_space<semaphore_mem>>
        %dma_start3A_603 = arith.constant 0 : i32
        %dma_start3A_604 = arith.constant 0 : i32
        %dma_start3A_605 = tpu.memref_slice %arg12[%dma_start3A_603, %dma_start3A_604] : memref<32x128xf32, #tpu.memory_space<vmem>> -> memref<8x128xf32, #tpu.memory_space<vmem>>
        %dma_start3A_606 = arith.constant 0 : i32
        %dma_start3A_607 = tpu.memref_slice %arg7[%add3A_589, %dma_start3A_606] : memref<10000x128xf32, #tpu.memory_space<vmem_shared>> -> memref<8x128xf32, #tpu.memory_space<vmem_shared>>
        %dma_start3A_608 = arith.constant 0 : i32
        %dma_start3A_609 = tpu.memref_slice %arg7[%add3A_589, %dma_start3A_608] : memref<10000x128xf32, #tpu.memory_space<vmem_shared>> -> memref<8x128xf32, #tpu.memory_space<vmem_shared>>
        %dma_start3A_610 = arith.constant 0 : i32
        %dma_start3A_611 = arith.constant 0 : i32
        %dma_start3A_612 = tpu.memref_slice %arg12[%dma_start3A_610, %dma_start3A_611] : memref<32x128xf32, #tpu.memory_space<vmem>> -> memref<8x128xf32, #tpu.memory_space<vmem>>
        tpu.enqueue_dma source(%dma_start3A_612 : memref<8x128xf32, #tpu.memory_space<vmem>>) target(%dma_start3A_609 : memref<8x128xf32, #tpu.memory_space<vmem_shared>>) target_semaphore(%run_scoped3A : memref<!tpu.dma_semaphore, #tpu.memory_space<semaphore_mem>>)
        %dma_wait3A_613 = arith.constant 0 : i32
        %dma_wait3A_614 = arith.constant 0 : i32
        %dma_wait3A_615 = tpu.memref_slice %arg12[%dma_wait3A_613, %dma_wait3A_614] : memref<32x128xf32, #tpu.memory_space<vmem>> -> memref<8x128xf32, #tpu.memory_space<vmem>>
        %dma_wait3A_616 = arith.constant 0 : i32
        %dma_wait3A_617 = tpu.memref_slice %arg7[%add3A_589, %dma_wait3A_616] : memref<10000x128xf32, #tpu.memory_space<vmem_shared>> -> memref<8x128xf32, #tpu.memory_space<vmem_shared>>
        %dma_wait3A_618 = arith.constant 0 : i32
        %dma_wait3A_619 = tpu.memref_slice %arg7[%add3A_589, %dma_wait3A_618] : memref<10000x128xf32, #tpu.memory_space<vmem_shared>> -> memref<8x128xf32, #tpu.memory_space<vmem_shared>>
        %dma_wait3A_620 = arith.constant 0 : i32
        %dma_wait3A_621 = arith.constant 0 : i32
        %dma_wait3A_622 = tpu.memref_slice %arg12[%dma_wait3A_620, %dma_wait3A_621] : memref<32x128xf32, #tpu.memory_space<vmem>> -> memref<8x128xf32, #tpu.memory_space<vmem>>
        tpu.wait_dma2 semaphore(%run_scoped3A : memref<!tpu.dma_semaphore, #tpu.memory_space<semaphore_mem>>) src(%dma_wait3A_622 : memref<8x128xf32, #tpu.memory_space<vmem>>) dst(%dma_wait3A_619 : memref<8x128xf32, #tpu.memory_space<vmem_shared>>)
        tpu.yield
      }) : () -> ()
      %add3A_590 = arith.constant 520 : i32
      %add3A_591 = arith.addi %mul3A_249, %add3A_590 : i32
      %add3A_592 = arith.constant 0 : i32
      %add3A_593 = arith.addi %add3A_591, %add3A_592 : i32
      "tpu.region"() ({
        %run_scoped3A = tpu.sem_alloc : memref<!tpu.dma_semaphore, #tpu.memory_space<semaphore_mem>>
        %dma_start3A_603 = arith.constant 0 : i32
        %dma_start3A_604 = arith.constant 0 : i32
        %dma_start3A_605 = tpu.memref_slice %arg12[%dma_start3A_603, %dma_start3A_604] : memref<32x128xf32, #tpu.memory_space<vmem>> -> memref<32x128xf32, #tpu.memory_space<vmem>>
        %dma_start3A_606 = arith.constant 0 : i32
        %dma_start3A_607 = tpu.memref_slice %arg7[%add3A_593, %dma_start3A_606] : memref<10000x128xf32, #tpu.memory_space<vmem_shared>> -> memref<32x128xf32, #tpu.memory_space<vmem_shared>>
        %dma_start3A_608 = arith.constant 0 : i32
        %dma_start3A_609 = tpu.memref_slice %arg7[%add3A_593, %dma_start3A_608] : memref<10000x128xf32, #tpu.memory_space<vmem_shared>> -> memref<32x128xf32, #tpu.memory_space<vmem_shared>>
        %dma_start3A_610 = arith.constant 0 : i32
        %dma_start3A_611 = arith.constant 0 : i32
        %dma_start3A_612 = tpu.memref_slice %arg12[%dma_start3A_610, %dma_start3A_611] : memref<32x128xf32, #tpu.memory_space<vmem>> -> memref<32x128xf32, #tpu.memory_space<vmem>>
        tpu.enqueue_dma source(%dma_start3A_612 : memref<32x128xf32, #tpu.memory_space<vmem>>) target(%dma_start3A_609 : memref<32x128xf32, #tpu.memory_space<vmem_shared>>) target_semaphore(%run_scoped3A : memref<!tpu.dma_semaphore, #tpu.memory_space<semaphore_mem>>)
        %dma_wait3A_613 = arith.constant 0 : i32
        %dma_wait3A_614 = arith.constant 0 : i32
        %dma_wait3A_615 = tpu.memref_slice %arg12[%dma_wait3A_613, %dma_wait3A_614] : memref<32x128xf32, #tpu.memory_space<vmem>> -> memref<32x128xf32, #tpu.memory_space<vmem>>
        %dma_wait3A_616 = arith.constant 0 : i32
        %dma_wait3A_617 = tpu.memref_slice %arg7[%add3A_593, %dma_wait3A_616] : memref<10000x128xf32, #tpu.memory_space<vmem_shared>> -> memref<32x128xf32, #tpu.memory_space<vmem_shared>>
        %dma_wait3A_618 = arith.constant 0 : i32
        %dma_wait3A_619 = tpu.memref_slice %arg7[%add3A_593, %dma_wait3A_618] : memref<10000x128xf32, #tpu.memory_space<vmem_shared>> -> memref<32x128xf32, #tpu.memory_space<vmem_shared>>
        %dma_wait3A_620 = arith.constant 0 : i32
        %dma_wait3A_621 = arith.constant 0 : i32
        %dma_wait3A_622 = tpu.memref_slice %arg12[%dma_wait3A_620, %dma_wait3A_621] : memref<32x128xf32, #tpu.memory_space<vmem>> -> memref<32x128xf32, #tpu.memory_space<vmem>>
        tpu.wait_dma2 semaphore(%run_scoped3A : memref<!tpu.dma_semaphore, #tpu.memory_space<semaphore_mem>>) src(%dma_wait3A_622 : memref<32x128xf32, #tpu.memory_space<vmem>>) dst(%dma_wait3A_619 : memref<32x128xf32, #tpu.memory_space<vmem_shared>>)
        tpu.yield
      }) : () -> ()
      %add3A_594 = arith.constant 32 : i32
      %add3A_595 = arith.addi %add3A_591, %add3A_594 : i32
      "tpu.region"() ({
        %run_scoped3A = tpu.sem_alloc : memref<!tpu.dma_semaphore, #tpu.memory_space<semaphore_mem>>
        %dma_start3A_603 = arith.constant 0 : i32
        %dma_start3A_604 = arith.constant 0 : i32
        %dma_start3A_605 = tpu.memref_slice %arg12[%dma_start3A_603, %dma_start3A_604] : memref<32x128xf32, #tpu.memory_space<vmem>> -> memref<32x128xf32, #tpu.memory_space<vmem>>
        %dma_start3A_606 = arith.constant 0 : i32
        %dma_start3A_607 = tpu.memref_slice %arg7[%add3A_595, %dma_start3A_606] : memref<10000x128xf32, #tpu.memory_space<vmem_shared>> -> memref<32x128xf32, #tpu.memory_space<vmem_shared>>
        %dma_start3A_608 = arith.constant 0 : i32
        %dma_start3A_609 = tpu.memref_slice %arg7[%add3A_595, %dma_start3A_608] : memref<10000x128xf32, #tpu.memory_space<vmem_shared>> -> memref<32x128xf32, #tpu.memory_space<vmem_shared>>
        %dma_start3A_610 = arith.constant 0 : i32
        %dma_start3A_611 = arith.constant 0 : i32
        %dma_start3A_612 = tpu.memref_slice %arg12[%dma_start3A_610, %dma_start3A_611] : memref<32x128xf32, #tpu.memory_space<vmem>> -> memref<32x128xf32, #tpu.memory_space<vmem>>
        tpu.enqueue_dma source(%dma_start3A_612 : memref<32x128xf32, #tpu.memory_space<vmem>>) target(%dma_start3A_609 : memref<32x128xf32, #tpu.memory_space<vmem_shared>>) target_semaphore(%run_scoped3A : memref<!tpu.dma_semaphore, #tpu.memory_space<semaphore_mem>>)
        %dma_wait3A_613 = arith.constant 0 : i32
        %dma_wait3A_614 = arith.constant 0 : i32
        %dma_wait3A_615 = tpu.memref_slice %arg12[%dma_wait3A_613, %dma_wait3A_614] : memref<32x128xf32, #tpu.memory_space<vmem>> -> memref<32x128xf32, #tpu.memory_space<vmem>>
        %dma_wait3A_616 = arith.constant 0 : i32
        %dma_wait3A_617 = tpu.memref_slice %arg7[%add3A_595, %dma_wait3A_616] : memref<10000x128xf32, #tpu.memory_space<vmem_shared>> -> memref<32x128xf32, #tpu.memory_space<vmem_shared>>
        %dma_wait3A_618 = arith.constant 0 : i32
        %dma_wait3A_619 = tpu.memref_slice %arg7[%add3A_595, %dma_wait3A_618] : memref<10000x128xf32, #tpu.memory_space<vmem_shared>> -> memref<32x128xf32, #tpu.memory_space<vmem_shared>>
        %dma_wait3A_620 = arith.constant 0 : i32
        %dma_wait3A_621 = arith.constant 0 : i32
        %dma_wait3A_622 = tpu.memref_slice %arg12[%dma_wait3A_620, %dma_wait3A_621] : memref<32x128xf32, #tpu.memory_space<vmem>> -> memref<32x128xf32, #tpu.memory_space<vmem>>
        tpu.wait_dma2 semaphore(%run_scoped3A : memref<!tpu.dma_semaphore, #tpu.memory_space<semaphore_mem>>) src(%dma_wait3A_622 : memref<32x128xf32, #tpu.memory_space<vmem>>) dst(%dma_wait3A_619 : memref<32x128xf32, #tpu.memory_space<vmem_shared>>)
        tpu.yield
      }) : () -> ()
      %add3A_596 = arith.constant 64 : i32
      %add3A_597 = arith.addi %add3A_591, %add3A_596 : i32
      "tpu.region"() ({
        %run_scoped3A = tpu.sem_alloc : memref<!tpu.dma_semaphore, #tpu.memory_space<semaphore_mem>>
        %dma_start3A_603 = arith.constant 0 : i32
        %dma_start3A_604 = arith.constant 0 : i32
        %dma_start3A_605 = tpu.memref_slice %arg12[%dma_start3A_603, %dma_start3A_604] : memref<32x128xf32, #tpu.memory_space<vmem>> -> memref<32x128xf32, #tpu.memory_space<vmem>>
        %dma_start3A_606 = arith.constant 0 : i32
        %dma_start3A_607 = tpu.memref_slice %arg7[%add3A_597, %dma_start3A_606] : memref<10000x128xf32, #tpu.memory_space<vmem_shared>> -> memref<32x128xf32, #tpu.memory_space<vmem_shared>>
        %dma_start3A_608 = arith.constant 0 : i32
        %dma_start3A_609 = tpu.memref_slice %arg7[%add3A_597, %dma_start3A_608] : memref<10000x128xf32, #tpu.memory_space<vmem_shared>> -> memref<32x128xf32, #tpu.memory_space<vmem_shared>>
        %dma_start3A_610 = arith.constant 0 : i32
        %dma_start3A_611 = arith.constant 0 : i32
        %dma_start3A_612 = tpu.memref_slice %arg12[%dma_start3A_610, %dma_start3A_611] : memref<32x128xf32, #tpu.memory_space<vmem>> -> memref<32x128xf32, #tpu.memory_space<vmem>>
        tpu.enqueue_dma source(%dma_start3A_612 : memref<32x128xf32, #tpu.memory_space<vmem>>) target(%dma_start3A_609 : memref<32x128xf32, #tpu.memory_space<vmem_shared>>) target_semaphore(%run_scoped3A : memref<!tpu.dma_semaphore, #tpu.memory_space<semaphore_mem>>)
        %dma_wait3A_613 = arith.constant 0 : i32
        %dma_wait3A_614 = arith.constant 0 : i32
        %dma_wait3A_615 = tpu.memref_slice %arg12[%dma_wait3A_613, %dma_wait3A_614] : memref<32x128xf32, #tpu.memory_space<vmem>> -> memref<32x128xf32, #tpu.memory_space<vmem>>
        %dma_wait3A_616 = arith.constant 0 : i32
        %dma_wait3A_617 = tpu.memref_slice %arg7[%add3A_597, %dma_wait3A_616] : memref<10000x128xf32, #tpu.memory_space<vmem_shared>> -> memref<32x128xf32, #tpu.memory_space<vmem_shared>>
        %dma_wait3A_618 = arith.constant 0 : i32
        %dma_wait3A_619 = tpu.memref_slice %arg7[%add3A_597, %dma_wait3A_618] : memref<10000x128xf32, #tpu.memory_space<vmem_shared>> -> memref<32x128xf32, #tpu.memory_space<vmem_shared>>
        %dma_wait3A_620 = arith.constant 0 : i32
        %dma_wait3A_621 = arith.constant 0 : i32
        %dma_wait3A_622 = tpu.memref_slice %arg12[%dma_wait3A_620, %dma_wait3A_621] : memref<32x128xf32, #tpu.memory_space<vmem>> -> memref<32x128xf32, #tpu.memory_space<vmem>>
        tpu.wait_dma2 semaphore(%run_scoped3A : memref<!tpu.dma_semaphore, #tpu.memory_space<semaphore_mem>>) src(%dma_wait3A_622 : memref<32x128xf32, #tpu.memory_space<vmem>>) dst(%dma_wait3A_619 : memref<32x128xf32, #tpu.memory_space<vmem_shared>>)
        tpu.yield
      }) : () -> ()
      %add3A_598 = arith.constant 96 : i32
      %add3A_599 = arith.addi %add3A_591, %add3A_598 : i32
      "tpu.region"() ({
        %run_scoped3A = tpu.sem_alloc : memref<!tpu.dma_semaphore, #tpu.memory_space<semaphore_mem>>
        %dma_start3A_603 = arith.constant 0 : i32
        %dma_start3A_604 = arith.constant 0 : i32
        %dma_start3A_605 = tpu.memref_slice %arg12[%dma_start3A_603, %dma_start3A_604] : memref<32x128xf32, #tpu.memory_space<vmem>> -> memref<8x128xf32, #tpu.memory_space<vmem>>
        %dma_start3A_606 = arith.constant 0 : i32
        %dma_start3A_607 = tpu.memref_slice %arg7[%add3A_599, %dma_start3A_606] : memref<10000x128xf32, #tpu.memory_space<vmem_shared>> -> memref<8x128xf32, #tpu.memory_space<vmem_shared>>
        %dma_start3A_608 = arith.constant 0 : i32
        %dma_start3A_609 = tpu.memref_slice %arg7[%add3A_599, %dma_start3A_608] : memref<10000x128xf32, #tpu.memory_space<vmem_shared>> -> memref<8x128xf32, #tpu.memory_space<vmem_shared>>
        %dma_start3A_610 = arith.constant 0 : i32
        %dma_start3A_611 = arith.constant 0 : i32
        %dma_start3A_612 = tpu.memref_slice %arg12[%dma_start3A_610, %dma_start3A_611] : memref<32x128xf32, #tpu.memory_space<vmem>> -> memref<8x128xf32, #tpu.memory_space<vmem>>
        tpu.enqueue_dma source(%dma_start3A_612 : memref<8x128xf32, #tpu.memory_space<vmem>>) target(%dma_start3A_609 : memref<8x128xf32, #tpu.memory_space<vmem_shared>>) target_semaphore(%run_scoped3A : memref<!tpu.dma_semaphore, #tpu.memory_space<semaphore_mem>>)
        %dma_wait3A_613 = arith.constant 0 : i32
        %dma_wait3A_614 = arith.constant 0 : i32
        %dma_wait3A_615 = tpu.memref_slice %arg12[%dma_wait3A_613, %dma_wait3A_614] : memref<32x128xf32, #tpu.memory_space<vmem>> -> memref<8x128xf32, #tpu.memory_space<vmem>>
        %dma_wait3A_616 = arith.constant 0 : i32
        %dma_wait3A_617 = tpu.memref_slice %arg7[%add3A_599, %dma_wait3A_616] : memref<10000x128xf32, #tpu.memory_space<vmem_shared>> -> memref<8x128xf32, #tpu.memory_space<vmem_shared>>
        %dma_wait3A_618 = arith.constant 0 : i32
        %dma_wait3A_619 = tpu.memref_slice %arg7[%add3A_599, %dma_wait3A_618] : memref<10000x128xf32, #tpu.memory_space<vmem_shared>> -> memref<8x128xf32, #tpu.memory_space<vmem_shared>>
        %dma_wait3A_620 = arith.constant 0 : i32
        %dma_wait3A_621 = arith.constant 0 : i32
        %dma_wait3A_622 = tpu.memref_slice %arg12[%dma_wait3A_620, %dma_wait3A_621] : memref<32x128xf32, #tpu.memory_space<vmem>> -> memref<8x128xf32, #tpu.memory_space<vmem>>
        tpu.wait_dma2 semaphore(%run_scoped3A : memref<!tpu.dma_semaphore, #tpu.memory_space<semaphore_mem>>) src(%dma_wait3A_622 : memref<8x128xf32, #tpu.memory_space<vmem>>) dst(%dma_wait3A_619 : memref<8x128xf32, #tpu.memory_space<vmem_shared>>)
        tpu.yield
      }) : () -> ()
      %convert_element_type3A_600 = arith.extui %eq3A_250 : i1 to i32
      %cond3A_601 = arith.constant 0 : i32
      %cond3A_602 = arith.cmpi ne, %convert_element_type3A_600, %cond3A_601 : i32
      scf.if %cond3A_602 {
        "tpu.region"() ({
          %run_scoped3A = tpu.sem_alloc : memref<!tpu.dma_semaphore, #tpu.memory_space<semaphore_mem>>
          %dma_start3A_603 = arith.constant 0 : i32
          %dma_start3A_604 = arith.constant 0 : i32
          %dma_start3A_605 = tpu.memref_slice %arg12[%dma_start3A_603, %dma_start3A_604] : memref<32x128xf32, #tpu.memory_space<vmem>> -> memref<16x128xf32, #tpu.memory_space<vmem>>
          %dma_start3A_606 = arith.constant 9984 : i32
          %dma_start3A_607 = arith.constant 0 : i32
          %dma_start3A_608 = tpu.memref_slice %arg7[%dma_start3A_606, %dma_start3A_607] : memref<10000x128xf32, #tpu.memory_space<vmem_shared>> -> memref<16x128xf32, #tpu.memory_space<vmem_shared>>
          %dma_start3A_609 = arith.constant 9984 : i32
          %dma_start3A_610 = arith.constant 0 : i32
          %dma_start3A_611 = tpu.memref_slice %arg7[%dma_start3A_609, %dma_start3A_610] : memref<10000x128xf32, #tpu.memory_space<vmem_shared>> -> memref<16x128xf32, #tpu.memory_space<vmem_shared>>
          %dma_start3A_612 = arith.constant 0 : i32
          %dma_start3A_613 = arith.constant 0 : i32
          %dma_start3A_614 = tpu.memref_slice %arg12[%dma_start3A_612, %dma_start3A_613] : memref<32x128xf32, #tpu.memory_space<vmem>> -> memref<16x128xf32, #tpu.memory_space<vmem>>
          tpu.enqueue_dma source(%dma_start3A_614 : memref<16x128xf32, #tpu.memory_space<vmem>>) target(%dma_start3A_611 : memref<16x128xf32, #tpu.memory_space<vmem_shared>>) target_semaphore(%run_scoped3A : memref<!tpu.dma_semaphore, #tpu.memory_space<semaphore_mem>>)
          %dma_wait3A_615 = arith.constant 0 : i32
          %dma_wait3A_616 = arith.constant 0 : i32
          %dma_wait3A_617 = tpu.memref_slice %arg12[%dma_wait3A_615, %dma_wait3A_616] : memref<32x128xf32, #tpu.memory_space<vmem>> -> memref<16x128xf32, #tpu.memory_space<vmem>>
          %dma_wait3A_618 = arith.constant 9984 : i32
          %dma_wait3A_619 = arith.constant 0 : i32
          %dma_wait3A_620 = tpu.memref_slice %arg7[%dma_wait3A_618, %dma_wait3A_619] : memref<10000x128xf32, #tpu.memory_space<vmem_shared>> -> memref<16x128xf32, #tpu.memory_space<vmem_shared>>
          %dma_wait3A_621 = arith.constant 9984 : i32
          %dma_wait3A_622 = arith.constant 0 : i32
          %dma_wait3A_623 = tpu.memref_slice %arg7[%dma_wait3A_621, %dma_wait3A_622] : memref<10000x128xf32, #tpu.memory_space<vmem_shared>> -> memref<16x128xf32, #tpu.memory_space<vmem_shared>>
          %dma_wait3A_624 = arith.constant 0 : i32
          %dma_wait3A_625 = arith.constant 0 : i32
          %dma_wait3A_626 = tpu.memref_slice %arg12[%dma_wait3A_624, %dma_wait3A_625] : memref<32x128xf32, #tpu.memory_space<vmem>> -> memref<16x128xf32, #tpu.memory_space<vmem>>
          tpu.wait_dma2 semaphore(%run_scoped3A : memref<!tpu.dma_semaphore, #tpu.memory_space<semaphore_mem>>) src(%dma_wait3A_626 : memref<16x128xf32, #tpu.memory_space<vmem>>) dst(%dma_wait3A_623 : memref<16x128xf32, #tpu.memory_space<vmem_shared>>)
          tpu.yield
        }) : () -> ()
      } else {
      }
    } else {
    }
    %dma_wait3A = arith.constant 0 : i32
    %dma_wait3A_258 = arith.constant 0 : i32
    %dma_wait3A_259 = tpu.memref_slice %arg4[%dma_wait3A, %dma_wait3A_258] : memref<2560x128xi32, #tpu.memory_space<hbm>> -> memref<80x128xi32, #tpu.memory_space<hbm>>
    %dma_wait3A_260 = arith.constant 0 : i32
    %dma_wait3A_261 = arith.constant 0 : i32
    %dma_wait3A_262 = tpu.memref_slice %arg4[%dma_wait3A_260, %dma_wait3A_261] : memref<2560x128xi32, #tpu.memory_space<hbm>> -> memref<80x128xi32, #tpu.memory_space<hbm>>
    tpu.wait_dma2 semaphore(%arg18 : memref<!tpu.dma_semaphore, #tpu.memory_space<semaphore_mem>>) src(%dma_wait3A_262 : memref<80x128xi32, #tpu.memory_space<hbm>>) dst(%arg8 : memref<80x128xi32, #tpu.memory_space<vmem>>)
    %dma_wait3A_263 = arith.constant 0 : i32
    %dma_wait3A_264 = arith.constant 0 : i32
    %dma_wait3A_265 = tpu.memref_slice %arg4[%dma_wait3A_263, %dma_wait3A_264] : memref<2560x128xi32, #tpu.memory_space<hbm>> -> memref<80x128xi32, #tpu.memory_space<hbm>>
    %dma_wait3A_266 = arith.constant 0 : i32
    %dma_wait3A_267 = arith.constant 0 : i32
    %dma_wait3A_268 = tpu.memref_slice %arg4[%dma_wait3A_266, %dma_wait3A_267] : memref<2560x128xi32, #tpu.memory_space<hbm>> -> memref<80x128xi32, #tpu.memory_space<hbm>>
    tpu.wait_dma2 semaphore(%arg18 : memref<!tpu.dma_semaphore, #tpu.memory_space<semaphore_mem>>) src(%dma_wait3A_268 : memref<80x128xi32, #tpu.memory_space<hbm>>) dst(%arg9 : memref<80x128xi32, #tpu.memory_space<vmem>>)
    %barrier3A = arith.constant 0 : index
    tpu.barrier barrier_id(%barrier3A)
    %jit3A_269 = arith.constant 0 : i32
    %jit3A_270 = arith.constant 4 : i32
    %div3A = arith.divsi %jit3A_269, %jit3A_270 : i32
    %sign3A = arith.constant 0 : i32
    %sign3A_271 = arith.cmpi sgt, %jit3A_269, %sign3A : i32
    %sign3A_272 = arith.extui %sign3A_271 : i1 to i32
    %sign3A_273 = arith.constant 0 : i32
    %sign3A_274 = arith.cmpi slt, %jit3A_269, %sign3A_273 : i32
    %sign3A_275 = arith.extui %sign3A_274 : i1 to i32
    %sign3A_276 = arith.subi %sign3A_272, %sign3A_275 : i32
    %sign3A_277 = arith.constant 0 : i32
    %sign3A_278 = arith.cmpi sgt, %jit3A_270, %sign3A_277 : i32
    %sign3A_279 = arith.extui %sign3A_278 : i1 to i32
    %sign3A_280 = arith.constant 0 : i32
    %sign3A_281 = arith.cmpi slt, %jit3A_270, %sign3A_280 : i32
    %sign3A_282 = arith.extui %sign3A_281 : i1 to i32
    %sign3A_283 = arith.subi %sign3A_279, %sign3A_282 : i32
    %ne3A_284 = arith.cmpi ne, %sign3A_276, %sign3A_283 : i32
    %rem3A = arith.remsi %jit3A_269, %jit3A_270 : i32
    %ne3A_285 = arith.constant 0 : i32
    %ne3A_286 = arith.cmpi ne, %rem3A, %ne3A_285 : i32
    %and3A = arith.andi %ne3A_284, %ne3A_286 : i1
    %sub3A = arith.constant 1 : i32
    %sub3A_287 = arith.subi %div3A, %sub3A : i32
    %select_n3A_288 = arith.select %and3A, %sub3A_287, %div3A : i32
    %jit3A_289 = arith.constant 0 : i32
    %jit3A_290 = arith.constant 4 : i32
    %eq3A_291 = arith.constant 0 : i32
    %eq3A_292 = arith.cmpi eq, %jit3A_290, %eq3A_291 : i32
    %jit3A_293 = arith.constant 1 : i32
    %select_n3A_294 = arith.select %eq3A_292, %jit3A_293, %jit3A_290 : i32
    %rem3A_295 = arith.remsi %jit3A_289, %select_n3A_294 : i32
    %ne3A_296 = arith.constant 0 : i32
    %ne3A_297 = arith.cmpi ne, %rem3A_295, %ne3A_296 : i32
    %lt3A_298 = arith.constant 0 : i32
    %lt3A_299 = arith.cmpi slt, %rem3A_295, %lt3A_298 : i32
    %lt3A_300 = arith.constant 0 : i32
    %lt3A_301 = arith.cmpi slt, %select_n3A_294, %lt3A_300 : i32
    %ne3A_302 = arith.xori %lt3A_299, %lt3A_301 : i1
    %and3A_303 = arith.andi %ne3A_302, %ne3A_297 : i1
    %add3A_304 = arith.addi %rem3A_295, %select_n3A_294 : i32
    %select_n3A_305 = arith.select %and3A_303, %add3A_304, %rem3A_295 : i32
    %jit3A_306 = arith.constant 8 : i32
    %div3A_307 = arith.divsi %select_n3A_288, %jit3A_306 : i32
    %sign3A_308 = arith.constant 0 : i32
    %sign3A_309 = arith.cmpi sgt, %select_n3A_288, %sign3A_308 : i32
    %sign3A_310 = arith.extui %sign3A_309 : i1 to i32
    %sign3A_311 = arith.constant 0 : i32
    %sign3A_312 = arith.cmpi slt, %select_n3A_288, %sign3A_311 : i32
    %sign3A_313 = arith.extui %sign3A_312 : i1 to i32
    %sign3A_314 = arith.subi %sign3A_310, %sign3A_313 : i32
    %sign3A_315 = arith.constant 0 : i32
    %sign3A_316 = arith.cmpi sgt, %jit3A_306, %sign3A_315 : i32
    %sign3A_317 = arith.extui %sign3A_316 : i1 to i32
    %sign3A_318 = arith.constant 0 : i32
    %sign3A_319 = arith.cmpi slt, %jit3A_306, %sign3A_318 : i32
    %sign3A_320 = arith.extui %sign3A_319 : i1 to i32
    %sign3A_321 = arith.subi %sign3A_317, %sign3A_320 : i32
    %ne3A_322 = arith.cmpi ne, %sign3A_314, %sign3A_321 : i32
    %rem3A_323 = arith.remsi %select_n3A_288, %jit3A_306 : i32
    %ne3A_324 = arith.constant 0 : i32
    %ne3A_325 = arith.cmpi ne, %rem3A_323, %ne3A_324 : i32
    %and3A_326 = arith.andi %ne3A_322, %ne3A_325 : i1
    %sub3A_327 = arith.constant 1 : i32
    %sub3A_328 = arith.subi %div3A_307, %sub3A_327 : i32
    %select_n3A_329 = arith.select %and3A_326, %sub3A_328, %div3A_307 : i32
    %mul3A_330 = arith.constant 32 : i32
    %mul3A_331 = arith.muli %mul3A_330, %select_n3A_329 : i32
    %add3A_332 = arith.addi %add3A, %mul3A_331 : i32
    %mul3A_333 = arith.constant 8 : i32
    %mul3A_334 = arith.muli %mul3A_333, %add3A_332 : i32
    %jit3A_335 = arith.constant 8 : i32
    %eq3A_336 = arith.constant 0 : i32
    %eq3A_337 = arith.cmpi eq, %jit3A_335, %eq3A_336 : i32
    %jit3A_338 = arith.constant 1 : i32
    %select_n3A_339 = arith.select %eq3A_337, %jit3A_338, %jit3A_335 : i32
    %rem3A_340 = arith.remsi %select_n3A_288, %select_n3A_339 : i32
    %ne3A_341 = arith.constant 0 : i32
    %ne3A_342 = arith.cmpi ne, %rem3A_340, %ne3A_341 : i32
    %lt3A_343 = arith.constant 0 : i32
    %lt3A_344 = arith.cmpi slt, %rem3A_340, %lt3A_343 : i32
    %lt3A_345 = arith.constant 0 : i32
    %lt3A_346 = arith.cmpi slt, %select_n3A_339, %lt3A_345 : i32
    %ne3A_347 = arith.xori %lt3A_344, %lt3A_346 : i1
    %and3A_348 = arith.andi %ne3A_347, %ne3A_342 : i1
    %add3A_349 = arith.addi %rem3A_340, %select_n3A_339 : i32
    %select_n3A_350 = arith.select %and3A_348, %add3A_349, %rem3A_340 : i32
    %add3A_351 = arith.addi %mul3A_334, %select_n3A_350 : i32
    %mul3A_352 = arith.constant 32 : i32
    %mul3A_353 = arith.muli %mul3A_352, %select_n3A_305 : i32
    %dma_start3A_354 = tpu.memref_slice %arg8[%select_n3A_288, %mul3A_353] : memref<80x128xi32, #tpu.memory_space<vmem>> -> memref<1x32xi32, #tpu.memory_space<vmem>>
    %dma_start3A_355 = tpu.memref_squeeze %dma_start3A_354 : memref<1x32xi32, #tpu.memory_space<vmem>> -> memref<32xi32, #tpu.memory_space<vmem>>
    %dma_start3A_356 = arith.constant 0 : i32
    %dma_start3A_357 = arith.constant 0 : i32
    %dma_start3A_358 = tpu.memref_slice %arg2[%dma_start3A_356, %dma_start3A_357] : memref<10000x128xf32, #tpu.memory_space<hbm>> -> memref<10000x128xf32, #tpu.memory_space<hbm>>
    tpu.enqueue_indirect_dma source(%dma_start3A_358 : memref<10000x128xf32, #tpu.memory_space<hbm>>) target(%arg12 : memref<32x128xf32, #tpu.memory_space<vmem>>) offsets(%dma_start3A_355 : memref<32xi32, #tpu.memory_space<vmem>>) semaphore(%arg19 : memref<!tpu.dma_semaphore, #tpu.memory_space<semaphore_mem>>)
    %lt3A_359 = arith.constant 2500 : i32
    %lt3A_360 = arith.cmpi slt, %add3A_351, %lt3A_359 : i32
    %jit3A_361 = arith.constant 0 : i32
    %select_n3A_362 = arith.select %lt3A_360, %add3A_351, %jit3A_361 : i32
    %mul3A_363 = arith.constant 128 : i32
    %mul3A_364 = arith.muli %select_n3A_362, %mul3A_363 : i32
    %mul3A_365 = arith.constant 32 : i32
    %mul3A_366 = arith.muli %mul3A_365, %select_n3A_305 : i32
    %add3A_367 = arith.addi %mul3A_364, %mul3A_366 : i32
    %dma_start3A_368 = arith.constant 0 : i32
    %dma_start3A_369 = tpu.memref_slice %arg3[%add3A_367, %dma_start3A_368] : memref<320000x128xf32, #tpu.memory_space<hbm>> -> memref<32x128xf32, #tpu.memory_space<hbm>>
    %dma_start3A_370 = arith.constant 0 : i32
    %dma_start3A_371 = tpu.memref_slice %arg3[%add3A_367, %dma_start3A_370] : memref<320000x128xf32, #tpu.memory_space<hbm>> -> memref<32x128xf32, #tpu.memory_space<hbm>>
    tpu.enqueue_dma source(%dma_start3A_371 : memref<32x128xf32, #tpu.memory_space<hbm>>) target(%arg14 : memref<32x128xf32, #tpu.memory_space<vmem>>) target_semaphore(%arg21 : memref<!tpu.dma_semaphore, #tpu.memory_space<semaphore_mem>>)
    %jit3A_372 = arith.constant 1 : i32
    %jit3A_373 = arith.constant 4 : i32
    %div3A_374 = arith.divsi %jit3A_372, %jit3A_373 : i32
    %sign3A_375 = arith.constant 0 : i32
    %sign3A_376 = arith.cmpi sgt, %jit3A_372, %sign3A_375 : i32
    %sign3A_377 = arith.extui %sign3A_376 : i1 to i32
    %sign3A_378 = arith.constant 0 : i32
    %sign3A_379 = arith.cmpi slt, %jit3A_372, %sign3A_378 : i32
    %sign3A_380 = arith.extui %sign3A_379 : i1 to i32
    %sign3A_381 = arith.subi %sign3A_377, %sign3A_380 : i32
    %sign3A_382 = arith.constant 0 : i32
    %sign3A_383 = arith.cmpi sgt, %jit3A_373, %sign3A_382 : i32
    %sign3A_384 = arith.extui %sign3A_383 : i1 to i32
    %sign3A_385 = arith.constant 0 : i32
    %sign3A_386 = arith.cmpi slt, %jit3A_373, %sign3A_385 : i32
    %sign3A_387 = arith.extui %sign3A_386 : i1 to i32
    %sign3A_388 = arith.subi %sign3A_384, %sign3A_387 : i32
    %ne3A_389 = arith.cmpi ne, %sign3A_381, %sign3A_388 : i32
    %rem3A_390 = arith.remsi %jit3A_372, %jit3A_373 : i32
    %ne3A_391 = arith.constant 0 : i32
    %ne3A_392 = arith.cmpi ne, %rem3A_390, %ne3A_391 : i32
    %and3A_393 = arith.andi %ne3A_389, %ne3A_392 : i1
    %sub3A_394 = arith.constant 1 : i32
    %sub3A_395 = arith.subi %div3A_374, %sub3A_394 : i32
    %select_n3A_396 = arith.select %and3A_393, %sub3A_395, %div3A_374 : i32
    %jit3A_397 = arith.constant 1 : i32
    %jit3A_398 = arith.constant 4 : i32
    %eq3A_399 = arith.constant 0 : i32
    %eq3A_400 = arith.cmpi eq, %jit3A_398, %eq3A_399 : i32
    %jit3A_401 = arith.constant 1 : i32
    %select_n3A_402 = arith.select %eq3A_400, %jit3A_401, %jit3A_398 : i32
    %rem3A_403 = arith.remsi %jit3A_397, %select_n3A_402 : i32
    %ne3A_404 = arith.constant 0 : i32
    %ne3A_405 = arith.cmpi ne, %rem3A_403, %ne3A_404 : i32
    %lt3A_406 = arith.constant 0 : i32
    %lt3A_407 = arith.cmpi slt, %rem3A_403, %lt3A_406 : i32
    %lt3A_408 = arith.constant 0 : i32
    %lt3A_409 = arith.cmpi slt, %select_n3A_402, %lt3A_408 : i32
    %ne3A_410 = arith.xori %lt3A_407, %lt3A_409 : i1
    %and3A_411 = arith.andi %ne3A_410, %ne3A_405 : i1
    %add3A_412 = arith.addi %rem3A_403, %select_n3A_402 : i32
    %select_n3A_413 = arith.select %and3A_411, %add3A_412, %rem3A_403 : i32
    %jit3A_414 = arith.constant 8 : i32
    %div3A_415 = arith.divsi %select_n3A_396, %jit3A_414 : i32
    %sign3A_416 = arith.constant 0 : i32
    %sign3A_417 = arith.cmpi sgt, %select_n3A_396, %sign3A_416 : i32
    %sign3A_418 = arith.extui %sign3A_417 : i1 to i32
    %sign3A_419 = arith.constant 0 : i32
    %sign3A_420 = arith.cmpi slt, %select_n3A_396, %sign3A_419 : i32
    %sign3A_421 = arith.extui %sign3A_420 : i1 to i32
    %sign3A_422 = arith.subi %sign3A_418, %sign3A_421 : i32
    %sign3A_423 = arith.constant 0 : i32
    %sign3A_424 = arith.cmpi sgt, %jit3A_414, %sign3A_423 : i32
    %sign3A_425 = arith.extui %sign3A_424 : i1 to i32
    %sign3A_426 = arith.constant 0 : i32
    %sign3A_427 = arith.cmpi slt, %jit3A_414, %sign3A_426 : i32
    %sign3A_428 = arith.extui %sign3A_427 : i1 to i32
    %sign3A_429 = arith.subi %sign3A_425, %sign3A_428 : i32
    %ne3A_430 = arith.cmpi ne, %sign3A_422, %sign3A_429 : i32
    %rem3A_431 = arith.remsi %select_n3A_396, %jit3A_414 : i32
    %ne3A_432 = arith.constant 0 : i32
    %ne3A_433 = arith.cmpi ne, %rem3A_431, %ne3A_432 : i32
    %and3A_434 = arith.andi %ne3A_430, %ne3A_433 : i1
    %sub3A_435 = arith.constant 1 : i32
    %sub3A_436 = arith.subi %div3A_415, %sub3A_435 : i32
    %select_n3A_437 = arith.select %and3A_434, %sub3A_436, %div3A_415 : i32
    %mul3A_438 = arith.constant 32 : i32
    %mul3A_439 = arith.muli %mul3A_438, %select_n3A_437 : i32
    %add3A_440 = arith.addi %add3A, %mul3A_439 : i32
    %mul3A_441 = arith.constant 8 : i32
    %mul3A_442 = arith.muli %mul3A_441, %add3A_440 : i32
    %jit3A_443 = arith.constant 8 : i32
    %eq3A_444 = arith.constant 0 : i32
    %eq3A_445 = arith.cmpi eq, %jit3A_443, %eq3A_444 : i32
    %jit3A_446 = arith.constant 1 : i32
    %select_n3A_447 = arith.select %eq3A_445, %jit3A_446, %jit3A_443 : i32
    %rem3A_448 = arith.remsi %select_n3A_396, %select_n3A_447 : i32
    %ne3A_449 = arith.constant 0 : i32
    %ne3A_450 = arith.cmpi ne, %rem3A_448, %ne3A_449 : i32
    %lt3A_451 = arith.constant 0 : i32
    %lt3A_452 = arith.cmpi slt, %rem3A_448, %lt3A_451 : i32
    %lt3A_453 = arith.constant 0 : i32
    %lt3A_454 = arith.cmpi slt, %select_n3A_447, %lt3A_453 : i32
    %ne3A_455 = arith.xori %lt3A_452, %lt3A_454 : i1
    %and3A_456 = arith.andi %ne3A_455, %ne3A_450 : i1
    %add3A_457 = arith.addi %rem3A_448, %select_n3A_447 : i32
    %select_n3A_458 = arith.select %and3A_456, %add3A_457, %rem3A_448 : i32
    %add3A_459 = arith.addi %mul3A_442, %select_n3A_458 : i32
    %mul3A_460 = arith.constant 32 : i32
    %mul3A_461 = arith.muli %mul3A_460, %select_n3A_413 : i32
    %dma_start3A_462 = tpu.memref_slice %arg8[%select_n3A_396, %mul3A_461] : memref<80x128xi32, #tpu.memory_space<vmem>> -> memref<1x32xi32, #tpu.memory_space<vmem>>
    %dma_start3A_463 = tpu.memref_squeeze %dma_start3A_462 : memref<1x32xi32, #tpu.memory_space<vmem>> -> memref<32xi32, #tpu.memory_space<vmem>>
    %dma_start3A_464 = arith.constant 0 : i32
    %dma_start3A_465 = arith.constant 0 : i32
    %dma_start3A_466 = tpu.memref_slice %arg2[%dma_start3A_464, %dma_start3A_465] : memref<10000x128xf32, #tpu.memory_space<hbm>> -> memref<10000x128xf32, #tpu.memory_space<hbm>>
    tpu.enqueue_indirect_dma source(%dma_start3A_466 : memref<10000x128xf32, #tpu.memory_space<hbm>>) target(%arg13 : memref<32x128xf32, #tpu.memory_space<vmem>>) offsets(%dma_start3A_463 : memref<32xi32, #tpu.memory_space<vmem>>) semaphore(%arg20 : memref<!tpu.dma_semaphore, #tpu.memory_space<semaphore_mem>>)
    %lt3A_467 = arith.constant 2500 : i32
    %lt3A_468 = arith.cmpi slt, %add3A_459, %lt3A_467 : i32
    %jit3A_469 = arith.constant 0 : i32
    %select_n3A_470 = arith.select %lt3A_468, %add3A_459, %jit3A_469 : i32
    %mul3A_471 = arith.constant 128 : i32
    %mul3A_472 = arith.muli %select_n3A_470, %mul3A_471 : i32
    %mul3A_473 = arith.constant 32 : i32
    %mul3A_474 = arith.muli %mul3A_473, %select_n3A_413 : i32
    %add3A_475 = arith.addi %mul3A_472, %mul3A_474 : i32
    %dma_start3A_476 = arith.constant 0 : i32
    %dma_start3A_477 = tpu.memref_slice %arg3[%add3A_475, %dma_start3A_476] : memref<320000x128xf32, #tpu.memory_space<hbm>> -> memref<32x128xf32, #tpu.memory_space<hbm>>
    %dma_start3A_478 = arith.constant 0 : i32
    %dma_start3A_479 = tpu.memref_slice %arg3[%add3A_475, %dma_start3A_478] : memref<320000x128xf32, #tpu.memory_space<hbm>> -> memref<32x128xf32, #tpu.memory_space<hbm>>
    tpu.enqueue_dma source(%dma_start3A_479 : memref<32x128xf32, #tpu.memory_space<hbm>>) target(%arg15 : memref<32x128xf32, #tpu.memory_space<vmem>>) target_semaphore(%arg22 : memref<!tpu.dma_semaphore, #tpu.memory_space<semaphore_mem>>)
    %jit3A_480 = arith.constant 2 : i32
    %div3A_481 = arith.divsi %mul3A_8, %jit3A_480 : i32
    %sign3A_482 = arith.constant 0 : i32
    %sign3A_483 = arith.cmpi sgt, %mul3A_8, %sign3A_482 : i32
    %sign3A_484 = arith.extui %sign3A_483 : i1 to i32
    %sign3A_485 = arith.constant 0 : i32
    %sign3A_486 = arith.cmpi slt, %mul3A_8, %sign3A_485 : i32
    %sign3A_487 = arith.extui %sign3A_486 : i1 to i32
    %sign3A_488 = arith.subi %sign3A_484, %sign3A_487 : i32
    %sign3A_489 = arith.constant 0 : i32
    %sign3A_490 = arith.cmpi sgt, %jit3A_480, %sign3A_489 : i32
    %sign3A_491 = arith.extui %sign3A_490 : i1 to i32
    %sign3A_492 = arith.constant 0 : i32
    %sign3A_493 = arith.cmpi slt, %jit3A_480, %sign3A_492 : i32
    %sign3A_494 = arith.extui %sign3A_493 : i1 to i32
    %sign3A_495 = arith.subi %sign3A_491, %sign3A_494 : i32
    %ne3A_496 = arith.cmpi ne, %sign3A_488, %sign3A_495 : i32
    %rem3A_497 = arith.remsi %mul3A_8, %jit3A_480 : i32
    %ne3A_498 = arith.constant 0 : i32
    %ne3A_499 = arith.cmpi ne, %rem3A_497, %ne3A_498 : i32
    %and3A_500 = arith.andi %ne3A_496, %ne3A_499 : i1
    %sub3A_501 = arith.constant 1 : i32
    %sub3A_502 = arith.subi %div3A_481, %sub3A_501 : i32
    %select_n3A_503 = arith.select %and3A_500, %sub3A_502, %div3A_481 : i32
    %while3A = arith.constant 0 : i32
    %while3A_504 = arith.constant 0 : i32
    %while3A_505 = arith.subi %select_n3A_503, %while3A_504 : i32
    %while3A_506 = arith.addi %while3A_504, %while3A_505 : i32
    %while3A_507 = arith.constant 1 : i32
    %while3A_508 = arith.divsi %while3A_505, %while3A_507 : i32
    %while3A_509 = arith.muli %while3A_508, %while3A_507 : i32
    %while3A_510 = arith.addi %while3A_504, %while3A_509 : i32
    %while3A_511 = arith.constant 1 : i32
    scf.for %while3A_535 = %while3A_504 to %while3A_510 step %while3A_511  : i32 {
      %mul3A_536 = arith.constant 2 : i32
      %mul3A_537 = arith.muli %mul3A_536, %while3A_535 : i32
      %add3A_538 = arith.constant 0 : i32
      %add3A_539 = arith.addi %mul3A_537, %add3A_538 : i32
      %jit3A_540 = arith.constant 4 : i32
      %div3A_541 = arith.divsi %add3A_539, %jit3A_540 : i32
      %sign3A_542 = arith.constant 0 : i32
      %sign3A_543 = arith.cmpi sgt, %add3A_539, %sign3A_542 : i32
      %sign3A_544 = arith.extui %sign3A_543 : i1 to i32
      %sign3A_545 = arith.constant 0 : i32
      %sign3A_546 = arith.cmpi slt, %add3A_539, %sign3A_545 : i32
      %sign3A_547 = arith.extui %sign3A_546 : i1 to i32
      %sign3A_548 = arith.subi %sign3A_544, %sign3A_547 : i32
      %sign3A_549 = arith.constant 0 : i32
      %sign3A_550 = arith.cmpi sgt, %jit3A_540, %sign3A_549 : i32
      %sign3A_551 = arith.extui %sign3A_550 : i1 to i32
      %sign3A_552 = arith.constant 0 : i32
      %sign3A_553 = arith.cmpi slt, %jit3A_540, %sign3A_552 : i32
      %sign3A_554 = arith.extui %sign3A_553 : i1 to i32
      %sign3A_555 = arith.subi %sign3A_551, %sign3A_554 : i32
      %ne3A_556 = arith.cmpi ne, %sign3A_548, %sign3A_555 : i32
      %rem3A_557 = arith.remsi %add3A_539, %jit3A_540 : i32
      %ne3A_558 = arith.constant 0 : i32
      %ne3A_559 = arith.cmpi ne, %rem3A_557, %ne3A_558 : i32
      %and3A_560 = arith.andi %ne3A_556, %ne3A_559 : i1
      %sub3A_561 = arith.constant 1 : i32
      %sub3A_562 = arith.subi %div3A_541, %sub3A_561 : i32
      %select_n3A_563 = arith.select %and3A_560, %sub3A_562, %div3A_541 : i32
      %jit3A_564 = arith.constant 4 : i32
      %eq3A_565 = arith.constant 0 : i32
      %eq3A_566 = arith.cmpi eq, %jit3A_564, %eq3A_565 : i32
      %jit3A_567 = arith.constant 1 : i32
      %select_n3A_568 = arith.select %eq3A_566, %jit3A_567, %jit3A_564 : i32
      %rem3A_569 = arith.remsi %add3A_539, %select_n3A_568 : i32
      %ne3A_570 = arith.constant 0 : i32
      %ne3A_571 = arith.cmpi ne, %rem3A_569, %ne3A_570 : i32
      %lt3A_572 = arith.constant 0 : i32
      %lt3A_573 = arith.cmpi slt, %rem3A_569, %lt3A_572 : i32
      %lt3A_574 = arith.constant 0 : i32
      %lt3A_575 = arith.cmpi slt, %select_n3A_568, %lt3A_574 : i32
      %ne3A_576 = arith.xori %lt3A_573, %lt3A_575 : i1
      %and3A_577 = arith.andi %ne3A_576, %ne3A_571 : i1
      %add3A_578 = arith.addi %rem3A_569, %select_n3A_568 : i32
      %select_n3A_579 = arith.select %and3A_577, %add3A_578, %rem3A_569 : i32
      %jit3A_580 = arith.constant 8 : i32
      %div3A_581 = arith.divsi %select_n3A_563, %jit3A_580 : i32
      %sign3A_582 = arith.constant 0 : i32
      %sign3A_583 = arith.cmpi sgt, %select_n3A_563, %sign3A_582 : i32
      %sign3A_584 = arith.extui %sign3A_583 : i1 to i32
      %sign3A_585 = arith.constant 0 : i32
      %sign3A_586 = arith.cmpi slt, %select_n3A_563, %sign3A_585 : i32
      %sign3A_587 = arith.extui %sign3A_586 : i1 to i32
      %sign3A_588 = arith.subi %sign3A_584, %sign3A_587 : i32
      %sign3A_589 = arith.constant 0 : i32
      %sign3A_590 = arith.cmpi sgt, %jit3A_580, %sign3A_589 : i32
      %sign3A_591 = arith.extui %sign3A_590 : i1 to i32
      %sign3A_592 = arith.constant 0 : i32
      %sign3A_593 = arith.cmpi slt, %jit3A_580, %sign3A_592 : i32
      %sign3A_594 = arith.extui %sign3A_593 : i1 to i32
      %sign3A_595 = arith.subi %sign3A_591, %sign3A_594 : i32
      %ne3A_596 = arith.cmpi ne, %sign3A_588, %sign3A_595 : i32
      %rem3A_597 = arith.remsi %select_n3A_563, %jit3A_580 : i32
      %ne3A_598 = arith.constant 0 : i32
      %ne3A_599 = arith.cmpi ne, %rem3A_597, %ne3A_598 : i32
      %and3A_600 = arith.andi %ne3A_596, %ne3A_599 : i1
      %sub3A_601 = arith.constant 1 : i32
      %sub3A_602 = arith.subi %div3A_581, %sub3A_601 : i32
      %select_n3A_603 = arith.select %and3A_600, %sub3A_602, %div3A_581 : i32
      %mul3A_604 = arith.constant 32 : i32
      %mul3A_605 = arith.muli %mul3A_604, %select_n3A_603 : i32
      %add3A_606 = arith.addi %add3A, %mul3A_605 : i32
      %mul3A_607 = arith.constant 8 : i32
      %mul3A_608 = arith.muli %mul3A_607, %add3A_606 : i32
      %jit3A_609 = arith.constant 8 : i32
      %eq3A_610 = arith.constant 0 : i32
      %eq3A_611 = arith.cmpi eq, %jit3A_609, %eq3A_610 : i32
      %jit3A_612 = arith.constant 1 : i32
      %select_n3A_613 = arith.select %eq3A_611, %jit3A_612, %jit3A_609 : i32
      %rem3A_614 = arith.remsi %select_n3A_563, %select_n3A_613 : i32
      %ne3A_615 = arith.constant 0 : i32
      %ne3A_616 = arith.cmpi ne, %rem3A_614, %ne3A_615 : i32
      %lt3A_617 = arith.constant 0 : i32
      %lt3A_618 = arith.cmpi slt, %rem3A_614, %lt3A_617 : i32
      %lt3A_619 = arith.constant 0 : i32
      %lt3A_620 = arith.cmpi slt, %select_n3A_613, %lt3A_619 : i32
      %ne3A_621 = arith.xori %lt3A_618, %lt3A_620 : i1
      %and3A_622 = arith.andi %ne3A_621, %ne3A_616 : i1
      %add3A_623 = arith.addi %rem3A_614, %select_n3A_613 : i32
      %select_n3A_624 = arith.select %and3A_622, %add3A_623, %rem3A_614 : i32
      %add3A_625 = arith.addi %mul3A_608, %select_n3A_624 : i32
      %mul3A_626 = arith.constant 32 : i32
      %mul3A_627 = arith.muli %mul3A_626, %select_n3A_579 : i32
      %dma_wait3A_628 = tpu.memref_slice %arg8[%select_n3A_563, %mul3A_627] : memref<80x128xi32, #tpu.memory_space<vmem>> -> memref<1x32xi32, #tpu.memory_space<vmem>>
      %dma_wait3A_629 = tpu.memref_squeeze %dma_wait3A_628 : memref<1x32xi32, #tpu.memory_space<vmem>> -> memref<32xi32, #tpu.memory_space<vmem>>
      %dma_wait3A_630 = arith.constant 0 : i32
      %dma_wait3A_631 = arith.constant 0 : i32
      %dma_wait3A_632 = tpu.memref_slice %arg2[%dma_wait3A_630, %dma_wait3A_631] : memref<10000x128xf32, #tpu.memory_space<hbm>> -> memref<10000x128xf32, #tpu.memory_space<hbm>>
      tpu.wait_indirect_dma semaphore(%arg19 : memref<!tpu.dma_semaphore, #tpu.memory_space<semaphore_mem>>) src(%dma_wait3A_632 : memref<10000x128xf32, #tpu.memory_space<hbm>>) dst(%arg12 : memref<32x128xf32, #tpu.memory_space<vmem>>)
      %lt3A_633 = arith.constant 2500 : i32
      %lt3A_634 = arith.cmpi slt, %add3A_625, %lt3A_633 : i32
      %jit3A_635 = arith.constant 0 : i32
      %select_n3A_636 = arith.select %lt3A_634, %add3A_625, %jit3A_635 : i32
      %mul3A_637 = arith.constant 128 : i32
      %mul3A_638 = arith.muli %select_n3A_636, %mul3A_637 : i32
      %mul3A_639 = arith.constant 32 : i32
      %mul3A_640 = arith.muli %mul3A_639, %select_n3A_579 : i32
      %add3A_641 = arith.addi %mul3A_638, %mul3A_640 : i32
      %dma_wait3A_642 = arith.constant 0 : i32
      %dma_wait3A_643 = tpu.memref_slice %arg3[%add3A_641, %dma_wait3A_642] : memref<320000x128xf32, #tpu.memory_space<hbm>> -> memref<32x128xf32, #tpu.memory_space<hbm>>
      %dma_wait3A_644 = arith.constant 0 : i32
      %dma_wait3A_645 = tpu.memref_slice %arg3[%add3A_641, %dma_wait3A_644] : memref<320000x128xf32, #tpu.memory_space<hbm>> -> memref<32x128xf32, #tpu.memory_space<hbm>>
      tpu.wait_dma2 semaphore(%arg21 : memref<!tpu.dma_semaphore, #tpu.memory_space<semaphore_mem>>) src(%dma_wait3A_645 : memref<32x128xf32, #tpu.memory_space<hbm>>) dst(%arg14 : memref<32x128xf32, #tpu.memory_space<vmem>>)
      %ge3A = arith.constant 1 : i32
      %ge3A_646 = arith.cmpi sge, %while3A_535, %ge3A : i32
      %convert_element_type3A_647 = arith.extui %ge3A_646 : i1 to i32
      %cond3A_648 = arith.constant 0 : i32
      %cond3A_649 = arith.cmpi ne, %convert_element_type3A_647, %cond3A_648 : i32
      scf.if %cond3A_649 {
        %dma_wait3A_844 = arith.constant 0 : i32
        %dma_wait3A_845 = arith.constant 0 : i32
        %dma_wait3A_846 = tpu.memref_slice %arg7[%dma_wait3A_844, %dma_wait3A_845] : memref<10000x128xf32, #tpu.memory_space<vmem_shared>> -> memref<10000x128xf32, #tpu.memory_space<vmem_shared>>
        tpu.wait_indirect_dma semaphore(%arg23 : memref<!tpu.dma_semaphore, #tpu.memory_space<semaphore_mem>>) src(%arg16 : memref<32x128xf32, #tpu.memory_space<vmem>>) dst(%dma_wait3A_846 : memref<10000x128xf32, #tpu.memory_space<vmem_shared>>)
      } else {
      }
      %ge3A_650 = arith.constant 2500 : i32
      %ge3A_651 = arith.cmpi sge, %add3A_625, %ge3A_650 : i32
      %not3A = arith.constant true
      %not3A_652 = arith.xori %ge3A_651, %not3A : i1
      %convert_element_type3A_653 = arith.extui %not3A_652 : i1 to i32
      %cond3A_654 = arith.constant 0 : i32
      %cond3A_655 = arith.cmpi ne, %convert_element_type3A_653, %cond3A_654 : i32
      scf.if %cond3A_655 {
        %scan3A = arith.constant 0 : i32
        %scan3A_844 = arith.constant 0 : i32
        %scan3A_845 = arith.constant 32 : i32
        %scan3A_846 = arith.addi %scan3A_844, %scan3A_845 : i32
        %scan3A_847 = arith.constant 1 : i32
        scf.for %scan3A_849 = %scan3A_844 to %scan3A_846 step %scan3A_847  : i32 {
          %get3A_850 = arith.index_cast %scan3A_849 : i32 to index
          %get3A_851 = arith.constant 0 : index
          %get3A_852 = tpu.vector_load %arg12[%get3A_850, %get3A_851] {strides = array<i32>} : memref<32x128xf32, #tpu.memory_space<vmem>>, vector<1x16xf32>,
          %get3A_853 = vector.shape_cast %get3A_852 : vector<1x16xf32> to vector<16xf32>
          %get3A_854 = arith.index_cast %scan3A_849 : i32 to index
          %get3A_855 = arith.constant 0 : index
          %get3A_856 = tpu.vector_load %arg14[%get3A_854, %get3A_855] {strides = array<i32>} : memref<32x128xf32, #tpu.memory_space<vmem>>, vector<1x16xf32>,
          %get3A_857 = vector.shape_cast %get3A_856 : vector<1x16xf32> to vector<16xf32>
          %add3A_858 = arith.addf %get3A_853, %get3A_857 : vector<16xf32>
          %max3A = arith.constant 0.000000e+00 : f32
          %max3A_859 = vector.broadcast %max3A : f32 to vector<16xf32>
          %max3A_860 = arith.maximumf %add3A_858, %max3A_859 : vector<16xf32>
          %swap3A_861 = arith.index_cast %scan3A_849 : i32 to index
          %swap3A_862 = arith.constant 0 : index
          %swap3A_863 = tpu.vector_load %arg16[%swap3A_861, %swap3A_862] {strides = array<i32>} : memref<32x128xf32, #tpu.memory_space<vmem>>, vector<1x16xf32>,
          %swap3A_864 = vector.shape_cast %swap3A_863 : vector<1x16xf32> to vector<16xf32>
          %swap3A_865 = vector.shape_cast %max3A_860 : vector<16xf32> to vector<1x16xf32>
          tpu.vector_store %arg16[%swap3A_861, %swap3A_862], %swap3A_865 {strides = array<i32>} : memref<32x128xf32, #tpu.memory_space<vmem>>, vector<1x16xf32>,
          %get3A_866 = arith.index_cast %scan3A_849 : i32 to index
          %get3A_867 = arith.constant 16 : index
          %get3A_868 = tpu.vector_load %arg12[%get3A_866, %get3A_867] {strides = array<i32>} : memref<32x128xf32, #tpu.memory_space<vmem>>, vector<1x16xf32>,
          %get3A_869 = vector.shape_cast %get3A_868 : vector<1x16xf32> to vector<16xf32>
          %get3A_870 = arith.index_cast %scan3A_849 : i32 to index
          %get3A_871 = arith.constant 16 : index
          %get3A_872 = tpu.vector_load %arg14[%get3A_870, %get3A_871] {strides = array<i32>} : memref<32x128xf32, #tpu.memory_space<vmem>>, vector<1x16xf32>,
          %get3A_873 = vector.shape_cast %get3A_872 : vector<1x16xf32> to vector<16xf32>
          %add3A_874 = arith.addf %get3A_869, %get3A_873 : vector<16xf32>
          %max3A_875 = arith.constant 0.000000e+00 : f32
          %max3A_876 = vector.broadcast %max3A_875 : f32 to vector<16xf32>
          %max3A_877 = arith.maximumf %add3A_874, %max3A_876 : vector<16xf32>
          %swap3A_878 = arith.index_cast %scan3A_849 : i32 to index
          %swap3A_879 = arith.constant 16 : index
          %swap3A_880 = tpu.vector_load %arg16[%swap3A_878, %swap3A_879] {strides = array<i32>} : memref<32x128xf32, #tpu.memory_space<vmem>>, vector<1x16xf32>,
          %swap3A_881 = vector.shape_cast %swap3A_880 : vector<1x16xf32> to vector<16xf32>
          %swap3A_882 = vector.shape_cast %max3A_877 : vector<16xf32> to vector<1x16xf32>
          tpu.vector_store %arg16[%swap3A_878, %swap3A_879], %swap3A_882 {strides = array<i32>} : memref<32x128xf32, #tpu.memory_space<vmem>>, vector<1x16xf32>,
          %get3A_883 = arith.index_cast %scan3A_849 : i32 to index
          %get3A_884 = arith.constant 32 : index
          %get3A_885 = tpu.vector_load %arg12[%get3A_883, %get3A_884] {strides = array<i32>} : memref<32x128xf32, #tpu.memory_space<vmem>>, vector<1x16xf32>,
          %get3A_886 = vector.shape_cast %get3A_885 : vector<1x16xf32> to vector<16xf32>
          %get3A_887 = arith.index_cast %scan3A_849 : i32 to index
          %get3A_888 = arith.constant 32 : index
          %get3A_889 = tpu.vector_load %arg14[%get3A_887, %get3A_888] {strides = array<i32>} : memref<32x128xf32, #tpu.memory_space<vmem>>, vector<1x16xf32>,
          %get3A_890 = vector.shape_cast %get3A_889 : vector<1x16xf32> to vector<16xf32>
          %add3A_891 = arith.addf %get3A_886, %get3A_890 : vector<16xf32>
          %max3A_892 = arith.constant 0.000000e+00 : f32
          %max3A_893 = vector.broadcast %max3A_892 : f32 to vector<16xf32>
          %max3A_894 = arith.maximumf %add3A_891, %max3A_893 : vector<16xf32>
          %swap3A_895 = arith.index_cast %scan3A_849 : i32 to index
          %swap3A_896 = arith.constant 32 : index
          %swap3A_897 = tpu.vector_load %arg16[%swap3A_895, %swap3A_896] {strides = array<i32>} : memref<32x128xf32, #tpu.memory_space<vmem>>, vector<1x16xf32>,
          %swap3A_898 = vector.shape_cast %swap3A_897 : vector<1x16xf32> to vector<16xf32>
          %swap3A_899 = vector.shape_cast %max3A_894 : vector<16xf32> to vector<1x16xf32>
          tpu.vector_store %arg16[%swap3A_895, %swap3A_896], %swap3A_899 {strides = array<i32>} : memref<32x128xf32, #tpu.memory_space<vmem>>, vector<1x16xf32>,
          %get3A_900 = arith.index_cast %scan3A_849 : i32 to index
          %get3A_901 = arith.constant 48 : index
          %get3A_902 = tpu.vector_load %arg12[%get3A_900, %get3A_901] {strides = array<i32>} : memref<32x128xf32, #tpu.memory_space<vmem>>, vector<1x16xf32>,
          %get3A_903 = vector.shape_cast %get3A_902 : vector<1x16xf32> to vector<16xf32>
          %get3A_904 = arith.index_cast %scan3A_849 : i32 to index
          %get3A_905 = arith.constant 48 : index
          %get3A_906 = tpu.vector_load %arg14[%get3A_904, %get3A_905] {strides = array<i32>} : memref<32x128xf32, #tpu.memory_space<vmem>>, vector<1x16xf32>,
          %get3A_907 = vector.shape_cast %get3A_906 : vector<1x16xf32> to vector<16xf32>
          %add3A_908 = arith.addf %get3A_903, %get3A_907 : vector<16xf32>
          %max3A_909 = arith.constant 0.000000e+00 : f32
          %max3A_910 = vector.broadcast %max3A_909 : f32 to vector<16xf32>
          %max3A_911 = arith.maximumf %add3A_908, %max3A_910 : vector<16xf32>
          %swap3A_912 = arith.index_cast %scan3A_849 : i32 to index
          %swap3A_913 = arith.constant 48 : index
          %swap3A_914 = tpu.vector_load %arg16[%swap3A_912, %swap3A_913] {strides = array<i32>} : memref<32x128xf32, #tpu.memory_space<vmem>>, vector<1x16xf32>,
          %swap3A_915 = vector.shape_cast %swap3A_914 : vector<1x16xf32> to vector<16xf32>
          %swap3A_916 = vector.shape_cast %max3A_911 : vector<16xf32> to vector<1x16xf32>
          tpu.vector_store %arg16[%swap3A_912, %swap3A_913], %swap3A_916 {strides = array<i32>} : memref<32x128xf32, #tpu.memory_space<vmem>>, vector<1x16xf32>,
          %get3A_917 = arith.index_cast %scan3A_849 : i32 to index
          %get3A_918 = arith.constant 64 : index
          %get3A_919 = tpu.vector_load %arg12[%get3A_917, %get3A_918] {strides = array<i32>} : memref<32x128xf32, #tpu.memory_space<vmem>>, vector<1x16xf32>,
          %get3A_920 = vector.shape_cast %get3A_919 : vector<1x16xf32> to vector<16xf32>
          %get3A_921 = arith.index_cast %scan3A_849 : i32 to index
          %get3A_922 = arith.constant 64 : index
          %get3A_923 = tpu.vector_load %arg14[%get3A_921, %get3A_922] {strides = array<i32>} : memref<32x128xf32, #tpu.memory_space<vmem>>, vector<1x16xf32>,
          %get3A_924 = vector.shape_cast %get3A_923 : vector<1x16xf32> to vector<16xf32>
          %add3A_925 = arith.addf %get3A_920, %get3A_924 : vector<16xf32>
          %max3A_926 = arith.constant 0.000000e+00 : f32
          %max3A_927 = vector.broadcast %max3A_926 : f32 to vector<16xf32>
          %max3A_928 = arith.maximumf %add3A_925, %max3A_927 : vector<16xf32>
          %swap3A_929 = arith.index_cast %scan3A_849 : i32 to index
          %swap3A_930 = arith.constant 64 : index
          %swap3A_931 = tpu.vector_load %arg16[%swap3A_929, %swap3A_930] {strides = array<i32>} : memref<32x128xf32, #tpu.memory_space<vmem>>, vector<1x16xf32>,
          %swap3A_932 = vector.shape_cast %swap3A_931 : vector<1x16xf32> to vector<16xf32>
          %swap3A_933 = vector.shape_cast %max3A_928 : vector<16xf32> to vector<1x16xf32>
          tpu.vector_store %arg16[%swap3A_929, %swap3A_930], %swap3A_933 {strides = array<i32>} : memref<32x128xf32, #tpu.memory_space<vmem>>, vector<1x16xf32>,
          %get3A_934 = arith.index_cast %scan3A_849 : i32 to index
          %get3A_935 = arith.constant 80 : index
          %get3A_936 = tpu.vector_load %arg12[%get3A_934, %get3A_935] {strides = array<i32>} : memref<32x128xf32, #tpu.memory_space<vmem>>, vector<1x16xf32>,
          %get3A_937 = vector.shape_cast %get3A_936 : vector<1x16xf32> to vector<16xf32>
          %get3A_938 = arith.index_cast %scan3A_849 : i32 to index
          %get3A_939 = arith.constant 80 : index
          %get3A_940 = tpu.vector_load %arg14[%get3A_938, %get3A_939] {strides = array<i32>} : memref<32x128xf32, #tpu.memory_space<vmem>>, vector<1x16xf32>,
          %get3A_941 = vector.shape_cast %get3A_940 : vector<1x16xf32> to vector<16xf32>
          %add3A_942 = arith.addf %get3A_937, %get3A_941 : vector<16xf32>
          %max3A_943 = arith.constant 0.000000e+00 : f32
          %max3A_944 = vector.broadcast %max3A_943 : f32 to vector<16xf32>
          %max3A_945 = arith.maximumf %add3A_942, %max3A_944 : vector<16xf32>
          %swap3A_946 = arith.index_cast %scan3A_849 : i32 to index
          %swap3A_947 = arith.constant 80 : index
          %swap3A_948 = tpu.vector_load %arg16[%swap3A_946, %swap3A_947] {strides = array<i32>} : memref<32x128xf32, #tpu.memory_space<vmem>>, vector<1x16xf32>,
          %swap3A_949 = vector.shape_cast %swap3A_948 : vector<1x16xf32> to vector<16xf32>
          %swap3A_950 = vector.shape_cast %max3A_945 : vector<16xf32> to vector<1x16xf32>
          tpu.vector_store %arg16[%swap3A_946, %swap3A_947], %swap3A_950 {strides = array<i32>} : memref<32x128xf32, #tpu.memory_space<vmem>>, vector<1x16xf32>,
          %get3A_951 = arith.index_cast %scan3A_849 : i32 to index
          %get3A_952 = arith.constant 96 : index
          %get3A_953 = tpu.vector_load %arg12[%get3A_951, %get3A_952] {strides = array<i32>} : memref<32x128xf32, #tpu.memory_space<vmem>>, vector<1x16xf32>,
          %get3A_954 = vector.shape_cast %get3A_953 : vector<1x16xf32> to vector<16xf32>
          %get3A_955 = arith.index_cast %scan3A_849 : i32 to index
          %get3A_956 = arith.constant 96 : index
          %get3A_957 = tpu.vector_load %arg14[%get3A_955, %get3A_956] {strides = array<i32>} : memref<32x128xf32, #tpu.memory_space<vmem>>, vector<1x16xf32>,
          %get3A_958 = vector.shape_cast %get3A_957 : vector<1x16xf32> to vector<16xf32>
          %add3A_959 = arith.addf %get3A_954, %get3A_958 : vector<16xf32>
          %max3A_960 = arith.constant 0.000000e+00 : f32
          %max3A_961 = vector.broadcast %max3A_960 : f32 to vector<16xf32>
          %max3A_962 = arith.maximumf %add3A_959, %max3A_961 : vector<16xf32>
          %swap3A_963 = arith.index_cast %scan3A_849 : i32 to index
          %swap3A_964 = arith.constant 96 : index
          %swap3A_965 = tpu.vector_load %arg16[%swap3A_963, %swap3A_964] {strides = array<i32>} : memref<32x128xf32, #tpu.memory_space<vmem>>, vector<1x16xf32>,
          %swap3A_966 = vector.shape_cast %swap3A_965 : vector<1x16xf32> to vector<16xf32>
          %swap3A_967 = vector.shape_cast %max3A_962 : vector<16xf32> to vector<1x16xf32>
          tpu.vector_store %arg16[%swap3A_963, %swap3A_964], %swap3A_967 {strides = array<i32>} : memref<32x128xf32, #tpu.memory_space<vmem>>, vector<1x16xf32>,
          %get3A_968 = arith.index_cast %scan3A_849 : i32 to index
          %get3A_969 = arith.constant 112 : index
          %get3A_970 = tpu.vector_load %arg12[%get3A_968, %get3A_969] {strides = array<i32>} : memref<32x128xf32, #tpu.memory_space<vmem>>, vector<1x16xf32>,
          %get3A_971 = vector.shape_cast %get3A_970 : vector<1x16xf32> to vector<16xf32>
          %get3A_972 = arith.index_cast %scan3A_849 : i32 to index
          %get3A_973 = arith.constant 112 : index
          %get3A_974 = tpu.vector_load %arg14[%get3A_972, %get3A_973] {strides = array<i32>} : memref<32x128xf32, #tpu.memory_space<vmem>>, vector<1x16xf32>,
          %get3A_975 = vector.shape_cast %get3A_974 : vector<1x16xf32> to vector<16xf32>
          %add3A_976 = arith.addf %get3A_971, %get3A_975 : vector<16xf32>
          %max3A_977 = arith.constant 0.000000e+00 : f32
          %max3A_978 = vector.broadcast %max3A_977 : f32 to vector<16xf32>
          %max3A_979 = arith.maximumf %add3A_976, %max3A_978 : vector<16xf32>
          %swap3A_980 = arith.index_cast %scan3A_849 : i32 to index
          %swap3A_981 = arith.constant 112 : index
          %swap3A_982 = tpu.vector_load %arg16[%swap3A_980, %swap3A_981] {strides = array<i32>} : memref<32x128xf32, #tpu.memory_space<vmem>>, vector<1x16xf32>,
          %swap3A_983 = vector.shape_cast %swap3A_982 : vector<1x16xf32> to vector<16xf32>
          %swap3A_984 = vector.shape_cast %max3A_979 : vector<16xf32> to vector<1x16xf32>
          tpu.vector_store %arg16[%swap3A_980, %swap3A_981], %swap3A_984 {strides = array<i32>} : memref<32x128xf32, #tpu.memory_space<vmem>>, vector<1x16xf32>,
        }
        %scan3A_848 = arith.constant 32 : i32
      } else {
      }
      %convert_element_type3A_656 = arith.extui %ge3A_651 : i1 to i32
      %cond3A_657 = arith.constant 0 : i32
      %cond3A_658 = arith.cmpi ne, %convert_element_type3A_656, %cond3A_657 : i32
      scf.if %cond3A_658 {
        %scan3A = arith.constant 0 : i32
        %scan3A_844 = arith.constant 0 : i32
        %scan3A_845 = arith.constant 32 : i32
        %scan3A_846 = arith.addi %scan3A_844, %scan3A_845 : i32
        %scan3A_847 = arith.constant 1 : i32
        scf.for %scan3A_849 = %scan3A_844 to %scan3A_846 step %scan3A_847  : i32 {
          %broadcast_in_dim3A = arith.constant 0.000000e+00 : f32
          %broadcast_in_dim3A_850 = vector.broadcast %broadcast_in_dim3A : f32 to vector<16xf32>
          %swap3A_851 = arith.index_cast %scan3A_849 : i32 to index
          %swap3A_852 = arith.constant 0 : index
          %swap3A_853 = tpu.vector_load %arg16[%swap3A_851, %swap3A_852] {strides = array<i32>} : memref<32x128xf32, #tpu.memory_space<vmem>>, vector<1x16xf32>,
          %swap3A_854 = vector.shape_cast %swap3A_853 : vector<1x16xf32> to vector<16xf32>
          %swap3A_855 = vector.shape_cast %broadcast_in_dim3A_850 : vector<16xf32> to vector<1x16xf32>
          tpu.vector_store %arg16[%swap3A_851, %swap3A_852], %swap3A_855 {strides = array<i32>} : memref<32x128xf32, #tpu.memory_space<vmem>>, vector<1x16xf32>,
          %broadcast_in_dim3A_856 = arith.constant 0.000000e+00 : f32
          %broadcast_in_dim3A_857 = vector.broadcast %broadcast_in_dim3A_856 : f32 to vector<16xf32>
          %swap3A_858 = arith.index_cast %scan3A_849 : i32 to index
          %swap3A_859 = arith.constant 16 : index
          %swap3A_860 = tpu.vector_load %arg16[%swap3A_858, %swap3A_859] {strides = array<i32>} : memref<32x128xf32, #tpu.memory_space<vmem>>, vector<1x16xf32>,
          %swap3A_861 = vector.shape_cast %swap3A_860 : vector<1x16xf32> to vector<16xf32>
          %swap3A_862 = vector.shape_cast %broadcast_in_dim3A_857 : vector<16xf32> to vector<1x16xf32>
          tpu.vector_store %arg16[%swap3A_858, %swap3A_859], %swap3A_862 {strides = array<i32>} : memref<32x128xf32, #tpu.memory_space<vmem>>, vector<1x16xf32>,
          %broadcast_in_dim3A_863 = arith.constant 0.000000e+00 : f32
          %broadcast_in_dim3A_864 = vector.broadcast %broadcast_in_dim3A_863 : f32 to vector<16xf32>
          %swap3A_865 = arith.index_cast %scan3A_849 : i32 to index
          %swap3A_866 = arith.constant 32 : index
          %swap3A_867 = tpu.vector_load %arg16[%swap3A_865, %swap3A_866] {strides = array<i32>} : memref<32x128xf32, #tpu.memory_space<vmem>>, vector<1x16xf32>,
          %swap3A_868 = vector.shape_cast %swap3A_867 : vector<1x16xf32> to vector<16xf32>
          %swap3A_869 = vector.shape_cast %broadcast_in_dim3A_864 : vector<16xf32> to vector<1x16xf32>
          tpu.vector_store %arg16[%swap3A_865, %swap3A_866], %swap3A_869 {strides = array<i32>} : memref<32x128xf32, #tpu.memory_space<vmem>>, vector<1x16xf32>,
          %broadcast_in_dim3A_870 = arith.constant 0.000000e+00 : f32
          %broadcast_in_dim3A_871 = vector.broadcast %broadcast_in_dim3A_870 : f32 to vector<16xf32>
          %swap3A_872 = arith.index_cast %scan3A_849 : i32 to index
          %swap3A_873 = arith.constant 48 : index
          %swap3A_874 = tpu.vector_load %arg16[%swap3A_872, %swap3A_873] {strides = array<i32>} : memref<32x128xf32, #tpu.memory_space<vmem>>, vector<1x16xf32>,
          %swap3A_875 = vector.shape_cast %swap3A_874 : vector<1x16xf32> to vector<16xf32>
          %swap3A_876 = vector.shape_cast %broadcast_in_dim3A_871 : vector<16xf32> to vector<1x16xf32>
          tpu.vector_store %arg16[%swap3A_872, %swap3A_873], %swap3A_876 {strides = array<i32>} : memref<32x128xf32, #tpu.memory_space<vmem>>, vector<1x16xf32>,
          %broadcast_in_dim3A_877 = arith.constant 0.000000e+00 : f32
          %broadcast_in_dim3A_878 = vector.broadcast %broadcast_in_dim3A_877 : f32 to vector<16xf32>
          %swap3A_879 = arith.index_cast %scan3A_849 : i32 to index
          %swap3A_880 = arith.constant 64 : index
          %swap3A_881 = tpu.vector_load %arg16[%swap3A_879, %swap3A_880] {strides = array<i32>} : memref<32x128xf32, #tpu.memory_space<vmem>>, vector<1x16xf32>,
          %swap3A_882 = vector.shape_cast %swap3A_881 : vector<1x16xf32> to vector<16xf32>
          %swap3A_883 = vector.shape_cast %broadcast_in_dim3A_878 : vector<16xf32> to vector<1x16xf32>
          tpu.vector_store %arg16[%swap3A_879, %swap3A_880], %swap3A_883 {strides = array<i32>} : memref<32x128xf32, #tpu.memory_space<vmem>>, vector<1x16xf32>,
          %broadcast_in_dim3A_884 = arith.constant 0.000000e+00 : f32
          %broadcast_in_dim3A_885 = vector.broadcast %broadcast_in_dim3A_884 : f32 to vector<16xf32>
          %swap3A_886 = arith.index_cast %scan3A_849 : i32 to index
          %swap3A_887 = arith.constant 80 : index
          %swap3A_888 = tpu.vector_load %arg16[%swap3A_886, %swap3A_887] {strides = array<i32>} : memref<32x128xf32, #tpu.memory_space<vmem>>, vector<1x16xf32>,
          %swap3A_889 = vector.shape_cast %swap3A_888 : vector<1x16xf32> to vector<16xf32>
          %swap3A_890 = vector.shape_cast %broadcast_in_dim3A_885 : vector<16xf32> to vector<1x16xf32>
          tpu.vector_store %arg16[%swap3A_886, %swap3A_887], %swap3A_890 {strides = array<i32>} : memref<32x128xf32, #tpu.memory_space<vmem>>, vector<1x16xf32>,
          %broadcast_in_dim3A_891 = arith.constant 0.000000e+00 : f32
          %broadcast_in_dim3A_892 = vector.broadcast %broadcast_in_dim3A_891 : f32 to vector<16xf32>
          %swap3A_893 = arith.index_cast %scan3A_849 : i32 to index
          %swap3A_894 = arith.constant 96 : index
          %swap3A_895 = tpu.vector_load %arg16[%swap3A_893, %swap3A_894] {strides = array<i32>} : memref<32x128xf32, #tpu.memory_space<vmem>>, vector<1x16xf32>,
          %swap3A_896 = vector.shape_cast %swap3A_895 : vector<1x16xf32> to vector<16xf32>
          %swap3A_897 = vector.shape_cast %broadcast_in_dim3A_892 : vector<16xf32> to vector<1x16xf32>
          tpu.vector_store %arg16[%swap3A_893, %swap3A_894], %swap3A_897 {strides = array<i32>} : memref<32x128xf32, #tpu.memory_space<vmem>>, vector<1x16xf32>,
          %broadcast_in_dim3A_898 = arith.constant 0.000000e+00 : f32
          %broadcast_in_dim3A_899 = vector.broadcast %broadcast_in_dim3A_898 : f32 to vector<16xf32>
          %swap3A_900 = arith.index_cast %scan3A_849 : i32 to index
          %swap3A_901 = arith.constant 112 : index
          %swap3A_902 = tpu.vector_load %arg16[%swap3A_900, %swap3A_901] {strides = array<i32>} : memref<32x128xf32, #tpu.memory_space<vmem>>, vector<1x16xf32>,
          %swap3A_903 = vector.shape_cast %swap3A_902 : vector<1x16xf32> to vector<16xf32>
          %swap3A_904 = vector.shape_cast %broadcast_in_dim3A_899 : vector<16xf32> to vector<1x16xf32>
          tpu.vector_store %arg16[%swap3A_900, %swap3A_901], %swap3A_904 {strides = array<i32>} : memref<32x128xf32, #tpu.memory_space<vmem>>, vector<1x16xf32>,
        }
        %scan3A_848 = arith.constant 32 : i32
      } else {
      }
      %mul3A_659 = arith.constant 32 : i32
      %mul3A_660 = arith.muli %mul3A_659, %select_n3A_579 : i32
      %get3A = arith.index_cast %select_n3A_563 : i32 to index
      %get3A_661 = arith.index_cast %mul3A_660 : i32 to index
      %get3A_662 = tpu.vector_load %arg9[%get3A, %get3A_661] {strides = array<i32>} : memref<80x128xi32, #tpu.memory_space<vmem>>, vector<1x16xi32>,
      %get3A_663 = vector.shape_cast %get3A_662 : vector<1x16xi32> to vector<16xi32>
      %swap3A = arith.constant 0 : index
      %swap3A_664 = tpu.vector_load %arg10[%swap3A] {strides = array<i32>} : memref<32xi32, #tpu.memory_space<vmem>>, vector<16xi32>,
      %swap3A_665 = vector.shape_cast %swap3A_664 : vector<16xi32> to vector<16xi32>
      %swap3A_666 = vector.shape_cast %get3A_663 : vector<16xi32> to vector<16xi32>
      tpu.vector_store %arg10[%swap3A], %swap3A_666 {strides = array<i32>} : memref<32xi32, #tpu.memory_space<vmem>>, vector<16xi32>,
      %mul3A_667 = arith.constant 32 : i32
      %mul3A_668 = arith.muli %mul3A_667, %select_n3A_579 : i32
      %add3A_669 = arith.constant 16 : i32
      %add3A_670 = arith.addi %mul3A_668, %add3A_669 : i32
      %get3A_671 = arith.index_cast %select_n3A_563 : i32 to index
      %get3A_672 = arith.index_cast %add3A_670 : i32 to index
      %get3A_673 = tpu.vector_load %arg9[%get3A_671, %get3A_672] {strides = array<i32>} : memref<80x128xi32, #tpu.memory_space<vmem>>, vector<1x16xi32>,
      %get3A_674 = vector.shape_cast %get3A_673 : vector<1x16xi32> to vector<16xi32>
      %swap3A_675 = arith.constant 16 : index
      %swap3A_676 = tpu.vector_load %arg10[%swap3A_675] {strides = array<i32>} : memref<32xi32, #tpu.memory_space<vmem>>, vector<16xi32>,
      %swap3A_677 = vector.shape_cast %swap3A_676 : vector<16xi32> to vector<16xi32>
      %swap3A_678 = vector.shape_cast %get3A_674 : vector<16xi32> to vector<16xi32>
      tpu.vector_store %arg10[%swap3A_675], %swap3A_678 {strides = array<i32>} : memref<32xi32, #tpu.memory_space<vmem>>, vector<16xi32>,
      %dma_start3A_679 = arith.constant 0 : i32
      %dma_start3A_680 = arith.constant 0 : i32
      %dma_start3A_681 = tpu.memref_slice %arg7[%dma_start3A_679, %dma_start3A_680] : memref<10000x128xf32, #tpu.memory_space<vmem_shared>> -> memref<10000x128xf32, #tpu.memory_space<vmem_shared>>
      tpu.enqueue_indirect_dma source(%arg16 : memref<32x128xf32, #tpu.memory_space<vmem>>) target(%dma_start3A_681 : memref<10000x128xf32, #tpu.memory_space<vmem_shared>>) offsets(%arg10 : memref<32xi32, #tpu.memory_space<vmem>>) semaphore(%arg23 : memref<!tpu.dma_semaphore, #tpu.memory_space<semaphore_mem>>) {add = true}
      %add3A_682 = arith.constant 2 : i32
      %add3A_683 = arith.addi %add3A_539, %add3A_682 : i32
      %lt3A_684 = arith.cmpi slt, %add3A_683, %mul3A_8 : i32
      %convert_element_type3A_685 = arith.extui %lt3A_684 : i1 to i32
      %cond3A_686 = arith.constant 0 : i32
      %cond3A_687 = arith.cmpi ne, %convert_element_type3A_685, %cond3A_686 : i32
      scf.if %cond3A_687 {
        %add3A_844 = arith.constant 2 : i32
        %add3A_845 = arith.addi %add3A_539, %add3A_844 : i32
        %jit3A_846 = arith.constant 4 : i32
        %div3A_847 = arith.divsi %add3A_845, %jit3A_846 : i32
        %sign3A_848 = arith.constant 0 : i32
        %sign3A_849 = arith.cmpi sgt, %add3A_845, %sign3A_848 : i32
        %sign3A_850 = arith.extui %sign3A_849 : i1 to i32
        %sign3A_851 = arith.constant 0 : i32
        %sign3A_852 = arith.cmpi slt, %add3A_845, %sign3A_851 : i32
        %sign3A_853 = arith.extui %sign3A_852 : i1 to i32
        %sign3A_854 = arith.subi %sign3A_850, %sign3A_853 : i32
        %sign3A_855 = arith.constant 0 : i32
        %sign3A_856 = arith.cmpi sgt, %jit3A_846, %sign3A_855 : i32
        %sign3A_857 = arith.extui %sign3A_856 : i1 to i32
        %sign3A_858 = arith.constant 0 : i32
        %sign3A_859 = arith.cmpi slt, %jit3A_846, %sign3A_858 : i32
        %sign3A_860 = arith.extui %sign3A_859 : i1 to i32
        %sign3A_861 = arith.subi %sign3A_857, %sign3A_860 : i32
        %ne3A_862 = arith.cmpi ne, %sign3A_854, %sign3A_861 : i32
        %rem3A_863 = arith.remsi %add3A_845, %jit3A_846 : i32
        %ne3A_864 = arith.constant 0 : i32
        %ne3A_865 = arith.cmpi ne, %rem3A_863, %ne3A_864 : i32
        %and3A_866 = arith.andi %ne3A_862, %ne3A_865 : i1
        %sub3A_867 = arith.constant 1 : i32
        %sub3A_868 = arith.subi %div3A_847, %sub3A_867 : i32
        %select_n3A_869 = arith.select %and3A_866, %sub3A_868, %div3A_847 : i32
        %jit3A_870 = arith.constant 4 : i32
        %eq3A_871 = arith.constant 0 : i32
        %eq3A_872 = arith.cmpi eq, %jit3A_870, %eq3A_871 : i32
        %jit3A_873 = arith.constant 1 : i32
        %select_n3A_874 = arith.select %eq3A_872, %jit3A_873, %jit3A_870 : i32
        %rem3A_875 = arith.remsi %add3A_845, %select_n3A_874 : i32
        %ne3A_876 = arith.constant 0 : i32
        %ne3A_877 = arith.cmpi ne, %rem3A_875, %ne3A_876 : i32
        %lt3A_878 = arith.constant 0 : i32
        %lt3A_879 = arith.cmpi slt, %rem3A_875, %lt3A_878 : i32
        %lt3A_880 = arith.constant 0 : i32
        %lt3A_881 = arith.cmpi slt, %select_n3A_874, %lt3A_880 : i32
        %ne3A_882 = arith.xori %lt3A_879, %lt3A_881 : i1
        %and3A_883 = arith.andi %ne3A_882, %ne3A_877 : i1
        %add3A_884 = arith.addi %rem3A_875, %select_n3A_874 : i32
        %select_n3A_885 = arith.select %and3A_883, %add3A_884, %rem3A_875 : i32
        %jit3A_886 = arith.constant 8 : i32
        %div3A_887 = arith.divsi %select_n3A_869, %jit3A_886 : i32
        %sign3A_888 = arith.constant 0 : i32
        %sign3A_889 = arith.cmpi sgt, %select_n3A_869, %sign3A_888 : i32
        %sign3A_890 = arith.extui %sign3A_889 : i1 to i32
        %sign3A_891 = arith.constant 0 : i32
        %sign3A_892 = arith.cmpi slt, %select_n3A_869, %sign3A_891 : i32
        %sign3A_893 = arith.extui %sign3A_892 : i1 to i32
        %sign3A_894 = arith.subi %sign3A_890, %sign3A_893 : i32
        %sign3A_895 = arith.constant 0 : i32
        %sign3A_896 = arith.cmpi sgt, %jit3A_886, %sign3A_895 : i32
        %sign3A_897 = arith.extui %sign3A_896 : i1 to i32
        %sign3A_898 = arith.constant 0 : i32
        %sign3A_899 = arith.cmpi slt, %jit3A_886, %sign3A_898 : i32
        %sign3A_900 = arith.extui %sign3A_899 : i1 to i32
        %sign3A_901 = arith.subi %sign3A_897, %sign3A_900 : i32
        %ne3A_902 = arith.cmpi ne, %sign3A_894, %sign3A_901 : i32
        %rem3A_903 = arith.remsi %select_n3A_869, %jit3A_886 : i32
        %ne3A_904 = arith.constant 0 : i32
        %ne3A_905 = arith.cmpi ne, %rem3A_903, %ne3A_904 : i32
        %and3A_906 = arith.andi %ne3A_902, %ne3A_905 : i1
        %sub3A_907 = arith.constant 1 : i32
        %sub3A_908 = arith.subi %div3A_887, %sub3A_907 : i32
        %select_n3A_909 = arith.select %and3A_906, %sub3A_908, %div3A_887 : i32
        %mul3A_910 = arith.constant 32 : i32
        %mul3A_911 = arith.muli %mul3A_910, %select_n3A_909 : i32
        %add3A_912 = arith.addi %add3A, %mul3A_911 : i32
        %mul3A_913 = arith.constant 8 : i32
        %mul3A_914 = arith.muli %mul3A_913, %add3A_912 : i32
        %jit3A_915 = arith.constant 8 : i32
        %eq3A_916 = arith.constant 0 : i32
        %eq3A_917 = arith.cmpi eq, %jit3A_915, %eq3A_916 : i32
        %jit3A_918 = arith.constant 1 : i32
        %select_n3A_919 = arith.select %eq3A_917, %jit3A_918, %jit3A_915 : i32
        %rem3A_920 = arith.remsi %select_n3A_869, %select_n3A_919 : i32
        %ne3A_921 = arith.constant 0 : i32
        %ne3A_922 = arith.cmpi ne, %rem3A_920, %ne3A_921 : i32
        %lt3A_923 = arith.constant 0 : i32
        %lt3A_924 = arith.cmpi slt, %rem3A_920, %lt3A_923 : i32
        %lt3A_925 = arith.constant 0 : i32
        %lt3A_926 = arith.cmpi slt, %select_n3A_919, %lt3A_925 : i32
        %ne3A_927 = arith.xori %lt3A_924, %lt3A_926 : i1
        %and3A_928 = arith.andi %ne3A_927, %ne3A_922 : i1
        %add3A_929 = arith.addi %rem3A_920, %select_n3A_919 : i32
        %select_n3A_930 = arith.select %and3A_928, %add3A_929, %rem3A_920 : i32
        %add3A_931 = arith.addi %mul3A_914, %select_n3A_930 : i32
        %mul3A_932 = arith.constant 32 : i32
        %mul3A_933 = arith.muli %mul3A_932, %select_n3A_885 : i32
        %dma_start3A_934 = tpu.memref_slice %arg8[%select_n3A_869, %mul3A_933] : memref<80x128xi32, #tpu.memory_space<vmem>> -> memref<1x32xi32, #tpu.memory_space<vmem>>
        %dma_start3A_935 = tpu.memref_squeeze %dma_start3A_934 : memref<1x32xi32, #tpu.memory_space<vmem>> -> memref<32xi32, #tpu.memory_space<vmem>>
        %dma_start3A_936 = arith.constant 0 : i32
        %dma_start3A_937 = arith.constant 0 : i32
        %dma_start3A_938 = tpu.memref_slice %arg2[%dma_start3A_936, %dma_start3A_937] : memref<10000x128xf32, #tpu.memory_space<hbm>> -> memref<10000x128xf32, #tpu.memory_space<hbm>>
        tpu.enqueue_indirect_dma source(%dma_start3A_938 : memref<10000x128xf32, #tpu.memory_space<hbm>>) target(%arg12 : memref<32x128xf32, #tpu.memory_space<vmem>>) offsets(%dma_start3A_935 : memref<32xi32, #tpu.memory_space<vmem>>) semaphore(%arg19 : memref<!tpu.dma_semaphore, #tpu.memory_space<semaphore_mem>>)
        %lt3A_939 = arith.constant 2500 : i32
        %lt3A_940 = arith.cmpi slt, %add3A_931, %lt3A_939 : i32
        %jit3A_941 = arith.constant 0 : i32
        %select_n3A_942 = arith.select %lt3A_940, %add3A_931, %jit3A_941 : i32
        %mul3A_943 = arith.constant 128 : i32
        %mul3A_944 = arith.muli %select_n3A_942, %mul3A_943 : i32
        %mul3A_945 = arith.constant 32 : i32
        %mul3A_946 = arith.muli %mul3A_945, %select_n3A_885 : i32
        %add3A_947 = arith.addi %mul3A_944, %mul3A_946 : i32
        %dma_start3A_948 = arith.constant 0 : i32
        %dma_start3A_949 = tpu.memref_slice %arg3[%add3A_947, %dma_start3A_948] : memref<320000x128xf32, #tpu.memory_space<hbm>> -> memref<32x128xf32, #tpu.memory_space<hbm>>
        %dma_start3A_950 = arith.constant 0 : i32
        %dma_start3A_951 = tpu.memref_slice %arg3[%add3A_947, %dma_start3A_950] : memref<320000x128xf32, #tpu.memory_space<hbm>> -> memref<32x128xf32, #tpu.memory_space<hbm>>
        tpu.enqueue_dma source(%dma_start3A_951 : memref<32x128xf32, #tpu.memory_space<hbm>>) target(%arg14 : memref<32x128xf32, #tpu.memory_space<vmem>>) target_semaphore(%arg21 : memref<!tpu.dma_semaphore, #tpu.memory_space<semaphore_mem>>)
      } else {
      }
      %mul3A_688 = arith.constant 2 : i32
      %mul3A_689 = arith.muli %mul3A_688, %while3A_535 : i32
      %add3A_690 = arith.constant 1 : i32
      %add3A_691 = arith.addi %mul3A_689, %add3A_690 : i32
      %jit3A_692 = arith.constant 4 : i32
      %div3A_693 = arith.divsi %add3A_691, %jit3A_692 : i32
      %sign3A_694 = arith.constant 0 : i32
      %sign3A_695 = arith.cmpi sgt, %add3A_691, %sign3A_694 : i32
      %sign3A_696 = arith.extui %sign3A_695 : i1 to i32
      %sign3A_697 = arith.constant 0 : i32
      %sign3A_698 = arith.cmpi slt, %add3A_691, %sign3A_697 : i32
      %sign3A_699 = arith.extui %sign3A_698 : i1 to i32
      %sign3A_700 = arith.subi %sign3A_696, %sign3A_699 : i32
      %sign3A_701 = arith.constant 0 : i32
      %sign3A_702 = arith.cmpi sgt, %jit3A_692, %sign3A_701 : i32
      %sign3A_703 = arith.extui %sign3A_702 : i1 to i32
      %sign3A_704 = arith.constant 0 : i32
      %sign3A_705 = arith.cmpi slt, %jit3A_692, %sign3A_704 : i32
      %sign3A_706 = arith.extui %sign3A_705 : i1 to i32
      %sign3A_707 = arith.subi %sign3A_703, %sign3A_706 : i32
      %ne3A_708 = arith.cmpi ne, %sign3A_700, %sign3A_707 : i32
      %rem3A_709 = arith.remsi %add3A_691, %jit3A_692 : i32
      %ne3A_710 = arith.constant 0 : i32
      %ne3A_711 = arith.cmpi ne, %rem3A_709, %ne3A_710 : i32
      %and3A_712 = arith.andi %ne3A_708, %ne3A_711 : i1
      %sub3A_713 = arith.constant 1 : i32
      %sub3A_714 = arith.subi %div3A_693, %sub3A_713 : i32
      %select_n3A_715 = arith.select %and3A_712, %sub3A_714, %div3A_693 : i32
      %jit3A_716 = arith.constant 4 : i32
      %eq3A_717 = arith.constant 0 : i32
      %eq3A_718 = arith.cmpi eq, %jit3A_716, %eq3A_717 : i32
      %jit3A_719 = arith.constant 1 : i32
      %select_n3A_720 = arith.select %eq3A_718, %jit3A_719, %jit3A_716 : i32
      %rem3A_721 = arith.remsi %add3A_691, %select_n3A_720 : i32
      %ne3A_722 = arith.constant 0 : i32
      %ne3A_723 = arith.cmpi ne, %rem3A_721, %ne3A_722 : i32
      %lt3A_724 = arith.constant 0 : i32
      %lt3A_725 = arith.cmpi slt, %rem3A_721, %lt3A_724 : i32
      %lt3A_726 = arith.constant 0 : i32
      %lt3A_727 = arith.cmpi slt, %select_n3A_720, %lt3A_726 : i32
      %ne3A_728 = arith.xori %lt3A_725, %lt3A_727 : i1
      %and3A_729 = arith.andi %ne3A_728, %ne3A_723 : i1
      %add3A_730 = arith.addi %rem3A_721, %select_n3A_720 : i32
      %select_n3A_731 = arith.select %and3A_729, %add3A_730, %rem3A_721 : i32
      %jit3A_732 = arith.constant 8 : i32
      %div3A_733 = arith.divsi %select_n3A_715, %jit3A_732 : i32
      %sign3A_734 = arith.constant 0 : i32
      %sign3A_735 = arith.cmpi sgt, %select_n3A_715, %sign3A_734 : i32
      %sign3A_736 = arith.extui %sign3A_735 : i1 to i32
      %sign3A_737 = arith.constant 0 : i32
      %sign3A_738 = arith.cmpi slt, %select_n3A_715, %sign3A_737 : i32
      %sign3A_739 = arith.extui %sign3A_738 : i1 to i32
      %sign3A_740 = arith.subi %sign3A_736, %sign3A_739 : i32
      %sign3A_741 = arith.constant 0 : i32
      %sign3A_742 = arith.cmpi sgt, %jit3A_732, %sign3A_741 : i32
      %sign3A_743 = arith.extui %sign3A_742 : i1 to i32
      %sign3A_744 = arith.constant 0 : i32
      %sign3A_745 = arith.cmpi slt, %jit3A_732, %sign3A_744 : i32
      %sign3A_746 = arith.extui %sign3A_745 : i1 to i32
      %sign3A_747 = arith.subi %sign3A_743, %sign3A_746 : i32
      %ne3A_748 = arith.cmpi ne, %sign3A_740, %sign3A_747 : i32
      %rem3A_749 = arith.remsi %select_n3A_715, %jit3A_732 : i32
      %ne3A_750 = arith.constant 0 : i32
      %ne3A_751 = arith.cmpi ne, %rem3A_749, %ne3A_750 : i32
      %and3A_752 = arith.andi %ne3A_748, %ne3A_751 : i1
      %sub3A_753 = arith.constant 1 : i32
      %sub3A_754 = arith.subi %div3A_733, %sub3A_753 : i32
      %select_n3A_755 = arith.select %and3A_752, %sub3A_754, %div3A_733 : i32
      %mul3A_756 = arith.constant 32 : i32
      %mul3A_757 = arith.muli %mul3A_756, %select_n3A_755 : i32
      %add3A_758 = arith.addi %add3A, %mul3A_757 : i32
      %mul3A_759 = arith.constant 8 : i32
      %mul3A_760 = arith.muli %mul3A_759, %add3A_758 : i32
      %jit3A_761 = arith.constant 8 : i32
      %eq3A_762 = arith.constant 0 : i32
      %eq3A_763 = arith.cmpi eq, %jit3A_761, %eq3A_762 : i32
      %jit3A_764 = arith.constant 1 : i32
      %select_n3A_765 = arith.select %eq3A_763, %jit3A_764, %jit3A_761 : i32
      %rem3A_766 = arith.remsi %select_n3A_715, %select_n3A_765 : i32
      %ne3A_767 = arith.constant 0 : i32
      %ne3A_768 = arith.cmpi ne, %rem3A_766, %ne3A_767 : i32
      %lt3A_769 = arith.constant 0 : i32
      %lt3A_770 = arith.cmpi slt, %rem3A_766, %lt3A_769 : i32
      %lt3A_771 = arith.constant 0 : i32
      %lt3A_772 = arith.cmpi slt, %select_n3A_765, %lt3A_771 : i32
      %ne3A_773 = arith.xori %lt3A_770, %lt3A_772 : i1
      %and3A_774 = arith.andi %ne3A_773, %ne3A_768 : i1
      %add3A_775 = arith.addi %rem3A_766, %select_n3A_765 : i32
      %select_n3A_776 = arith.select %and3A_774, %add3A_775, %rem3A_766 : i32
      %add3A_777 = arith.addi %mul3A_760, %select_n3A_776 : i32
      %mul3A_778 = arith.constant 32 : i32
      %mul3A_779 = arith.muli %mul3A_778, %select_n3A_731 : i32
      %dma_wait3A_780 = tpu.memref_slice %arg8[%select_n3A_715, %mul3A_779] : memref<80x128xi32, #tpu.memory_space<vmem>> -> memref<1x32xi32, #tpu.memory_space<vmem>>
      %dma_wait3A_781 = tpu.memref_squeeze %dma_wait3A_780 : memref<1x32xi32, #tpu.memory_space<vmem>> -> memref<32xi32, #tpu.memory_space<vmem>>
      %dma_wait3A_782 = arith.constant 0 : i32
      %dma_wait3A_783 = arith.constant 0 : i32
      %dma_wait3A_784 = tpu.memref_slice %arg2[%dma_wait3A_782, %dma_wait3A_783] : memref<10000x128xf32, #tpu.memory_space<hbm>> -> memref<10000x128xf32, #tpu.memory_space<hbm>>
      tpu.wait_indirect_dma semaphore(%arg20 : memref<!tpu.dma_semaphore, #tpu.memory_space<semaphore_mem>>) src(%dma_wait3A_784 : memref<10000x128xf32, #tpu.memory_space<hbm>>) dst(%arg13 : memref<32x128xf32, #tpu.memory_space<vmem>>)
      %lt3A_785 = arith.constant 2500 : i32
      %lt3A_786 = arith.cmpi slt, %add3A_777, %lt3A_785 : i32
      %jit3A_787 = arith.constant 0 : i32
      %select_n3A_788 = arith.select %lt3A_786, %add3A_777, %jit3A_787 : i32
      %mul3A_789 = arith.constant 128 : i32
      %mul3A_790 = arith.muli %select_n3A_788, %mul3A_789 : i32
      %mul3A_791 = arith.constant 32 : i32
      %mul3A_792 = arith.muli %mul3A_791, %select_n3A_731 : i32
      %add3A_793 = arith.addi %mul3A_790, %mul3A_792 : i32
      %dma_wait3A_794 = arith.constant 0 : i32
      %dma_wait3A_795 = tpu.memref_slice %arg3[%add3A_793, %dma_wait3A_794] : memref<320000x128xf32, #tpu.memory_space<hbm>> -> memref<32x128xf32, #tpu.memory_space<hbm>>
      %dma_wait3A_796 = arith.constant 0 : i32
      %dma_wait3A_797 = tpu.memref_slice %arg3[%add3A_793, %dma_wait3A_796] : memref<320000x128xf32, #tpu.memory_space<hbm>> -> memref<32x128xf32, #tpu.memory_space<hbm>>
      tpu.wait_dma2 semaphore(%arg22 : memref<!tpu.dma_semaphore, #tpu.memory_space<semaphore_mem>>) src(%dma_wait3A_797 : memref<32x128xf32, #tpu.memory_space<hbm>>) dst(%arg15 : memref<32x128xf32, #tpu.memory_space<vmem>>)
      %ge3A_798 = arith.constant 1 : i32
      %ge3A_799 = arith.cmpi sge, %while3A_535, %ge3A_798 : i32
      %convert_element_type3A_800 = arith.extui %ge3A_799 : i1 to i32
      %cond3A_801 = arith.constant 0 : i32
      %cond3A_802 = arith.cmpi ne, %convert_element_type3A_800, %cond3A_801 : i32
      scf.if %cond3A_802 {
        %dma_wait3A_844 = arith.constant 0 : i32
        %dma_wait3A_845 = arith.constant 0 : i32
        %dma_wait3A_846 = tpu.memref_slice %arg7[%dma_wait3A_844, %dma_wait3A_845] : memref<10000x128xf32, #tpu.memory_space<vmem_shared>> -> memref<10000x128xf32, #tpu.memory_space<vmem_shared>>
        tpu.wait_indirect_dma semaphore(%arg24 : memref<!tpu.dma_semaphore, #tpu.memory_space<semaphore_mem>>) src(%arg17 : memref<32x128xf32, #tpu.memory_space<vmem>>) dst(%dma_wait3A_846 : memref<10000x128xf32, #tpu.memory_space<vmem_shared>>)
      } else {
      }
      %ge3A_803 = arith.constant 2500 : i32
      %ge3A_804 = arith.cmpi sge, %add3A_777, %ge3A_803 : i32
      %not3A_805 = arith.constant true
      %not3A_806 = arith.xori %ge3A_804, %not3A_805 : i1
      %convert_element_type3A_807 = arith.extui %not3A_806 : i1 to i32
      %cond3A_808 = arith.constant 0 : i32
      %cond3A_809 = arith.cmpi ne, %convert_element_type3A_807, %cond3A_808 : i32
      scf.if %cond3A_809 {
        %scan3A = arith.constant 0 : i32
        %scan3A_844 = arith.constant 0 : i32
        %scan3A_845 = arith.constant 32 : i32
        %scan3A_846 = arith.addi %scan3A_844, %scan3A_845 : i32
        %scan3A_847 = arith.constant 1 : i32
        scf.for %scan3A_849 = %scan3A_844 to %scan3A_846 step %scan3A_847  : i32 {
          %get3A_850 = arith.index_cast %scan3A_849 : i32 to index
          %get3A_851 = arith.constant 0 : index
          %get3A_852 = tpu.vector_load %arg13[%get3A_850, %get3A_851] {strides = array<i32>} : memref<32x128xf32, #tpu.memory_space<vmem>>, vector<1x16xf32>,
          %get3A_853 = vector.shape_cast %get3A_852 : vector<1x16xf32> to vector<16xf32>
          %get3A_854 = arith.index_cast %scan3A_849 : i32 to index
          %get3A_855 = arith.constant 0 : index
          %get3A_856 = tpu.vector_load %arg15[%get3A_854, %get3A_855] {strides = array<i32>} : memref<32x128xf32, #tpu.memory_space<vmem>>, vector<1x16xf32>,
          %get3A_857 = vector.shape_cast %get3A_856 : vector<1x16xf32> to vector<16xf32>
          %add3A_858 = arith.addf %get3A_853, %get3A_857 : vector<16xf32>
          %max3A = arith.constant 0.000000e+00 : f32
          %max3A_859 = vector.broadcast %max3A : f32 to vector<16xf32>
          %max3A_860 = arith.maximumf %add3A_858, %max3A_859 : vector<16xf32>
          %swap3A_861 = arith.index_cast %scan3A_849 : i32 to index
          %swap3A_862 = arith.constant 0 : index
          %swap3A_863 = tpu.vector_load %arg17[%swap3A_861, %swap3A_862] {strides = array<i32>} : memref<32x128xf32, #tpu.memory_space<vmem>>, vector<1x16xf32>,
          %swap3A_864 = vector.shape_cast %swap3A_863 : vector<1x16xf32> to vector<16xf32>
          %swap3A_865 = vector.shape_cast %max3A_860 : vector<16xf32> to vector<1x16xf32>
          tpu.vector_store %arg17[%swap3A_861, %swap3A_862], %swap3A_865 {strides = array<i32>} : memref<32x128xf32, #tpu.memory_space<vmem>>, vector<1x16xf32>,
          %get3A_866 = arith.index_cast %scan3A_849 : i32 to index
          %get3A_867 = arith.constant 16 : index
          %get3A_868 = tpu.vector_load %arg13[%get3A_866, %get3A_867] {strides = array<i32>} : memref<32x128xf32, #tpu.memory_space<vmem>>, vector<1x16xf32>,
          %get3A_869 = vector.shape_cast %get3A_868 : vector<1x16xf32> to vector<16xf32>
          %get3A_870 = arith.index_cast %scan3A_849 : i32 to index
          %get3A_871 = arith.constant 16 : index
          %get3A_872 = tpu.vector_load %arg15[%get3A_870, %get3A_871] {strides = array<i32>} : memref<32x128xf32, #tpu.memory_space<vmem>>, vector<1x16xf32>,
          %get3A_873 = vector.shape_cast %get3A_872 : vector<1x16xf32> to vector<16xf32>
          %add3A_874 = arith.addf %get3A_869, %get3A_873 : vector<16xf32>
          %max3A_875 = arith.constant 0.000000e+00 : f32
          %max3A_876 = vector.broadcast %max3A_875 : f32 to vector<16xf32>
          %max3A_877 = arith.maximumf %add3A_874, %max3A_876 : vector<16xf32>
          %swap3A_878 = arith.index_cast %scan3A_849 : i32 to index
          %swap3A_879 = arith.constant 16 : index
          %swap3A_880 = tpu.vector_load %arg17[%swap3A_878, %swap3A_879] {strides = array<i32>} : memref<32x128xf32, #tpu.memory_space<vmem>>, vector<1x16xf32>,
          %swap3A_881 = vector.shape_cast %swap3A_880 : vector<1x16xf32> to vector<16xf32>
          %swap3A_882 = vector.shape_cast %max3A_877 : vector<16xf32> to vector<1x16xf32>
          tpu.vector_store %arg17[%swap3A_878, %swap3A_879], %swap3A_882 {strides = array<i32>} : memref<32x128xf32, #tpu.memory_space<vmem>>, vector<1x16xf32>,
          %get3A_883 = arith.index_cast %scan3A_849 : i32 to index
          %get3A_884 = arith.constant 32 : index
          %get3A_885 = tpu.vector_load %arg13[%get3A_883, %get3A_884] {strides = array<i32>} : memref<32x128xf32, #tpu.memory_space<vmem>>, vector<1x16xf32>,
          %get3A_886 = vector.shape_cast %get3A_885 : vector<1x16xf32> to vector<16xf32>
          %get3A_887 = arith.index_cast %scan3A_849 : i32 to index
          %get3A_888 = arith.constant 32 : index
          %get3A_889 = tpu.vector_load %arg15[%get3A_887, %get3A_888] {strides = array<i32>} : memref<32x128xf32, #tpu.memory_space<vmem>>, vector<1x16xf32>,
          %get3A_890 = vector.shape_cast %get3A_889 : vector<1x16xf32> to vector<16xf32>
          %add3A_891 = arith.addf %get3A_886, %get3A_890 : vector<16xf32>
          %max3A_892 = arith.constant 0.000000e+00 : f32
          %max3A_893 = vector.broadcast %max3A_892 : f32 to vector<16xf32>
          %max3A_894 = arith.maximumf %add3A_891, %max3A_893 : vector<16xf32>
          %swap3A_895 = arith.index_cast %scan3A_849 : i32 to index
          %swap3A_896 = arith.constant 32 : index
          %swap3A_897 = tpu.vector_load %arg17[%swap3A_895, %swap3A_896] {strides = array<i32>} : memref<32x128xf32, #tpu.memory_space<vmem>>, vector<1x16xf32>,
          %swap3A_898 = vector.shape_cast %swap3A_897 : vector<1x16xf32> to vector<16xf32>
          %swap3A_899 = vector.shape_cast %max3A_894 : vector<16xf32> to vector<1x16xf32>
          tpu.vector_store %arg17[%swap3A_895, %swap3A_896], %swap3A_899 {strides = array<i32>} : memref<32x128xf32, #tpu.memory_space<vmem>>, vector<1x16xf32>,
          %get3A_900 = arith.index_cast %scan3A_849 : i32 to index
          %get3A_901 = arith.constant 48 : index
          %get3A_902 = tpu.vector_load %arg13[%get3A_900, %get3A_901] {strides = array<i32>} : memref<32x128xf32, #tpu.memory_space<vmem>>, vector<1x16xf32>,
          %get3A_903 = vector.shape_cast %get3A_902 : vector<1x16xf32> to vector<16xf32>
          %get3A_904 = arith.index_cast %scan3A_849 : i32 to index
          %get3A_905 = arith.constant 48 : index
          %get3A_906 = tpu.vector_load %arg15[%get3A_904, %get3A_905] {strides = array<i32>} : memref<32x128xf32, #tpu.memory_space<vmem>>, vector<1x16xf32>,
          %get3A_907 = vector.shape_cast %get3A_906 : vector<1x16xf32> to vector<16xf32>
          %add3A_908 = arith.addf %get3A_903, %get3A_907 : vector<16xf32>
          %max3A_909 = arith.constant 0.000000e+00 : f32
          %max3A_910 = vector.broadcast %max3A_909 : f32 to vector<16xf32>
          %max3A_911 = arith.maximumf %add3A_908, %max3A_910 : vector<16xf32>
          %swap3A_912 = arith.index_cast %scan3A_849 : i32 to index
          %swap3A_913 = arith.constant 48 : index
          %swap3A_914 = tpu.vector_load %arg17[%swap3A_912, %swap3A_913] {strides = array<i32>} : memref<32x128xf32, #tpu.memory_space<vmem>>, vector<1x16xf32>,
          %swap3A_915 = vector.shape_cast %swap3A_914 : vector<1x16xf32> to vector<16xf32>
          %swap3A_916 = vector.shape_cast %max3A_911 : vector<16xf32> to vector<1x16xf32>
          tpu.vector_store %arg17[%swap3A_912, %swap3A_913], %swap3A_916 {strides = array<i32>} : memref<32x128xf32, #tpu.memory_space<vmem>>, vector<1x16xf32>,
          %get3A_917 = arith.index_cast %scan3A_849 : i32 to index
          %get3A_918 = arith.constant 64 : index
          %get3A_919 = tpu.vector_load %arg13[%get3A_917, %get3A_918] {strides = array<i32>} : memref<32x128xf32, #tpu.memory_space<vmem>>, vector<1x16xf32>,
          %get3A_920 = vector.shape_cast %get3A_919 : vector<1x16xf32> to vector<16xf32>
          %get3A_921 = arith.index_cast %scan3A_849 : i32 to index
          %get3A_922 = arith.constant 64 : index
          %get3A_923 = tpu.vector_load %arg15[%get3A_921, %get3A_922] {strides = array<i32>} : memref<32x128xf32, #tpu.memory_space<vmem>>, vector<1x16xf32>,
          %get3A_924 = vector.shape_cast %get3A_923 : vector<1x16xf32> to vector<16xf32>
          %add3A_925 = arith.addf %get3A_920, %get3A_924 : vector<16xf32>
          %max3A_926 = arith.constant 0.000000e+00 : f32
          %max3A_927 = vector.broadcast %max3A_926 : f32 to vector<16xf32>
          %max3A_928 = arith.maximumf %add3A_925, %max3A_927 : vector<16xf32>
          %swap3A_929 = arith.index_cast %scan3A_849 : i32 to index
          %swap3A_930 = arith.constant 64 : index
          %swap3A_931 = tpu.vector_load %arg17[%swap3A_929, %swap3A_930] {strides = array<i32>} : memref<32x128xf32, #tpu.memory_space<vmem>>, vector<1x16xf32>,
          %swap3A_932 = vector.shape_cast %swap3A_931 : vector<1x16xf32> to vector<16xf32>
          %swap3A_933 = vector.shape_cast %max3A_928 : vector<16xf32> to vector<1x16xf32>
          tpu.vector_store %arg17[%swap3A_929, %swap3A_930], %swap3A_933 {strides = array<i32>} : memref<32x128xf32, #tpu.memory_space<vmem>>, vector<1x16xf32>,
          %get3A_934 = arith.index_cast %scan3A_849 : i32 to index
          %get3A_935 = arith.constant 80 : index
          %get3A_936 = tpu.vector_load %arg13[%get3A_934, %get3A_935] {strides = array<i32>} : memref<32x128xf32, #tpu.memory_space<vmem>>, vector<1x16xf32>,
          %get3A_937 = vector.shape_cast %get3A_936 : vector<1x16xf32> to vector<16xf32>
          %get3A_938 = arith.index_cast %scan3A_849 : i32 to index
          %get3A_939 = arith.constant 80 : index
          %get3A_940 = tpu.vector_load %arg15[%get3A_938, %get3A_939] {strides = array<i32>} : memref<32x128xf32, #tpu.memory_space<vmem>>, vector<1x16xf32>,
          %get3A_941 = vector.shape_cast %get3A_940 : vector<1x16xf32> to vector<16xf32>
          %add3A_942 = arith.addf %get3A_937, %get3A_941 : vector<16xf32>
          %max3A_943 = arith.constant 0.000000e+00 : f32
          %max3A_944 = vector.broadcast %max3A_943 : f32 to vector<16xf32>
          %max3A_945 = arith.maximumf %add3A_942, %max3A_944 : vector<16xf32>
          %swap3A_946 = arith.index_cast %scan3A_849 : i32 to index
          %swap3A_947 = arith.constant 80 : index
          %swap3A_948 = tpu.vector_load %arg17[%swap3A_946, %swap3A_947] {strides = array<i32>} : memref<32x128xf32, #tpu.memory_space<vmem>>, vector<1x16xf32>,
          %swap3A_949 = vector.shape_cast %swap3A_948 : vector<1x16xf32> to vector<16xf32>
          %swap3A_950 = vector.shape_cast %max3A_945 : vector<16xf32> to vector<1x16xf32>
          tpu.vector_store %arg17[%swap3A_946, %swap3A_947], %swap3A_950 {strides = array<i32>} : memref<32x128xf32, #tpu.memory_space<vmem>>, vector<1x16xf32>,
          %get3A_951 = arith.index_cast %scan3A_849 : i32 to index
          %get3A_952 = arith.constant 96 : index
          %get3A_953 = tpu.vector_load %arg13[%get3A_951, %get3A_952] {strides = array<i32>} : memref<32x128xf32, #tpu.memory_space<vmem>>, vector<1x16xf32>,
          %get3A_954 = vector.shape_cast %get3A_953 : vector<1x16xf32> to vector<16xf32>
          %get3A_955 = arith.index_cast %scan3A_849 : i32 to index
          %get3A_956 = arith.constant 96 : index
          %get3A_957 = tpu.vector_load %arg15[%get3A_955, %get3A_956] {strides = array<i32>} : memref<32x128xf32, #tpu.memory_space<vmem>>, vector<1x16xf32>,
          %get3A_958 = vector.shape_cast %get3A_957 : vector<1x16xf32> to vector<16xf32>
          %add3A_959 = arith.addf %get3A_954, %get3A_958 : vector<16xf32>
          %max3A_960 = arith.constant 0.000000e+00 : f32
          %max3A_961 = vector.broadcast %max3A_960 : f32 to vector<16xf32>
          %max3A_962 = arith.maximumf %add3A_959, %max3A_961 : vector<16xf32>
          %swap3A_963 = arith.index_cast %scan3A_849 : i32 to index
          %swap3A_964 = arith.constant 96 : index
          %swap3A_965 = tpu.vector_load %arg17[%swap3A_963, %swap3A_964] {strides = array<i32>} : memref<32x128xf32, #tpu.memory_space<vmem>>, vector<1x16xf32>,
          %swap3A_966 = vector.shape_cast %swap3A_965 : vector<1x16xf32> to vector<16xf32>
          %swap3A_967 = vector.shape_cast %max3A_962 : vector<16xf32> to vector<1x16xf32>
          tpu.vector_store %arg17[%swap3A_963, %swap3A_964], %swap3A_967 {strides = array<i32>} : memref<32x128xf32, #tpu.memory_space<vmem>>, vector<1x16xf32>,
          %get3A_968 = arith.index_cast %scan3A_849 : i32 to index
          %get3A_969 = arith.constant 112 : index
          %get3A_970 = tpu.vector_load %arg13[%get3A_968, %get3A_969] {strides = array<i32>} : memref<32x128xf32, #tpu.memory_space<vmem>>, vector<1x16xf32>,
          %get3A_971 = vector.shape_cast %get3A_970 : vector<1x16xf32> to vector<16xf32>
          %get3A_972 = arith.index_cast %scan3A_849 : i32 to index
          %get3A_973 = arith.constant 112 : index
          %get3A_974 = tpu.vector_load %arg15[%get3A_972, %get3A_973] {strides = array<i32>} : memref<32x128xf32, #tpu.memory_space<vmem>>, vector<1x16xf32>,
          %get3A_975 = vector.shape_cast %get3A_974 : vector<1x16xf32> to vector<16xf32>
          %add3A_976 = arith.addf %get3A_971, %get3A_975 : vector<16xf32>
          %max3A_977 = arith.constant 0.000000e+00 : f32
          %max3A_978 = vector.broadcast %max3A_977 : f32 to vector<16xf32>
          %max3A_979 = arith.maximumf %add3A_976, %max3A_978 : vector<16xf32>
          %swap3A_980 = arith.index_cast %scan3A_849 : i32 to index
          %swap3A_981 = arith.constant 112 : index
          %swap3A_982 = tpu.vector_load %arg17[%swap3A_980, %swap3A_981] {strides = array<i32>} : memref<32x128xf32, #tpu.memory_space<vmem>>, vector<1x16xf32>,
          %swap3A_983 = vector.shape_cast %swap3A_982 : vector<1x16xf32> to vector<16xf32>
          %swap3A_984 = vector.shape_cast %max3A_979 : vector<16xf32> to vector<1x16xf32>
          tpu.vector_store %arg17[%swap3A_980, %swap3A_981], %swap3A_984 {strides = array<i32>} : memref<32x128xf32, #tpu.memory_space<vmem>>, vector<1x16xf32>,
        }
        %scan3A_848 = arith.constant 32 : i32
      } else {
      }
      %convert_element_type3A_810 = arith.extui %ge3A_804 : i1 to i32
      %cond3A_811 = arith.constant 0 : i32
      %cond3A_812 = arith.cmpi ne, %convert_element_type3A_810, %cond3A_811 : i32
      scf.if %cond3A_812 {
        %scan3A = arith.constant 0 : i32
        %scan3A_844 = arith.constant 0 : i32
        %scan3A_845 = arith.constant 32 : i32
        %scan3A_846 = arith.addi %scan3A_844, %scan3A_845 : i32
        %scan3A_847 = arith.constant 1 : i32
        scf.for %scan3A_849 = %scan3A_844 to %scan3A_846 step %scan3A_847  : i32 {
          %broadcast_in_dim3A = arith.constant 0.000000e+00 : f32
          %broadcast_in_dim3A_850 = vector.broadcast %broadcast_in_dim3A : f32 to vector<16xf32>
          %swap3A_851 = arith.index_cast %scan3A_849 : i32 to index
          %swap3A_852 = arith.constant 0 : index
          %swap3A_853 = tpu.vector_load %arg17[%swap3A_851, %swap3A_852] {strides = array<i32>} : memref<32x128xf32, #tpu.memory_space<vmem>>, vector<1x16xf32>,
          %swap3A_854 = vector.shape_cast %swap3A_853 : vector<1x16xf32> to vector<16xf32>
          %swap3A_855 = vector.shape_cast %broadcast_in_dim3A_850 : vector<16xf32> to vector<1x16xf32>
          tpu.vector_store %arg17[%swap3A_851, %swap3A_852], %swap3A_855 {strides = array<i32>} : memref<32x128xf32, #tpu.memory_space<vmem>>, vector<1x16xf32>,
          %broadcast_in_dim3A_856 = arith.constant 0.000000e+00 : f32
          %broadcast_in_dim3A_857 = vector.broadcast %broadcast_in_dim3A_856 : f32 to vector<16xf32>
          %swap3A_858 = arith.index_cast %scan3A_849 : i32 to index
          %swap3A_859 = arith.constant 16 : index
          %swap3A_860 = tpu.vector_load %arg17[%swap3A_858, %swap3A_859] {strides = array<i32>} : memref<32x128xf32, #tpu.memory_space<vmem>>, vector<1x16xf32>,
          %swap3A_861 = vector.shape_cast %swap3A_860 : vector<1x16xf32> to vector<16xf32>
          %swap3A_862 = vector.shape_cast %broadcast_in_dim3A_857 : vector<16xf32> to vector<1x16xf32>
          tpu.vector_store %arg17[%swap3A_858, %swap3A_859], %swap3A_862 {strides = array<i32>} : memref<32x128xf32, #tpu.memory_space<vmem>>, vector<1x16xf32>,
          %broadcast_in_dim3A_863 = arith.constant 0.000000e+00 : f32
          %broadcast_in_dim3A_864 = vector.broadcast %broadcast_in_dim3A_863 : f32 to vector<16xf32>
          %swap3A_865 = arith.index_cast %scan3A_849 : i32 to index
          %swap3A_866 = arith.constant 32 : index
          %swap3A_867 = tpu.vector_load %arg17[%swap3A_865, %swap3A_866] {strides = array<i32>} : memref<32x128xf32, #tpu.memory_space<vmem>>, vector<1x16xf32>,
          %swap3A_868 = vector.shape_cast %swap3A_867 : vector<1x16xf32> to vector<16xf32>
          %swap3A_869 = vector.shape_cast %broadcast_in_dim3A_864 : vector<16xf32> to vector<1x16xf32>
          tpu.vector_store %arg17[%swap3A_865, %swap3A_866], %swap3A_869 {strides = array<i32>} : memref<32x128xf32, #tpu.memory_space<vmem>>, vector<1x16xf32>,
          %broadcast_in_dim3A_870 = arith.constant 0.000000e+00 : f32
          %broadcast_in_dim3A_871 = vector.broadcast %broadcast_in_dim3A_870 : f32 to vector<16xf32>
          %swap3A_872 = arith.index_cast %scan3A_849 : i32 to index
          %swap3A_873 = arith.constant 48 : index
          %swap3A_874 = tpu.vector_load %arg17[%swap3A_872, %swap3A_873] {strides = array<i32>} : memref<32x128xf32, #tpu.memory_space<vmem>>, vector<1x16xf32>,
          %swap3A_875 = vector.shape_cast %swap3A_874 : vector<1x16xf32> to vector<16xf32>
          %swap3A_876 = vector.shape_cast %broadcast_in_dim3A_871 : vector<16xf32> to vector<1x16xf32>
          tpu.vector_store %arg17[%swap3A_872, %swap3A_873], %swap3A_876 {strides = array<i32>} : memref<32x128xf32, #tpu.memory_space<vmem>>, vector<1x16xf32>,
          %broadcast_in_dim3A_877 = arith.constant 0.000000e+00 : f32
          %broadcast_in_dim3A_878 = vector.broadcast %broadcast_in_dim3A_877 : f32 to vector<16xf32>
          %swap3A_879 = arith.index_cast %scan3A_849 : i32 to index
          %swap3A_880 = arith.constant 64 : index
          %swap3A_881 = tpu.vector_load %arg17[%swap3A_879, %swap3A_880] {strides = array<i32>} : memref<32x128xf32, #tpu.memory_space<vmem>>, vector<1x16xf32>,
          %swap3A_882 = vector.shape_cast %swap3A_881 : vector<1x16xf32> to vector<16xf32>
          %swap3A_883 = vector.shape_cast %broadcast_in_dim3A_878 : vector<16xf32> to vector<1x16xf32>
          tpu.vector_store %arg17[%swap3A_879, %swap3A_880], %swap3A_883 {strides = array<i32>} : memref<32x128xf32, #tpu.memory_space<vmem>>, vector<1x16xf32>,
          %broadcast_in_dim3A_884 = arith.constant 0.000000e+00 : f32
          %broadcast_in_dim3A_885 = vector.broadcast %broadcast_in_dim3A_884 : f32 to vector<16xf32>
          %swap3A_886 = arith.index_cast %scan3A_849 : i32 to index
          %swap3A_887 = arith.constant 80 : index
          %swap3A_888 = tpu.vector_load %arg17[%swap3A_886, %swap3A_887] {strides = array<i32>} : memref<32x128xf32, #tpu.memory_space<vmem>>, vector<1x16xf32>,
          %swap3A_889 = vector.shape_cast %swap3A_888 : vector<1x16xf32> to vector<16xf32>
          %swap3A_890 = vector.shape_cast %broadcast_in_dim3A_885 : vector<16xf32> to vector<1x16xf32>
          tpu.vector_store %arg17[%swap3A_886, %swap3A_887], %swap3A_890 {strides = array<i32>} : memref<32x128xf32, #tpu.memory_space<vmem>>, vector<1x16xf32>,
          %broadcast_in_dim3A_891 = arith.constant 0.000000e+00 : f32
          %broadcast_in_dim3A_892 = vector.broadcast %broadcast_in_dim3A_891 : f32 to vector<16xf32>
          %swap3A_893 = arith.index_cast %scan3A_849 : i32 to index
          %swap3A_894 = arith.constant 96 : index
          %swap3A_895 = tpu.vector_load %arg17[%swap3A_893, %swap3A_894] {strides = array<i32>} : memref<32x128xf32, #tpu.memory_space<vmem>>, vector<1x16xf32>,
          %swap3A_896 = vector.shape_cast %swap3A_895 : vector<1x16xf32> to vector<16xf32>
          %swap3A_897 = vector.shape_cast %broadcast_in_dim3A_892 : vector<16xf32> to vector<1x16xf32>
          tpu.vector_store %arg17[%swap3A_893, %swap3A_894], %swap3A_897 {strides = array<i32>} : memref<32x128xf32, #tpu.memory_space<vmem>>, vector<1x16xf32>,
          %broadcast_in_dim3A_898 = arith.constant 0.000000e+00 : f32
          %broadcast_in_dim3A_899 = vector.broadcast %broadcast_in_dim3A_898 : f32 to vector<16xf32>
          %swap3A_900 = arith.index_cast %scan3A_849 : i32 to index
          %swap3A_901 = arith.constant 112 : index
          %swap3A_902 = tpu.vector_load %arg17[%swap3A_900, %swap3A_901] {strides = array<i32>} : memref<32x128xf32, #tpu.memory_space<vmem>>, vector<1x16xf32>,
          %swap3A_903 = vector.shape_cast %swap3A_902 : vector<1x16xf32> to vector<16xf32>
          %swap3A_904 = vector.shape_cast %broadcast_in_dim3A_899 : vector<16xf32> to vector<1x16xf32>
          tpu.vector_store %arg17[%swap3A_900, %swap3A_901], %swap3A_904 {strides = array<i32>} : memref<32x128xf32, #tpu.memory_space<vmem>>, vector<1x16xf32>,
        }
        %scan3A_848 = arith.constant 32 : i32
      } else {
      }
      %mul3A_813 = arith.constant 32 : i32
      %mul3A_814 = arith.muli %mul3A_813, %select_n3A_731 : i32
      %get3A_815 = arith.index_cast %select_n3A_715 : i32 to index
      %get3A_816 = arith.index_cast %mul3A_814 : i32 to index
      %get3A_817 = tpu.vector_load %arg9[%get3A_815, %get3A_816] {strides = array<i32>} : memref<80x128xi32, #tpu.memory_space<vmem>>, vector<1x16xi32>,
      %get3A_818 = vector.shape_cast %get3A_817 : vector<1x16xi32> to vector<16xi32>
      %swap3A_819 = arith.constant 0 : index
      %swap3A_820 = tpu.vector_load %arg11[%swap3A_819] {strides = array<i32>} : memref<32xi32, #tpu.memory_space<vmem>>, vector<16xi32>,
      %swap3A_821 = vector.shape_cast %swap3A_820 : vector<16xi32> to vector<16xi32>
      %swap3A_822 = vector.shape_cast %get3A_818 : vector<16xi32> to vector<16xi32>
      tpu.vector_store %arg11[%swap3A_819], %swap3A_822 {strides = array<i32>} : memref<32xi32, #tpu.memory_space<vmem>>, vector<16xi32>,
      %mul3A_823 = arith.constant 32 : i32
      %mul3A_824 = arith.muli %mul3A_823, %select_n3A_731 : i32
      %add3A_825 = arith.constant 16 : i32
      %add3A_826 = arith.addi %mul3A_824, %add3A_825 : i32
      %get3A_827 = arith.index_cast %select_n3A_715 : i32 to index
      %get3A_828 = arith.index_cast %add3A_826 : i32 to index
      %get3A_829 = tpu.vector_load %arg9[%get3A_827, %get3A_828] {strides = array<i32>} : memref<80x128xi32, #tpu.memory_space<vmem>>, vector<1x16xi32>,
      %get3A_830 = vector.shape_cast %get3A_829 : vector<1x16xi32> to vector<16xi32>
      %swap3A_831 = arith.constant 16 : index
      %swap3A_832 = tpu.vector_load %arg11[%swap3A_831] {strides = array<i32>} : memref<32xi32, #tpu.memory_space<vmem>>, vector<16xi32>,
      %swap3A_833 = vector.shape_cast %swap3A_832 : vector<16xi32> to vector<16xi32>
      %swap3A_834 = vector.shape_cast %get3A_830 : vector<16xi32> to vector<16xi32>
      tpu.vector_store %arg11[%swap3A_831], %swap3A_834 {strides = array<i32>} : memref<32xi32, #tpu.memory_space<vmem>>, vector<16xi32>,
      %dma_start3A_835 = arith.constant 0 : i32
      %dma_start3A_836 = arith.constant 0 : i32
      %dma_start3A_837 = tpu.memref_slice %arg7[%dma_start3A_835, %dma_start3A_836] : memref<10000x128xf32, #tpu.memory_space<vmem_shared>> -> memref<10000x128xf32, #tpu.memory_space<vmem_shared>>
      tpu.enqueue_indirect_dma source(%arg17 : memref<32x128xf32, #tpu.memory_space<vmem>>) target(%dma_start3A_837 : memref<10000x128xf32, #tpu.memory_space<vmem_shared>>) offsets(%arg11 : memref<32xi32, #tpu.memory_space<vmem>>) semaphore(%arg24 : memref<!tpu.dma_semaphore, #tpu.memory_space<semaphore_mem>>) {add = true}
      %add3A_838 = arith.constant 2 : i32
      %add3A_839 = arith.addi %add3A_691, %add3A_838 : i32
      %lt3A_840 = arith.cmpi slt, %add3A_839, %mul3A_8 : i32
      %convert_element_type3A_841 = arith.extui %lt3A_840 : i1 to i32
      %cond3A_842 = arith.constant 0 : i32
      %cond3A_843 = arith.cmpi ne, %convert_element_type3A_841, %cond3A_842 : i32
      scf.if %cond3A_843 {
        %add3A_844 = arith.constant 2 : i32
        %add3A_845 = arith.addi %add3A_691, %add3A_844 : i32
        %jit3A_846 = arith.constant 4 : i32
        %div3A_847 = arith.divsi %add3A_845, %jit3A_846 : i32
        %sign3A_848 = arith.constant 0 : i32
        %sign3A_849 = arith.cmpi sgt, %add3A_845, %sign3A_848 : i32
        %sign3A_850 = arith.extui %sign3A_849 : i1 to i32
        %sign3A_851 = arith.constant 0 : i32
        %sign3A_852 = arith.cmpi slt, %add3A_845, %sign3A_851 : i32
        %sign3A_853 = arith.extui %sign3A_852 : i1 to i32
        %sign3A_854 = arith.subi %sign3A_850, %sign3A_853 : i32
        %sign3A_855 = arith.constant 0 : i32
        %sign3A_856 = arith.cmpi sgt, %jit3A_846, %sign3A_855 : i32
        %sign3A_857 = arith.extui %sign3A_856 : i1 to i32
        %sign3A_858 = arith.constant 0 : i32
        %sign3A_859 = arith.cmpi slt, %jit3A_846, %sign3A_858 : i32
        %sign3A_860 = arith.extui %sign3A_859 : i1 to i32
        %sign3A_861 = arith.subi %sign3A_857, %sign3A_860 : i32
        %ne3A_862 = arith.cmpi ne, %sign3A_854, %sign3A_861 : i32
        %rem3A_863 = arith.remsi %add3A_845, %jit3A_846 : i32
        %ne3A_864 = arith.constant 0 : i32
        %ne3A_865 = arith.cmpi ne, %rem3A_863, %ne3A_864 : i32
        %and3A_866 = arith.andi %ne3A_862, %ne3A_865 : i1
        %sub3A_867 = arith.constant 1 : i32
        %sub3A_868 = arith.subi %div3A_847, %sub3A_867 : i32
        %select_n3A_869 = arith.select %and3A_866, %sub3A_868, %div3A_847 : i32
        %jit3A_870 = arith.constant 4 : i32
        %eq3A_871 = arith.constant 0 : i32
        %eq3A_872 = arith.cmpi eq, %jit3A_870, %eq3A_871 : i32
        %jit3A_873 = arith.constant 1 : i32
        %select_n3A_874 = arith.select %eq3A_872, %jit3A_873, %jit3A_870 : i32
        %rem3A_875 = arith.remsi %add3A_845, %select_n3A_874 : i32
        %ne3A_876 = arith.constant 0 : i32
        %ne3A_877 = arith.cmpi ne, %rem3A_875, %ne3A_876 : i32
        %lt3A_878 = arith.constant 0 : i32
        %lt3A_879 = arith.cmpi slt, %rem3A_875, %lt3A_878 : i32
        %lt3A_880 = arith.constant 0 : i32
        %lt3A_881 = arith.cmpi slt, %select_n3A_874, %lt3A_880 : i32
        %ne3A_882 = arith.xori %lt3A_879, %lt3A_881 : i1
        %and3A_883 = arith.andi %ne3A_882, %ne3A_877 : i1
        %add3A_884 = arith.addi %rem3A_875, %select_n3A_874 : i32
        %select_n3A_885 = arith.select %and3A_883, %add3A_884, %rem3A_875 : i32
        %jit3A_886 = arith.constant 8 : i32
        %div3A_887 = arith.divsi %select_n3A_869, %jit3A_886 : i32
        %sign3A_888 = arith.constant 0 : i32
        %sign3A_889 = arith.cmpi sgt, %select_n3A_869, %sign3A_888 : i32
        %sign3A_890 = arith.extui %sign3A_889 : i1 to i32
        %sign3A_891 = arith.constant 0 : i32
        %sign3A_892 = arith.cmpi slt, %select_n3A_869, %sign3A_891 : i32
        %sign3A_893 = arith.extui %sign3A_892 : i1 to i32
        %sign3A_894 = arith.subi %sign3A_890, %sign3A_893 : i32
        %sign3A_895 = arith.constant 0 : i32
        %sign3A_896 = arith.cmpi sgt, %jit3A_886, %sign3A_895 : i32
        %sign3A_897 = arith.extui %sign3A_896 : i1 to i32
        %sign3A_898 = arith.constant 0 : i32
        %sign3A_899 = arith.cmpi slt, %jit3A_886, %sign3A_898 : i32
        %sign3A_900 = arith.extui %sign3A_899 : i1 to i32
        %sign3A_901 = arith.subi %sign3A_897, %sign3A_900 : i32
        %ne3A_902 = arith.cmpi ne, %sign3A_894, %sign3A_901 : i32
        %rem3A_903 = arith.remsi %select_n3A_869, %jit3A_886 : i32
        %ne3A_904 = arith.constant 0 : i32
        %ne3A_905 = arith.cmpi ne, %rem3A_903, %ne3A_904 : i32
        %and3A_906 = arith.andi %ne3A_902, %ne3A_905 : i1
        %sub3A_907 = arith.constant 1 : i32
        %sub3A_908 = arith.subi %div3A_887, %sub3A_907 : i32
        %select_n3A_909 = arith.select %and3A_906, %sub3A_908, %div3A_887 : i32
        %mul3A_910 = arith.constant 32 : i32
        %mul3A_911 = arith.muli %mul3A_910, %select_n3A_909 : i32
        %add3A_912 = arith.addi %add3A, %mul3A_911 : i32
        %mul3A_913 = arith.constant 8 : i32
        %mul3A_914 = arith.muli %mul3A_913, %add3A_912 : i32
        %jit3A_915 = arith.constant 8 : i32
        %eq3A_916 = arith.constant 0 : i32
        %eq3A_917 = arith.cmpi eq, %jit3A_915, %eq3A_916 : i32
        %jit3A_918 = arith.constant 1 : i32
        %select_n3A_919 = arith.select %eq3A_917, %jit3A_918, %jit3A_915 : i32
        %rem3A_920 = arith.remsi %select_n3A_869, %select_n3A_919 : i32
        %ne3A_921 = arith.constant 0 : i32
        %ne3A_922 = arith.cmpi ne, %rem3A_920, %ne3A_921 : i32
        %lt3A_923 = arith.constant 0 : i32
        %lt3A_924 = arith.cmpi slt, %rem3A_920, %lt3A_923 : i32
        %lt3A_925 = arith.constant 0 : i32
        %lt3A_926 = arith.cmpi slt, %select_n3A_919, %lt3A_925 : i32
        %ne3A_927 = arith.xori %lt3A_924, %lt3A_926 : i1
        %and3A_928 = arith.andi %ne3A_927, %ne3A_922 : i1
        %add3A_929 = arith.addi %rem3A_920, %select_n3A_919 : i32
        %select_n3A_930 = arith.select %and3A_928, %add3A_929, %rem3A_920 : i32
        %add3A_931 = arith.addi %mul3A_914, %select_n3A_930 : i32
        %mul3A_932 = arith.constant 32 : i32
        %mul3A_933 = arith.muli %mul3A_932, %select_n3A_885 : i32
        %dma_start3A_934 = tpu.memref_slice %arg8[%select_n3A_869, %mul3A_933] : memref<80x128xi32, #tpu.memory_space<vmem>> -> memref<1x32xi32, #tpu.memory_space<vmem>>
        %dma_start3A_935 = tpu.memref_squeeze %dma_start3A_934 : memref<1x32xi32, #tpu.memory_space<vmem>> -> memref<32xi32, #tpu.memory_space<vmem>>
        %dma_start3A_936 = arith.constant 0 : i32
        %dma_start3A_937 = arith.constant 0 : i32
        %dma_start3A_938 = tpu.memref_slice %arg2[%dma_start3A_936, %dma_start3A_937] : memref<10000x128xf32, #tpu.memory_space<hbm>> -> memref<10000x128xf32, #tpu.memory_space<hbm>>
        tpu.enqueue_indirect_dma source(%dma_start3A_938 : memref<10000x128xf32, #tpu.memory_space<hbm>>) target(%arg13 : memref<32x128xf32, #tpu.memory_space<vmem>>) offsets(%dma_start3A_935 : memref<32xi32, #tpu.memory_space<vmem>>) semaphore(%arg20 : memref<!tpu.dma_semaphore, #tpu.memory_space<semaphore_mem>>)
        %lt3A_939 = arith.constant 2500 : i32
        %lt3A_940 = arith.cmpi slt, %add3A_931, %lt3A_939 : i32
        %jit3A_941 = arith.constant 0 : i32
        %select_n3A_942 = arith.select %lt3A_940, %add3A_931, %jit3A_941 : i32
        %mul3A_943 = arith.constant 128 : i32
        %mul3A_944 = arith.muli %select_n3A_942, %mul3A_943 : i32
        %mul3A_945 = arith.constant 32 : i32
        %mul3A_946 = arith.muli %mul3A_945, %select_n3A_885 : i32
        %add3A_947 = arith.addi %mul3A_944, %mul3A_946 : i32
        %dma_start3A_948 = arith.constant 0 : i32
        %dma_start3A_949 = tpu.memref_slice %arg3[%add3A_947, %dma_start3A_948] : memref<320000x128xf32, #tpu.memory_space<hbm>> -> memref<32x128xf32, #tpu.memory_space<hbm>>
        %dma_start3A_950 = arith.constant 0 : i32
        %dma_start3A_951 = tpu.memref_slice %arg3[%add3A_947, %dma_start3A_950] : memref<320000x128xf32, #tpu.memory_space<hbm>> -> memref<32x128xf32, #tpu.memory_space<hbm>>
        tpu.enqueue_dma source(%dma_start3A_951 : memref<32x128xf32, #tpu.memory_space<hbm>>) target(%arg15 : memref<32x128xf32, #tpu.memory_space<vmem>>) target_semaphore(%arg22 : memref<!tpu.dma_semaphore, #tpu.memory_space<semaphore_mem>>)
      } else {
      }
    }
    %while3A_512 = arith.constant 1 : i32
    scf.for %while3A_535 = %while3A_510 to %while3A_506 step %while3A_512  : i32 {
      %mul3A_536 = arith.constant 2 : i32
      %mul3A_537 = arith.muli %mul3A_536, %while3A_535 : i32
      %add3A_538 = arith.constant 0 : i32
      %add3A_539 = arith.addi %mul3A_537, %add3A_538 : i32
      %jit3A_540 = arith.constant 4 : i32
      %div3A_541 = arith.divsi %add3A_539, %jit3A_540 : i32
      %sign3A_542 = arith.constant 0 : i32
      %sign3A_543 = arith.cmpi sgt, %add3A_539, %sign3A_542 : i32
      %sign3A_544 = arith.extui %sign3A_543 : i1 to i32
      %sign3A_545 = arith.constant 0 : i32
      %sign3A_546 = arith.cmpi slt, %add3A_539, %sign3A_545 : i32
      %sign3A_547 = arith.extui %sign3A_546 : i1 to i32
      %sign3A_548 = arith.subi %sign3A_544, %sign3A_547 : i32
      %sign3A_549 = arith.constant 0 : i32
      %sign3A_550 = arith.cmpi sgt, %jit3A_540, %sign3A_549 : i32
      %sign3A_551 = arith.extui %sign3A_550 : i1 to i32
      %sign3A_552 = arith.constant 0 : i32
      %sign3A_553 = arith.cmpi slt, %jit3A_540, %sign3A_552 : i32
      %sign3A_554 = arith.extui %sign3A_553 : i1 to i32
      %sign3A_555 = arith.subi %sign3A_551, %sign3A_554 : i32
      %ne3A_556 = arith.cmpi ne, %sign3A_548, %sign3A_555 : i32
      %rem3A_557 = arith.remsi %add3A_539, %jit3A_540 : i32
      %ne3A_558 = arith.constant 0 : i32
      %ne3A_559 = arith.cmpi ne, %rem3A_557, %ne3A_558 : i32
      %and3A_560 = arith.andi %ne3A_556, %ne3A_559 : i1
      %sub3A_561 = arith.constant 1 : i32
      %sub3A_562 = arith.subi %div3A_541, %sub3A_561 : i32
      %select_n3A_563 = arith.select %and3A_560, %sub3A_562, %div3A_541 : i32
      %jit3A_564 = arith.constant 4 : i32
      %eq3A_565 = arith.constant 0 : i32
      %eq3A_566 = arith.cmpi eq, %jit3A_564, %eq3A_565 : i32
      %jit3A_567 = arith.constant 1 : i32
      %select_n3A_568 = arith.select %eq3A_566, %jit3A_567, %jit3A_564 : i32
      %rem3A_569 = arith.remsi %add3A_539, %select_n3A_568 : i32
      %ne3A_570 = arith.constant 0 : i32
      %ne3A_571 = arith.cmpi ne, %rem3A_569, %ne3A_570 : i32
      %lt3A_572 = arith.constant 0 : i32
      %lt3A_573 = arith.cmpi slt, %rem3A_569, %lt3A_572 : i32
      %lt3A_574 = arith.constant 0 : i32
      %lt3A_575 = arith.cmpi slt, %select_n3A_568, %lt3A_574 : i32
      %ne3A_576 = arith.xori %lt3A_573, %lt3A_575 : i1
      %and3A_577 = arith.andi %ne3A_576, %ne3A_571 : i1
      %add3A_578 = arith.addi %rem3A_569, %select_n3A_568 : i32
      %select_n3A_579 = arith.select %and3A_577, %add3A_578, %rem3A_569 : i32
      %jit3A_580 = arith.constant 8 : i32
      %div3A_581 = arith.divsi %select_n3A_563, %jit3A_580 : i32
      %sign3A_582 = arith.constant 0 : i32
      %sign3A_583 = arith.cmpi sgt, %select_n3A_563, %sign3A_582 : i32
      %sign3A_584 = arith.extui %sign3A_583 : i1 to i32
      %sign3A_585 = arith.constant 0 : i32
      %sign3A_586 = arith.cmpi slt, %select_n3A_563, %sign3A_585 : i32
      %sign3A_587 = arith.extui %sign3A_586 : i1 to i32
      %sign3A_588 = arith.subi %sign3A_584, %sign3A_587 : i32
      %sign3A_589 = arith.constant 0 : i32
      %sign3A_590 = arith.cmpi sgt, %jit3A_580, %sign3A_589 : i32
      %sign3A_591 = arith.extui %sign3A_590 : i1 to i32
      %sign3A_592 = arith.constant 0 : i32
      %sign3A_593 = arith.cmpi slt, %jit3A_580, %sign3A_592 : i32
      %sign3A_594 = arith.extui %sign3A_593 : i1 to i32
      %sign3A_595 = arith.subi %sign3A_591, %sign3A_594 : i32
      %ne3A_596 = arith.cmpi ne, %sign3A_588, %sign3A_595 : i32
      %rem3A_597 = arith.remsi %select_n3A_563, %jit3A_580 : i32
      %ne3A_598 = arith.constant 0 : i32
      %ne3A_599 = arith.cmpi ne, %rem3A_597, %ne3A_598 : i32
      %and3A_600 = arith.andi %ne3A_596, %ne3A_599 : i1
      %sub3A_601 = arith.constant 1 : i32
      %sub3A_602 = arith.subi %div3A_581, %sub3A_601 : i32
      %select_n3A_603 = arith.select %and3A_600, %sub3A_602, %div3A_581 : i32
      %mul3A_604 = arith.constant 32 : i32
      %mul3A_605 = arith.muli %mul3A_604, %select_n3A_603 : i32
      %add3A_606 = arith.addi %add3A, %mul3A_605 : i32
      %mul3A_607 = arith.constant 8 : i32
      %mul3A_608 = arith.muli %mul3A_607, %add3A_606 : i32
      %jit3A_609 = arith.constant 8 : i32
      %eq3A_610 = arith.constant 0 : i32
      %eq3A_611 = arith.cmpi eq, %jit3A_609, %eq3A_610 : i32
      %jit3A_612 = arith.constant 1 : i32
      %select_n3A_613 = arith.select %eq3A_611, %jit3A_612, %jit3A_609 : i32
      %rem3A_614 = arith.remsi %select_n3A_563, %select_n3A_613 : i32
      %ne3A_615 = arith.constant 0 : i32
      %ne3A_616 = arith.cmpi ne, %rem3A_614, %ne3A_615 : i32
      %lt3A_617 = arith.constant 0 : i32
      %lt3A_618 = arith.cmpi slt, %rem3A_614, %lt3A_617 : i32
      %lt3A_619 = arith.constant 0 : i32
      %lt3A_620 = arith.cmpi slt, %select_n3A_613, %lt3A_619 : i32
      %ne3A_621 = arith.xori %lt3A_618, %lt3A_620 : i1
      %and3A_622 = arith.andi %ne3A_621, %ne3A_616 : i1
      %add3A_623 = arith.addi %rem3A_614, %select_n3A_613 : i32
      %select_n3A_624 = arith.select %and3A_622, %add3A_623, %rem3A_614 : i32
      %add3A_625 = arith.addi %mul3A_608, %select_n3A_624 : i32
      %mul3A_626 = arith.constant 32 : i32
      %mul3A_627 = arith.muli %mul3A_626, %select_n3A_579 : i32
      %dma_wait3A_628 = tpu.memref_slice %arg8[%select_n3A_563, %mul3A_627] : memref<80x128xi32, #tpu.memory_space<vmem>> -> memref<1x32xi32, #tpu.memory_space<vmem>>
      %dma_wait3A_629 = tpu.memref_squeeze %dma_wait3A_628 : memref<1x32xi32, #tpu.memory_space<vmem>> -> memref<32xi32, #tpu.memory_space<vmem>>
      %dma_wait3A_630 = arith.constant 0 : i32
      %dma_wait3A_631 = arith.constant 0 : i32
      %dma_wait3A_632 = tpu.memref_slice %arg2[%dma_wait3A_630, %dma_wait3A_631] : memref<10000x128xf32, #tpu.memory_space<hbm>> -> memref<10000x128xf32, #tpu.memory_space<hbm>>
      tpu.wait_indirect_dma semaphore(%arg19 : memref<!tpu.dma_semaphore, #tpu.memory_space<semaphore_mem>>) src(%dma_wait3A_632 : memref<10000x128xf32, #tpu.memory_space<hbm>>) dst(%arg12 : memref<32x128xf32, #tpu.memory_space<vmem>>)
      %lt3A_633 = arith.constant 2500 : i32
      %lt3A_634 = arith.cmpi slt, %add3A_625, %lt3A_633 : i32
      %jit3A_635 = arith.constant 0 : i32
      %select_n3A_636 = arith.select %lt3A_634, %add3A_625, %jit3A_635 : i32
      %mul3A_637 = arith.constant 128 : i32
      %mul3A_638 = arith.muli %select_n3A_636, %mul3A_637 : i32
      %mul3A_639 = arith.constant 32 : i32
      %mul3A_640 = arith.muli %mul3A_639, %select_n3A_579 : i32
      %add3A_641 = arith.addi %mul3A_638, %mul3A_640 : i32
      %dma_wait3A_642 = arith.constant 0 : i32
      %dma_wait3A_643 = tpu.memref_slice %arg3[%add3A_641, %dma_wait3A_642] : memref<320000x128xf32, #tpu.memory_space<hbm>> -> memref<32x128xf32, #tpu.memory_space<hbm>>
      %dma_wait3A_644 = arith.constant 0 : i32
      %dma_wait3A_645 = tpu.memref_slice %arg3[%add3A_641, %dma_wait3A_644] : memref<320000x128xf32, #tpu.memory_space<hbm>> -> memref<32x128xf32, #tpu.memory_space<hbm>>
      tpu.wait_dma2 semaphore(%arg21 : memref<!tpu.dma_semaphore, #tpu.memory_space<semaphore_mem>>) src(%dma_wait3A_645 : memref<32x128xf32, #tpu.memory_space<hbm>>) dst(%arg14 : memref<32x128xf32, #tpu.memory_space<vmem>>)
      %ge3A = arith.constant 1 : i32
      %ge3A_646 = arith.cmpi sge, %while3A_535, %ge3A : i32
      %convert_element_type3A_647 = arith.extui %ge3A_646 : i1 to i32
      %cond3A_648 = arith.constant 0 : i32
      %cond3A_649 = arith.cmpi ne, %convert_element_type3A_647, %cond3A_648 : i32
      scf.if %cond3A_649 {
        %dma_wait3A_844 = arith.constant 0 : i32
        %dma_wait3A_845 = arith.constant 0 : i32
        %dma_wait3A_846 = tpu.memref_slice %arg7[%dma_wait3A_844, %dma_wait3A_845] : memref<10000x128xf32, #tpu.memory_space<vmem_shared>> -> memref<10000x128xf32, #tpu.memory_space<vmem_shared>>
        tpu.wait_indirect_dma semaphore(%arg23 : memref<!tpu.dma_semaphore, #tpu.memory_space<semaphore_mem>>) src(%arg16 : memref<32x128xf32, #tpu.memory_space<vmem>>) dst(%dma_wait3A_846 : memref<10000x128xf32, #tpu.memory_space<vmem_shared>>)
      } else {
      }
      %ge3A_650 = arith.constant 2500 : i32
      %ge3A_651 = arith.cmpi sge, %add3A_625, %ge3A_650 : i32
      %not3A = arith.constant true
      %not3A_652 = arith.xori %ge3A_651, %not3A : i1
      %convert_element_type3A_653 = arith.extui %not3A_652 : i1 to i32
      %cond3A_654 = arith.constant 0 : i32
      %cond3A_655 = arith.cmpi ne, %convert_element_type3A_653, %cond3A_654 : i32
      scf.if %cond3A_655 {
        %scan3A = arith.constant 0 : i32
        %scan3A_844 = arith.constant 0 : i32
        %scan3A_845 = arith.constant 32 : i32
        %scan3A_846 = arith.addi %scan3A_844, %scan3A_845 : i32
        %scan3A_847 = arith.constant 1 : i32
        scf.for %scan3A_849 = %scan3A_844 to %scan3A_846 step %scan3A_847  : i32 {
          %get3A_850 = arith.index_cast %scan3A_849 : i32 to index
          %get3A_851 = arith.constant 0 : index
          %get3A_852 = tpu.vector_load %arg12[%get3A_850, %get3A_851] {strides = array<i32>} : memref<32x128xf32, #tpu.memory_space<vmem>>, vector<1x16xf32>,
          %get3A_853 = vector.shape_cast %get3A_852 : vector<1x16xf32> to vector<16xf32>
          %get3A_854 = arith.index_cast %scan3A_849 : i32 to index
          %get3A_855 = arith.constant 0 : index
          %get3A_856 = tpu.vector_load %arg14[%get3A_854, %get3A_855] {strides = array<i32>} : memref<32x128xf32, #tpu.memory_space<vmem>>, vector<1x16xf32>,
          %get3A_857 = vector.shape_cast %get3A_856 : vector<1x16xf32> to vector<16xf32>
          %add3A_858 = arith.addf %get3A_853, %get3A_857 : vector<16xf32>
          %max3A = arith.constant 0.000000e+00 : f32
          %max3A_859 = vector.broadcast %max3A : f32 to vector<16xf32>
          %max3A_860 = arith.maximumf %add3A_858, %max3A_859 : vector<16xf32>
          %swap3A_861 = arith.index_cast %scan3A_849 : i32 to index
          %swap3A_862 = arith.constant 0 : index
          %swap3A_863 = tpu.vector_load %arg16[%swap3A_861, %swap3A_862] {strides = array<i32>} : memref<32x128xf32, #tpu.memory_space<vmem>>, vector<1x16xf32>,
          %swap3A_864 = vector.shape_cast %swap3A_863 : vector<1x16xf32> to vector<16xf32>
          %swap3A_865 = vector.shape_cast %max3A_860 : vector<16xf32> to vector<1x16xf32>
          tpu.vector_store %arg16[%swap3A_861, %swap3A_862], %swap3A_865 {strides = array<i32>} : memref<32x128xf32, #tpu.memory_space<vmem>>, vector<1x16xf32>,
          %get3A_866 = arith.index_cast %scan3A_849 : i32 to index
          %get3A_867 = arith.constant 16 : index
          %get3A_868 = tpu.vector_load %arg12[%get3A_866, %get3A_867] {strides = array<i32>} : memref<32x128xf32, #tpu.memory_space<vmem>>, vector<1x16xf32>,
          %get3A_869 = vector.shape_cast %get3A_868 : vector<1x16xf32> to vector<16xf32>
          %get3A_870 = arith.index_cast %scan3A_849 : i32 to index
          %get3A_871 = arith.constant 16 : index
          %get3A_872 = tpu.vector_load %arg14[%get3A_870, %get3A_871] {strides = array<i32>} : memref<32x128xf32, #tpu.memory_space<vmem>>, vector<1x16xf32>,
          %get3A_873 = vector.shape_cast %get3A_872 : vector<1x16xf32> to vector<16xf32>
          %add3A_874 = arith.addf %get3A_869, %get3A_873 : vector<16xf32>
          %max3A_875 = arith.constant 0.000000e+00 : f32
          %max3A_876 = vector.broadcast %max3A_875 : f32 to vector<16xf32>
          %max3A_877 = arith.maximumf %add3A_874, %max3A_876 : vector<16xf32>
          %swap3A_878 = arith.index_cast %scan3A_849 : i32 to index
          %swap3A_879 = arith.constant 16 : index
          %swap3A_880 = tpu.vector_load %arg16[%swap3A_878, %swap3A_879] {strides = array<i32>} : memref<32x128xf32, #tpu.memory_space<vmem>>, vector<1x16xf32>,
          %swap3A_881 = vector.shape_cast %swap3A_880 : vector<1x16xf32> to vector<16xf32>
          %swap3A_882 = vector.shape_cast %max3A_877 : vector<16xf32> to vector<1x16xf32>
          tpu.vector_store %arg16[%swap3A_878, %swap3A_879], %swap3A_882 {strides = array<i32>} : memref<32x128xf32, #tpu.memory_space<vmem>>, vector<1x16xf32>,
          %get3A_883 = arith.index_cast %scan3A_849 : i32 to index
          %get3A_884 = arith.constant 32 : index
          %get3A_885 = tpu.vector_load %arg12[%get3A_883, %get3A_884] {strides = array<i32>} : memref<32x128xf32, #tpu.memory_space<vmem>>, vector<1x16xf32>,
          %get3A_886 = vector.shape_cast %get3A_885 : vector<1x16xf32> to vector<16xf32>
          %get3A_887 = arith.index_cast %scan3A_849 : i32 to index
          %get3A_888 = arith.constant 32 : index
          %get3A_889 = tpu.vector_load %arg14[%get3A_887, %get3A_888] {strides = array<i32>} : memref<32x128xf32, #tpu.memory_space<vmem>>, vector<1x16xf32>,
          %get3A_890 = vector.shape_cast %get3A_889 : vector<1x16xf32> to vector<16xf32>
          %add3A_891 = arith.addf %get3A_886, %get3A_890 : vector<16xf32>
          %max3A_892 = arith.constant 0.000000e+00 : f32
          %max3A_893 = vector.broadcast %max3A_892 : f32 to vector<16xf32>
          %max3A_894 = arith.maximumf %add3A_891, %max3A_893 : vector<16xf32>
          %swap3A_895 = arith.index_cast %scan3A_849 : i32 to index
          %swap3A_896 = arith.constant 32 : index
          %swap3A_897 = tpu.vector_load %arg16[%swap3A_895, %swap3A_896] {strides = array<i32>} : memref<32x128xf32, #tpu.memory_space<vmem>>, vector<1x16xf32>,
          %swap3A_898 = vector.shape_cast %swap3A_897 : vector<1x16xf32> to vector<16xf32>
          %swap3A_899 = vector.shape_cast %max3A_894 : vector<16xf32> to vector<1x16xf32>
          tpu.vector_store %arg16[%swap3A_895, %swap3A_896], %swap3A_899 {strides = array<i32>} : memref<32x128xf32, #tpu.memory_space<vmem>>, vector<1x16xf32>,
          %get3A_900 = arith.index_cast %scan3A_849 : i32 to index
          %get3A_901 = arith.constant 48 : index
          %get3A_902 = tpu.vector_load %arg12[%get3A_900, %get3A_901] {strides = array<i32>} : memref<32x128xf32, #tpu.memory_space<vmem>>, vector<1x16xf32>,
          %get3A_903 = vector.shape_cast %get3A_902 : vector<1x16xf32> to vector<16xf32>
          %get3A_904 = arith.index_cast %scan3A_849 : i32 to index
          %get3A_905 = arith.constant 48 : index
          %get3A_906 = tpu.vector_load %arg14[%get3A_904, %get3A_905] {strides = array<i32>} : memref<32x128xf32, #tpu.memory_space<vmem>>, vector<1x16xf32>,
          %get3A_907 = vector.shape_cast %get3A_906 : vector<1x16xf32> to vector<16xf32>
          %add3A_908 = arith.addf %get3A_903, %get3A_907 : vector<16xf32>
          %max3A_909 = arith.constant 0.000000e+00 : f32
          %max3A_910 = vector.broadcast %max3A_909 : f32 to vector<16xf32>
          %max3A_911 = arith.maximumf %add3A_908, %max3A_910 : vector<16xf32>
          %swap3A_912 = arith.index_cast %scan3A_849 : i32 to index
          %swap3A_913 = arith.constant 48 : index
          %swap3A_914 = tpu.vector_load %arg16[%swap3A_912, %swap3A_913] {strides = array<i32>} : memref<32x128xf32, #tpu.memory_space<vmem>>, vector<1x16xf32>,
          %swap3A_915 = vector.shape_cast %swap3A_914 : vector<1x16xf32> to vector<16xf32>
          %swap3A_916 = vector.shape_cast %max3A_911 : vector<16xf32> to vector<1x16xf32>
          tpu.vector_store %arg16[%swap3A_912, %swap3A_913], %swap3A_916 {strides = array<i32>} : memref<32x128xf32, #tpu.memory_space<vmem>>, vector<1x16xf32>,
          %get3A_917 = arith.index_cast %scan3A_849 : i32 to index
          %get3A_918 = arith.constant 64 : index
          %get3A_919 = tpu.vector_load %arg12[%get3A_917, %get3A_918] {strides = array<i32>} : memref<32x128xf32, #tpu.memory_space<vmem>>, vector<1x16xf32>,
          %get3A_920 = vector.shape_cast %get3A_919 : vector<1x16xf32> to vector<16xf32>
          %get3A_921 = arith.index_cast %scan3A_849 : i32 to index
          %get3A_922 = arith.constant 64 : index
          %get3A_923 = tpu.vector_load %arg14[%get3A_921, %get3A_922] {strides = array<i32>} : memref<32x128xf32, #tpu.memory_space<vmem>>, vector<1x16xf32>,
          %get3A_924 = vector.shape_cast %get3A_923 : vector<1x16xf32> to vector<16xf32>
          %add3A_925 = arith.addf %get3A_920, %get3A_924 : vector<16xf32>
          %max3A_926 = arith.constant 0.000000e+00 : f32
          %max3A_927 = vector.broadcast %max3A_926 : f32 to vector<16xf32>
          %max3A_928 = arith.maximumf %add3A_925, %max3A_927 : vector<16xf32>
          %swap3A_929 = arith.index_cast %scan3A_849 : i32 to index
          %swap3A_930 = arith.constant 64 : index
          %swap3A_931 = tpu.vector_load %arg16[%swap3A_929, %swap3A_930] {strides = array<i32>} : memref<32x128xf32, #tpu.memory_space<vmem>>, vector<1x16xf32>,
          %swap3A_932 = vector.shape_cast %swap3A_931 : vector<1x16xf32> to vector<16xf32>
          %swap3A_933 = vector.shape_cast %max3A_928 : vector<16xf32> to vector<1x16xf32>
          tpu.vector_store %arg16[%swap3A_929, %swap3A_930], %swap3A_933 {strides = array<i32>} : memref<32x128xf32, #tpu.memory_space<vmem>>, vector<1x16xf32>,
          %get3A_934 = arith.index_cast %scan3A_849 : i32 to index
          %get3A_935 = arith.constant 80 : index
          %get3A_936 = tpu.vector_load %arg12[%get3A_934, %get3A_935] {strides = array<i32>} : memref<32x128xf32, #tpu.memory_space<vmem>>, vector<1x16xf32>,
          %get3A_937 = vector.shape_cast %get3A_936 : vector<1x16xf32> to vector<16xf32>
          %get3A_938 = arith.index_cast %scan3A_849 : i32 to index
          %get3A_939 = arith.constant 80 : index
          %get3A_940 = tpu.vector_load %arg14[%get3A_938, %get3A_939] {strides = array<i32>} : memref<32x128xf32, #tpu.memory_space<vmem>>, vector<1x16xf32>,
          %get3A_941 = vector.shape_cast %get3A_940 : vector<1x16xf32> to vector<16xf32>
          %add3A_942 = arith.addf %get3A_937, %get3A_941 : vector<16xf32>
          %max3A_943 = arith.constant 0.000000e+00 : f32
          %max3A_944 = vector.broadcast %max3A_943 : f32 to vector<16xf32>
          %max3A_945 = arith.maximumf %add3A_942, %max3A_944 : vector<16xf32>
          %swap3A_946 = arith.index_cast %scan3A_849 : i32 to index
          %swap3A_947 = arith.constant 80 : index
          %swap3A_948 = tpu.vector_load %arg16[%swap3A_946, %swap3A_947] {strides = array<i32>} : memref<32x128xf32, #tpu.memory_space<vmem>>, vector<1x16xf32>,
          %swap3A_949 = vector.shape_cast %swap3A_948 : vector<1x16xf32> to vector<16xf32>
          %swap3A_950 = vector.shape_cast %max3A_945 : vector<16xf32> to vector<1x16xf32>
          tpu.vector_store %arg16[%swap3A_946, %swap3A_947], %swap3A_950 {strides = array<i32>} : memref<32x128xf32, #tpu.memory_space<vmem>>, vector<1x16xf32>,
          %get3A_951 = arith.index_cast %scan3A_849 : i32 to index
          %get3A_952 = arith.constant 96 : index
          %get3A_953 = tpu.vector_load %arg12[%get3A_951, %get3A_952] {strides = array<i32>} : memref<32x128xf32, #tpu.memory_space<vmem>>, vector<1x16xf32>,
          %get3A_954 = vector.shape_cast %get3A_953 : vector<1x16xf32> to vector<16xf32>
          %get3A_955 = arith.index_cast %scan3A_849 : i32 to index
          %get3A_956 = arith.constant 96 : index
          %get3A_957 = tpu.vector_load %arg14[%get3A_955, %get3A_956] {strides = array<i32>} : memref<32x128xf32, #tpu.memory_space<vmem>>, vector<1x16xf32>,
          %get3A_958 = vector.shape_cast %get3A_957 : vector<1x16xf32> to vector<16xf32>
          %add3A_959 = arith.addf %get3A_954, %get3A_958 : vector<16xf32>
          %max3A_960 = arith.constant 0.000000e+00 : f32
          %max3A_961 = vector.broadcast %max3A_960 : f32 to vector<16xf32>
          %max3A_962 = arith.maximumf %add3A_959, %max3A_961 : vector<16xf32>
          %swap3A_963 = arith.index_cast %scan3A_849 : i32 to index
          %swap3A_964 = arith.constant 96 : index
          %swap3A_965 = tpu.vector_load %arg16[%swap3A_963, %swap3A_964] {strides = array<i32>} : memref<32x128xf32, #tpu.memory_space<vmem>>, vector<1x16xf32>,
          %swap3A_966 = vector.shape_cast %swap3A_965 : vector<1x16xf32> to vector<16xf32>
          %swap3A_967 = vector.shape_cast %max3A_962 : vector<16xf32> to vector<1x16xf32>
          tpu.vector_store %arg16[%swap3A_963, %swap3A_964], %swap3A_967 {strides = array<i32>} : memref<32x128xf32, #tpu.memory_space<vmem>>, vector<1x16xf32>,
          %get3A_968 = arith.index_cast %scan3A_849 : i32 to index
          %get3A_969 = arith.constant 112 : index
          %get3A_970 = tpu.vector_load %arg12[%get3A_968, %get3A_969] {strides = array<i32>} : memref<32x128xf32, #tpu.memory_space<vmem>>, vector<1x16xf32>,
          %get3A_971 = vector.shape_cast %get3A_970 : vector<1x16xf32> to vector<16xf32>
          %get3A_972 = arith.index_cast %scan3A_849 : i32 to index
          %get3A_973 = arith.constant 112 : index
          %get3A_974 = tpu.vector_load %arg14[%get3A_972, %get3A_973] {strides = array<i32>} : memref<32x128xf32, #tpu.memory_space<vmem>>, vector<1x16xf32>,
          %get3A_975 = vector.shape_cast %get3A_974 : vector<1x16xf32> to vector<16xf32>
          %add3A_976 = arith.addf %get3A_971, %get3A_975 : vector<16xf32>
          %max3A_977 = arith.constant 0.000000e+00 : f32
          %max3A_978 = vector.broadcast %max3A_977 : f32 to vector<16xf32>
          %max3A_979 = arith.maximumf %add3A_976, %max3A_978 : vector<16xf32>
          %swap3A_980 = arith.index_cast %scan3A_849 : i32 to index
          %swap3A_981 = arith.constant 112 : index
          %swap3A_982 = tpu.vector_load %arg16[%swap3A_980, %swap3A_981] {strides = array<i32>} : memref<32x128xf32, #tpu.memory_space<vmem>>, vector<1x16xf32>,
          %swap3A_983 = vector.shape_cast %swap3A_982 : vector<1x16xf32> to vector<16xf32>
          %swap3A_984 = vector.shape_cast %max3A_979 : vector<16xf32> to vector<1x16xf32>
          tpu.vector_store %arg16[%swap3A_980, %swap3A_981], %swap3A_984 {strides = array<i32>} : memref<32x128xf32, #tpu.memory_space<vmem>>, vector<1x16xf32>,
        }
        %scan3A_848 = arith.constant 32 : i32
      } else {
      }
      %convert_element_type3A_656 = arith.extui %ge3A_651 : i1 to i32
      %cond3A_657 = arith.constant 0 : i32
      %cond3A_658 = arith.cmpi ne, %convert_element_type3A_656, %cond3A_657 : i32
      scf.if %cond3A_658 {
        %scan3A = arith.constant 0 : i32
        %scan3A_844 = arith.constant 0 : i32
        %scan3A_845 = arith.constant 32 : i32
        %scan3A_846 = arith.addi %scan3A_844, %scan3A_845 : i32
        %scan3A_847 = arith.constant 1 : i32
        scf.for %scan3A_849 = %scan3A_844 to %scan3A_846 step %scan3A_847  : i32 {
          %broadcast_in_dim3A = arith.constant 0.000000e+00 : f32
          %broadcast_in_dim3A_850 = vector.broadcast %broadcast_in_dim3A : f32 to vector<16xf32>
          %swap3A_851 = arith.index_cast %scan3A_849 : i32 to index
          %swap3A_852 = arith.constant 0 : index
          %swap3A_853 = tpu.vector_load %arg16[%swap3A_851, %swap3A_852] {strides = array<i32>} : memref<32x128xf32, #tpu.memory_space<vmem>>, vector<1x16xf32>,
          %swap3A_854 = vector.shape_cast %swap3A_853 : vector<1x16xf32> to vector<16xf32>
          %swap3A_855 = vector.shape_cast %broadcast_in_dim3A_850 : vector<16xf32> to vector<1x16xf32>
          tpu.vector_store %arg16[%swap3A_851, %swap3A_852], %swap3A_855 {strides = array<i32>} : memref<32x128xf32, #tpu.memory_space<vmem>>, vector<1x16xf32>,
          %broadcast_in_dim3A_856 = arith.constant 0.000000e+00 : f32
          %broadcast_in_dim3A_857 = vector.broadcast %broadcast_in_dim3A_856 : f32 to vector<16xf32>
          %swap3A_858 = arith.index_cast %scan3A_849 : i32 to index
          %swap3A_859 = arith.constant 16 : index
          %swap3A_860 = tpu.vector_load %arg16[%swap3A_858, %swap3A_859] {strides = array<i32>} : memref<32x128xf32, #tpu.memory_space<vmem>>, vector<1x16xf32>,
          %swap3A_861 = vector.shape_cast %swap3A_860 : vector<1x16xf32> to vector<16xf32>
          %swap3A_862 = vector.shape_cast %broadcast_in_dim3A_857 : vector<16xf32> to vector<1x16xf32>
          tpu.vector_store %arg16[%swap3A_858, %swap3A_859], %swap3A_862 {strides = array<i32>} : memref<32x128xf32, #tpu.memory_space<vmem>>, vector<1x16xf32>,
          %broadcast_in_dim3A_863 = arith.constant 0.000000e+00 : f32
          %broadcast_in_dim3A_864 = vector.broadcast %broadcast_in_dim3A_863 : f32 to vector<16xf32>
          %swap3A_865 = arith.index_cast %scan3A_849 : i32 to index
          %swap3A_866 = arith.constant 32 : index
          %swap3A_867 = tpu.vector_load %arg16[%swap3A_865, %swap3A_866] {strides = array<i32>} : memref<32x128xf32, #tpu.memory_space<vmem>>, vector<1x16xf32>,
          %swap3A_868 = vector.shape_cast %swap3A_867 : vector<1x16xf32> to vector<16xf32>
          %swap3A_869 = vector.shape_cast %broadcast_in_dim3A_864 : vector<16xf32> to vector<1x16xf32>
          tpu.vector_store %arg16[%swap3A_865, %swap3A_866], %swap3A_869 {strides = array<i32>} : memref<32x128xf32, #tpu.memory_space<vmem>>, vector<1x16xf32>,
          %broadcast_in_dim3A_870 = arith.constant 0.000000e+00 : f32
          %broadcast_in_dim3A_871 = vector.broadcast %broadcast_in_dim3A_870 : f32 to vector<16xf32>
          %swap3A_872 = arith.index_cast %scan3A_849 : i32 to index
          %swap3A_873 = arith.constant 48 : index
          %swap3A_874 = tpu.vector_load %arg16[%swap3A_872, %swap3A_873] {strides = array<i32>} : memref<32x128xf32, #tpu.memory_space<vmem>>, vector<1x16xf32>,
          %swap3A_875 = vector.shape_cast %swap3A_874 : vector<1x16xf32> to vector<16xf32>
          %swap3A_876 = vector.shape_cast %broadcast_in_dim3A_871 : vector<16xf32> to vector<1x16xf32>
          tpu.vector_store %arg16[%swap3A_872, %swap3A_873], %swap3A_876 {strides = array<i32>} : memref<32x128xf32, #tpu.memory_space<vmem>>, vector<1x16xf32>,
          %broadcast_in_dim3A_877 = arith.constant 0.000000e+00 : f32
          %broadcast_in_dim3A_878 = vector.broadcast %broadcast_in_dim3A_877 : f32 to vector<16xf32>
          %swap3A_879 = arith.index_cast %scan3A_849 : i32 to index
          %swap3A_880 = arith.constant 64 : index
          %swap3A_881 = tpu.vector_load %arg16[%swap3A_879, %swap3A_880] {strides = array<i32>} : memref<32x128xf32, #tpu.memory_space<vmem>>, vector<1x16xf32>,
          %swap3A_882 = vector.shape_cast %swap3A_881 : vector<1x16xf32> to vector<16xf32>
          %swap3A_883 = vector.shape_cast %broadcast_in_dim3A_878 : vector<16xf32> to vector<1x16xf32>
          tpu.vector_store %arg16[%swap3A_879, %swap3A_880], %swap3A_883 {strides = array<i32>} : memref<32x128xf32, #tpu.memory_space<vmem>>, vector<1x16xf32>,
          %broadcast_in_dim3A_884 = arith.constant 0.000000e+00 : f32
          %broadcast_in_dim3A_885 = vector.broadcast %broadcast_in_dim3A_884 : f32 to vector<16xf32>
          %swap3A_886 = arith.index_cast %scan3A_849 : i32 to index
          %swap3A_887 = arith.constant 80 : index
          %swap3A_888 = tpu.vector_load %arg16[%swap3A_886, %swap3A_887] {strides = array<i32>} : memref<32x128xf32, #tpu.memory_space<vmem>>, vector<1x16xf32>,
          %swap3A_889 = vector.shape_cast %swap3A_888 : vector<1x16xf32> to vector<16xf32>
          %swap3A_890 = vector.shape_cast %broadcast_in_dim3A_885 : vector<16xf32> to vector<1x16xf32>
          tpu.vector_store %arg16[%swap3A_886, %swap3A_887], %swap3A_890 {strides = array<i32>} : memref<32x128xf32, #tpu.memory_space<vmem>>, vector<1x16xf32>,
          %broadcast_in_dim3A_891 = arith.constant 0.000000e+00 : f32
          %broadcast_in_dim3A_892 = vector.broadcast %broadcast_in_dim3A_891 : f32 to vector<16xf32>
          %swap3A_893 = arith.index_cast %scan3A_849 : i32 to index
          %swap3A_894 = arith.constant 96 : index
          %swap3A_895 = tpu.vector_load %arg16[%swap3A_893, %swap3A_894] {strides = array<i32>} : memref<32x128xf32, #tpu.memory_space<vmem>>, vector<1x16xf32>,
          %swap3A_896 = vector.shape_cast %swap3A_895 : vector<1x16xf32> to vector<16xf32>
          %swap3A_897 = vector.shape_cast %broadcast_in_dim3A_892 : vector<16xf32> to vector<1x16xf32>
          tpu.vector_store %arg16[%swap3A_893, %swap3A_894], %swap3A_897 {strides = array<i32>} : memref<32x128xf32, #tpu.memory_space<vmem>>, vector<1x16xf32>,
          %broadcast_in_dim3A_898 = arith.constant 0.000000e+00 : f32
          %broadcast_in_dim3A_899 = vector.broadcast %broadcast_in_dim3A_898 : f32 to vector<16xf32>
          %swap3A_900 = arith.index_cast %scan3A_849 : i32 to index
          %swap3A_901 = arith.constant 112 : index
          %swap3A_902 = tpu.vector_load %arg16[%swap3A_900, %swap3A_901] {strides = array<i32>} : memref<32x128xf32, #tpu.memory_space<vmem>>, vector<1x16xf32>,
          %swap3A_903 = vector.shape_cast %swap3A_902 : vector<1x16xf32> to vector<16xf32>
          %swap3A_904 = vector.shape_cast %broadcast_in_dim3A_899 : vector<16xf32> to vector<1x16xf32>
          tpu.vector_store %arg16[%swap3A_900, %swap3A_901], %swap3A_904 {strides = array<i32>} : memref<32x128xf32, #tpu.memory_space<vmem>>, vector<1x16xf32>,
        }
        %scan3A_848 = arith.constant 32 : i32
      } else {
      }
      %mul3A_659 = arith.constant 32 : i32
      %mul3A_660 = arith.muli %mul3A_659, %select_n3A_579 : i32
      %get3A = arith.index_cast %select_n3A_563 : i32 to index
      %get3A_661 = arith.index_cast %mul3A_660 : i32 to index
      %get3A_662 = tpu.vector_load %arg9[%get3A, %get3A_661] {strides = array<i32>} : memref<80x128xi32, #tpu.memory_space<vmem>>, vector<1x16xi32>,
      %get3A_663 = vector.shape_cast %get3A_662 : vector<1x16xi32> to vector<16xi32>
      %swap3A = arith.constant 0 : index
      %swap3A_664 = tpu.vector_load %arg10[%swap3A] {strides = array<i32>} : memref<32xi32, #tpu.memory_space<vmem>>, vector<16xi32>,
      %swap3A_665 = vector.shape_cast %swap3A_664 : vector<16xi32> to vector<16xi32>
      %swap3A_666 = vector.shape_cast %get3A_663 : vector<16xi32> to vector<16xi32>
      tpu.vector_store %arg10[%swap3A], %swap3A_666 {strides = array<i32>} : memref<32xi32, #tpu.memory_space<vmem>>, vector<16xi32>,
      %mul3A_667 = arith.constant 32 : i32
      %mul3A_668 = arith.muli %mul3A_667, %select_n3A_579 : i32
      %add3A_669 = arith.constant 16 : i32
      %add3A_670 = arith.addi %mul3A_668, %add3A_669 : i32
      %get3A_671 = arith.index_cast %select_n3A_563 : i32 to index
      %get3A_672 = arith.index_cast %add3A_670 : i32 to index
      %get3A_673 = tpu.vector_load %arg9[%get3A_671, %get3A_672] {strides = array<i32>} : memref<80x128xi32, #tpu.memory_space<vmem>>, vector<1x16xi32>,
      %get3A_674 = vector.shape_cast %get3A_673 : vector<1x16xi32> to vector<16xi32>
      %swap3A_675 = arith.constant 16 : index
      %swap3A_676 = tpu.vector_load %arg10[%swap3A_675] {strides = array<i32>} : memref<32xi32, #tpu.memory_space<vmem>>, vector<16xi32>,
      %swap3A_677 = vector.shape_cast %swap3A_676 : vector<16xi32> to vector<16xi32>
      %swap3A_678 = vector.shape_cast %get3A_674 : vector<16xi32> to vector<16xi32>
      tpu.vector_store %arg10[%swap3A_675], %swap3A_678 {strides = array<i32>} : memref<32xi32, #tpu.memory_space<vmem>>, vector<16xi32>,
      %dma_start3A_679 = arith.constant 0 : i32
      %dma_start3A_680 = arith.constant 0 : i32
      %dma_start3A_681 = tpu.memref_slice %arg7[%dma_start3A_679, %dma_start3A_680] : memref<10000x128xf32, #tpu.memory_space<vmem_shared>> -> memref<10000x128xf32, #tpu.memory_space<vmem_shared>>
      tpu.enqueue_indirect_dma source(%arg16 : memref<32x128xf32, #tpu.memory_space<vmem>>) target(%dma_start3A_681 : memref<10000x128xf32, #tpu.memory_space<vmem_shared>>) offsets(%arg10 : memref<32xi32, #tpu.memory_space<vmem>>) semaphore(%arg23 : memref<!tpu.dma_semaphore, #tpu.memory_space<semaphore_mem>>) {add = true}
      %add3A_682 = arith.constant 2 : i32
      %add3A_683 = arith.addi %add3A_539, %add3A_682 : i32
      %lt3A_684 = arith.cmpi slt, %add3A_683, %mul3A_8 : i32
      %convert_element_type3A_685 = arith.extui %lt3A_684 : i1 to i32
      %cond3A_686 = arith.constant 0 : i32
      %cond3A_687 = arith.cmpi ne, %convert_element_type3A_685, %cond3A_686 : i32
      scf.if %cond3A_687 {
        %add3A_844 = arith.constant 2 : i32
        %add3A_845 = arith.addi %add3A_539, %add3A_844 : i32
        %jit3A_846 = arith.constant 4 : i32
        %div3A_847 = arith.divsi %add3A_845, %jit3A_846 : i32
        %sign3A_848 = arith.constant 0 : i32
        %sign3A_849 = arith.cmpi sgt, %add3A_845, %sign3A_848 : i32
        %sign3A_850 = arith.extui %sign3A_849 : i1 to i32
        %sign3A_851 = arith.constant 0 : i32
        %sign3A_852 = arith.cmpi slt, %add3A_845, %sign3A_851 : i32
        %sign3A_853 = arith.extui %sign3A_852 : i1 to i32
        %sign3A_854 = arith.subi %sign3A_850, %sign3A_853 : i32
        %sign3A_855 = arith.constant 0 : i32
        %sign3A_856 = arith.cmpi sgt, %jit3A_846, %sign3A_855 : i32
        %sign3A_857 = arith.extui %sign3A_856 : i1 to i32
        %sign3A_858 = arith.constant 0 : i32
        %sign3A_859 = arith.cmpi slt, %jit3A_846, %sign3A_858 : i32
        %sign3A_860 = arith.extui %sign3A_859 : i1 to i32
        %sign3A_861 = arith.subi %sign3A_857, %sign3A_860 : i32
        %ne3A_862 = arith.cmpi ne, %sign3A_854, %sign3A_861 : i32
        %rem3A_863 = arith.remsi %add3A_845, %jit3A_846 : i32
        %ne3A_864 = arith.constant 0 : i32
        %ne3A_865 = arith.cmpi ne, %rem3A_863, %ne3A_864 : i32
        %and3A_866 = arith.andi %ne3A_862, %ne3A_865 : i1
        %sub3A_867 = arith.constant 1 : i32
        %sub3A_868 = arith.subi %div3A_847, %sub3A_867 : i32
        %select_n3A_869 = arith.select %and3A_866, %sub3A_868, %div3A_847 : i32
        %jit3A_870 = arith.constant 4 : i32
        %eq3A_871 = arith.constant 0 : i32
        %eq3A_872 = arith.cmpi eq, %jit3A_870, %eq3A_871 : i32
        %jit3A_873 = arith.constant 1 : i32
        %select_n3A_874 = arith.select %eq3A_872, %jit3A_873, %jit3A_870 : i32
        %rem3A_875 = arith.remsi %add3A_845, %select_n3A_874 : i32
        %ne3A_876 = arith.constant 0 : i32
        %ne3A_877 = arith.cmpi ne, %rem3A_875, %ne3A_876 : i32
        %lt3A_878 = arith.constant 0 : i32
        %lt3A_879 = arith.cmpi slt, %rem3A_875, %lt3A_878 : i32
        %lt3A_880 = arith.constant 0 : i32
        %lt3A_881 = arith.cmpi slt, %select_n3A_874, %lt3A_880 : i32
        %ne3A_882 = arith.xori %lt3A_879, %lt3A_881 : i1
        %and3A_883 = arith.andi %ne3A_882, %ne3A_877 : i1
        %add3A_884 = arith.addi %rem3A_875, %select_n3A_874 : i32
        %select_n3A_885 = arith.select %and3A_883, %add3A_884, %rem3A_875 : i32
        %jit3A_886 = arith.constant 8 : i32
        %div3A_887 = arith.divsi %select_n3A_869, %jit3A_886 : i32
        %sign3A_888 = arith.constant 0 : i32
        %sign3A_889 = arith.cmpi sgt, %select_n3A_869, %sign3A_888 : i32
        %sign3A_890 = arith.extui %sign3A_889 : i1 to i32
        %sign3A_891 = arith.constant 0 : i32
        %sign3A_892 = arith.cmpi slt, %select_n3A_869, %sign3A_891 : i32
        %sign3A_893 = arith.extui %sign3A_892 : i1 to i32
        %sign3A_894 = arith.subi %sign3A_890, %sign3A_893 : i32
        %sign3A_895 = arith.constant 0 : i32
        %sign3A_896 = arith.cmpi sgt, %jit3A_886, %sign3A_895 : i32
        %sign3A_897 = arith.extui %sign3A_896 : i1 to i32
        %sign3A_898 = arith.constant 0 : i32
        %sign3A_899 = arith.cmpi slt, %jit3A_886, %sign3A_898 : i32
        %sign3A_900 = arith.extui %sign3A_899 : i1 to i32
        %sign3A_901 = arith.subi %sign3A_897, %sign3A_900 : i32
        %ne3A_902 = arith.cmpi ne, %sign3A_894, %sign3A_901 : i32
        %rem3A_903 = arith.remsi %select_n3A_869, %jit3A_886 : i32
        %ne3A_904 = arith.constant 0 : i32
        %ne3A_905 = arith.cmpi ne, %rem3A_903, %ne3A_904 : i32
        %and3A_906 = arith.andi %ne3A_902, %ne3A_905 : i1
        %sub3A_907 = arith.constant 1 : i32
        %sub3A_908 = arith.subi %div3A_887, %sub3A_907 : i32
        %select_n3A_909 = arith.select %and3A_906, %sub3A_908, %div3A_887 : i32
        %mul3A_910 = arith.constant 32 : i32
        %mul3A_911 = arith.muli %mul3A_910, %select_n3A_909 : i32
        %add3A_912 = arith.addi %add3A, %mul3A_911 : i32
        %mul3A_913 = arith.constant 8 : i32
        %mul3A_914 = arith.muli %mul3A_913, %add3A_912 : i32
        %jit3A_915 = arith.constant 8 : i32
        %eq3A_916 = arith.constant 0 : i32
        %eq3A_917 = arith.cmpi eq, %jit3A_915, %eq3A_916 : i32
        %jit3A_918 = arith.constant 1 : i32
        %select_n3A_919 = arith.select %eq3A_917, %jit3A_918, %jit3A_915 : i32
        %rem3A_920 = arith.remsi %select_n3A_869, %select_n3A_919 : i32
        %ne3A_921 = arith.constant 0 : i32
        %ne3A_922 = arith.cmpi ne, %rem3A_920, %ne3A_921 : i32
        %lt3A_923 = arith.constant 0 : i32
        %lt3A_924 = arith.cmpi slt, %rem3A_920, %lt3A_923 : i32
        %lt3A_925 = arith.constant 0 : i32
        %lt3A_926 = arith.cmpi slt, %select_n3A_919, %lt3A_925 : i32
        %ne3A_927 = arith.xori %lt3A_924, %lt3A_926 : i1
        %and3A_928 = arith.andi %ne3A_927, %ne3A_922 : i1
        %add3A_929 = arith.addi %rem3A_920, %select_n3A_919 : i32
        %select_n3A_930 = arith.select %and3A_928, %add3A_929, %rem3A_920 : i32
        %add3A_931 = arith.addi %mul3A_914, %select_n3A_930 : i32
        %mul3A_932 = arith.constant 32 : i32
        %mul3A_933 = arith.muli %mul3A_932, %select_n3A_885 : i32
        %dma_start3A_934 = tpu.memref_slice %arg8[%select_n3A_869, %mul3A_933] : memref<80x128xi32, #tpu.memory_space<vmem>> -> memref<1x32xi32, #tpu.memory_space<vmem>>
        %dma_start3A_935 = tpu.memref_squeeze %dma_start3A_934 : memref<1x32xi32, #tpu.memory_space<vmem>> -> memref<32xi32, #tpu.memory_space<vmem>>
        %dma_start3A_936 = arith.constant 0 : i32
        %dma_start3A_937 = arith.constant 0 : i32
        %dma_start3A_938 = tpu.memref_slice %arg2[%dma_start3A_936, %dma_start3A_937] : memref<10000x128xf32, #tpu.memory_space<hbm>> -> memref<10000x128xf32, #tpu.memory_space<hbm>>
        tpu.enqueue_indirect_dma source(%dma_start3A_938 : memref<10000x128xf32, #tpu.memory_space<hbm>>) target(%arg12 : memref<32x128xf32, #tpu.memory_space<vmem>>) offsets(%dma_start3A_935 : memref<32xi32, #tpu.memory_space<vmem>>) semaphore(%arg19 : memref<!tpu.dma_semaphore, #tpu.memory_space<semaphore_mem>>)
        %lt3A_939 = arith.constant 2500 : i32
        %lt3A_940 = arith.cmpi slt, %add3A_931, %lt3A_939 : i32
        %jit3A_941 = arith.constant 0 : i32
        %select_n3A_942 = arith.select %lt3A_940, %add3A_931, %jit3A_941 : i32
        %mul3A_943 = arith.constant 128 : i32
        %mul3A_944 = arith.muli %select_n3A_942, %mul3A_943 : i32
        %mul3A_945 = arith.constant 32 : i32
        %mul3A_946 = arith.muli %mul3A_945, %select_n3A_885 : i32
        %add3A_947 = arith.addi %mul3A_944, %mul3A_946 : i32
        %dma_start3A_948 = arith.constant 0 : i32
        %dma_start3A_949 = tpu.memref_slice %arg3[%add3A_947, %dma_start3A_948] : memref<320000x128xf32, #tpu.memory_space<hbm>> -> memref<32x128xf32, #tpu.memory_space<hbm>>
        %dma_start3A_950 = arith.constant 0 : i32
        %dma_start3A_951 = tpu.memref_slice %arg3[%add3A_947, %dma_start3A_950] : memref<320000x128xf32, #tpu.memory_space<hbm>> -> memref<32x128xf32, #tpu.memory_space<hbm>>
        tpu.enqueue_dma source(%dma_start3A_951 : memref<32x128xf32, #tpu.memory_space<hbm>>) target(%arg14 : memref<32x128xf32, #tpu.memory_space<vmem>>) target_semaphore(%arg21 : memref<!tpu.dma_semaphore, #tpu.memory_space<semaphore_mem>>)
      } else {
      }
      %mul3A_688 = arith.constant 2 : i32
      %mul3A_689 = arith.muli %mul3A_688, %while3A_535 : i32
      %add3A_690 = arith.constant 1 : i32
      %add3A_691 = arith.addi %mul3A_689, %add3A_690 : i32
      %jit3A_692 = arith.constant 4 : i32
      %div3A_693 = arith.divsi %add3A_691, %jit3A_692 : i32
      %sign3A_694 = arith.constant 0 : i32
      %sign3A_695 = arith.cmpi sgt, %add3A_691, %sign3A_694 : i32
      %sign3A_696 = arith.extui %sign3A_695 : i1 to i32
      %sign3A_697 = arith.constant 0 : i32
      %sign3A_698 = arith.cmpi slt, %add3A_691, %sign3A_697 : i32
      %sign3A_699 = arith.extui %sign3A_698 : i1 to i32
      %sign3A_700 = arith.subi %sign3A_696, %sign3A_699 : i32
      %sign3A_701 = arith.constant 0 : i32
      %sign3A_702 = arith.cmpi sgt, %jit3A_692, %sign3A_701 : i32
      %sign3A_703 = arith.extui %sign3A_702 : i1 to i32
      %sign3A_704 = arith.constant 0 : i32
      %sign3A_705 = arith.cmpi slt, %jit3A_692, %sign3A_704 : i32
      %sign3A_706 = arith.extui %sign3A_705 : i1 to i32
      %sign3A_707 = arith.subi %sign3A_703, %sign3A_706 : i32
      %ne3A_708 = arith.cmpi ne, %sign3A_700, %sign3A_707 : i32
      %rem3A_709 = arith.remsi %add3A_691, %jit3A_692 : i32
      %ne3A_710 = arith.constant 0 : i32
      %ne3A_711 = arith.cmpi ne, %rem3A_709, %ne3A_710 : i32
      %and3A_712 = arith.andi %ne3A_708, %ne3A_711 : i1
      %sub3A_713 = arith.constant 1 : i32
      %sub3A_714 = arith.subi %div3A_693, %sub3A_713 : i32
      %select_n3A_715 = arith.select %and3A_712, %sub3A_714, %div3A_693 : i32
      %jit3A_716 = arith.constant 4 : i32
      %eq3A_717 = arith.constant 0 : i32
      %eq3A_718 = arith.cmpi eq, %jit3A_716, %eq3A_717 : i32
      %jit3A_719 = arith.constant 1 : i32
      %select_n3A_720 = arith.select %eq3A_718, %jit3A_719, %jit3A_716 : i32
      %rem3A_721 = arith.remsi %add3A_691, %select_n3A_720 : i32
      %ne3A_722 = arith.constant 0 : i32
      %ne3A_723 = arith.cmpi ne, %rem3A_721, %ne3A_722 : i32
      %lt3A_724 = arith.constant 0 : i32
      %lt3A_725 = arith.cmpi slt, %rem3A_721, %lt3A_724 : i32
      %lt3A_726 = arith.constant 0 : i32
      %lt3A_727 = arith.cmpi slt, %select_n3A_720, %lt3A_726 : i32
      %ne3A_728 = arith.xori %lt3A_725, %lt3A_727 : i1
      %and3A_729 = arith.andi %ne3A_728, %ne3A_723 : i1
      %add3A_730 = arith.addi %rem3A_721, %select_n3A_720 : i32
      %select_n3A_731 = arith.select %and3A_729, %add3A_730, %rem3A_721 : i32
      %jit3A_732 = arith.constant 8 : i32
      %div3A_733 = arith.divsi %select_n3A_715, %jit3A_732 : i32
      %sign3A_734 = arith.constant 0 : i32
      %sign3A_735 = arith.cmpi sgt, %select_n3A_715, %sign3A_734 : i32
      %sign3A_736 = arith.extui %sign3A_735 : i1 to i32
      %sign3A_737 = arith.constant 0 : i32
      %sign3A_738 = arith.cmpi slt, %select_n3A_715, %sign3A_737 : i32
      %sign3A_739 = arith.extui %sign3A_738 : i1 to i32
      %sign3A_740 = arith.subi %sign3A_736, %sign3A_739 : i32
      %sign3A_741 = arith.constant 0 : i32
      %sign3A_742 = arith.cmpi sgt, %jit3A_732, %sign3A_741 : i32
      %sign3A_743 = arith.extui %sign3A_742 : i1 to i32
      %sign3A_744 = arith.constant 0 : i32
      %sign3A_745 = arith.cmpi slt, %jit3A_732, %sign3A_744 : i32
      %sign3A_746 = arith.extui %sign3A_745 : i1 to i32
      %sign3A_747 = arith.subi %sign3A_743, %sign3A_746 : i32
      %ne3A_748 = arith.cmpi ne, %sign3A_740, %sign3A_747 : i32
      %rem3A_749 = arith.remsi %select_n3A_715, %jit3A_732 : i32
      %ne3A_750 = arith.constant 0 : i32
      %ne3A_751 = arith.cmpi ne, %rem3A_749, %ne3A_750 : i32
      %and3A_752 = arith.andi %ne3A_748, %ne3A_751 : i1
      %sub3A_753 = arith.constant 1 : i32
      %sub3A_754 = arith.subi %div3A_733, %sub3A_753 : i32
      %select_n3A_755 = arith.select %and3A_752, %sub3A_754, %div3A_733 : i32
      %mul3A_756 = arith.constant 32 : i32
      %mul3A_757 = arith.muli %mul3A_756, %select_n3A_755 : i32
      %add3A_758 = arith.addi %add3A, %mul3A_757 : i32
      %mul3A_759 = arith.constant 8 : i32
      %mul3A_760 = arith.muli %mul3A_759, %add3A_758 : i32
      %jit3A_761 = arith.constant 8 : i32
      %eq3A_762 = arith.constant 0 : i32
      %eq3A_763 = arith.cmpi eq, %jit3A_761, %eq3A_762 : i32
      %jit3A_764 = arith.constant 1 : i32
      %select_n3A_765 = arith.select %eq3A_763, %jit3A_764, %jit3A_761 : i32
      %rem3A_766 = arith.remsi %select_n3A_715, %select_n3A_765 : i32
      %ne3A_767 = arith.constant 0 : i32
      %ne3A_768 = arith.cmpi ne, %rem3A_766, %ne3A_767 : i32
      %lt3A_769 = arith.constant 0 : i32
      %lt3A_770 = arith.cmpi slt, %rem3A_766, %lt3A_769 : i32
      %lt3A_771 = arith.constant 0 : i32
      %lt3A_772 = arith.cmpi slt, %select_n3A_765, %lt3A_771 : i32
      %ne3A_773 = arith.xori %lt3A_770, %lt3A_772 : i1
      %and3A_774 = arith.andi %ne3A_773, %ne3A_768 : i1
      %add3A_775 = arith.addi %rem3A_766, %select_n3A_765 : i32
      %select_n3A_776 = arith.select %and3A_774, %add3A_775, %rem3A_766 : i32
      %add3A_777 = arith.addi %mul3A_760, %select_n3A_776 : i32
      %mul3A_778 = arith.constant 32 : i32
      %mul3A_779 = arith.muli %mul3A_778, %select_n3A_731 : i32
      %dma_wait3A_780 = tpu.memref_slice %arg8[%select_n3A_715, %mul3A_779] : memref<80x128xi32, #tpu.memory_space<vmem>> -> memref<1x32xi32, #tpu.memory_space<vmem>>
      %dma_wait3A_781 = tpu.memref_squeeze %dma_wait3A_780 : memref<1x32xi32, #tpu.memory_space<vmem>> -> memref<32xi32, #tpu.memory_space<vmem>>
      %dma_wait3A_782 = arith.constant 0 : i32
      %dma_wait3A_783 = arith.constant 0 : i32
      %dma_wait3A_784 = tpu.memref_slice %arg2[%dma_wait3A_782, %dma_wait3A_783] : memref<10000x128xf32, #tpu.memory_space<hbm>> -> memref<10000x128xf32, #tpu.memory_space<hbm>>
      tpu.wait_indirect_dma semaphore(%arg20 : memref<!tpu.dma_semaphore, #tpu.memory_space<semaphore_mem>>) src(%dma_wait3A_784 : memref<10000x128xf32, #tpu.memory_space<hbm>>) dst(%arg13 : memref<32x128xf32, #tpu.memory_space<vmem>>)
      %lt3A_785 = arith.constant 2500 : i32
      %lt3A_786 = arith.cmpi slt, %add3A_777, %lt3A_785 : i32
      %jit3A_787 = arith.constant 0 : i32
      %select_n3A_788 = arith.select %lt3A_786, %add3A_777, %jit3A_787 : i32
      %mul3A_789 = arith.constant 128 : i32
      %mul3A_790 = arith.muli %select_n3A_788, %mul3A_789 : i32
      %mul3A_791 = arith.constant 32 : i32
      %mul3A_792 = arith.muli %mul3A_791, %select_n3A_731 : i32
      %add3A_793 = arith.addi %mul3A_790, %mul3A_792 : i32
      %dma_wait3A_794 = arith.constant 0 : i32
      %dma_wait3A_795 = tpu.memref_slice %arg3[%add3A_793, %dma_wait3A_794] : memref<320000x128xf32, #tpu.memory_space<hbm>> -> memref<32x128xf32, #tpu.memory_space<hbm>>
      %dma_wait3A_796 = arith.constant 0 : i32
      %dma_wait3A_797 = tpu.memref_slice %arg3[%add3A_793, %dma_wait3A_796] : memref<320000x128xf32, #tpu.memory_space<hbm>> -> memref<32x128xf32, #tpu.memory_space<hbm>>
      tpu.wait_dma2 semaphore(%arg22 : memref<!tpu.dma_semaphore, #tpu.memory_space<semaphore_mem>>) src(%dma_wait3A_797 : memref<32x128xf32, #tpu.memory_space<hbm>>) dst(%arg15 : memref<32x128xf32, #tpu.memory_space<vmem>>)
      %ge3A_798 = arith.constant 1 : i32
      %ge3A_799 = arith.cmpi sge, %while3A_535, %ge3A_798 : i32
      %convert_element_type3A_800 = arith.extui %ge3A_799 : i1 to i32
      %cond3A_801 = arith.constant 0 : i32
      %cond3A_802 = arith.cmpi ne, %convert_element_type3A_800, %cond3A_801 : i32
      scf.if %cond3A_802 {
        %dma_wait3A_844 = arith.constant 0 : i32
        %dma_wait3A_845 = arith.constant 0 : i32
        %dma_wait3A_846 = tpu.memref_slice %arg7[%dma_wait3A_844, %dma_wait3A_845] : memref<10000x128xf32, #tpu.memory_space<vmem_shared>> -> memref<10000x128xf32, #tpu.memory_space<vmem_shared>>
        tpu.wait_indirect_dma semaphore(%arg24 : memref<!tpu.dma_semaphore, #tpu.memory_space<semaphore_mem>>) src(%arg17 : memref<32x128xf32, #tpu.memory_space<vmem>>) dst(%dma_wait3A_846 : memref<10000x128xf32, #tpu.memory_space<vmem_shared>>)
      } else {
      }
      %ge3A_803 = arith.constant 2500 : i32
      %ge3A_804 = arith.cmpi sge, %add3A_777, %ge3A_803 : i32
      %not3A_805 = arith.constant true
      %not3A_806 = arith.xori %ge3A_804, %not3A_805 : i1
      %convert_element_type3A_807 = arith.extui %not3A_806 : i1 to i32
      %cond3A_808 = arith.constant 0 : i32
      %cond3A_809 = arith.cmpi ne, %convert_element_type3A_807, %cond3A_808 : i32
      scf.if %cond3A_809 {
        %scan3A = arith.constant 0 : i32
        %scan3A_844 = arith.constant 0 : i32
        %scan3A_845 = arith.constant 32 : i32
        %scan3A_846 = arith.addi %scan3A_844, %scan3A_845 : i32
        %scan3A_847 = arith.constant 1 : i32
        scf.for %scan3A_849 = %scan3A_844 to %scan3A_846 step %scan3A_847  : i32 {
          %get3A_850 = arith.index_cast %scan3A_849 : i32 to index
          %get3A_851 = arith.constant 0 : index
          %get3A_852 = tpu.vector_load %arg13[%get3A_850, %get3A_851] {strides = array<i32>} : memref<32x128xf32, #tpu.memory_space<vmem>>, vector<1x16xf32>,
          %get3A_853 = vector.shape_cast %get3A_852 : vector<1x16xf32> to vector<16xf32>
          %get3A_854 = arith.index_cast %scan3A_849 : i32 to index
          %get3A_855 = arith.constant 0 : index
          %get3A_856 = tpu.vector_load %arg15[%get3A_854, %get3A_855] {strides = array<i32>} : memref<32x128xf32, #tpu.memory_space<vmem>>, vector<1x16xf32>,
          %get3A_857 = vector.shape_cast %get3A_856 : vector<1x16xf32> to vector<16xf32>
          %add3A_858 = arith.addf %get3A_853, %get3A_857 : vector<16xf32>
          %max3A = arith.constant 0.000000e+00 : f32
          %max3A_859 = vector.broadcast %max3A : f32 to vector<16xf32>
          %max3A_860 = arith.maximumf %add3A_858, %max3A_859 : vector<16xf32>
          %swap3A_861 = arith.index_cast %scan3A_849 : i32 to index
          %swap3A_862 = arith.constant 0 : index
          %swap3A_863 = tpu.vector_load %arg17[%swap3A_861, %swap3A_862] {strides = array<i32>} : memref<32x128xf32, #tpu.memory_space<vmem>>, vector<1x16xf32>,
          %swap3A_864 = vector.shape_cast %swap3A_863 : vector<1x16xf32> to vector<16xf32>
          %swap3A_865 = vector.shape_cast %max3A_860 : vector<16xf32> to vector<1x16xf32>
          tpu.vector_store %arg17[%swap3A_861, %swap3A_862], %swap3A_865 {strides = array<i32>} : memref<32x128xf32, #tpu.memory_space<vmem>>, vector<1x16xf32>,
          %get3A_866 = arith.index_cast %scan3A_849 : i32 to index
          %get3A_867 = arith.constant 16 : index
          %get3A_868 = tpu.vector_load %arg13[%get3A_866, %get3A_867] {strides = array<i32>} : memref<32x128xf32, #tpu.memory_space<vmem>>, vector<1x16xf32>,
          %get3A_869 = vector.shape_cast %get3A_868 : vector<1x16xf32> to vector<16xf32>
          %get3A_870 = arith.index_cast %scan3A_849 : i32 to index
          %get3A_871 = arith.constant 16 : index
          %get3A_872 = tpu.vector_load %arg15[%get3A_870, %get3A_871] {strides = array<i32>} : memref<32x128xf32, #tpu.memory_space<vmem>>, vector<1x16xf32>,
          %get3A_873 = vector.shape_cast %get3A_872 : vector<1x16xf32> to vector<16xf32>
          %add3A_874 = arith.addf %get3A_869, %get3A_873 : vector<16xf32>
          %max3A_875 = arith.constant 0.000000e+00 : f32
          %max3A_876 = vector.broadcast %max3A_875 : f32 to vector<16xf32>
          %max3A_877 = arith.maximumf %add3A_874, %max3A_876 : vector<16xf32>
          %swap3A_878 = arith.index_cast %scan3A_849 : i32 to index
          %swap3A_879 = arith.constant 16 : index
          %swap3A_880 = tpu.vector_load %arg17[%swap3A_878, %swap3A_879] {strides = array<i32>} : memref<32x128xf32, #tpu.memory_space<vmem>>, vector<1x16xf32>,
          %swap3A_881 = vector.shape_cast %swap3A_880 : vector<1x16xf32> to vector<16xf32>
          %swap3A_882 = vector.shape_cast %max3A_877 : vector<16xf32> to vector<1x16xf32>
          tpu.vector_store %arg17[%swap3A_878, %swap3A_879], %swap3A_882 {strides = array<i32>} : memref<32x128xf32, #tpu.memory_space<vmem>>, vector<1x16xf32>,
          %get3A_883 = arith.index_cast %scan3A_849 : i32 to index
          %get3A_884 = arith.constant 32 : index
          %get3A_885 = tpu.vector_load %arg13[%get3A_883, %get3A_884] {strides = array<i32>} : memref<32x128xf32, #tpu.memory_space<vmem>>, vector<1x16xf32>,
          %get3A_886 = vector.shape_cast %get3A_885 : vector<1x16xf32> to vector<16xf32>
          %get3A_887 = arith.index_cast %scan3A_849 : i32 to index
          %get3A_888 = arith.constant 32 : index
          %get3A_889 = tpu.vector_load %arg15[%get3A_887, %get3A_888] {strides = array<i32>} : memref<32x128xf32, #tpu.memory_space<vmem>>, vector<1x16xf32>,
          %get3A_890 = vector.shape_cast %get3A_889 : vector<1x16xf32> to vector<16xf32>
          %add3A_891 = arith.addf %get3A_886, %get3A_890 : vector<16xf32>
          %max3A_892 = arith.constant 0.000000e+00 : f32
          %max3A_893 = vector.broadcast %max3A_892 : f32 to vector<16xf32>
          %max3A_894 = arith.maximumf %add3A_891, %max3A_893 : vector<16xf32>
          %swap3A_895 = arith.index_cast %scan3A_849 : i32 to index
          %swap3A_896 = arith.constant 32 : index
          %swap3A_897 = tpu.vector_load %arg17[%swap3A_895, %swap3A_896] {strides = array<i32>} : memref<32x128xf32, #tpu.memory_space<vmem>>, vector<1x16xf32>,
          %swap3A_898 = vector.shape_cast %swap3A_897 : vector<1x16xf32> to vector<16xf32>
          %swap3A_899 = vector.shape_cast %max3A_894 : vector<16xf32> to vector<1x16xf32>
          tpu.vector_store %arg17[%swap3A_895, %swap3A_896], %swap3A_899 {strides = array<i32>} : memref<32x128xf32, #tpu.memory_space<vmem>>, vector<1x16xf32>,
          %get3A_900 = arith.index_cast %scan3A_849 : i32 to index
          %get3A_901 = arith.constant 48 : index
          %get3A_902 = tpu.vector_load %arg13[%get3A_900, %get3A_901] {strides = array<i32>} : memref<32x128xf32, #tpu.memory_space<vmem>>, vector<1x16xf32>,
          %get3A_903 = vector.shape_cast %get3A_902 : vector<1x16xf32> to vector<16xf32>
          %get3A_904 = arith.index_cast %scan3A_849 : i32 to index
          %get3A_905 = arith.constant 48 : index
          %get3A_906 = tpu.vector_load %arg15[%get3A_904, %get3A_905] {strides = array<i32>} : memref<32x128xf32, #tpu.memory_space<vmem>>, vector<1x16xf32>,
          %get3A_907 = vector.shape_cast %get3A_906 : vector<1x16xf32> to vector<16xf32>
          %add3A_908 = arith.addf %get3A_903, %get3A_907 : vector<16xf32>
          %max3A_909 = arith.constant 0.000000e+00 : f32
          %max3A_910 = vector.broadcast %max3A_909 : f32 to vector<16xf32>
          %max3A_911 = arith.maximumf %add3A_908, %max3A_910 : vector<16xf32>
          %swap3A_912 = arith.index_cast %scan3A_849 : i32 to index
          %swap3A_913 = arith.constant 48 : index
          %swap3A_914 = tpu.vector_load %arg17[%swap3A_912, %swap3A_913] {strides = array<i32>} : memref<32x128xf32, #tpu.memory_space<vmem>>, vector<1x16xf32>,
          %swap3A_915 = vector.shape_cast %swap3A_914 : vector<1x16xf32> to vector<16xf32>
          %swap3A_916 = vector.shape_cast %max3A_911 : vector<16xf32> to vector<1x16xf32>
          tpu.vector_store %arg17[%swap3A_912, %swap3A_913], %swap3A_916 {strides = array<i32>} : memref<32x128xf32, #tpu.memory_space<vmem>>, vector<1x16xf32>,
          %get3A_917 = arith.index_cast %scan3A_849 : i32 to index
          %get3A_918 = arith.constant 64 : index
          %get3A_919 = tpu.vector_load %arg13[%get3A_917, %get3A_918] {strides = array<i32>} : memref<32x128xf32, #tpu.memory_space<vmem>>, vector<1x16xf32>,
          %get3A_920 = vector.shape_cast %get3A_919 : vector<1x16xf32> to vector<16xf32>
          %get3A_921 = arith.index_cast %scan3A_849 : i32 to index
          %get3A_922 = arith.constant 64 : index
          %get3A_923 = tpu.vector_load %arg15[%get3A_921, %get3A_922] {strides = array<i32>} : memref<32x128xf32, #tpu.memory_space<vmem>>, vector<1x16xf32>,
          %get3A_924 = vector.shape_cast %get3A_923 : vector<1x16xf32> to vector<16xf32>
          %add3A_925 = arith.addf %get3A_920, %get3A_924 : vector<16xf32>
          %max3A_926 = arith.constant 0.000000e+00 : f32
          %max3A_927 = vector.broadcast %max3A_926 : f32 to vector<16xf32>
          %max3A_928 = arith.maximumf %add3A_925, %max3A_927 : vector<16xf32>
          %swap3A_929 = arith.index_cast %scan3A_849 : i32 to index
          %swap3A_930 = arith.constant 64 : index
          %swap3A_931 = tpu.vector_load %arg17[%swap3A_929, %swap3A_930] {strides = array<i32>} : memref<32x128xf32, #tpu.memory_space<vmem>>, vector<1x16xf32>,
          %swap3A_932 = vector.shape_cast %swap3A_931 : vector<1x16xf32> to vector<16xf32>
          %swap3A_933 = vector.shape_cast %max3A_928 : vector<16xf32> to vector<1x16xf32>
          tpu.vector_store %arg17[%swap3A_929, %swap3A_930], %swap3A_933 {strides = array<i32>} : memref<32x128xf32, #tpu.memory_space<vmem>>, vector<1x16xf32>,
          %get3A_934 = arith.index_cast %scan3A_849 : i32 to index
          %get3A_935 = arith.constant 80 : index
          %get3A_936 = tpu.vector_load %arg13[%get3A_934, %get3A_935] {strides = array<i32>} : memref<32x128xf32, #tpu.memory_space<vmem>>, vector<1x16xf32>,
          %get3A_937 = vector.shape_cast %get3A_936 : vector<1x16xf32> to vector<16xf32>
          %get3A_938 = arith.index_cast %scan3A_849 : i32 to index
          %get3A_939 = arith.constant 80 : index
          %get3A_940 = tpu.vector_load %arg15[%get3A_938, %get3A_939] {strides = array<i32>} : memref<32x128xf32, #tpu.memory_space<vmem>>, vector<1x16xf32>,
          %get3A_941 = vector.shape_cast %get3A_940 : vector<1x16xf32> to vector<16xf32>
          %add3A_942 = arith.addf %get3A_937, %get3A_941 : vector<16xf32>
          %max3A_943 = arith.constant 0.000000e+00 : f32
          %max3A_944 = vector.broadcast %max3A_943 : f32 to vector<16xf32>
          %max3A_945 = arith.maximumf %add3A_942, %max3A_944 : vector<16xf32>
          %swap3A_946 = arith.index_cast %scan3A_849 : i32 to index
          %swap3A_947 = arith.constant 80 : index
          %swap3A_948 = tpu.vector_load %arg17[%swap3A_946, %swap3A_947] {strides = array<i32>} : memref<32x128xf32, #tpu.memory_space<vmem>>, vector<1x16xf32>,
          %swap3A_949 = vector.shape_cast %swap3A_948 : vector<1x16xf32> to vector<16xf32>
          %swap3A_950 = vector.shape_cast %max3A_945 : vector<16xf32> to vector<1x16xf32>
          tpu.vector_store %arg17[%swap3A_946, %swap3A_947], %swap3A_950 {strides = array<i32>} : memref<32x128xf32, #tpu.memory_space<vmem>>, vector<1x16xf32>,
          %get3A_951 = arith.index_cast %scan3A_849 : i32 to index
          %get3A_952 = arith.constant 96 : index
          %get3A_953 = tpu.vector_load %arg13[%get3A_951, %get3A_952] {strides = array<i32>} : memref<32x128xf32, #tpu.memory_space<vmem>>, vector<1x16xf32>,
          %get3A_954 = vector.shape_cast %get3A_953 : vector<1x16xf32> to vector<16xf32>
          %get3A_955 = arith.index_cast %scan3A_849 : i32 to index
          %get3A_956 = arith.constant 96 : index
          %get3A_957 = tpu.vector_load %arg15[%get3A_955, %get3A_956] {strides = array<i32>} : memref<32x128xf32, #tpu.memory_space<vmem>>, vector<1x16xf32>,
          %get3A_958 = vector.shape_cast %get3A_957 : vector<1x16xf32> to vector<16xf32>
          %add3A_959 = arith.addf %get3A_954, %get3A_958 : vector<16xf32>
          %max3A_960 = arith.constant 0.000000e+00 : f32
          %max3A_961 = vector.broadcast %max3A_960 : f32 to vector<16xf32>
          %max3A_962 = arith.maximumf %add3A_959, %max3A_961 : vector<16xf32>
          %swap3A_963 = arith.index_cast %scan3A_849 : i32 to index
          %swap3A_964 = arith.constant 96 : index
          %swap3A_965 = tpu.vector_load %arg17[%swap3A_963, %swap3A_964] {strides = array<i32>} : memref<32x128xf32, #tpu.memory_space<vmem>>, vector<1x16xf32>,
          %swap3A_966 = vector.shape_cast %swap3A_965 : vector<1x16xf32> to vector<16xf32>
          %swap3A_967 = vector.shape_cast %max3A_962 : vector<16xf32> to vector<1x16xf32>
          tpu.vector_store %arg17[%swap3A_963, %swap3A_964], %swap3A_967 {strides = array<i32>} : memref<32x128xf32, #tpu.memory_space<vmem>>, vector<1x16xf32>,
          %get3A_968 = arith.index_cast %scan3A_849 : i32 to index
          %get3A_969 = arith.constant 112 : index
          %get3A_970 = tpu.vector_load %arg13[%get3A_968, %get3A_969] {strides = array<i32>} : memref<32x128xf32, #tpu.memory_space<vmem>>, vector<1x16xf32>,
          %get3A_971 = vector.shape_cast %get3A_970 : vector<1x16xf32> to vector<16xf32>
          %get3A_972 = arith.index_cast %scan3A_849 : i32 to index
          %get3A_973 = arith.constant 112 : index
          %get3A_974 = tpu.vector_load %arg15[%get3A_972, %get3A_973] {strides = array<i32>} : memref<32x128xf32, #tpu.memory_space<vmem>>, vector<1x16xf32>,
          %get3A_975 = vector.shape_cast %get3A_974 : vector<1x16xf32> to vector<16xf32>
          %add3A_976 = arith.addf %get3A_971, %get3A_975 : vector<16xf32>
          %max3A_977 = arith.constant 0.000000e+00 : f32
          %max3A_978 = vector.broadcast %max3A_977 : f32 to vector<16xf32>
          %max3A_979 = arith.maximumf %add3A_976, %max3A_978 : vector<16xf32>
          %swap3A_980 = arith.index_cast %scan3A_849 : i32 to index
          %swap3A_981 = arith.constant 112 : index
          %swap3A_982 = tpu.vector_load %arg17[%swap3A_980, %swap3A_981] {strides = array<i32>} : memref<32x128xf32, #tpu.memory_space<vmem>>, vector<1x16xf32>,
          %swap3A_983 = vector.shape_cast %swap3A_982 : vector<1x16xf32> to vector<16xf32>
          %swap3A_984 = vector.shape_cast %max3A_979 : vector<16xf32> to vector<1x16xf32>
          tpu.vector_store %arg17[%swap3A_980, %swap3A_981], %swap3A_984 {strides = array<i32>} : memref<32x128xf32, #tpu.memory_space<vmem>>, vector<1x16xf32>,
        }
        %scan3A_848 = arith.constant 32 : i32
      } else {
      }
      %convert_element_type3A_810 = arith.extui %ge3A_804 : i1 to i32
      %cond3A_811 = arith.constant 0 : i32
      %cond3A_812 = arith.cmpi ne, %convert_element_type3A_810, %cond3A_811 : i32
      scf.if %cond3A_812 {
        %scan3A = arith.constant 0 : i32
        %scan3A_844 = arith.constant 0 : i32
        %scan3A_845 = arith.constant 32 : i32
        %scan3A_846 = arith.addi %scan3A_844, %scan3A_845 : i32
        %scan3A_847 = arith.constant 1 : i32
        scf.for %scan3A_849 = %scan3A_844 to %scan3A_846 step %scan3A_847  : i32 {
          %broadcast_in_dim3A = arith.constant 0.000000e+00 : f32
          %broadcast_in_dim3A_850 = vector.broadcast %broadcast_in_dim3A : f32 to vector<16xf32>
          %swap3A_851 = arith.index_cast %scan3A_849 : i32 to index
          %swap3A_852 = arith.constant 0 : index
          %swap3A_853 = tpu.vector_load %arg17[%swap3A_851, %swap3A_852] {strides = array<i32>} : memref<32x128xf32, #tpu.memory_space<vmem>>, vector<1x16xf32>,
          %swap3A_854 = vector.shape_cast %swap3A_853 : vector<1x16xf32> to vector<16xf32>
          %swap3A_855 = vector.shape_cast %broadcast_in_dim3A_850 : vector<16xf32> to vector<1x16xf32>
          tpu.vector_store %arg17[%swap3A_851, %swap3A_852], %swap3A_855 {strides = array<i32>} : memref<32x128xf32, #tpu.memory_space<vmem>>, vector<1x16xf32>,
          %broadcast_in_dim3A_856 = arith.constant 0.000000e+00 : f32
          %broadcast_in_dim3A_857 = vector.broadcast %broadcast_in_dim3A_856 : f32 to vector<16xf32>
          %swap3A_858 = arith.index_cast %scan3A_849 : i32 to index
          %swap3A_859 = arith.constant 16 : index
          %swap3A_860 = tpu.vector_load %arg17[%swap3A_858, %swap3A_859] {strides = array<i32>} : memref<32x128xf32, #tpu.memory_space<vmem>>, vector<1x16xf32>,
          %swap3A_861 = vector.shape_cast %swap3A_860 : vector<1x16xf32> to vector<16xf32>
          %swap3A_862 = vector.shape_cast %broadcast_in_dim3A_857 : vector<16xf32> to vector<1x16xf32>
          tpu.vector_store %arg17[%swap3A_858, %swap3A_859], %swap3A_862 {strides = array<i32>} : memref<32x128xf32, #tpu.memory_space<vmem>>, vector<1x16xf32>,
          %broadcast_in_dim3A_863 = arith.constant 0.000000e+00 : f32
          %broadcast_in_dim3A_864 = vector.broadcast %broadcast_in_dim3A_863 : f32 to vector<16xf32>
          %swap3A_865 = arith.index_cast %scan3A_849 : i32 to index
          %swap3A_866 = arith.constant 32 : index
          %swap3A_867 = tpu.vector_load %arg17[%swap3A_865, %swap3A_866] {strides = array<i32>} : memref<32x128xf32, #tpu.memory_space<vmem>>, vector<1x16xf32>,
          %swap3A_868 = vector.shape_cast %swap3A_867 : vector<1x16xf32> to vector<16xf32>
          %swap3A_869 = vector.shape_cast %broadcast_in_dim3A_864 : vector<16xf32> to vector<1x16xf32>
          tpu.vector_store %arg17[%swap3A_865, %swap3A_866], %swap3A_869 {strides = array<i32>} : memref<32x128xf32, #tpu.memory_space<vmem>>, vector<1x16xf32>,
          %broadcast_in_dim3A_870 = arith.constant 0.000000e+00 : f32
          %broadcast_in_dim3A_871 = vector.broadcast %broadcast_in_dim3A_870 : f32 to vector<16xf32>
          %swap3A_872 = arith.index_cast %scan3A_849 : i32 to index
          %swap3A_873 = arith.constant 48 : index
          %swap3A_874 = tpu.vector_load %arg17[%swap3A_872, %swap3A_873] {strides = array<i32>} : memref<32x128xf32, #tpu.memory_space<vmem>>, vector<1x16xf32>,
          %swap3A_875 = vector.shape_cast %swap3A_874 : vector<1x16xf32> to vector<16xf32>
          %swap3A_876 = vector.shape_cast %broadcast_in_dim3A_871 : vector<16xf32> to vector<1x16xf32>
          tpu.vector_store %arg17[%swap3A_872, %swap3A_873], %swap3A_876 {strides = array<i32>} : memref<32x128xf32, #tpu.memory_space<vmem>>, vector<1x16xf32>,
          %broadcast_in_dim3A_877 = arith.constant 0.000000e+00 : f32
          %broadcast_in_dim3A_878 = vector.broadcast %broadcast_in_dim3A_877 : f32 to vector<16xf32>
          %swap3A_879 = arith.index_cast %scan3A_849 : i32 to index
          %swap3A_880 = arith.constant 64 : index
          %swap3A_881 = tpu.vector_load %arg17[%swap3A_879, %swap3A_880] {strides = array<i32>} : memref<32x128xf32, #tpu.memory_space<vmem>>, vector<1x16xf32>,
          %swap3A_882 = vector.shape_cast %swap3A_881 : vector<1x16xf32> to vector<16xf32>
          %swap3A_883 = vector.shape_cast %broadcast_in_dim3A_878 : vector<16xf32> to vector<1x16xf32>
          tpu.vector_store %arg17[%swap3A_879, %swap3A_880], %swap3A_883 {strides = array<i32>} : memref<32x128xf32, #tpu.memory_space<vmem>>, vector<1x16xf32>,
          %broadcast_in_dim3A_884 = arith.constant 0.000000e+00 : f32
          %broadcast_in_dim3A_885 = vector.broadcast %broadcast_in_dim3A_884 : f32 to vector<16xf32>
          %swap3A_886 = arith.index_cast %scan3A_849 : i32 to index
          %swap3A_887 = arith.constant 80 : index
          %swap3A_888 = tpu.vector_load %arg17[%swap3A_886, %swap3A_887] {strides = array<i32>} : memref<32x128xf32, #tpu.memory_space<vmem>>, vector<1x16xf32>,
          %swap3A_889 = vector.shape_cast %swap3A_888 : vector<1x16xf32> to vector<16xf32>
          %swap3A_890 = vector.shape_cast %broadcast_in_dim3A_885 : vector<16xf32> to vector<1x16xf32>
          tpu.vector_store %arg17[%swap3A_886, %swap3A_887], %swap3A_890 {strides = array<i32>} : memref<32x128xf32, #tpu.memory_space<vmem>>, vector<1x16xf32>,
          %broadcast_in_dim3A_891 = arith.constant 0.000000e+00 : f32
          %broadcast_in_dim3A_892 = vector.broadcast %broadcast_in_dim3A_891 : f32 to vector<16xf32>
          %swap3A_893 = arith.index_cast %scan3A_849 : i32 to index
          %swap3A_894 = arith.constant 96 : index
          %swap3A_895 = tpu.vector_load %arg17[%swap3A_893, %swap3A_894] {strides = array<i32>} : memref<32x128xf32, #tpu.memory_space<vmem>>, vector<1x16xf32>,
          %swap3A_896 = vector.shape_cast %swap3A_895 : vector<1x16xf32> to vector<16xf32>
          %swap3A_897 = vector.shape_cast %broadcast_in_dim3A_892 : vector<16xf32> to vector<1x16xf32>
          tpu.vector_store %arg17[%swap3A_893, %swap3A_894], %swap3A_897 {strides = array<i32>} : memref<32x128xf32, #tpu.memory_space<vmem>>, vector<1x16xf32>,
          %broadcast_in_dim3A_898 = arith.constant 0.000000e+00 : f32
          %broadcast_in_dim3A_899 = vector.broadcast %broadcast_in_dim3A_898 : f32 to vector<16xf32>
          %swap3A_900 = arith.index_cast %scan3A_849 : i32 to index
          %swap3A_901 = arith.constant 112 : index
          %swap3A_902 = tpu.vector_load %arg17[%swap3A_900, %swap3A_901] {strides = array<i32>} : memref<32x128xf32, #tpu.memory_space<vmem>>, vector<1x16xf32>,
          %swap3A_903 = vector.shape_cast %swap3A_902 : vector<1x16xf32> to vector<16xf32>
          %swap3A_904 = vector.shape_cast %broadcast_in_dim3A_899 : vector<16xf32> to vector<1x16xf32>
          tpu.vector_store %arg17[%swap3A_900, %swap3A_901], %swap3A_904 {strides = array<i32>} : memref<32x128xf32, #tpu.memory_space<vmem>>, vector<1x16xf32>,
        }
        %scan3A_848 = arith.constant 32 : i32
      } else {
      }
      %mul3A_813 = arith.constant 32 : i32
      %mul3A_814 = arith.muli %mul3A_813, %select_n3A_731 : i32
      %get3A_815 = arith.index_cast %select_n3A_715 : i32 to index
      %get3A_816 = arith.index_cast %mul3A_814 : i32 to index
      %get3A_817 = tpu.vector_load %arg9[%get3A_815, %get3A_816] {strides = array<i32>} : memref<80x128xi32, #tpu.memory_space<vmem>>, vector<1x16xi32>,
      %get3A_818 = vector.shape_cast %get3A_817 : vector<1x16xi32> to vector<16xi32>
      %swap3A_819 = arith.constant 0 : index
      %swap3A_820 = tpu.vector_load %arg11[%swap3A_819] {strides = array<i32>} : memref<32xi32, #tpu.memory_space<vmem>>, vector<16xi32>,
      %swap3A_821 = vector.shape_cast %swap3A_820 : vector<16xi32> to vector<16xi32>
      %swap3A_822 = vector.shape_cast %get3A_818 : vector<16xi32> to vector<16xi32>
      tpu.vector_store %arg11[%swap3A_819], %swap3A_822 {strides = array<i32>} : memref<32xi32, #tpu.memory_space<vmem>>, vector<16xi32>,
      %mul3A_823 = arith.constant 32 : i32
      %mul3A_824 = arith.muli %mul3A_823, %select_n3A_731 : i32
      %add3A_825 = arith.constant 16 : i32
      %add3A_826 = arith.addi %mul3A_824, %add3A_825 : i32
      %get3A_827 = arith.index_cast %select_n3A_715 : i32 to index
      %get3A_828 = arith.index_cast %add3A_826 : i32 to index
      %get3A_829 = tpu.vector_load %arg9[%get3A_827, %get3A_828] {strides = array<i32>} : memref<80x128xi32, #tpu.memory_space<vmem>>, vector<1x16xi32>,
      %get3A_830 = vector.shape_cast %get3A_829 : vector<1x16xi32> to vector<16xi32>
      %swap3A_831 = arith.constant 16 : index
      %swap3A_832 = tpu.vector_load %arg11[%swap3A_831] {strides = array<i32>} : memref<32xi32, #tpu.memory_space<vmem>>, vector<16xi32>,
      %swap3A_833 = vector.shape_cast %swap3A_832 : vector<16xi32> to vector<16xi32>
      %swap3A_834 = vector.shape_cast %get3A_830 : vector<16xi32> to vector<16xi32>
      tpu.vector_store %arg11[%swap3A_831], %swap3A_834 {strides = array<i32>} : memref<32xi32, #tpu.memory_space<vmem>>, vector<16xi32>,
      %dma_start3A_835 = arith.constant 0 : i32
      %dma_start3A_836 = arith.constant 0 : i32
      %dma_start3A_837 = tpu.memref_slice %arg7[%dma_start3A_835, %dma_start3A_836] : memref<10000x128xf32, #tpu.memory_space<vmem_shared>> -> memref<10000x128xf32, #tpu.memory_space<vmem_shared>>
      tpu.enqueue_indirect_dma source(%arg17 : memref<32x128xf32, #tpu.memory_space<vmem>>) target(%dma_start3A_837 : memref<10000x128xf32, #tpu.memory_space<vmem_shared>>) offsets(%arg11 : memref<32xi32, #tpu.memory_space<vmem>>) semaphore(%arg24 : memref<!tpu.dma_semaphore, #tpu.memory_space<semaphore_mem>>) {add = true}
      %add3A_838 = arith.constant 2 : i32
      %add3A_839 = arith.addi %add3A_691, %add3A_838 : i32
      %lt3A_840 = arith.cmpi slt, %add3A_839, %mul3A_8 : i32
      %convert_element_type3A_841 = arith.extui %lt3A_840 : i1 to i32
      %cond3A_842 = arith.constant 0 : i32
      %cond3A_843 = arith.cmpi ne, %convert_element_type3A_841, %cond3A_842 : i32
      scf.if %cond3A_843 {
        %add3A_844 = arith.constant 2 : i32
        %add3A_845 = arith.addi %add3A_691, %add3A_844 : i32
        %jit3A_846 = arith.constant 4 : i32
        %div3A_847 = arith.divsi %add3A_845, %jit3A_846 : i32
        %sign3A_848 = arith.constant 0 : i32
        %sign3A_849 = arith.cmpi sgt, %add3A_845, %sign3A_848 : i32
        %sign3A_850 = arith.extui %sign3A_849 : i1 to i32
        %sign3A_851 = arith.constant 0 : i32
        %sign3A_852 = arith.cmpi slt, %add3A_845, %sign3A_851 : i32
        %sign3A_853 = arith.extui %sign3A_852 : i1 to i32
        %sign3A_854 = arith.subi %sign3A_850, %sign3A_853 : i32
        %sign3A_855 = arith.constant 0 : i32
        %sign3A_856 = arith.cmpi sgt, %jit3A_846, %sign3A_855 : i32
        %sign3A_857 = arith.extui %sign3A_856 : i1 to i32
        %sign3A_858 = arith.constant 0 : i32
        %sign3A_859 = arith.cmpi slt, %jit3A_846, %sign3A_858 : i32
        %sign3A_860 = arith.extui %sign3A_859 : i1 to i32
        %sign3A_861 = arith.subi %sign3A_857, %sign3A_860 : i32
        %ne3A_862 = arith.cmpi ne, %sign3A_854, %sign3A_861 : i32
        %rem3A_863 = arith.remsi %add3A_845, %jit3A_846 : i32
        %ne3A_864 = arith.constant 0 : i32
        %ne3A_865 = arith.cmpi ne, %rem3A_863, %ne3A_864 : i32
        %and3A_866 = arith.andi %ne3A_862, %ne3A_865 : i1
        %sub3A_867 = arith.constant 1 : i32
        %sub3A_868 = arith.subi %div3A_847, %sub3A_867 : i32
        %select_n3A_869 = arith.select %and3A_866, %sub3A_868, %div3A_847 : i32
        %jit3A_870 = arith.constant 4 : i32
        %eq3A_871 = arith.constant 0 : i32
        %eq3A_872 = arith.cmpi eq, %jit3A_870, %eq3A_871 : i32
        %jit3A_873 = arith.constant 1 : i32
        %select_n3A_874 = arith.select %eq3A_872, %jit3A_873, %jit3A_870 : i32
        %rem3A_875 = arith.remsi %add3A_845, %select_n3A_874 : i32
        %ne3A_876 = arith.constant 0 : i32
        %ne3A_877 = arith.cmpi ne, %rem3A_875, %ne3A_876 : i32
        %lt3A_878 = arith.constant 0 : i32
        %lt3A_879 = arith.cmpi slt, %rem3A_875, %lt3A_878 : i32
        %lt3A_880 = arith.constant 0 : i32
        %lt3A_881 = arith.cmpi slt, %select_n3A_874, %lt3A_880 : i32
        %ne3A_882 = arith.xori %lt3A_879, %lt3A_881 : i1
        %and3A_883 = arith.andi %ne3A_882, %ne3A_877 : i1
        %add3A_884 = arith.addi %rem3A_875, %select_n3A_874 : i32
        %select_n3A_885 = arith.select %and3A_883, %add3A_884, %rem3A_875 : i32
        %jit3A_886 = arith.constant 8 : i32
        %div3A_887 = arith.divsi %select_n3A_869, %jit3A_886 : i32
        %sign3A_888 = arith.constant 0 : i32
        %sign3A_889 = arith.cmpi sgt, %select_n3A_869, %sign3A_888 : i32
        %sign3A_890 = arith.extui %sign3A_889 : i1 to i32
        %sign3A_891 = arith.constant 0 : i32
        %sign3A_892 = arith.cmpi slt, %select_n3A_869, %sign3A_891 : i32
        %sign3A_893 = arith.extui %sign3A_892 : i1 to i32
        %sign3A_894 = arith.subi %sign3A_890, %sign3A_893 : i32
        %sign3A_895 = arith.constant 0 : i32
        %sign3A_896 = arith.cmpi sgt, %jit3A_886, %sign3A_895 : i32
        %sign3A_897 = arith.extui %sign3A_896 : i1 to i32
        %sign3A_898 = arith.constant 0 : i32
        %sign3A_899 = arith.cmpi slt, %jit3A_886, %sign3A_898 : i32
        %sign3A_900 = arith.extui %sign3A_899 : i1 to i32
        %sign3A_901 = arith.subi %sign3A_897, %sign3A_900 : i32
        %ne3A_902 = arith.cmpi ne, %sign3A_894, %sign3A_901 : i32
        %rem3A_903 = arith.remsi %select_n3A_869, %jit3A_886 : i32
        %ne3A_904 = arith.constant 0 : i32
        %ne3A_905 = arith.cmpi ne, %rem3A_903, %ne3A_904 : i32
        %and3A_906 = arith.andi %ne3A_902, %ne3A_905 : i1
        %sub3A_907 = arith.constant 1 : i32
        %sub3A_908 = arith.subi %div3A_887, %sub3A_907 : i32
        %select_n3A_909 = arith.select %and3A_906, %sub3A_908, %div3A_887 : i32
        %mul3A_910 = arith.constant 32 : i32
        %mul3A_911 = arith.muli %mul3A_910, %select_n3A_909 : i32
        %add3A_912 = arith.addi %add3A, %mul3A_911 : i32
        %mul3A_913 = arith.constant 8 : i32
        %mul3A_914 = arith.muli %mul3A_913, %add3A_912 : i32
        %jit3A_915 = arith.constant 8 : i32
        %eq3A_916 = arith.constant 0 : i32
        %eq3A_917 = arith.cmpi eq, %jit3A_915, %eq3A_916 : i32
        %jit3A_918 = arith.constant 1 : i32
        %select_n3A_919 = arith.select %eq3A_917, %jit3A_918, %jit3A_915 : i32
        %rem3A_920 = arith.remsi %select_n3A_869, %select_n3A_919 : i32
        %ne3A_921 = arith.constant 0 : i32
        %ne3A_922 = arith.cmpi ne, %rem3A_920, %ne3A_921 : i32
        %lt3A_923 = arith.constant 0 : i32
        %lt3A_924 = arith.cmpi slt, %rem3A_920, %lt3A_923 : i32
        %lt3A_925 = arith.constant 0 : i32
        %lt3A_926 = arith.cmpi slt, %select_n3A_919, %lt3A_925 : i32
        %ne3A_927 = arith.xori %lt3A_924, %lt3A_926 : i1
        %and3A_928 = arith.andi %ne3A_927, %ne3A_922 : i1
        %add3A_929 = arith.addi %rem3A_920, %select_n3A_919 : i32
        %select_n3A_930 = arith.select %and3A_928, %add3A_929, %rem3A_920 : i32
        %add3A_931 = arith.addi %mul3A_914, %select_n3A_930 : i32
        %mul3A_932 = arith.constant 32 : i32
        %mul3A_933 = arith.muli %mul3A_932, %select_n3A_885 : i32
        %dma_start3A_934 = tpu.memref_slice %arg8[%select_n3A_869, %mul3A_933] : memref<80x128xi32, #tpu.memory_space<vmem>> -> memref<1x32xi32, #tpu.memory_space<vmem>>
        %dma_start3A_935 = tpu.memref_squeeze %dma_start3A_934 : memref<1x32xi32, #tpu.memory_space<vmem>> -> memref<32xi32, #tpu.memory_space<vmem>>
        %dma_start3A_936 = arith.constant 0 : i32
        %dma_start3A_937 = arith.constant 0 : i32
        %dma_start3A_938 = tpu.memref_slice %arg2[%dma_start3A_936, %dma_start3A_937] : memref<10000x128xf32, #tpu.memory_space<hbm>> -> memref<10000x128xf32, #tpu.memory_space<hbm>>
        tpu.enqueue_indirect_dma source(%dma_start3A_938 : memref<10000x128xf32, #tpu.memory_space<hbm>>) target(%arg13 : memref<32x128xf32, #tpu.memory_space<vmem>>) offsets(%dma_start3A_935 : memref<32xi32, #tpu.memory_space<vmem>>) semaphore(%arg20 : memref<!tpu.dma_semaphore, #tpu.memory_space<semaphore_mem>>)
        %lt3A_939 = arith.constant 2500 : i32
        %lt3A_940 = arith.cmpi slt, %add3A_931, %lt3A_939 : i32
        %jit3A_941 = arith.constant 0 : i32
        %select_n3A_942 = arith.select %lt3A_940, %add3A_931, %jit3A_941 : i32
        %mul3A_943 = arith.constant 128 : i32
        %mul3A_944 = arith.muli %select_n3A_942, %mul3A_943 : i32
        %mul3A_945 = arith.constant 32 : i32
        %mul3A_946 = arith.muli %mul3A_945, %select_n3A_885 : i32
        %add3A_947 = arith.addi %mul3A_944, %mul3A_946 : i32
        %dma_start3A_948 = arith.constant 0 : i32
        %dma_start3A_949 = tpu.memref_slice %arg3[%add3A_947, %dma_start3A_948] : memref<320000x128xf32, #tpu.memory_space<hbm>> -> memref<32x128xf32, #tpu.memory_space<hbm>>
        %dma_start3A_950 = arith.constant 0 : i32
        %dma_start3A_951 = tpu.memref_slice %arg3[%add3A_947, %dma_start3A_950] : memref<320000x128xf32, #tpu.memory_space<hbm>> -> memref<32x128xf32, #tpu.memory_space<hbm>>
        tpu.enqueue_dma source(%dma_start3A_951 : memref<32x128xf32, #tpu.memory_space<hbm>>) target(%arg15 : memref<32x128xf32, #tpu.memory_space<vmem>>) target_semaphore(%arg22 : memref<!tpu.dma_semaphore, #tpu.memory_space<semaphore_mem>>)
      } else {
      }
    }
    %dma_wait3A_513 = arith.constant 0 : i32
    %dma_wait3A_514 = arith.constant 0 : i32
    %dma_wait3A_515 = tpu.memref_slice %arg7[%dma_wait3A_513, %dma_wait3A_514] : memref<10000x128xf32, #tpu.memory_space<vmem_shared>> -> memref<10000x128xf32, #tpu.memory_space<vmem_shared>>
    tpu.wait_indirect_dma semaphore(%arg23 : memref<!tpu.dma_semaphore, #tpu.memory_space<semaphore_mem>>) src(%arg16 : memref<32x128xf32, #tpu.memory_space<vmem>>) dst(%dma_wait3A_515 : memref<10000x128xf32, #tpu.memory_space<vmem_shared>>)
    %dma_wait3A_516 = arith.constant 0 : i32
    %dma_wait3A_517 = arith.constant 0 : i32
    %dma_wait3A_518 = tpu.memref_slice %arg7[%dma_wait3A_516, %dma_wait3A_517] : memref<10000x128xf32, #tpu.memory_space<vmem_shared>> -> memref<10000x128xf32, #tpu.memory_space<vmem_shared>>
    tpu.wait_indirect_dma semaphore(%arg24 : memref<!tpu.dma_semaphore, #tpu.memory_space<semaphore_mem>>) src(%arg17 : memref<32x128xf32, #tpu.memory_space<vmem>>) dst(%dma_wait3A_518 : memref<10000x128xf32, #tpu.memory_space<vmem_shared>>)
    %barrier3A_519 = arith.constant 0 : index
    tpu.barrier barrier_id(%barrier3A_519)
    %add3A_520 = arith.constant 0 : i32
    %add3A_521 = arith.addi %mul3A_249, %add3A_520 : i32
    "tpu.region"() ({
      %run_scoped3A = tpu.sem_alloc : memref<!tpu.dma_semaphore, #tpu.memory_space<semaphore_mem>>
      %dma_start3A_535 = arith.constant 0 : i32
      %dma_start3A_536 = tpu.memref_slice %arg6[%arg0, %add3A_521, %dma_start3A_535] : memref<2x10000x128xf32, #tpu.memory_space<hbm>> -> memref<1x104x128xf32, #tpu.memory_space<hbm>>
      %dma_start3A_537 = tpu.memref_squeeze %dma_start3A_536 : memref<1x104x128xf32, #tpu.memory_space<hbm>> -> memref<104x128xf32, #tpu.memory_space<hbm>>
      %dma_start3A_538 = arith.constant 0 : i32
      %dma_start3A_539 = tpu.memref_slice %arg7[%add3A_521, %dma_start3A_538] : memref<10000x128xf32, #tpu.memory_space<vmem_shared>> -> memref<104x128xf32, #tpu.memory_space<vmem_shared>>
      tpu.enqueue_dma source(%dma_start3A_539 : memref<104x128xf32, #tpu.memory_space<vmem_shared>>) target(%dma_start3A_537 : memref<104x128xf32, #tpu.memory_space<hbm>>) target_semaphore(%run_scoped3A : memref<!tpu.dma_semaphore, #tpu.memory_space<semaphore_mem>>)
      %dma_wait3A_540 = arith.constant 0 : i32
      %dma_wait3A_541 = tpu.memref_slice %arg6[%arg0, %add3A_521, %dma_wait3A_540] : memref<2x10000x128xf32, #tpu.memory_space<hbm>> -> memref<1x104x128xf32, #tpu.memory_space<hbm>>
      %dma_wait3A_542 = tpu.memref_squeeze %dma_wait3A_541 : memref<1x104x128xf32, #tpu.memory_space<hbm>> -> memref<104x128xf32, #tpu.memory_space<hbm>>
      %dma_wait3A_543 = arith.constant 0 : i32
      %dma_wait3A_544 = tpu.memref_slice %arg7[%add3A_521, %dma_wait3A_543] : memref<10000x128xf32, #tpu.memory_space<vmem_shared>> -> memref<104x128xf32, #tpu.memory_space<vmem_shared>>
      tpu.wait_dma2 semaphore(%run_scoped3A : memref<!tpu.dma_semaphore, #tpu.memory_space<semaphore_mem>>) src(%dma_wait3A_544 : memref<104x128xf32, #tpu.memory_space<vmem_shared>>) dst(%dma_wait3A_542 : memref<104x128xf32, #tpu.memory_space<hbm>>)
      tpu.yield
    }) : () -> ()
    %add3A_522 = arith.constant 104 : i32
    %add3A_523 = arith.addi %mul3A_249, %add3A_522 : i32
    "tpu.region"() ({
      %run_scoped3A = tpu.sem_alloc : memref<!tpu.dma_semaphore, #tpu.memory_space<semaphore_mem>>
      %dma_start3A_535 = arith.constant 0 : i32
      %dma_start3A_536 = tpu.memref_slice %arg6[%arg0, %add3A_523, %dma_start3A_535] : memref<2x10000x128xf32, #tpu.memory_space<hbm>> -> memref<1x104x128xf32, #tpu.memory_space<hbm>>
      %dma_start3A_537 = tpu.memref_squeeze %dma_start3A_536 : memref<1x104x128xf32, #tpu.memory_space<hbm>> -> memref<104x128xf32, #tpu.memory_space<hbm>>
      %dma_start3A_538 = arith.constant 0 : i32
      %dma_start3A_539 = tpu.memref_slice %arg7[%add3A_523, %dma_start3A_538] : memref<10000x128xf32, #tpu.memory_space<vmem_shared>> -> memref<104x128xf32, #tpu.memory_space<vmem_shared>>
      tpu.enqueue_dma source(%dma_start3A_539 : memref<104x128xf32, #tpu.memory_space<vmem_shared>>) target(%dma_start3A_537 : memref<104x128xf32, #tpu.memory_space<hbm>>) target_semaphore(%run_scoped3A : memref<!tpu.dma_semaphore, #tpu.memory_space<semaphore_mem>>)
      %dma_wait3A_540 = arith.constant 0 : i32
      %dma_wait3A_541 = tpu.memref_slice %arg6[%arg0, %add3A_523, %dma_wait3A_540] : memref<2x10000x128xf32, #tpu.memory_space<hbm>> -> memref<1x104x128xf32, #tpu.memory_space<hbm>>
      %dma_wait3A_542 = tpu.memref_squeeze %dma_wait3A_541 : memref<1x104x128xf32, #tpu.memory_space<hbm>> -> memref<104x128xf32, #tpu.memory_space<hbm>>
      %dma_wait3A_543 = arith.constant 0 : i32
      %dma_wait3A_544 = tpu.memref_slice %arg7[%add3A_523, %dma_wait3A_543] : memref<10000x128xf32, #tpu.memory_space<vmem_shared>> -> memref<104x128xf32, #tpu.memory_space<vmem_shared>>
      tpu.wait_dma2 semaphore(%run_scoped3A : memref<!tpu.dma_semaphore, #tpu.memory_space<semaphore_mem>>) src(%dma_wait3A_544 : memref<104x128xf32, #tpu.memory_space<vmem_shared>>) dst(%dma_wait3A_542 : memref<104x128xf32, #tpu.memory_space<hbm>>)
      tpu.yield
    }) : () -> ()
    %add3A_524 = arith.constant 208 : i32
    %add3A_525 = arith.addi %mul3A_249, %add3A_524 : i32
    "tpu.region"() ({
      %run_scoped3A = tpu.sem_alloc : memref<!tpu.dma_semaphore, #tpu.memory_space<semaphore_mem>>
      %dma_start3A_535 = arith.constant 0 : i32
      %dma_start3A_536 = tpu.memref_slice %arg6[%arg0, %add3A_525, %dma_start3A_535] : memref<2x10000x128xf32, #tpu.memory_space<hbm>> -> memref<1x104x128xf32, #tpu.memory_space<hbm>>
      %dma_start3A_537 = tpu.memref_squeeze %dma_start3A_536 : memref<1x104x128xf32, #tpu.memory_space<hbm>> -> memref<104x128xf32, #tpu.memory_space<hbm>>
      %dma_start3A_538 = arith.constant 0 : i32
      %dma_start3A_539 = tpu.memref_slice %arg7[%add3A_525, %dma_start3A_538] : memref<10000x128xf32, #tpu.memory_space<vmem_shared>> -> memref<104x128xf32, #tpu.memory_space<vmem_shared>>
      tpu.enqueue_dma source(%dma_start3A_539 : memref<104x128xf32, #tpu.memory_space<vmem_shared>>) target(%dma_start3A_537 : memref<104x128xf32, #tpu.memory_space<hbm>>) target_semaphore(%run_scoped3A : memref<!tpu.dma_semaphore, #tpu.memory_space<semaphore_mem>>)
      %dma_wait3A_540 = arith.constant 0 : i32
      %dma_wait3A_541 = tpu.memref_slice %arg6[%arg0, %add3A_525, %dma_wait3A_540] : memref<2x10000x128xf32, #tpu.memory_space<hbm>> -> memref<1x104x128xf32, #tpu.memory_space<hbm>>
      %dma_wait3A_542 = tpu.memref_squeeze %dma_wait3A_541 : memref<1x104x128xf32, #tpu.memory_space<hbm>> -> memref<104x128xf32, #tpu.memory_space<hbm>>
      %dma_wait3A_543 = arith.constant 0 : i32
      %dma_wait3A_544 = tpu.memref_slice %arg7[%add3A_525, %dma_wait3A_543] : memref<10000x128xf32, #tpu.memory_space<vmem_shared>> -> memref<104x128xf32, #tpu.memory_space<vmem_shared>>
      tpu.wait_dma2 semaphore(%run_scoped3A : memref<!tpu.dma_semaphore, #tpu.memory_space<semaphore_mem>>) src(%dma_wait3A_544 : memref<104x128xf32, #tpu.memory_space<vmem_shared>>) dst(%dma_wait3A_542 : memref<104x128xf32, #tpu.memory_space<hbm>>)
      tpu.yield
    }) : () -> ()
    %add3A_526 = arith.constant 312 : i32
    %add3A_527 = arith.addi %mul3A_249, %add3A_526 : i32
    "tpu.region"() ({
      %run_scoped3A = tpu.sem_alloc : memref<!tpu.dma_semaphore, #tpu.memory_space<semaphore_mem>>
      %dma_start3A_535 = arith.constant 0 : i32
      %dma_start3A_536 = tpu.memref_slice %arg6[%arg0, %add3A_527, %dma_start3A_535] : memref<2x10000x128xf32, #tpu.memory_space<hbm>> -> memref<1x104x128xf32, #tpu.memory_space<hbm>>
      %dma_start3A_537 = tpu.memref_squeeze %dma_start3A_536 : memref<1x104x128xf32, #tpu.memory_space<hbm>> -> memref<104x128xf32, #tpu.memory_space<hbm>>
      %dma_start3A_538 = arith.constant 0 : i32
      %dma_start3A_539 = tpu.memref_slice %arg7[%add3A_527, %dma_start3A_538] : memref<10000x128xf32, #tpu.memory_space<vmem_shared>> -> memref<104x128xf32, #tpu.memory_space<vmem_shared>>
      tpu.enqueue_dma source(%dma_start3A_539 : memref<104x128xf32, #tpu.memory_space<vmem_shared>>) target(%dma_start3A_537 : memref<104x128xf32, #tpu.memory_space<hbm>>) target_semaphore(%run_scoped3A : memref<!tpu.dma_semaphore, #tpu.memory_space<semaphore_mem>>)
      %dma_wait3A_540 = arith.constant 0 : i32
      %dma_wait3A_541 = tpu.memref_slice %arg6[%arg0, %add3A_527, %dma_wait3A_540] : memref<2x10000x128xf32, #tpu.memory_space<hbm>> -> memref<1x104x128xf32, #tpu.memory_space<hbm>>
      %dma_wait3A_542 = tpu.memref_squeeze %dma_wait3A_541 : memref<1x104x128xf32, #tpu.memory_space<hbm>> -> memref<104x128xf32, #tpu.memory_space<hbm>>
      %dma_wait3A_543 = arith.constant 0 : i32
      %dma_wait3A_544 = tpu.memref_slice %arg7[%add3A_527, %dma_wait3A_543] : memref<10000x128xf32, #tpu.memory_space<vmem_shared>> -> memref<104x128xf32, #tpu.memory_space<vmem_shared>>
      tpu.wait_dma2 semaphore(%run_scoped3A : memref<!tpu.dma_semaphore, #tpu.memory_space<semaphore_mem>>) src(%dma_wait3A_544 : memref<104x128xf32, #tpu.memory_space<vmem_shared>>) dst(%dma_wait3A_542 : memref<104x128xf32, #tpu.memory_space<hbm>>)
      tpu.yield
    }) : () -> ()
    %add3A_528 = arith.constant 416 : i32
    %add3A_529 = arith.addi %mul3A_249, %add3A_528 : i32
    "tpu.region"() ({
      %run_scoped3A = tpu.sem_alloc : memref<!tpu.dma_semaphore, #tpu.memory_space<semaphore_mem>>
      %dma_start3A_535 = arith.constant 0 : i32
      %dma_start3A_536 = tpu.memref_slice %arg6[%arg0, %add3A_529, %dma_start3A_535] : memref<2x10000x128xf32, #tpu.memory_space<hbm>> -> memref<1x104x128xf32, #tpu.memory_space<hbm>>
      %dma_start3A_537 = tpu.memref_squeeze %dma_start3A_536 : memref<1x104x128xf32, #tpu.memory_space<hbm>> -> memref<104x128xf32, #tpu.memory_space<hbm>>
      %dma_start3A_538 = arith.constant 0 : i32
      %dma_start3A_539 = tpu.memref_slice %arg7[%add3A_529, %dma_start3A_538] : memref<10000x128xf32, #tpu.memory_space<vmem_shared>> -> memref<104x128xf32, #tpu.memory_space<vmem_shared>>
      tpu.enqueue_dma source(%dma_start3A_539 : memref<104x128xf32, #tpu.memory_space<vmem_shared>>) target(%dma_start3A_537 : memref<104x128xf32, #tpu.memory_space<hbm>>) target_semaphore(%run_scoped3A : memref<!tpu.dma_semaphore, #tpu.memory_space<semaphore_mem>>)
      %dma_wait3A_540 = arith.constant 0 : i32
      %dma_wait3A_541 = tpu.memref_slice %arg6[%arg0, %add3A_529, %dma_wait3A_540] : memref<2x10000x128xf32, #tpu.memory_space<hbm>> -> memref<1x104x128xf32, #tpu.memory_space<hbm>>
      %dma_wait3A_542 = tpu.memref_squeeze %dma_wait3A_541 : memref<1x104x128xf32, #tpu.memory_space<hbm>> -> memref<104x128xf32, #tpu.memory_space<hbm>>
      %dma_wait3A_543 = arith.constant 0 : i32
      %dma_wait3A_544 = tpu.memref_slice %arg7[%add3A_529, %dma_wait3A_543] : memref<10000x128xf32, #tpu.memory_space<vmem_shared>> -> memref<104x128xf32, #tpu.memory_space<vmem_shared>>
      tpu.wait_dma2 semaphore(%run_scoped3A : memref<!tpu.dma_semaphore, #tpu.memory_space<semaphore_mem>>) src(%dma_wait3A_544 : memref<104x128xf32, #tpu.memory_space<vmem_shared>>) dst(%dma_wait3A_542 : memref<104x128xf32, #tpu.memory_space<hbm>>)
      tpu.yield
    }) : () -> ()
    %add3A_530 = arith.constant 520 : i32
    %add3A_531 = arith.addi %mul3A_249, %add3A_530 : i32
    "tpu.region"() ({
      %run_scoped3A = tpu.sem_alloc : memref<!tpu.dma_semaphore, #tpu.memory_space<semaphore_mem>>
      %dma_start3A_535 = arith.constant 0 : i32
      %dma_start3A_536 = tpu.memref_slice %arg6[%arg0, %add3A_531, %dma_start3A_535] : memref<2x10000x128xf32, #tpu.memory_space<hbm>> -> memref<1x104x128xf32, #tpu.memory_space<hbm>>
      %dma_start3A_537 = tpu.memref_squeeze %dma_start3A_536 : memref<1x104x128xf32, #tpu.memory_space<hbm>> -> memref<104x128xf32, #tpu.memory_space<hbm>>
      %dma_start3A_538 = arith.constant 0 : i32
      %dma_start3A_539 = tpu.memref_slice %arg7[%add3A_531, %dma_start3A_538] : memref<10000x128xf32, #tpu.memory_space<vmem_shared>> -> memref<104x128xf32, #tpu.memory_space<vmem_shared>>
      tpu.enqueue_dma source(%dma_start3A_539 : memref<104x128xf32, #tpu.memory_space<vmem_shared>>) target(%dma_start3A_537 : memref<104x128xf32, #tpu.memory_space<hbm>>) target_semaphore(%run_scoped3A : memref<!tpu.dma_semaphore, #tpu.memory_space<semaphore_mem>>)
      %dma_wait3A_540 = arith.constant 0 : i32
      %dma_wait3A_541 = tpu.memref_slice %arg6[%arg0, %add3A_531, %dma_wait3A_540] : memref<2x10000x128xf32, #tpu.memory_space<hbm>> -> memref<1x104x128xf32, #tpu.memory_space<hbm>>
      %dma_wait3A_542 = tpu.memref_squeeze %dma_wait3A_541 : memref<1x104x128xf32, #tpu.memory_space<hbm>> -> memref<104x128xf32, #tpu.memory_space<hbm>>
      %dma_wait3A_543 = arith.constant 0 : i32
      %dma_wait3A_544 = tpu.memref_slice %arg7[%add3A_531, %dma_wait3A_543] : memref<10000x128xf32, #tpu.memory_space<vmem_shared>> -> memref<104x128xf32, #tpu.memory_space<vmem_shared>>
      tpu.wait_dma2 semaphore(%run_scoped3A : memref<!tpu.dma_semaphore, #tpu.memory_space<semaphore_mem>>) src(%dma_wait3A_544 : memref<104x128xf32, #tpu.memory_space<vmem_shared>>) dst(%dma_wait3A_542 : memref<104x128xf32, #tpu.memory_space<hbm>>)
      tpu.yield
    }) : () -> ()
    %convert_element_type3A_532 = arith.extui %eq3A_250 : i1 to i32
    %cond3A_533 = arith.constant 0 : i32
    %cond3A_534 = arith.cmpi ne, %convert_element_type3A_532, %cond3A_533 : i32
    scf.if %cond3A_534 {
      "tpu.region"() ({
        %run_scoped3A = tpu.sem_alloc : memref<!tpu.dma_semaphore, #tpu.memory_space<semaphore_mem>>
        %dma_start3A_535 = arith.constant 9984 : i32
        %dma_start3A_536 = arith.constant 0 : i32
        %dma_start3A_537 = tpu.memref_slice %arg6[%arg0, %dma_start3A_535, %dma_start3A_536] : memref<2x10000x128xf32, #tpu.memory_space<hbm>> -> memref<1x16x128xf32, #tpu.memory_space<hbm>>
        %dma_start3A_538 = tpu.memref_squeeze %dma_start3A_537 : memref<1x16x128xf32, #tpu.memory_space<hbm>> -> memref<16x128xf32, #tpu.memory_space<hbm>>
        %dma_start3A_539 = arith.constant 9984 : i32
        %dma_start3A_540 = arith.constant 0 : i32
        %dma_start3A_541 = tpu.memref_slice %arg7[%dma_start3A_539, %dma_start3A_540] : memref<10000x128xf32, #tpu.memory_space<vmem_shared>> -> memref<16x128xf32, #tpu.memory_space<vmem_shared>>
        tpu.enqueue_dma source(%dma_start3A_541 : memref<16x128xf32, #tpu.memory_space<vmem_shared>>) target(%dma_start3A_538 : memref<16x128xf32, #tpu.memory_space<hbm>>) target_semaphore(%run_scoped3A : memref<!tpu.dma_semaphore, #tpu.memory_space<semaphore_mem>>)
        %dma_wait3A_542 = arith.constant 9984 : i32
        %dma_wait3A_543 = arith.constant 0 : i32
        %dma_wait3A_544 = tpu.memref_slice %arg6[%arg0, %dma_wait3A_542, %dma_wait3A_543] : memref<2x10000x128xf32, #tpu.memory_space<hbm>> -> memref<1x16x128xf32, #tpu.memory_space<hbm>>
        %dma_wait3A_545 = tpu.memref_squeeze %dma_wait3A_544 : memref<1x16x128xf32, #tpu.memory_space<hbm>> -> memref<16x128xf32, #tpu.memory_space<hbm>>
        %dma_wait3A_546 = arith.constant 9984 : i32
        %dma_wait3A_547 = arith.constant 0 : i32
        %dma_wait3A_548 = tpu.memref_slice %arg7[%dma_wait3A_546, %dma_wait3A_547] : memref<10000x128xf32, #tpu.memory_space<vmem_shared>> -> memref<16x128xf32, #tpu.memory_space<vmem_shared>>
        tpu.wait_dma2 semaphore(%run_scoped3A : memref<!tpu.dma_semaphore, #tpu.memory_space<semaphore_mem>>) src(%dma_wait3A_548 : memref<16x128xf32, #tpu.memory_space<vmem_shared>>) dst(%dma_wait3A_545 : memref<16x128xf32, #tpu.memory_space<hbm>>)
        tpu.yield
      }) : () -> ()
    } else {
    }
    return
  }
}

module attributes {stable_mosaic.version = 14 : i64} {
  func.func @_mlp_bn(%arg0: memref<2x10000x128xf32, #tpu.memory_space<vmem>>, %arg1: memref<128x128xf32, #tpu.memory_space<vmem>>, %arg2: memref<1x128xf32, #tpu.memory_space<vmem>>, %arg3: memref<128x128xf32, #tpu.memory_space<vmem>>, %arg4: memref<1x128xf32, #tpu.memory_space<vmem>>, %arg5: memref<1x128xf32, #tpu.memory_space<vmem>>, %arg6: memref<1x128xf32, #tpu.memory_space<vmem>>, %arg7: memref<10000x128xf32, #tpu.memory_space<vmem>>) attributes {dimension_semantics = [], scalar_prefetch = 0 : i64, scratch_operands = 0 : i64, tpu.core_type = #tpu.core_type<tc>} {
    %get3A = arith.constant 0 : index
    %get3A_0 = arith.constant 0 : index
    %get3A_1 = arith.constant 0 : index
    %get3A_2 = vector.load %arg0[%get3A, %get3A_0, %get3A_1] : memref<2x10000x128xf32, #tpu.memory_space<vmem>>, vector<1x10000x128xf32>
    %get3A_3 = vector.shape_cast %get3A_2 : vector<1x10000x128xf32> to vector<10000x128xf32>
    %get3A_4 = arith.constant 1 : index
    %get3A_5 = arith.constant 0 : index
    %get3A_6 = arith.constant 0 : index
    %get3A_7 = vector.load %arg0[%get3A_4, %get3A_5, %get3A_6] : memref<2x10000x128xf32, #tpu.memory_space<vmem>>, vector<1x10000x128xf32>
    %get3A_8 = vector.shape_cast %get3A_7 : vector<1x10000x128xf32> to vector<10000x128xf32>
    %add3A = arith.addf %get3A_3, %get3A_8 : vector<10000x128xf32>
    %get3A_9 = arith.constant 0 : index
    %get3A_10 = arith.constant 0 : index
    %get3A_11 = vector.load %arg1[%get3A_9, %get3A_10] : memref<128x128xf32, #tpu.memory_space<vmem>>, vector<128x128xf32>
    %dot_general3A = arith.constant dense<0.000000e+00> : vector<10000x128xf32>
    %dot_general3A_12 = tpu.matmul %add3A, %get3A_11, %dot_general3A {dimension_numbers = #tpu.dot_dimension_numbers<[1], [0], [0], [1], [0, 0, 1, 1], [], []>, transpose_lhs_hint = false} : vector<10000x128xf32>, vector<128x128xf32>, vector<10000x128xf32> -> vector<10000x128xf32>
    %get3A_13 = arith.constant 0 : index
    %get3A_14 = arith.constant 0 : index
    %get3A_15 = vector.load %arg2[%get3A_13, %get3A_14] : memref<1x128xf32, #tpu.memory_space<vmem>>, vector<1x128xf32>
    %add3A_16 = vector.broadcast %get3A_15 : vector<1x128xf32> to vector<10000x128xf32>
    %add3A_17 = arith.addf %dot_general3A_12, %add3A_16 : vector<10000x128xf32>
    %max3A = arith.constant 0.000000e+00 : f32
    %max3A_18 = vector.broadcast %max3A : f32 to vector<10000x128xf32>
    %max3A_19 = arith.maximumf %add3A_17, %max3A_18 : vector<10000x128xf32>
    %get3A_20 = arith.constant 0 : index
    %get3A_21 = arith.constant 0 : index
    %get3A_22 = vector.load %arg3[%get3A_20, %get3A_21] : memref<128x128xf32, #tpu.memory_space<vmem>>, vector<128x128xf32>
    %dot_general3A_23 = arith.constant dense<0.000000e+00> : vector<10000x128xf32>
    %dot_general3A_24 = tpu.matmul %max3A_19, %get3A_22, %dot_general3A_23 {dimension_numbers = #tpu.dot_dimension_numbers<[1], [0], [0], [1], [0, 0, 1, 1], [], []>, transpose_lhs_hint = false} : vector<10000x128xf32>, vector<128x128xf32>, vector<10000x128xf32> -> vector<10000x128xf32>
    %get3A_25 = arith.constant 0 : index
    %get3A_26 = arith.constant 0 : index
    %get3A_27 = vector.load %arg4[%get3A_25, %get3A_26] : memref<1x128xf32, #tpu.memory_space<vmem>>, vector<1x128xf32>
    %add3A_28 = vector.broadcast %get3A_27 : vector<1x128xf32> to vector<10000x128xf32>
    %add3A_29 = arith.addf %dot_general3A_24, %add3A_28 : vector<10000x128xf32>
    %reduce_sum3A = arith.constant dense<0.000000e+00> : vector<128xf32>
    %reduce_sum3A_30 = vector.multi_reduction <add>, %add3A_29, %reduce_sum3A [0] : vector<10000x128xf32> to vector<128xf32>
    %broadcast_in_dim3A = vector.shape_cast %reduce_sum3A_30 : vector<128xf32> to vector<1x128xf32>
    %div3A = arith.constant 1.000000e+04 : f32
    %div3A_31 = vector.broadcast %div3A : f32 to vector<1x128xf32>
    %div3A_32 = arith.divf %broadcast_in_dim3A, %div3A_31 : vector<1x128xf32>
    %mul3A = arith.mulf %add3A_29, %add3A_29 : vector<10000x128xf32>
    %reduce_sum3A_33 = arith.constant dense<0.000000e+00> : vector<128xf32>
    %reduce_sum3A_34 = vector.multi_reduction <add>, %mul3A, %reduce_sum3A_33 [0] : vector<10000x128xf32> to vector<128xf32>
    %broadcast_in_dim3A_35 = vector.shape_cast %reduce_sum3A_34 : vector<128xf32> to vector<1x128xf32>
    %div3A_36 = arith.constant 1.000000e+04 : f32
    %div3A_37 = vector.broadcast %div3A_36 : f32 to vector<1x128xf32>
    %div3A_38 = arith.divf %broadcast_in_dim3A_35, %div3A_37 : vector<1x128xf32>
    %mul3A_39 = arith.mulf %div3A_32, %div3A_32 : vector<1x128xf32>
    %sub3A = arith.subf %div3A_38, %mul3A_39 : vector<1x128xf32>
    %add3A_40 = arith.constant 9.99999974E-6 : f32
    %add3A_41 = vector.broadcast %add3A_40 : f32 to vector<1x128xf32>
    %add3A_42 = arith.addf %sub3A, %add3A_41 : vector<1x128xf32>
    %rsqrt3A = math.rsqrt %add3A_42 : vector<1x128xf32>
    %sub3A_43 = vector.broadcast %div3A_32 : vector<1x128xf32> to vector<10000x128xf32>
    %sub3A_44 = arith.subf %add3A_29, %sub3A_43 : vector<10000x128xf32>
    %mul3A_45 = vector.broadcast %rsqrt3A : vector<1x128xf32> to vector<10000x128xf32>
    %mul3A_46 = arith.mulf %sub3A_44, %mul3A_45 : vector<10000x128xf32>
    %get3A_47 = arith.constant 0 : index
    %get3A_48 = arith.constant 0 : index
    %get3A_49 = vector.load %arg5[%get3A_47, %get3A_48] : memref<1x128xf32, #tpu.memory_space<vmem>>, vector<1x128xf32>
    %mul3A_50 = vector.broadcast %get3A_49 : vector<1x128xf32> to vector<10000x128xf32>
    %mul3A_51 = arith.mulf %mul3A_46, %mul3A_50 : vector<10000x128xf32>
    %get3A_52 = arith.constant 0 : index
    %get3A_53 = arith.constant 0 : index
    %get3A_54 = vector.load %arg6[%get3A_52, %get3A_53] : memref<1x128xf32, #tpu.memory_space<vmem>>, vector<1x128xf32>
    %add3A_55 = vector.broadcast %get3A_54 : vector<1x128xf32> to vector<10000x128xf32>
    %add3A_56 = arith.addf %mul3A_51, %add3A_55 : vector<10000x128xf32>
    %swap3A = arith.constant 0 : index
    %swap3A_57 = arith.constant 0 : index
    %swap3A_58 = vector.load %arg7[%swap3A, %swap3A_57] : memref<10000x128xf32, #tpu.memory_space<vmem>>, vector<10000x128xf32>
    tpu.vector_store %arg7[%swap3A, %swap3A_57], %add3A_56 {strides = array<i32>} : memref<10000x128xf32, #tpu.memory_space<vmem>>, vector<10000x128xf32>,
    return
  }
}

</mosaic_0001>

<sc_bundles>
// kernel: kernel.4.cloned.1.call-start
scs
__scs_entry_jumppad:
0x0: {  	(pc) =	sbr.rel $0x88, $3  }
0x1: {  	(tag) =	ssettag $0x0;
	lr =	simm.s32 $0x1  }
0x2: {  	[smem:$0x3F98] =	sst lr;
	_ =	strace $0xD0000000  }
0x3: {  	_ = 	snop  }
0x4: {  	_ = 	snop  }
0x5: {  	_ = 	snop  }
0x6: {  	_ = 	snop  }
0x7: {  	_ = 	snop  }
__scs_overlays_trampoline_lowered:
0x8: {  	[smem:$0x3FA7] =	sst s0  }
0x9: {  	[smem:$0x3FA8] =	sst s1  }
0xa: {  	[smem:$0x3FA9] =	sst s2  }
0xb: {  	[smem:$0x3FAA] =	sst s3  }
0xc: {  	[smem:$0x3FAB] =	sst s4  }
0xd: {  	[smem:$0x3FAC] =	sst s5  }
0xe: {  	[smem:$0x3FAD] =	sst s6  }
0xf: {  	[smem:$0x3FAE] =	sst s7  }
0x10: {  	[smem:$0x3FAF] =	sst s8  }
0x11: {  	[smem:$0x3FB0] =	sst s9;
	s0 =	simm.s32 @!p0 $0x0  }
0x12: {  	s1 =	sld [smem:$0x3F96];
	s0 =	simm.s32 @p0 $0x1  }
0x13: {  	[smem:$0x3FB1] =	sst s0;
	s0 =	simm.s32 @!p1 $0x0  }
0x14: {  	s2 =	sld [smem:$0x3F95];
	s0 =	simm.s32 @p1 $0x1  }
0x15: {  	[smem:$0x3FB2] =	sst s0;
	s0 =	simm.s32 @!p2 $0x0  }
0x16: {  	s3 =	sld [smem:$0x3FDB];
	s0 =	simm.s32 @p2 $0x1  }
0x17: {  	s4 =	simm.s32 $0x1BF5;
	[smem:$0x3FB4] =	sst s0  }
0x18: {  	s0 =	sld [smem:$0x3F97];
	_ =	swait.ge [sflag:s4], $0x0  }
0x19: {  	s7 =	sld [smem:$0x3F98]  }
0x1a: {  	s8 =	sadd.s32 $0xFFFFE003, lr  }
0x1b: {  	s9 =	sadd.s32 $0xFFFFFEF7, lr;
	s5 =	simm.s32 $0xFFFFFFFF;
	p2 =	slt.u32 s8, $0xFFFFF086  }
0x1c: {  	p1 =	slt.u32 s9, $0xF7A;
	s5 =	simm.s32 @!p2 $0x0  }
0x1d: {  	s5 =	simm.s32 @p1 $0x1;
	p0 =	seq.s32 s7, s2  }
0x1e: {  	s7 =	smul.u32 @!p0 $0xF7A, s2;
	p2 =	seq.s32 @!p0 s5, $0x0  }
0x1f: {  	s9 =	smul.u32 $0xF7A, s1;
	s8 =	simm.s32 @!p0 $0x1BF5;
	p2 =	por !p2, p0  }
0x20: {  	[sflag:s8] =	ssyncset.s32 @!p0 $0xFFFFF086;
	s6 =	sadd.s32 @!p0 s3, s7;
	s7 =	simm.s32 @!p0 $0x108  }
0x21: {  	s3 =	sadd.s32 s3, s9;
	s6 =	sadd.s32 @!p0 $0x88, s6;
	s7 =	simm.s32 @p2 $0x1082  }
0x22: {  	[simem:s7], [sflag:s8] =	dma.local @!p0 [hbm:s6], $0xF7A  }
0x23: {  	s9 =	sor.u32 $0xD0000000, s2;
	s6 =	simm.s32 $0x108;
	_ =	swait.ge @!p0 [sflag:s8], $0x0  }
0x24: {  	s3 =	sadd.s32 $0x88, s3;
	s6 =	simm.s32 @!p1 $0x1082;
	[sflag:s4] =	ssyncset.s32 $0xFFFFF086  }
0x25: {  	[simem:s6], [sflag:s4] =	dma.local [hbm:s3], $0xF7A  }
0x26: {  	[smem:$0x3F98] =	sst s1;
	(tag) =	ssettag s2;
	_ =	strace s9  }
0x27: {  	s1 =	sld [smem:$0x3FA8]  }
0x28: {  	s2 =	sld [smem:$0x3FA9]  }
0x29: {  	s4 =	sld [smem:$0x3FAB]  }
0x2a: {  	p0 =	seq.s32 s5, $0x0;
	s5 =	sld [smem:$0x3FAC]  }
0x2b: {  	s6 =	sld [smem:$0x3FAD]  }
0x2c: {  	s7 =	sld [smem:$0x3FAE]  }
0x2d: {  	s3 =	simm.s32 $0x108;
	s8 =	sld [smem:$0x3FAF]  }
0x2e: {  	s3 =	simm.s32 @!p0 $0x1082;
	s9 =	sld [smem:$0x3FB0]  }
0x2f: {  	lr =	sadd.s32 s0, s3;
	s0 =	sld [smem:$0x3FA7]  }
0x30: {  	s3 =	sld [smem:$0x3FAA]  }
0x31: {  	[smem:$0x3FB3] =	sst s10  }
0x32: {  	s10 =	sld [smem:$0x3FB1];
	_ =	sdelay $0x3  }
0x33: {  	p0 =	seq.s32 s10, $0x1;
	s10 =	sld [smem:$0x3FB3];
	_ =	sdelay $0x3  }
0x34: {  	[smem:$0x3FB3] =	sst s10  }
0x35: {  	s10 =	sld [smem:$0x3FB2];
	_ =	sdelay $0x3  }
0x36: {  	p1 =	seq.s32 s10, $0x1;
	s10 =	sld [smem:$0x3FB3];
	_ =	sdelay $0x3  }
0x37: {  	[smem:$0x3FB3] =	sst s10  }
0x38: {  	s10 =	sld [smem:$0x3FB4]  }
0x39: {  	_ = 	snop;
	(pc) =	sbr.ind lr, $3  }
0x3a: {  	_ = 	snop  }
0x3b: {  	_ = 	snop  }
0x3c: {  	p2 =	seq.s32 s10, $0x1;
	s10 =	sld [smem:$0x3FB3]  }
0x3d: {  	_ =	shalt  }
0x3e: {  	_ =	shalt  }
0x3f: {  	_ =	shalt  }
0x40: {  	_ =	shalt  }
0x41: {  	_ =	shalt  }
0x42: {  	_ =	shalt  }
0x43: {  	_ =	shalt  }
0x44: {  	_ =	shalt  }
0x45: {  	_ =	shalt  }
0x46: {  	_ =	shalt  }
0x47: {  	_ =	shalt  }
0x48: {  	_ =	shalt  }
0x49: {  	_ =	shalt  }
0x4a: {  	_ =	shalt  }
0x4b: {  	_ =	shalt  }
0x4c: {  	_ =	shalt  }
0x4d: {  	_ =	shalt  }
0x4e: {  	_ =	shalt  }
0x4f: {  	_ =	shalt  }
0x50: {  	_ =	shalt  }
0x51: {  	_ =	shalt  }
0x52: {  	_ =	shalt  }
0x53: {  	_ =	shalt  }
0x54: {  	_ =	shalt  }
0x55: {  	_ =	shalt  }
0x56: {  	_ =	shalt  }
0x57: {  	_ =	shalt  }
0x58: {  	_ =	shalt  }
0x59: {  	_ =	shalt  }
0x5a: {  	_ =	shalt  }
0x5b: {  	_ =	shalt  }
0x5c: {  	_ =	shalt  }
0x5d: {  	_ =	shalt  }
0x5e: {  	_ =	shalt  }
0x5f: {  	_ =	shalt  }
0x60: {  	_ =	shalt  }
0x61: {  	_ =	shalt  }
0x62: {  	_ =	shalt  }
0x63: {  	_ =	shalt  }
0x64: {  	_ =	shalt  }
0x65: {  	_ =	shalt  }
0x66: {  	_ =	shalt  }
0x67: {  	_ =	shalt  }
0x68: {  	_ =	shalt  }
0x69: {  	_ =	shalt  }
0x6a: {  	_ =	shalt  }
0x6b: {  	_ =	shalt  }
0x6c: {  	_ =	shalt  }
0x6d: {  	_ =	shalt  }
0x6e: {  	_ =	shalt  }
0x6f: {  	_ =	shalt  }
0x70: {  	_ =	shalt  }
0x71: {  	_ =	shalt  }
0x72: {  	_ =	shalt  }
0x73: {  	_ =	shalt  }
0x74: {  	_ =	shalt  }
0x75: {  	_ =	shalt  }
0x76: {  	_ =	shalt  }
0x77: {  	_ =	shalt  }
0x78: {  	_ =	shalt  }
0x79: {  	_ =	shalt  }
0x7a: {  	_ =	shalt  }
0x7b: {  	_ =	shalt  }
0x7c: {  	_ =	shalt  }
0x7d: {  	_ =	shalt  }
0x7e: {  	_ =	shalt  }
0x7f: {  	_ =	shalt  }
0x80: {  	_ =	shalt  }
0x81: {  	_ =	shalt  }
0x82: {  	_ =	shalt  }
0x83: {  	_ =	shalt  }
0x84: {  	_ =	shalt  }
0x85: {  	_ =	shalt  }
0x86: {  	_ =	shalt  }
0x87: {  	_ =	shalt  }
.Lfunc_end0:
.L_simem_size_0:
called_computation_lowered:
.L_overlay_start_0:
0x88: {  	s2 =	sld [smem:$0x3FD9]  }
0x89: {  	s3 =	sld [smem:$0x3FFE];
	_ =	sdelay $0x1  }
0x8a: {  	s1 =	srdreg.scid  }
0x8b: {  	s0 =	sand.u32 $0x1, s1  }
0x8c: {  	s17 =	sshll.u32 s0, $0xA;
	s2 =	sadd.s32 s3, s2  }
0x8d: {  	s2 =	sadd.s32 s2, s17  }
0x8e: {  	[smem:$0x3FBF] =	sst s2  }
0x8f: {  	_ = 	snop  }
0x90: {  	s2 =	sld [smem:$0x3FC9]  }
0x91: {  	s18 =	sld [smem:$0x3FC8]  }
0x92: {  	s4 =	sld [smem:$0x3FD0];
	(tm) =	ssettm $0x1  }
0x93: {  	s5 =	sld [smem:$0x3FFB];
	_ =	sdelay $0x3  }
0x94: {  	_ =	strace s5  }
0x95: {  	s5 =	sld [smem:$0x3FFC];
	_ =	sdelay $0x3  }
0x96: {  	_ =	strace s5  }
0x97: {  	s5 =	sld [smem:$0x3FFD];
	_ =	sdelay $0x3  }
0x98: {  	_ =	strace s5  }
0x99: {  	_ =	strace $0x8FFFFFFF  }
0x9a: {  	s19 =	sld [smem:$0x3FDB];
	_ =	sdelay $0x1  }
0x9b: {  	s6 =	simm.s32 $_scs_section_size  }
0x9c: {  	s7 =	simm.s32 $_size__tile_overlayer_lowered;
	s8 =	simm.s32 $_tile_overlayer_lowered  }
0x9d: {  	s22 =	simm.s32 $0x1BFF;
	s21 =	sshll.u32 s8, $0x1;
	s5 =	sadd.s32 s6, s19  }
0x9e: {  	s9 =	simm.s32 $0x0;
	s20 =	sshll.u32 s7, $0x1;
	s7 =	sadd.s32 s21, s5  }
0x9f: {  	[timem:s9], [sflag:s22] =	dma.local [hbm:s7], s20  }
0xa0: {  	_ =	swait.ge [sflag:s22], s20  }
0xa1: {  	s6 =	ssub.s32 $0x0, s20;
	[sflag:s22] =	ssyncset.done $0x0  }
0xa2: {  	[sflag:s22] =	ssyncadd.s32 s6;
	_ =	sdelay $0x1  }
0xa3: {  	s23 =	simm.s32 $0x1B8B  }
0xa4: {  	_ =	swait.ge [sflag:s23], $0x1  }
0xa5: {  	[sflag:s23] =	ssyncset.done $0x0  }
0xa6: {  	s25 =	simm.s32 $0x1B8E;
	s24 =	sld [smem:$0x3FFE];
	[sflag:s23] =	ssyncadd.s32 $0xFFFFFFFF  }
0xa7: {  	s26 =	simm.s32 $execute0_lowered;
	[smem:$0x3FD2] =	sst s25  }
0xa8: {  	s7 =	sshll.u32 s26, $0x1;
	_ =	strace $0x80000046;
	[dreg:$0x1] =	wrdreg $0xFFFFFFFF  }
0xa9: {  	s28 =	simm.s32 $_size_execute0_lowered;
	s5 =	sadd.s32 s5, s7;
	[dreg:$0x0] =	wrdreg $0x0  }
0xaa: {  	s7 =	sshll.u32 s28, $0x1;
	[dreg:$0x2] =	wrdreg s5  }
0xab: {  	[dreg:$0x3] =	wrdreg s7  }
0xac: {  	[dreg:$0x4] =	wrdreg $0xC0  }
0xad: {  	_ =	task [dreg:s9], $0x5FFFF  }
0xae: {  	[dreg:$0x1] =	wrdreg $0xFFFFFFFF  }
0xaf: {  	[dreg:$0x0] =	wrdreg $0x60  }
0xb0: {  	[dreg:$0x2] =	wrdreg s2  }
0xb1: {  	[dreg:$0x3] =	wrdreg s18  }
0xb2: {  	[dreg:$0x4] =	wrdreg s24  }
0xb3: {  	[dreg:$0x5] =	wrdreg s4  }
0xb4: {  	[dreg:$0x6] =	wrdreg $0x0  }
0xb5: {  	[dreg:$0x7] =	wrdreg $0x9  }
0xb6: {  	_ =	task.clear_ibuf [dreg:s9], $0x8FFFF;
	_ =	strace $0x90000046  }
0xb7: {  	s29 =	simm.s32 $0x9;
	_ =	strace $0x80000048  }
0xb8: {  	_ =	swait.ge [sflag:s29], $0x1  }
0xb9: {  	[sflag:s29] =	ssyncadd.s32 $0xFFFFFFFF  }
0xba: {  	_ =	strace $0x90000048  }
0xbb: {  	_ =	sfence  }
0xbc: {  	s30 =	sld [smem:$0x0];
	_ =	sdelay $0x2  }
0xbd: {  	s31 =	sshll.u32 s1, $0xD;
	s1 =	sshrl.u32 s1, $0x2  }
0xbe: {  	s3 =	sand.u32 $0x4000, s31;
	s1 =	sadd.s32 s1, s30  }
0xbf: {  	s0 =	sor.u32 s3, s0;
	s1 =	sshll.u32 s1, $0x11  }
0xc0: {  	s0 =	sor.u32 s1, s0  }
0xc1: {  	s0 =	sadd.s32 $0x8F2B, s0  }
0xc2: {  	[sflag:s0] =	ssyncadd.remote.s32 $0x1  }
0xc3: {  	_ =	sfence.sel $0xFFFF  }
0xc4: {  	[dreg:$0x0] =	wrdreg $0xFFFFFFFF;
	(pc) =	sbr.abs _section_cstart, $3  }
0xc5: {  	[dreg:$0x1] =	wrdreg $0xFFFFFFFF  }
0xc6: {  	_ =	task.clear_ibuf [dreg:s9], $0x2FFFF;
	_ =	strace $0x9FFFFFFF  }
0xc7: {  	(tm) =	ssettm $0x7FFFFFFF  }
tec
execute0_lowered:
.L_overlay_start_1:
0x0: {  	(tag) =	ssettag $0x1  }
0x1: {  	s0 =	srdreg.scid;
	s1 =	rddreg [dreg:$0x2]  }
0x2: {  	s18 =	stileid.u32;
	s4 =	rddreg [dreg:$0x3]  }
0x3: {  	s29 =	rddreg [dreg:$0x0];
	s0 =	sand.u32 $0x1, s0;
	s2 =	sshll.u32 s18, $0x1  }
0x4: {  	s31 =	rddreg [dreg:$0x1];
	s2 =	sor.u32 s0, s2  }
0x5: {  	s5 =	sadd.s32 $0xC00, s1;
	s3 =	ssub.s32 $0x2, s0;
	s7 =	sshll.u32 s2, $0x7  }
0x6: {  	s30 =	rddreg [dreg:$0x4];
	s6 =	sshrl.u32 s3, $0x1;
	s21 =	sadd.s32 s5, s7  }
0x7: {  	s22 =	sor.u32 $0x1000, s7;
	s8 =	sadd.s32 s4, s7;
	[dreg:$0x6] =	wrdreg s21  }
0x8: {  	s3 =	ssub.s32 s3, s6;
	[dreg:$0x7] =	wrdreg s8;
	s23 =	sadd.s32 s5, s22  }
0x9: {  	s24 =	sor.u32 $0x2000, s7;
	s6 =	sadd.s32 s4, s22;
	[dreg:$0x8] =	wrdreg s23  }
0xa: {  	s25 =	sadd.s32 s5, s24;
	[dreg:$0x9] =	wrdreg s6  }
0xb: {  	s26 =	sor.u32 $0x3000, s7;
	s8 =	sadd.s32 s4, s24;
	[dreg:$0xa] =	wrdreg s25  }
0xc: {  	s10 =	sor.u32 $0x4000, s7;
	s9 =	sadd.s32 s5, s26;
	[dreg:$0xb] =	wrdreg s8  }
0xd: {  	s12 =	sor.u32 $0x5000, s7;
	s11 =	sadd.s32 s5, s10;
	[dreg:$0xc] =	wrdreg s9  }
0xe: {  	s14 =	sor.u32 $0x6000, s7;
	s13 =	sadd.s32 s5, s12;
	[dreg:$0xe] =	wrdreg s11  }
0xf: {  	s16 =	sor.u32 $0x7000, s7;
	s15 =	sadd.s32 s5, s14;
	[dreg:$0x10] =	wrdreg s13  }
0x10: {  	s19 =	sor.u32 $0x8000, s7;
	s17 =	sadd.s32 s5, s16;
	[dreg:$0x12] =	wrdreg s15  }
0x11: {  	s20 =	sadd.s32 s5, s19;
	[dreg:$0x14] =	wrdreg s17  }
0x12: {  	s21 =	sadd.s32 s4, s19;
	[dreg:$0x16] =	wrdreg s20  }
0x13: {  	s19 =	simm.s32 $0x0;
	[dreg:$0x17] =	wrdreg s21  }
0x14: {  	s6 =	sadd.s32 s4, s26;
	[smem:$0x7FF] =	sst s19  }
0x15: {  	s22 =	sor.u32 $0x9000, s7;
	s8 =	sadd.s32 s4, s10;
	[dreg:$0xd] =	wrdreg s6  }
0x16: {  	s1 =	sadd.s32 $0xAC00, s1;
	s5 =	sadd.s32 s5, s22;
	[dreg:$0xf] =	wrdreg s8  }
0x17: {  	s24 =	smul.u32 $0x138800, s0;
	s6 =	sadd.s32 s4, s12;
	[dreg:$0x18] =	wrdreg s5  }
0x18: {  	s23 =	smul.u32 $0x270, s18;
	s8 =	sadd.s32 s4, s14;
	[dreg:$0x11] =	wrdreg s6  }
0x19: {  	s9 =	smul.u32 $0x13800, s18;
	s5 =	sshrl.u32 s24, $0x3;
	[dreg:$0x13] =	wrdreg s8  }
0x1a: {  	s6 =	sadd.s32 s4, s16;
	s4 =	sadd.s32 s4, s22;
	s8 =	sadd.s32 $0x138, s23  }
0x1b: {  	s10 =	sadd.s32 $0x1A0, s23;
	s7 =	sadd.s32 $0x208, s23;
	[dreg:$0x15] =	wrdreg s6  }
0x1c: {  	s9 =	sadd.s32 s9, s24;
	[dreg:$0x19] =	wrdreg s4;
	s4 =	sadd.s32 $0x68, s23  }
0x1d: {  	s6 =	sadd.s32 $0xD0, s23;
	s9 =	sshrl.u32 s9, $0x3;
	s20 =	sshll.u32 s7, $0x7  }
0x1e: {  	s11 =	sshll.u32 s4, $0x7;
	s12 =	sshll.u32 s6, $0x7;
	s9 =	sadd.s32 s1, s9  }
0x1f: {  	s17 =	sadd.s32 s24, s20;
	s13 =	sadd.s32 s24, s11;
	s14 =	sadd.s32 s24, s12  }
0x20: {  	[dreg:$0x1a] =	wrdreg s9;
	s22 =	sshrl.u32 s17, $0x3;
	s13 =	sshrl.u32 s13, $0x3  }
0x21: {  	s26 =	sshrl.u32 s14, $0x3;
	s14 =	sshll.u32 s10, $0x7;
	s25 =	sadd.s32 s1, s13  }
0x22: {  	s9 =	sadd.s32 s1, s26;
	s13 =	sshll.u32 s8, $0x7;
	s16 =	sadd.s32 s24, s14  }
0x23: {  	[dreg:$0x1b] =	wrdreg s25;
	s15 =	sadd.s32 s24, s13;
	s16 =	sshrl.u32 s16, $0x3  }
0x24: {  	[dreg:$0x1c] =	wrdreg s9;
	s15 =	sshrl.u32 s15, $0x3;
	s21 =	sadd.s32 s1, s16  }
0x25: {  	s24 =	smul.u32 $0x2700, s18;
	s15 =	sadd.s32 s1, s15;
	[dreg:$0x1e] =	wrdreg s21  }
0x26: {  	[dreg:$0x1d] =	wrdreg s15;
	s15 =	sadd.s32 s1, s22  }
0x27: {  	s4 =	sshll.u32 s4, $0x4;
	[dreg:$0x1f] =	wrdreg s15;
	s15 =	sadd.s32 s29, s24  }
0x28: {  	s11 =	sadd.s32 s11, s30;
	_ =	strace $0x80000047;
	[smem:$0x7D5] =	sst s15  }
0x29: {  	s4 =	sadd.s32 s29, s4;
	[smem:$0x7D6] =	sst s11  }
0x2a: {  	s23 =	smul.u32 $0x4E000, s18;
	s26 =	sadd.s32 s12, s30;
	[smem:$0x7D7] =	sst s4  }
0x2b: {  	s17 =	sadd.s32 s20, s30;
	s1 =	sadd.s32 s1, s5;
	[smem:$0x7D8] =	sst s26  }
0x2c: {  	s1 =	sadd.s32 $0x27000, s1;
	[smem:$0x7DE] =	sst s17  }
0x2d: {  	s21 =	smax.u32 s3, $0x1;
	s5 =	sshrl.u32 s23, $0x2;
	[smem:$0x7E0] =	sst s1  }
0x2e: {  	s25 =	sshll.u32 s6, $0x4;
	s5 =	sadd.s32 s5, s30;
	[smem:$0x7E1] =	sst s21  }
0x2f: {  	s4 =	sadd.s32 s29, s25;
	[smem:$0x7F8] =	sst s5  }
0x30: {  	s11 =	sadd.s32 s13, s30;
	[smem:$0x7D9] =	sst s4  }
0x31: {  	s15 =	sadd.s32 s14, s30;
	[smem:$0x7DA] =	sst s11  }
0x32: {  	s22 =	sadd.s32 $0x1000, s5;
	[smem:$0x7DC] =	sst s15  }
0x33: {  	s23 =	sadd.s32 $0x2000, s5;
	[smem:$0x7E2] =	sst s22  }
0x34: {  	s24 =	sadd.s32 $0x3000, s5;
	[smem:$0x7E3] =	sst s23  }
0x35: {  	s25 =	sadd.s32 $0x3400, s5;
	[smem:$0x7E4] =	sst s24  }
0x36: {  	s26 =	sadd.s32 $0x4400, s5;
	[smem:$0x7E5] =	sst s25  }
0x37: {  	s3 =	sadd.s32 $0x6400, s5;
	[smem:$0x7E6] =	sst s26  }
0x38: {  	s28 =	simm.s32 $0x18900;
	s6 =	sadd.s32 $0x6800, s5;
	[smem:$0x7E8] =	sst s3  }
0x39: {  	s16 =	sshll.u32 s7, $0x4;
	s7 =	sadd.s32 $0x7800, s5;
	[smem:$0x7E9] =	sst s6  }
0x3a: {  	p0 =	sne.s32 s0, $0x0;
	s9 =	sadd.s32 $0x8800, s5;
	[smem:$0x7EA] =	sst s7  }
0x3b: {  	s12 =	sshll.u32 s10, $0x4;
	s10 =	sadd.s32 $0x9800, s5;
	[smem:$0x7EB] =	sst s9  }
0x3c: {  	p1 =	slt.u32 s2, $0x19;
	s13 =	sadd.s32 $0xBC00, s5;
	[smem:$0x7EC] =	sst s10  }
0x3d: {  	s0 =	simm.s32 $0x140;
	s14 =	sadd.s32 $0xCC00, s5;
	[smem:$0x7EF] =	sst s13  }
0x3e: {  	s0 =	simm.s32 @!p1 $0x120;
	s17 =	sadd.s32 $0xF000, s5;
	[smem:$0x7F0] =	sst s14  }
0x3f: {  	p1 =	sne.s32 s18, $0xF;
	s18 =	sadd.s32 $0x10000, s5;
	[smem:$0x7F3] =	sst s17  }
0x40: {  	s8 =	sshll.u32 s8, $0x4;
	s21 =	sadd.s32 $0x11400, s5;
	[smem:$0x7F4] =	sst s18  }
0x41: {  	s20 =	sshll.u32 s2, $0xE;
	s4 =	sadd.s32 s29, s8;
	[smem:$0x7F6] =	sst s21  }
0x42: {  	s8 =	sshll.u32 s2, $0x3;
	s2 =	sadd.s32 $0x5400, s5;
	[smem:$0x7DB] =	sst s4  }
0x43: {  	s11 =	sadd.s32 $0x9C00, s5;
	s15 =	sadd.s32 $0xD000, s5;
	[smem:$0x7E7] =	sst s2  }
0x44: {  	s22 =	sadd.s32 $0x12400, s5;
	s23 =	sadd.s32 $0x13400, s5;
	[smem:$0x7ED] =	sst s11  }
0x45: {  	s24 =	sadd.s32 $0x138000, s30;
	s25 =	sadd.s32 $0x27000, s29;
	[smem:$0x7F1] =	sst s15  }
0x46: {  	s13 =	sshrl.u32 s0, $0x1;
	s18 =	simm.s32 $0x20;
	[smem:$0x7F7] =	sst s22  }
0x47: {  	s21 =	simm.s32 $0x2;
	s9 =	simm.s32 $0x1D980;
	[smem:$0x7F9] =	sst s23  }
0x48: {  	s7 =	simm.s32 $0x0;
	s4 =	sadd.s32 s29, s12;
	[smem:$0x7FA] =	sst s24  }
0x49: {  	s12 =	sadd.s32 $0xAC00, s5;
	[smem:$0x7FB] =	sst s25;
	s14 =	ssub.s32 $0x9C4, s8  }
0x4a: {  	s22 =	simm.s32 $0x4;
	s23 =	simm.s32 $0x18880;
	[smem:$0x7DD] =	sst s4  }
0x4b: {  	s24 =	simm.s32 $0x1C980;
	s4 =	sadd.s32 s29, s16;
	[smem:$0x7EE] =	sst s12  }
.Ltmp0:
0x4c: {  	s16 =	sadd.s32 $0xE000, s5;
	[smem:$0x7DF] =	sst s4;
	(pc) =	sbr.rel .LBB2_1-.Ltmp0, $4  }
0x4d: {  	s4 =	sadd.s32 s31, s20;
	[smem:$0x7F2] =	sst s16;
	s20 =	sadd.s32 $0x10400, s5  }
0x4e: {  	s25 =	simm.s32 $0x3;
	s5 =	simm.s32 $0x13880;
	[smem:$0x7F5] =	sst s20  }
0x4f: {  	s16 =	simm.s32 $0x8;
	[smem:$0x7FC] =	sst s4;
	s26 =	sadd.s32 $0x200, s4  }
0x50: {  	v0 =	vimm.f32 $0.0e+00;
	s20 =	simm.s32 $0x18980;
	[smem:$0x7FD] =	sst s26;
	s26 =	simm.s32 $0x5  }
.LBB2_22:
0x51: {  	s1 =	simm.s32 $0x6  }
0x52: {  	_ =	swait.ge [sflag:s1], $0x1000  }
0x53: {  	[sflag:s1] =	ssyncset.done $0x0  }
0x54: {  	s11 =	simm.s32 $0x7;
	[sflag:s1] =	ssyncadd.s32 $0xFFFFF000  }
0x55: {  	_ =	swait.ge [sflag:s11], $0x1000  }
0x56: {  	[sflag:s11] =	ssyncset.done $0x0  }
0x57: {  	[sflag:s11] =	ssyncadd.s32 $0xFFFFF000  }
0x58: {  	[bflag:$0x0] =	sbarrier.arrive $0xFFFF  }
0x59: {  	s3 =	sld [smem:$0x7D4];
	_ =	sdelay $0x1  }
0x5a: {  	s12 =	rddreg [dreg:$0x1a]  }
0x5b: {  	[hbm:s12], [sflag:s2] =	dma.local [spmem:s3], $0x680  }
0x5c: {  	_ =	swait.ge [sflag:s16], $0x680  }
0x5d: {  	s15 =	sld [smem:$0x7D6];
	_ =	sdelay $0x1  }
0x5e: {  	[sflag:s16] =	ssyncset.done $0x0  }
0x5f: {  	s17 =	rddreg [dreg:$0x1b];
	[sflag:s16] =	ssyncadd.s32 $0xFFFFF980;
	s1 =	sshrl.u32 s15, $0x3  }
0x60: {  	[hbm:s17], [sflag:s2] =	dma.local [spmem:s1], $0x680  }
0x61: {  	_ =	swait.ge [sflag:s16], $0x680  }
0x62: {  	s3 =	sld [smem:$0x7D8];
	_ =	sdelay $0x1  }
0x63: {  	[sflag:s16] =	ssyncset.done $0x0  }
0x64: {  	s4 =	rddreg [dreg:$0x1c];
	[sflag:s16] =	ssyncadd.s32 $0xFFFFF980;
	s1 =	sshrl.u32 s3, $0x3  }
0x65: {  	[hbm:s4], [sflag:s2] =	dma.local [spmem:s1], $0x680  }
0x66: {  	_ =	swait.ge [sflag:s16], $0x680  }
0x67: {  	s5 =	sld [smem:$0x7DA];
	_ =	sdelay $0x1  }
0x68: {  	[sflag:s16] =	ssyncset.done $0x0  }
0x69: {  	s6 =	rddreg [dreg:$0x1d];
	[sflag:s16] =	ssyncadd.s32 $0xFFFFF980;
	s1 =	sshrl.u32 s5, $0x3  }
0x6a: {  	[hbm:s6], [sflag:s2] =	dma.local [spmem:s1], $0x680  }
0x6b: {  	_ =	swait.ge [sflag:s16], $0x680  }
0x6c: {  	s10 =	sld [smem:$0x7DC];
	_ =	sdelay $0x1  }
0x6d: {  	[sflag:s16] =	ssyncset.done $0x0  }
0x6e: {  	s11 =	rddreg [dreg:$0x1e];
	[sflag:s16] =	ssyncadd.s32 $0xFFFFF980;
	s1 =	sshrl.u32 s10, $0x3  }
0x6f: {  	[hbm:s11], [sflag:s2] =	dma.local [spmem:s1], $0x680  }
0x70: {  	_ =	swait.ge [sflag:s16], $0x680  }
0x71: {  	s12 =	sld [smem:$0x7DE];
	_ =	sdelay $0x1  }
0x72: {  	[sflag:s16] =	ssyncset.done $0x0  }
0x73: {  	s15 =	rddreg [dreg:$0x1f];
	[sflag:s16] =	ssyncadd.s32 $0xFFFFF980;
	s1 =	sshrl.u32 s12, $0x3  }
0x74: {  	[hbm:s15], [sflag:s2] =	dma.local [spmem:s1], $0x680  }
0x75: {  	_ =	swait.ge [sflag:s16], $0x680  }
0x76: {  	s1 =	sld [smem:$0x7E0]  }
0x77: {  	s3 =	sld [smem:$0x7D3]  }
0x78: {  	[sflag:s16] =	ssyncset.done $0x0  }
0x79: {  	[sflag:s16] =	ssyncadd.s32 $0xFFFFF980  }
0x7a: {  	[hbm:s1], [sflag:s2] =	dma.local @!p1 [spmem:s3], $0x100  }
0x7b: {  	s1 =	simm.s32 @!p1 $0x8  }
0x7c: {  	_ =	swait.ge @!p1 [sflag:s1], $0x100  }
0x7d: {  	s17 =	sld [smem:$0x7E1];
	_ =	sdelay $0x1  }
0x7e: {  	s7 =	sadd.s32 $0x1, s7  }
0x7f: {  	p2 =	sne.s32 s7, s17  }
.Ltmp1:
0x80: {  	_ = 	snop;
	(pc) =	sbr.rel @!p2 .LBB2_23-.Ltmp1, $3  }
0x81: {  	_ =	sdelay $0x1  }
0x82: {  	[sflag:s1] =	ssyncset.done @!p1 $0x0  }
0x83: {  	s5 =	simm.s32 $0x13880;
	[sflag:s1] =	ssyncadd.s32 @!p1 $0xFFFFFF00  }
.LBB2_1:
0x84: {  	s1 =	rddreg [dreg:$0x6]  }
0x85: {  	s4 =	rddreg [dreg:$0x7]  }
0x86: {  	s6 =	rddreg [dreg:$0x8]  }
0x87: {  	s11 =	rddreg [dreg:$0x9]  }
0x88: {  	s15 =	rddreg [dreg:$0xa]  }
0x89: {  	[tilespmem:s5], [sflag:$0x1] =	stream.linear.gather [hbm4b:s1+s19], $0x400, $0x38;
	[tilespmem:$0x1E980] =	vst v63  }
0x8a: {  	s2 =	simm.s32 $0x16080;
	s3 =	rddreg [dreg:$0xb]  }
0x8b: {  	[tilespmem:s2], [sflag:$0x1] =	stream.linear.gather [hbm4b:s4+s19], $0x400, $0x38;
	[tilespmem:$0x1E980] =	vst v63  }
0x8c: {  	s10 =	simm.s32 $0x13C80;
	s2 =	sld [smem:$0x7FA]  }
0x8d: {  	[tilespmem:s10], [sflag:$0x1] =	stream.linear.gather [hbm4b:s6+s19], $0x400, $0x38;
	[tilespmem:$0x1E980] =	vst v63  }
0x8e: {  	s12 =	simm.s32 $0x16480;
	s6 =	rddreg [dreg:$0xc]  }
0x8f: {  	[tilespmem:s12], [sflag:$0x1] =	stream.linear.gather [hbm4b:s11+s19], $0x400, $0x38;
	[tilespmem:$0x1E980] =	vst v63  }
0x90: {  	s17 =	simm.s32 $0x14080;
	s11 =	rddreg [dreg:$0xd]  }
0x91: {  	[tilespmem:s17], [sflag:$0x1] =	stream.linear.gather [hbm4b:s15+s19], $0x400, $0x38;
	[tilespmem:$0x1E980] =	vst v63  }
0x92: {  	s4 =	simm.s32 $0x16880;
	s15 =	rddreg [dreg:$0xe]  }
0x93: {  	[tilespmem:s4], [sflag:$0x1] =	stream.linear.gather [hbm4b:s3+s19], $0x400, $0x38;
	[tilespmem:$0x1E980] =	vst v63  }
0x94: {  	s10 =	simm.s32 $0x14480;
	s3 =	rddreg [dreg:$0xf]  }
0x95: {  	[tilespmem:s10], [sflag:$0x1] =	stream.linear.gather [hbm4b:s6+s19], $0x400, $0x38;
	[tilespmem:$0x1E980] =	vst v63  }
0x96: {  	s12 =	simm.s32 $0x16C80;
	s6 =	rddreg [dreg:$0x10]  }
0x97: {  	[tilespmem:s12], [sflag:$0x1] =	stream.linear.gather [hbm4b:s11+s19], $0x400, $0x38;
	[tilespmem:$0x1E980] =	vst v63  }
0x98: {  	s17 =	simm.s32 $0x14880;
	s11 =	rddreg [dreg:$0x11]  }
0x99: {  	[tilespmem:s17], [sflag:$0x1] =	stream.linear.gather [hbm4b:s15+s19], $0x400, $0x38;
	[tilespmem:$0x1E980] =	vst v63  }
0x9a: {  	s4 =	simm.s32 $0x17080;
	s15 =	rddreg [dreg:$0x12]  }
0x9b: {  	[tilespmem:s4], [sflag:$0x1] =	stream.linear.gather [hbm4b:s3+s19], $0x400, $0x38;
	[tilespmem:$0x1E980] =	vst v63  }
0x9c: {  	s10 =	simm.s32 $0x14C80;
	s3 =	rddreg [dreg:$0x13]  }
0x9d: {  	[tilespmem:s10], [sflag:$0x1] =	stream.linear.gather [hbm4b:s6+s19], $0x400, $0x38;
	[tilespmem:$0x1E980] =	vst v63  }
0x9e: {  	s12 =	simm.s32 $0x17480;
	s6 =	rddreg [dreg:$0x14]  }
0x9f: {  	[tilespmem:s12], [sflag:$0x1] =	stream.linear.gather [hbm4b:s11+s19], $0x400, $0x38;
	[tilespmem:$0x1E980] =	vst v63  }
0xa0: {  	s17 =	simm.s32 $0x15080;
	s11 =	rddreg [dreg:$0x15]  }
0xa1: {  	[tilespmem:s17], [sflag:$0x1] =	stream.linear.gather [hbm4b:s15+s19], $0x400, $0x38;
	[tilespmem:$0x1E980] =	vst v63  }
0xa2: {  	s4 =	simm.s32 $0x17880;
	s15 =	rddreg [dreg:$0x16]  }
0xa3: {  	[tilespmem:s4], [sflag:$0x1] =	stream.linear.gather [hbm4b:s3+s19], $0x400, $0x38;
	[tilespmem:$0x1E980] =	vst v63  }
0xa4: {  	s10 =	simm.s32 $0x15480;
	s3 =	rddreg [dreg:$0x17]  }
0xa5: {  	[tilespmem:s10], [sflag:$0x1] =	stream.linear.gather [hbm4b:s6+s19], $0x400, $0x38;
	[tilespmem:$0x1E980] =	vst v63  }
0xa6: {  	s12 =	simm.s32 $0x17C80;
	s6 =	rddreg [dreg:$0x18]  }
0xa7: {  	[tilespmem:s12], [sflag:$0x1] =	stream.linear.gather [hbm4b:s11+s19], $0x400, $0x38;
	[tilespmem:$0x1E980] =	vst v63  }
0xa8: {  	s17 =	simm.s32 $0x15880;
	s11 =	rddreg [dreg:$0x19]  }
0xa9: {  	[tilespmem:s17], [sflag:$0x1] =	stream.linear.gather [hbm4b:s15+s19], $0x400, $0x38;
	[tilespmem:$0x1E980] =	vst v63  }
0xaa: {  	s4 =	simm.s32 $0x18080;
	s10 =	simm.s32 $0x15C80;
	s17 =	sld [smem:$0x7F8]  }
0xab: {  	[tilespmem:s4], [sflag:$0x1] =	stream.linear.gather [hbm4b:s3+s19], $0x400, $0x38;
	[tilespmem:$0x1E980] =	vst v63  }
.Ltmp2:
0xac: {  	s15 =	stileid.u32;
	s4 =	sshrl.u32 @!p1 s2, $0x3;
	(pc) =	sbr.rel @p0 .LBB2_3-.Ltmp2, $4  }
0xad: {  	s1 =	sshll.u32 s15, $0x6;
	s3 =	sshrl.u32 s17, $0x3;
	[smem:$0x7D3] =	sst s4  }
0xae: {  	[tilespmem:s10], [sflag:$0x1] =	stream.linear.gather [hbm4b:s6+s19], $0x400, $0x38;
	[tilespmem:$0x1E980] =	vst v63  }
0xaf: {  	s12 =	simm.s32 $0x18480;
	s2 =	sor.u32 $0x1C08, s1;
	[smem:$0x7D4] =	sst s3  }
0xb0: {  	[tilespmem:s12], [sflag:$0x1] =	stream.linear.gather [hbm4b:s11+s19], $0x400, $0x38;
	[tilespmem:$0x1E980] =	vst v63  }
0xb1: {  	s1 =	sld [smem:$0x7D5];
	_ =	sdelay $0x2  }
0xb2: {  	[spmem:s3], [sflag:s2] =	dma.local [hbm:s1], $0x680  }
0xb3: {  	_ =	swait.ge [sflag:s16], $0x680  }
0xb4: {  	s11 =	sld [smem:$0x7D6]  }
0xb5: {  	s12 =	sld [smem:$0x7D7]  }
0xb6: {  	[sflag:s16] =	ssyncset.done $0x0  }
0xb7: {  	[sflag:s16] =	ssyncadd.s32 $0xFFFFF980;
	s1 =	sshrl.u32 s11, $0x3  }
0xb8: {  	[spmem:s1], [sflag:s2] =	dma.local [hbm:s12], $0x680  }
0xb9: {  	_ =	swait.ge [sflag:s16], $0x680  }
0xba: {  	s15 =	sld [smem:$0x7D8]  }
0xbb: {  	s17 =	sld [smem:$0x7D9]  }
0xbc: {  	[sflag:s16] =	ssyncset.done $0x0  }
0xbd: {  	[sflag:s16] =	ssyncadd.s32 $0xFFFFF980;
	s1 =	sshrl.u32 s15, $0x3  }
0xbe: {  	[spmem:s1], [sflag:s2] =	dma.local [hbm:s17], $0x680  }
0xbf: {  	_ =	swait.ge [sflag:s16], $0x680  }
0xc0: {  	s6 =	sld [smem:$0x7DA]  }
0xc1: {  	s10 =	sld [smem:$0x7DB]  }
0xc2: {  	[sflag:s16] =	ssyncset.done $0x0  }
0xc3: {  	[sflag:s16] =	ssyncadd.s32 $0xFFFFF980;
	s1 =	sshrl.u32 s6, $0x3  }
0xc4: {  	[spmem:s1], [sflag:s2] =	dma.local [hbm:s10], $0x680  }
0xc5: {  	_ =	swait.ge [sflag:s16], $0x680  }
0xc6: {  	s11 =	sld [smem:$0x7DC]  }
0xc7: {  	s12 =	sld [smem:$0x7DD]  }
0xc8: {  	[sflag:s16] =	ssyncset.done $0x0  }
0xc9: {  	[sflag:s16] =	ssyncadd.s32 $0xFFFFF980;
	s1 =	sshrl.u32 s11, $0x3  }
0xca: {  	[spmem:s1], [sflag:s2] =	dma.local [hbm:s12], $0x680  }
0xcb: {  	_ =	swait.ge [sflag:s16], $0x680  }
0xcc: {  	s15 =	sld [smem:$0x7DE]  }
0xcd: {  	s17 =	sld [smem:$0x7DF]  }
0xce: {  	[sflag:s16] =	ssyncset.done $0x0  }
0xcf: {  	[sflag:s16] =	ssyncadd.s32 $0xFFFFF980;
	s1 =	sshrl.u32 s15, $0x3  }
0xd0: {  	[spmem:s1], [sflag:s2] =	dma.local [hbm:s17], $0x680  }
0xd1: {  	_ =	swait.ge [sflag:s16], $0x680  }
0xd2: {  	s1 =	sld [smem:$0x7FB]  }
0xd3: {  	[sflag:s16] =	ssyncset.done $0x0  }
0xd4: {  	[sflag:s16] =	ssyncadd.s32 $0xFFFFF980  }
0xd5: {  	[spmem:s4], [sflag:s2] =	dma.local @!p1 [hbm:s1], $0x100  }
.Ltmp3:
0xd6: {  	_ = 	snop;
	(pc) =	sbr.rel .LBB2_6-.Ltmp3, $4  }
0xd7: {  	s1 =	simm.s32 @!p1 $0x8  }
0xd8: {  	_ =	swait.ge @!p1 [sflag:s1], $0x100  }
0xd9: {  	[sflag:s1] =	ssyncset.done @!p1 $0x0  }
0xda: {  	[sflag:s1] =	ssyncadd.s32 @!p1 $0xFFFFFF00  }
.LBB2_3:
0xdb: {  	s1 =	sshra.s32 s19, $0x2;
	s4 =	sadd.s32 $0x200, s19  }
.LBB2_4:
0xdc: {  	p2 =	sne.s32 s4, $0x3E00;
	[tilespmem:s1+$0x189F0] =	vst v0  }
0xdd: {  	[tilespmem:s1+$0x18980] =	vst v0  }
0xde: {  	[tilespmem:s1+$0x18990] =	vst v0  }
.Ltmp4:
0xdf: {  	[tilespmem:s1+$0x189A0] =	vst v0;
	(pc) =	sbr.rel @p2 .LBB2_4-.Ltmp4, $4  }
0xe0: {  	[tilespmem:s1+$0x189B0] =	vst v0  }
0xe1: {  	[tilespmem:s1+$0x189C0] =	vst v0  }
0xe2: {  	[tilespmem:s1+$0x189D0] =	vst v0  }
0xe3: {  	[tilespmem:s1+$0x189E0] =	vst v0;
	s1 =	sshra.s32 s4, $0x2;
	s4 =	sadd.s32 $0x200, s4  }
0xe4: {  	[tilespmem:s1+$0x189F0] =	vst v0  }
0xe5: {  	[tilespmem:s1+$0x18980] =	vst v0  }
0xe6: {  	[tilespmem:s1+$0x18990] =	vst v0  }
0xe7: {  	[tilespmem:s1+$0x189A0] =	vst v0  }
0xe8: {  	[tilespmem:s1+$0x189B0] =	vst v0  }
0xe9: {  	[tilespmem:s1+$0x189C0] =	vst v0;
	s3 =	sld [smem:$0x7F8]  }
0xea: {  	[tilespmem:s1+$0x189D0] =	vst v0  }
0xeb: {  	[tilespmem:s1+$0x189E0] =	vst v0  }
0xec: {  	[spmem:s3] =	stream.linear.scatter [tilespmem:s20], [sflag:$0x8], $0x1000, $0x38;
	[tilespmem:$0x1E980] =	vst v63  }
0xed: {  	_ =	swait.ge [sflag:s16], $0x1000  }
0xee: {  	s4 =	sld [smem:$0x7E2]  }
0xef: {  	[sflag:s16] =	ssyncset.done $0x0  }
0xf0: {  	[sflag:s16] =	ssyncadd.s32 $0xFFFFF000  }
0xf1: {  	[spmem:s4] =	stream.linear.scatter [tilespmem:s20], [sflag:$0x8], $0x1000, $0x38;
	[tilespmem:$0x1E980] =	vst v63  }
0xf2: {  	_ =	swait.ge [sflag:s16], $0x1000  }
0xf3: {  	s6 =	sld [smem:$0x7E3]  }
0xf4: {  	[sflag:s16] =	ssyncset.done $0x0  }
0xf5: {  	[sflag:s16] =	ssyncadd.s32 $0xFFFFF000  }
0xf6: {  	[spmem:s6] =	stream.linear.scatter [tilespmem:s20], [sflag:$0x8], $0x1000, $0x38;
	[tilespmem:$0x1E980] =	vst v63  }
0xf7: {  	_ =	swait.ge [sflag:s16], $0x1000  }
0xf8: {  	s10 =	sld [smem:$0x7E4]  }
0xf9: {  	[sflag:s16] =	ssyncset.done $0x0  }
0xfa: {  	[sflag:s16] =	ssyncadd.s32 $0xFFFFF000  }
0xfb: {  	[spmem:s10] =	stream.linear.scatter [tilespmem:s20], [sflag:$0x8], $0x400, $0x38;
	[tilespmem:$0x1E980] =	vst v63  }
0xfc: {  	_ =	swait.ge [sflag:s16], $0x400  }
0xfd: {  	s11 =	sld [smem:$0x7E5]  }
0xfe: {  	[sflag:s16] =	ssyncset.done $0x0  }
0xff: {  	[sflag:s16] =	ssyncadd.s32 $0xFFFFFC00  }
0x100: {  	[spmem:s11] =	stream.linear.scatter [tilespmem:s20], [sflag:$0x8], $0x1000, $0x38;
	[tilespmem:$0x1E980] =	vst v63  }
0x101: {  	_ =	swait.ge [sflag:s16], $0x1000  }
0x102: {  	s12 =	sld [smem:$0x7E6]  }
0x103: {  	[sflag:s16] =	ssyncset.done $0x0  }
0x104: {  	[sflag:s16] =	ssyncadd.s32 $0xFFFFF000  }
0x105: {  	[spmem:s12] =	stream.linear.scatter [tilespmem:s20], [sflag:$0x8], $0x1000, $0x38;
	[tilespmem:$0x1E980] =	vst v63  }
0x106: {  	_ =	swait.ge [sflag:s16], $0x1000  }
0x107: {  	s15 =	sld [smem:$0x7E7]  }
0x108: {  	[sflag:s16] =	ssyncset.done $0x0  }
0x109: {  	[sflag:s16] =	ssyncadd.s32 $0xFFFFF000  }
0x10a: {  	[spmem:s15] =	stream.linear.scatter [tilespmem:s20], [sflag:$0x8], $0x1000, $0x38;
	[tilespmem:$0x1E980] =	vst v63  }
0x10b: {  	_ =	swait.ge [sflag:s16], $0x1000  }
0x10c: {  	s17 =	sld [smem:$0x7E8]  }
0x10d: {  	[sflag:s16] =	ssyncset.done $0x0  }
0x10e: {  	[sflag:s16] =	ssyncadd.s32 $0xFFFFF000  }
0x10f: {  	[spmem:s17] =	stream.linear.scatter [tilespmem:s20], [sflag:$0x8], $0x400, $0x38;
	[tilespmem:$0x1E980] =	vst v63  }
0x110: {  	_ =	swait.ge [sflag:s16], $0x400  }
0x111: {  	s3 =	sld [smem:$0x7E9]  }
0x112: {  	[sflag:s16] =	ssyncset.done $0x0  }
0x113: {  	[sflag:s16] =	ssyncadd.s32 $0xFFFFFC00  }
0x114: {  	[spmem:s3] =	stream.linear.scatter [tilespmem:s20], [sflag:$0x8], $0x1000, $0x38;
	[tilespmem:$0x1E980] =	vst v63  }
0x115: {  	_ =	swait.ge [sflag:s16], $0x1000  }
0x116: {  	s4 =	sld [smem:$0x7EA]  }
0x117: {  	[sflag:s16] =	ssyncset.done $0x0  }
0x118: {  	[sflag:s16] =	ssyncadd.s32 $0xFFFFF000  }
0x119: {  	[spmem:s4] =	stream.linear.scatter [tilespmem:s20], [sflag:$0x8], $0x1000, $0x38;
	[tilespmem:$0x1E980] =	vst v63  }
0x11a: {  	_ =	swait.ge [sflag:s16], $0x1000  }
0x11b: {  	s6 =	sld [smem:$0x7EB]  }
0x11c: {  	[sflag:s16] =	ssyncset.done $0x0  }
0x11d: {  	[sflag:s16] =	ssyncadd.s32 $0xFFFFF000  }
0x11e: {  	[spmem:s6] =	stream.linear.scatter [tilespmem:s20], [sflag:$0x8], $0x1000, $0x38;
	[tilespmem:$0x1E980] =	vst v63  }
0x11f: {  	_ =	swait.ge [sflag:s16], $0x1000  }
0x120: {  	s10 =	sld [smem:$0x7EC]  }
0x121: {  	[sflag:s16] =	ssyncset.done $0x0  }
0x122: {  	[sflag:s16] =	ssyncadd.s32 $0xFFFFF000  }
0x123: {  	[spmem:s10] =	stream.linear.scatter [tilespmem:s20], [sflag:$0x8], $0x400, $0x38;
	[tilespmem:$0x1E980] =	vst v63  }
0x124: {  	_ =	swait.ge [sflag:s16], $0x400  }
0x125: {  	s11 =	sld [smem:$0x7ED]  }
0x126: {  	[sflag:s16] =	ssyncset.done $0x0  }
0x127: {  	[sflag:s16] =	ssyncadd.s32 $0xFFFFFC00  }
0x128: {  	[spmem:s11] =	stream.linear.scatter [tilespmem:s20], [sflag:$0x8], $0x1000, $0x38;
	[tilespmem:$0x1E980] =	vst v63  }
0x129: {  	_ =	swait.ge [sflag:s16], $0x1000  }
0x12a: {  	s12 =	sld [smem:$0x7EE]  }
0x12b: {  	[sflag:s16] =	ssyncset.done $0x0  }
0x12c: {  	[sflag:s16] =	ssyncadd.s32 $0xFFFFF000  }
0x12d: {  	[spmem:s12] =	stream.linear.scatter [tilespmem:s20], [sflag:$0x8], $0x1000, $0x38;
	[tilespmem:$0x1E980] =	vst v63  }
0x12e: {  	_ =	swait.ge [sflag:s16], $0x1000  }
0x12f: {  	s15 =	sld [smem:$0x7EF]  }
0x130: {  	[sflag:s16] =	ssyncset.done $0x0  }
0x131: {  	[sflag:s16] =	ssyncadd.s32 $0xFFFFF000  }
0x132: {  	[spmem:s15] =	stream.linear.scatter [tilespmem:s20], [sflag:$0x8], $0x1000, $0x38;
	[tilespmem:$0x1E980] =	vst v63  }
0x133: {  	_ =	swait.ge [sflag:s16], $0x1000  }
0x134: {  	s17 =	sld [smem:$0x7F0]  }
0x135: {  	[sflag:s16] =	ssyncset.done $0x0  }
0x136: {  	[sflag:s16] =	ssyncadd.s32 $0xFFFFF000  }
0x137: {  	[spmem:s17] =	stream.linear.scatter [tilespmem:s20], [sflag:$0x8], $0x400, $0x38;
	[tilespmem:$0x1E980] =	vst v63  }
0x138: {  	_ =	swait.ge [sflag:s16], $0x400  }
0x139: {  	s3 =	sld [smem:$0x7F1]  }
0x13a: {  	[sflag:s16] =	ssyncset.done $0x0  }
0x13b: {  	[sflag:s16] =	ssyncadd.s32 $0xFFFFFC00  }
0x13c: {  	[spmem:s3] =	stream.linear.scatter [tilespmem:s20], [sflag:$0x8], $0x1000, $0x38;
	[tilespmem:$0x1E980] =	vst v63  }
0x13d: {  	_ =	swait.ge [sflag:s16], $0x1000  }
0x13e: {  	s4 =	sld [smem:$0x7F2]  }
0x13f: {  	[sflag:s16] =	ssyncset.done $0x0  }
0x140: {  	[sflag:s16] =	ssyncadd.s32 $0xFFFFF000  }
0x141: {  	[spmem:s4] =	stream.linear.scatter [tilespmem:s20], [sflag:$0x8], $0x1000, $0x38;
	[tilespmem:$0x1E980] =	vst v63  }
0x142: {  	_ =	swait.ge [sflag:s16], $0x1000  }
0x143: {  	s6 =	sld [smem:$0x7F3]  }
0x144: {  	[sflag:s16] =	ssyncset.done $0x0  }
0x145: {  	[sflag:s16] =	ssyncadd.s32 $0xFFFFF000  }
0x146: {  	[spmem:s6] =	stream.linear.scatter [tilespmem:s20], [sflag:$0x8], $0x1000, $0x38;
	[tilespmem:$0x1E980] =	vst v63  }
0x147: {  	_ =	swait.ge [sflag:s16], $0x1000  }
0x148: {  	s10 =	sld [smem:$0x7F4]  }
0x149: {  	[sflag:s16] =	ssyncset.done $0x0  }
0x14a: {  	[sflag:s16] =	ssyncadd.s32 $0xFFFFF000  }
0x14b: {  	[spmem:s10] =	stream.linear.scatter [tilespmem:s20], [sflag:$0x8], $0x400, $0x38;
	[tilespmem:$0x1E980] =	vst v63  }
0x14c: {  	_ =	swait.ge [sflag:s16], $0x400  }
0x14d: {  	s11 =	sld [smem:$0x7F5]  }
0x14e: {  	[sflag:s16] =	ssyncset.done $0x0  }
0x14f: {  	[sflag:s16] =	ssyncadd.s32 $0xFFFFFC00  }
0x150: {  	[spmem:s11] =	stream.linear.scatter [tilespmem:s20], [sflag:$0x8], $0x1000, $0x38;
	[tilespmem:$0x1E980] =	vst v63  }
0x151: {  	_ =	swait.ge [sflag:s16], $0x1000  }
0x152: {  	s12 =	sld [smem:$0x7F6]  }
0x153: {  	[sflag:s16] =	ssyncset.done $0x0  }
0x154: {  	[sflag:s16] =	ssyncadd.s32 $0xFFFFF000  }
0x155: {  	[spmem:s12] =	stream.linear.scatter [tilespmem:s20], [sflag:$0x8], $0x1000, $0x38;
	[tilespmem:$0x1E980] =	vst v63  }
0x156: {  	_ =	swait.ge [sflag:s16], $0x1000  }
0x157: {  	s15 =	sld [smem:$0x7F7]  }
0x158: {  	[sflag:s16] =	ssyncset.done $0x0  }
0x159: {  	[sflag:s16] =	ssyncadd.s32 $0xFFFFF000  }
0x15a: {  	[spmem:s15] =	stream.linear.scatter [tilespmem:s20], [sflag:$0x8], $0x1000, $0x38;
	[tilespmem:$0x1E980] =	vst v63  }
0x15b: {  	_ =	swait.ge [sflag:s16], $0x1000  }
0x15c: {  	s17 =	sld [smem:$0x7F9]  }
0x15d: {  	[sflag:s16] =	ssyncset.done $0x0  }
0x15e: {  	[sflag:s16] =	ssyncadd.s32 $0xFFFFF000  }
0x15f: {  	[spmem:s17] =	stream.linear.scatter [tilespmem:s20], [sflag:$0x8], $0x400, $0x38;
	[tilespmem:$0x1E980] =	vst v63  }
0x160: {  	_ =	swait.ge [sflag:s16], $0x400  }
0x161: {  	s3 =	sld [smem:$0x7FA]  }
0x162: {  	[sflag:s16] =	ssyncset.done $0x0  }
0x163: {  	s1 =	simm.s32 @!p1 $0x18980;
	[sflag:s16] =	ssyncadd.s32 $0xFFFFFC00  }
0x164: {  	[spmem:s3] =	stream.linear.scatter @!p1 [tilespmem:s1], [sflag:$0x8], $0x800, $0x38;
	[tilespmem:$0x1E980] =	vst v63  }
0x165: {  	s1 =	simm.s32 @!p1 $0x8  }
0x166: {  	_ =	swait.ge @!p1 [sflag:s1], $0x800  }
0x167: {  	[sflag:s1] =	ssyncset.done @!p1 $0x0  }
0x168: {  	[sflag:s1] =	ssyncadd.s32 @!p1 $0xFFFFF800  }
.LBB2_6:
0x169: {  	s1 =	simm.s32 $0x1  }
0x16a: {  	_ =	swait.ge [sflag:s1], $0x2800  }
0x16b: {  	[sflag:s1] =	ssyncset.done $0x0  }
0x16c: {  	[sflag:s1] =	ssyncadd.s32 $0xFFFFD800  }
0x16d: {  	_ =	swait.ge [sflag:s1], $0x2800  }
0x16e: {  	[sflag:s1] =	ssyncset.done $0x0  }
0x16f: {  	[sflag:s1] =	ssyncadd.s32 $0xFFFFD800  }
0x170: {  	[bflag:$0x0] =	sbarrier.arrive $0xFFFF  }
0x171: {  	s10 =	sld [smem:$0x7FC]  }
0x172: {  	[tilespmem:s20], [sflag:$0x2] =	stream.indirect.gather [hbm4b:s29+s18], $0x80, s5, s18, $0xb8;
	[tilespmem:$0x1E980] =	vst v63  }
0x173: {  	s4 =	simm.s32 $0x0;
	s3 =	simm.s32 $0x1A980  }
0x174: {  	[tilespmem:s3], [sflag:$0x4] =	stream.linear.gather [hbm4b:s10+s4], $0x1000, $0x38;
	[tilespmem:$0x1E980] =	vst v63  }
.Ltmp5:
0x175: {  	_ = 	snop;
	(pc) =	sbr.rel .LBB2_7-.Ltmp5, $4  }
0x176: {  	s11 =	simm.s32 $0x138A0;
	s12 =	simm.s32 $0x19980;
	s15 =	sld [smem:$0x7FD]  }
0x177: {  	[tilespmem:s12], [sflag:$0x3] =	stream.indirect.gather [hbm4b:s29+s18], $0x80, s11, s18, $0xb8;
	[tilespmem:$0x1E980] =	vst v63  }
0x178: {  	s17 =	simm.s32 $0x1B980;
	s5 =	simm.s32 $0x0  }
0x179: {  	[tilespmem:s17], [sflag:$0x5] =	stream.linear.gather [hbm4b:s15+s4], $0x1000, $0x38;
	[tilespmem:$0x1E980] =	vst v63  }
.LBB2_20:
0x17a: {  	[tilespmem:s1+$0x1D9F0] =	vst v0  }
0x17b: {  	[tilespmem:s1+$0x1D980] =	vst v0  }
0x17c: {  	[tilespmem:s1+$0x1D990] =	vst v0  }
0x17d: {  	[tilespmem:s1+$0x1D9A0] =	vst v0  }
0x17e: {  	[tilespmem:s1+$0x1D9B0] =	vst v0  }
0x17f: {  	[tilespmem:s1+$0x1D9C0] =	vst v0  }
0x180: {  	[tilespmem:s1+$0x1D9D0] =	vst v0  }
0x181: {  	[tilespmem:s1+$0x1D9E0] =	vst v0  }
.LBB2_21:
0x182: {  	s1 =	sshll.u32 s10, $0x9  }
0x183: {  	s1 =	sshra.s32 s1, $0x2  }
0x184: {  	s1 =	sor.u32 s11, s1  }
0x185: {  	s1 =	sadd.s32 $0x16080, s1  }
0x186: {  	v1 =	vld [tilespmem:s1+$0x20];
	_ =	sdelay $0x4  }
0x187: {  	[tilespmem:$0x18900] =	vst v1  }
0x188: {  	v1 =	vld [tilespmem:s1+$0x30];
	_ =	sdelay $0x1  }
0x189: {  	s1 =	sadd.s32 $0x3, s6  }
0x18a: {  	p2 =	sge.u32 s1, s0  }
0x18b: {  	s3 =	sshll.u32 @!p2 s1, $0x5  }
0x18c: {  	s6 =	sand.u32 @!p2 $0x3FFFFFE0, s3;
	[tilespmem:$0x18910] =	vst v1  }
0x18d: {  	[spmem:s30] =	stream.indirect.scatter.add.f32 [tilespmem:s9], [sflag:$0x7], $0x80, s28, s18, $0xb8;
	[tilespmem:$0x1E980] =	vst v63  }
0x18e: {  	s10 =	simm.s32 @!p2 $0x20;
	s11 =	simm.s32 @!p2 $0x19980;
	s6 =	sadd.s32 @!p2 $0x13880, s6  }
0x18f: {  	[tilespmem:s11], [sflag:$0x3] =	stream.indirect.gather @!p2 [hbm4b:s29+s10], $0x80, s6, s10, $0xb8;
	[tilespmem:$0x1E980] =	vst v63  }
0x190: {  	s6 =	sshrl.u32 @!p2 s1, $0x2;
	s1 =	sshll.u32 @!p2 s1, $0x3  }
0x191: {  	s6 =	sand.u32 @!p2 $0x7, s6;
	s1 =	sand.u32 @!p2 $0x7FFFFF00, s1  }
0x192: {  	s1 =	sor.u32 @!p2 s6, s1  }
0x193: {  	s1 =	sor.u32 @!p2 s8, s1  }
0x194: {  	p3 =	slt.u32 @!p2 s1, $0x9C4  }
0x195: {  	s1 =	sshll.u32 @!p2 s1, $0x7;
	p3 =	por !p3, p2  }
0x196: {  	s3 =	sand.u32 @!p2 $0x60, s3;
	s1 =	simm.s32 @p3 $0x0  }
0x197: {  	s1 =	sor.u32 @!p2 s3, s1  }
0x198: {  	s5 =	sadd.s32 $0x1, s5;
	s1 =	sshll.u32 @!p2 s1, $0x4  }
0x199: {  	s6 =	simm.s32 @!p2 $0x1B980;
	s3 =	simm.s32 @!p2 $0x0;
	s1 =	sadd.s32 @!p2 s31, s1  }
0x19a: {  	[tilespmem:s6], [sflag:$0x5] =	stream.linear.gather @!p2 [hbm4b:s1+s3], $0x1000, $0x38;
	[tilespmem:$0x1E980] =	vst v63  }
0x19b: {  	p2 =	sne.s32 s5, s13  }
.Ltmp6:
0x19c: {  	_ = 	snop;
	(pc) =	sbr.rel @!p2 .LBB2_22-.Ltmp6, $1  }
0x19d: {  	_ =	sdelay $0x3  }
.LBB2_7:
0x19e: {  	_ =	swait.ge [sflag:s21], $0x1000;
	s10 =	sshrl.u32 s5, $0x1;
	s6 =	sshll.u32 s5, $0x4  }
0x19f: {  	[sflag:s21] =	ssyncset.done $0x0;
	s1 =	sand.u32 $0x7, s10;
	s6 =	sand.u32 $0xFFFFFF00, s6  }
0x1a0: {  	[sflag:s21] =	ssyncadd.s32 $0xFFFFF000;
	s1 =	sor.u32 s1, s6  }
0x1a1: {  	_ =	swait.ge [sflag:s22], $0x1000;
	p3 =	sge.s32 s1, s14  }
.Ltmp7:
0x1a2: {  	p2 =	seq.s32 s5, $0x0;
	[sflag:s22] =	ssyncset.done $0x0;
	(pc) =	sbr.rel @p3 .LBB2_11-.Ltmp7, $4  }
0x1a3: {  	s11 =	simm.s32 @!p2 $0x6;
	[sflag:s22] =	ssyncadd.s32 $0xFFFFF000  }
0x1a4: {  	_ =	swait.ge @!p2 [sflag:s11], $0x1000  }
0x1a5: {  	[sflag:s11] =	ssyncset.done @!p2 $0x0  }
0x1a6: {  	[sflag:s11] =	ssyncadd.s32 @!p2 $0xFFFFF000  }
0x1a7: {  	s6 =	simm.s32 $0x0  }
0x1a8: {  	v1 =	vld [tilespmem:s6+$0x189F0]  }
0x1a9: {  	v2 =	vld [tilespmem:s6+$0x1A9F0]  }
0x1aa: {  	v3 =	vld [tilespmem:s6+$0x18980]  }
0x1ab: {  	v4 =	vld [tilespmem:s6+$0x1A980]  }
0x1ac: {  	v5 =	vld [tilespmem:s6+$0x18990]  }
0x1ad: {  	v6 =	vld [tilespmem:s6+$0x1A990]  }
0x1ae: {  	v7 =	vld [tilespmem:s6+$0x189A0]  }
0x1af: {  	v1 =	vadd.f32 v2, v1;
	v2 =	vld [tilespmem:s6+$0x1A9A0]  }
0x1b0: {  	v8 =	vld [tilespmem:s6+$0x189B0]  }
0x1b1: {  	v9 =	vld [tilespmem:s6+$0x1A9B0];
	v3 =	vadd.f32 v4, v3  }
0x1b2: {  	v10 =	vld [tilespmem:s6+$0x189C0];
	v1 =	vmax.f32 v1, $0.0e+00  }
0x1b3: {  	[tilespmem:s6+$0x1C9F0] =	vst v1;
	v1 =	vmax.f32 v3, $0.0e+00;
	v3 =	vadd.f32 v6, v5;
	v6 =	vld [tilespmem:s6+$0x1A9C0]  }
0x1b4: {  	v4 =	vld [tilespmem:s6+$0x1A9D0];
	v2 =	vadd.f32 v2, v7  }
0x1b5: {  	[tilespmem:s6+$0x1C980] =	vst v1;
	v1 =	vld [tilespmem:s6+$0x189D0];
	v3 =	vmax.f32 v3, $0.0e+00  }
0x1b6: {  	v5 =	vld [tilespmem:s6+$0x1A9E0];
	v7 =	vadd.f32 v9, v8;
	[tilespmem:s6+$0x1C990] =	vst v3;
	v3 =	vmax.f32 v2, $0.0e+00  }
0x1b7: {  	s11 =	simm.s32 $0x80;
	v2 =	vld [tilespmem:s6+$0x189E0];
	[tilespmem:s6+$0x1C9A0] =	vst v3  }
0x1b8: {  	s1 =	simm.s32 $0x400;
	v7 =	vmax.f32 v7, $0.0e+00;
	v6 =	vadd.f32 v6, v10;
	v3 =	vld [tilespmem:s11+$0x189F0]  }
.LBB2_9:
0x1b9: {  	p3 =	seq.s32 s1, $0x3E00;
	v8 =	vld [tilespmem:s11+$0x1A9F0];
	[tilespmem:s6+$0x1C9B0] =	vst v7  }
0x1ba: {  	v7 =	vld [tilespmem:s11+$0x18980];
	v6 =	vmax.f32 v6, $0.0e+00;
	v1 =	vadd.f32 v4, v1  }
0x1bb: {  	v4 =	vld [tilespmem:s11+$0x1A980];
	[tilespmem:s6+$0x1C9C0] =	vst v6  }
0x1bc: {  	v6 =	vld [tilespmem:s11+$0x18990];
	v1 =	vmax.f32 v1, $0.0e+00;
	v2 =	vadd.f32 v5, v2  }
0x1bd: {  	v5 =	vld [tilespmem:s11+$0x1A990];
	[tilespmem:s6+$0x1C9D0] =	vst v1  }
0x1be: {  	v1 =	vld [tilespmem:s11+$0x189A0];
	v3 =	vadd.f32 v8, v3;
	v2 =	vmax.f32 v2, $0.0e+00  }
0x1bf: {  	v8 =	vld [tilespmem:s11+$0x1A9A0];
	[tilespmem:s6+$0x1C9E0] =	vst v2;
	s6 =	smov.u32 s11  }
0x1c0: {  	v2 =	vadd.f32 v4, v7;
	v7 =	vld [tilespmem:s6+$0x189B0];
	v3 =	vmax.f32 v3, $0.0e+00  }
0x1c1: {  	v9 =	vld [tilespmem:s6+$0x1A9B0];
	[tilespmem:s6+$0x1C9F0] =	vst v3  }
0x1c2: {  	v2 =	vmax.f32 v2, $0.0e+00;
	v3 =	vadd.f32 v5, v6;
	v6 =	vld [tilespmem:s6+$0x189C0]  }
0x1c3: {  	[tilespmem:s6+$0x1C980] =	vst v2;
	v10 =	vld [tilespmem:s6+$0x1A9C0]  }
.Ltmp8:
0x1c4: {  	v2 =	vmax.f32 v3, $0.0e+00;
	v3 =	vadd.f32 v8, v1;
	v1 =	vld [tilespmem:s6+$0x189D0];
	(pc) =	sbr.rel @!p3 .LBB2_9-.Ltmp8, $4  }
0x1c5: {  	[tilespmem:s6+$0x1C990] =	vst v2;
	v4 =	vld [tilespmem:s6+$0x1A9D0]  }
0x1c6: {  	v3 =	vmax.f32 v3, $0.0e+00;
	v7 =	vadd.f32 v9, v7;
	v2 =	vld [tilespmem:s6+$0x189E0]  }
0x1c7: {  	s11 =	sshra.s32 s1, $0x2;
	[tilespmem:s6+$0x1C9A0] =	vst v3;
	v5 =	vld [tilespmem:s6+$0x1A9E0]  }
0x1c8: {  	s1 =	sadd.s32 $0x200, s1;
	v3 =	vld [tilespmem:s11+$0x189F0];
	v7 =	vmax.f32 v7, $0.0e+00;
	v6 =	vadd.f32 v10, v6  }
0x1c9: {  	v8 =	vld [tilespmem:s11+$0x1A9F0];
	[tilespmem:s6+$0x1C9B0] =	vst v7  }
0x1ca: {  	v7 =	vld [tilespmem:s11+$0x18980];
	v6 =	vmax.f32 v6, $0.0e+00;
	v1 =	vadd.f32 v4, v1  }
0x1cb: {  	v9 =	vld [tilespmem:s11+$0x1A980];
	[tilespmem:s6+$0x1C9C0] =	vst v6  }
0x1cc: {  	v57 =	vld [tilespmem:s11+$0x18990];
	v1 =	vmax.f32 v1, $0.0e+00;
	v2 =	vadd.f32 v5, v2  }
0x1cd: {  	v6 =	vld [tilespmem:s11+$0x1A990];
	[tilespmem:s6+$0x1C9D0] =	vst v1  }
0x1ce: {  	v1 =	vld [tilespmem:s11+$0x189A0];
	v2 =	vmax.f32 v2, $0.0e+00  }
0x1cf: {  	v58 =	vld [tilespmem:s11+$0x1A9A0];
	[tilespmem:s6+$0x1C9E0] =	vst v2  }
0x1d0: {  	v2 =	vld [tilespmem:s11+$0x189B0]  }
0x1d1: {  	v3 =	vadd.f32 v8, v3;
	v59 =	vld [tilespmem:s11+$0x1A9B0]  }
0x1d2: {  	v7 =	vadd.f32 v9, v7;
	v60 =	vld [tilespmem:s11+$0x189C0]  }
0x1d3: {  	v3 =	vmax.f32 v3, $0.0e+00;
	v61 =	vld [tilespmem:s11+$0x189D0]  }
0x1d4: {  	v62 =	vld [tilespmem:s11+$0x1A9D0];
	[tilespmem:s11+$0x1C9F0] =	vst v3;
	v3 =	vmax.f32 v7, $0.0e+00;
	v1 =	vadd.f32 v58, v1  }
0x1d5: {  	[tilespmem:s11+$0x1C980] =	vst v3;
	v3 =	vld [tilespmem:s11+$0x1A9C0]  }
0x1d6: {  	v63 =	vld [tilespmem:s11+$0x189E0];
	v1 =	vmax.f32 v1, $0.0e+00  }
0x1d7: {  	[tilespmem:s11+$0x1C9A0] =	vst v1;
	v1 =	vld [tilespmem:s11+$0x1A9E0]  }
0x1d8: {  	v4 =	vadd.f32 v6, v57  }
0x1d9: {  	v2 =	vadd.f32 v59, v2  }
0x1da: {  	v4 =	vmax.f32 v4, $0.0e+00;
	v3 =	vadd.f32 v3, v60  }
.Ltmp9:
0x1db: {  	[tilespmem:s11+$0x1C990] =	vst v4;
	v4 =	vadd.f32 v62, v61;
	v2 =	vmax.f32 v2, $0.0e+00;
	(pc) =	sbr.rel .LBB2_14-.Ltmp9, $4  }
0x1dc: {  	[tilespmem:s11+$0x1C9B0] =	vst v2;
	v2 =	vmax.f32 v3, $0.0e+00;
	v1 =	vadd.f32 v1, v63  }
0x1dd: {  	[tilespmem:s11+$0x1C9C0] =	vst v2;
	v2 =	vmax.f32 v4, $0.0e+00  }
0x1de: {  	[tilespmem:s11+$0x1C9D0] =	vst v2;
	v1 =	vmax.f32 v1, $0.0e+00  }
0x1df: {  	[tilespmem:s11+$0x1C9E0] =	vst v1  }
.LBB2_11:
0x1e0: {  	s1 =	sshra.s32 s4, $0x2;
	s6 =	sadd.s32 $0x200, s4  }
.LBB2_12:
0x1e1: {  	p3 =	sne.s32 s6, $0x3E00;
	[tilespmem:s1+$0x1C9F0] =	vst v0  }
0x1e2: {  	[tilespmem:s1+$0x1C980] =	vst v0  }
0x1e3: {  	[tilespmem:s1+$0x1C990] =	vst v0  }
.Ltmp10:
0x1e4: {  	[tilespmem:s1+$0x1C9A0] =	vst v0;
	(pc) =	sbr.rel @p3 .LBB2_12-.Ltmp10, $4  }
0x1e5: {  	[tilespmem:s1+$0x1C9B0] =	vst v0  }
0x1e6: {  	[tilespmem:s1+$0x1C9C0] =	vst v0  }
0x1e7: {  	[tilespmem:s1+$0x1C9D0] =	vst v0  }
0x1e8: {  	[tilespmem:s1+$0x1C9E0] =	vst v0;
	s1 =	sshra.s32 s6, $0x2;
	s6 =	sadd.s32 $0x200, s6  }
0x1e9: {  	[tilespmem:s1+$0x1C9F0] =	vst v0  }
0x1ea: {  	[tilespmem:s1+$0x1C980] =	vst v0  }
0x1eb: {  	[tilespmem:s1+$0x1C990] =	vst v0  }
0x1ec: {  	[tilespmem:s1+$0x1C9A0] =	vst v0  }
0x1ed: {  	[tilespmem:s1+$0x1C9B0] =	vst v0  }
0x1ee: {  	[tilespmem:s1+$0x1C9C0] =	vst v0  }
0x1ef: {  	[tilespmem:s1+$0x1C9D0] =	vst v0  }
0x1f0: {  	[tilespmem:s1+$0x1C9E0] =	vst v0  }
.LBB2_14:
0x1f1: {  	s1 =	sshll.u32 s5, $0x6;
	s6 =	sshll.u32 s10, $0x9  }
0x1f2: {  	s11 =	sand.u32 $0x40, s1;
	s6 =	sshra.s32 s6, $0x2  }
0x1f3: {  	s1 =	sor.u32 s11, s6  }
0x1f4: {  	v1 =	vld [tilespmem:s1+$0x16080];
	_ =	sdelay $0x4  }
0x1f5: {  	s1 =	sadd.s32 $0x16080, s1;
	[tilespmem:$0x18880] =	vst v1  }
0x1f6: {  	v1 =	vld [tilespmem:s1+$0x10]  }
0x1f7: {  	s6 =	sshll.u32 s5, $0x1  }
0x1f8: {  	s1 =	sadd.s32 $0x2, s6  }
0x1f9: {  	p3 =	sge.u32 s1, s0  }
0x1fa: {  	s12 =	sshll.u32 @!p3 s1, $0x5  }
0x1fb: {  	s15 =	sand.u32 @!p3 $0x3FFFFFC0, s12;
	[tilespmem:$0x18890] =	vst v1  }
0x1fc: {  	[spmem:s30] =	stream.indirect.scatter.add.f32 [tilespmem:s24], [sflag:$0x6], $0x80, s23, s18, $0xb8;
	[tilespmem:$0x1E980] =	vst v63  }
0x1fd: {  	s3 =	simm.s32 @!p3 $0x20;
	s17 =	simm.s32 @!p3 $0x18980;
	s15 =	sadd.s32 @!p3 $0x13880, s15  }
0x1fe: {  	[tilespmem:s17], [sflag:$0x2] =	stream.indirect.gather @!p3 [hbm4b:s29+s3], $0x80, s15, s3, $0xb8;
	[tilespmem:$0x1E980] =	vst v63  }
0x1ff: {  	s3 =	sshrl.u32 @!p3 s1, $0x2;
	s1 =	sshll.u32 @!p3 s1, $0x3  }
0x200: {  	s3 =	sand.u32 @!p3 $0x7, s3;
	s1 =	sand.u32 @!p3 $0x7FFFFF00, s1  }
0x201: {  	s1 =	sor.u32 @!p3 s3, s1  }
0x202: {  	s1 =	sor.u32 @!p3 s8, s1  }
0x203: {  	p4 =	slt.u32 @!p3 s1, $0x9C4  }
0x204: {  	s1 =	sshll.u32 @!p3 s1, $0x7;
	p4 =	por !p4, p3  }
0x205: {  	s3 =	sand.u32 @!p3 $0x40, s12;
	s1 =	simm.s32 @p4 $0x0  }
0x206: {  	s1 =	sor.u32 @!p3 s3, s1  }
0x207: {  	s1 =	sshll.u32 @!p3 s1, $0x4  }
0x208: {  	s12 =	simm.s32 @!p3 $0x1A980;
	s3 =	simm.s32 @!p3 $0x0;
	s1 =	sadd.s32 @!p3 s31, s1  }
0x209: {  	[tilespmem:s12], [sflag:$0x4] =	stream.linear.gather @!p3 [hbm4b:s1+s3], $0x1000, $0x38;
	[tilespmem:$0x1E980] =	vst v63  }
0x20a: {  	s12 =	sshra.s32 s6, $0x1F  }
0x20b: {  	s10 =	sadd.s32 s12, s10  }
0x20c: {  	s1 =	sshra.s32 s10, $0x1F  }
0x20d: {  	s1 =	sshrl.u32 s1, $0x1D  }
0x20e: {  	s1 =	sadd.s32 s1, s10  }
0x20f: {  	s15 =	sand.u32 $0xFFFFFFF8, s1  }
0x210: {  	p5 =	slt.s32 s10, $0x1;
	p6 =	sne.s32 s10, s15  }
0x211: {  	p3 =	por !p5, !p6  }
0x212: {  	s3 =	simm.s32 $0x1;
	p3 =	por !p3, !p3  }
0x213: {  	s1 =	sshrl.u32 s1, $0x3;
	s3 =	simm.s32 @!p3 $0x0  }
0x214: {  	_ =	swait.ge [sflag:s25], $0x1000;
	s1 =	ssub.s32 s1, s3  }
0x215: {  	[sflag:s25] =	ssyncset.done $0x0;
	s17 =	sand.u32 $0x7, s10;
	s1 =	sshll.u32 s1, $0x8  }
0x216: {  	[sflag:s25] =	ssyncadd.s32 $0xFFFFF000;
	s1 =	sor.u32 s17, s1  }
0x217: {  	_ =	swait.ge [sflag:s26], $0x1000;
	p3 =	sge.s32 s1, s14  }
.Ltmp11:
0x218: {  	[sflag:s26] =	ssyncset.done $0x0;
	(pc) =	sbr.rel @p3 .LBB2_18-.Ltmp11, $4  }
0x219: {  	s12 =	simm.s32 @!p2 $0x7;
	[sflag:s26] =	ssyncadd.s32 $0xFFFFF000  }
0x21a: {  	_ =	swait.ge @!p2 [sflag:s12], $0x1000  }
0x21b: {  	[sflag:s12] =	ssyncset.done @!p2 $0x0  }
0x21c: {  	[sflag:s12] =	ssyncadd.s32 @!p2 $0xFFFFF000;
	s12 =	simm.s32 $0x0  }
0x21d: {  	s15 =	simm.s32 $0x0  }
0x21e: {  	v1 =	vld [tilespmem:s15+$0x199F0]  }
0x21f: {  	v2 =	vld [tilespmem:s15+$0x1B9F0]  }
0x220: {  	v3 =	vld [tilespmem:s15+$0x19980]  }
0x221: {  	v4 =	vld [tilespmem:s15+$0x1B980]  }
0x222: {  	v5 =	vld [tilespmem:s15+$0x19990]  }
0x223: {  	v6 =	vld [tilespmem:s15+$0x1B990]  }
0x224: {  	v7 =	vld [tilespmem:s15+$0x199A0]  }
0x225: {  	v1 =	vadd.f32 v2, v1;
	v2 =	vld [tilespmem:s15+$0x1B9A0]  }
0x226: {  	v8 =	vld [tilespmem:s15+$0x199B0]  }
0x227: {  	v9 =	vld [tilespmem:s15+$0x1B9B0];
	v3 =	vadd.f32 v4, v3  }
0x228: {  	v10 =	vld [tilespmem:s15+$0x199C0];
	v1 =	vmax.f32 v1, $0.0e+00  }
0x229: {  	[tilespmem:s15+$0x1D9F0] =	vst v1;
	v1 =	vmax.f32 v3, $0.0e+00;
	v3 =	vadd.f32 v6, v5;
	v6 =	vld [tilespmem:s15+$0x1B9C0]  }
0x22a: {  	v4 =	vld [tilespmem:s15+$0x1B9D0];
	v2 =	vadd.f32 v2, v7  }
0x22b: {  	[tilespmem:s15+$0x1D980] =	vst v1;
	v1 =	vld [tilespmem:s15+$0x199D0];
	v3 =	vmax.f32 v3, $0.0e+00  }
0x22c: {  	v5 =	vld [tilespmem:s15+$0x1B9E0];
	v7 =	vadd.f32 v9, v8;
	[tilespmem:s15+$0x1D990] =	vst v3;
	v3 =	vmax.f32 v2, $0.0e+00  }
0x22d: {  	s1 =	simm.s32 $0x80;
	v2 =	vld [tilespmem:s15+$0x199E0];
	[tilespmem:s15+$0x1D9A0] =	vst v3  }
0x22e: {  	s12 =	simm.s32 $0x400;
	v7 =	vmax.f32 v7, $0.0e+00;
	v6 =	vadd.f32 v6, v10;
	v3 =	vld [tilespmem:s1+$0x199F0]  }
.LBB2_16:
0x22f: {  	p2 =	seq.s32 s12, $0x3E00;
	v8 =	vld [tilespmem:s1+$0x1B9F0];
	[tilespmem:s15+$0x1D9B0] =	vst v7  }
0x230: {  	v7 =	vld [tilespmem:s1+$0x19980];
	v6 =	vmax.f32 v6, $0.0e+00;
	v1 =	vadd.f32 v4, v1  }
0x231: {  	v4 =	vld [tilespmem:s1+$0x1B980];
	[tilespmem:s15+$0x1D9C0] =	vst v6  }
0x232: {  	v6 =	vld [tilespmem:s1+$0x19990];
	v1 =	vmax.f32 v1, $0.0e+00;
	v2 =	vadd.f32 v5, v2  }
0x233: {  	v5 =	vld [tilespmem:s1+$0x1B990];
	[tilespmem:s15+$0x1D9D0] =	vst v1  }
0x234: {  	v1 =	vld [tilespmem:s1+$0x199A0];
	v3 =	vadd.f32 v8, v3;
	v2 =	vmax.f32 v2, $0.0e+00  }
0x235: {  	v8 =	vld [tilespmem:s1+$0x1B9A0];
	[tilespmem:s15+$0x1D9E0] =	vst v2;
	s15 =	smov.u32 s1  }
0x236: {  	v2 =	vadd.f32 v4, v7;
	v7 =	vld [tilespmem:s15+$0x199B0];
	v3 =	vmax.f32 v3, $0.0e+00  }
0x237: {  	v9 =	vld [tilespmem:s15+$0x1B9B0];
	[tilespmem:s15+$0x1D9F0] =	vst v3  }
0x238: {  	v2 =	vmax.f32 v2, $0.0e+00;
	v3 =	vadd.f32 v5, v6;
	v6 =	vld [tilespmem:s15+$0x199C0]  }
0x239: {  	[tilespmem:s15+$0x1D980] =	vst v2;
	v10 =	vld [tilespmem:s15+$0x1B9C0]  }
.Ltmp12:
0x23a: {  	v2 =	vmax.f32 v3, $0.0e+00;
	v3 =	vadd.f32 v8, v1;
	v1 =	vld [tilespmem:s15+$0x199D0];
	(pc) =	sbr.rel @!p2 .LBB2_16-.Ltmp12, $4  }
0x23b: {  	[tilespmem:s15+$0x1D990] =	vst v2;
	v4 =	vld [tilespmem:s15+$0x1B9D0]  }
0x23c: {  	v3 =	vmax.f32 v3, $0.0e+00;
	v7 =	vadd.f32 v9, v7;
	v2 =	vld [tilespmem:s15+$0x199E0]  }
0x23d: {  	s1 =	sshra.s32 s12, $0x2;
	[tilespmem:s15+$0x1D9A0] =	vst v3;
	v5 =	vld [tilespmem:s15+$0x1B9E0]  }
0x23e: {  	s12 =	sadd.s32 $0x200, s12;
	v3 =	vld [tilespmem:s1+$0x199F0];
	v7 =	vmax.f32 v7, $0.0e+00;
	v6 =	vadd.f32 v10, v6  }
0x23f: {  	v8 =	vld [tilespmem:s1+$0x1B9F0];
	[tilespmem:s15+$0x1D9B0] =	vst v7  }
0x240: {  	v7 =	vld [tilespmem:s1+$0x19980];
	v6 =	vmax.f32 v6, $0.0e+00;
	v1 =	vadd.f32 v4, v1  }
0x241: {  	v9 =	vld [tilespmem:s1+$0x1B980];
	[tilespmem:s15+$0x1D9C0] =	vst v6  }
0x242: {  	v57 =	vld [tilespmem:s1+$0x19990];
	v1 =	vmax.f32 v1, $0.0e+00;
	v2 =	vadd.f32 v5, v2  }
0x243: {  	v6 =	vld [tilespmem:s1+$0x1B990];
	[tilespmem:s15+$0x1D9D0] =	vst v1  }
0x244: {  	v1 =	vld [tilespmem:s1+$0x199A0];
	v2 =	vmax.f32 v2, $0.0e+00  }
0x245: {  	v58 =	vld [tilespmem:s1+$0x1B9A0];
	[tilespmem:s15+$0x1D9E0] =	vst v2  }
0x246: {  	v2 =	vld [tilespmem:s1+$0x199B0]  }
0x247: {  	v3 =	vadd.f32 v8, v3;
	v59 =	vld [tilespmem:s1+$0x1B9B0]  }
0x248: {  	v7 =	vadd.f32 v9, v7;
	v60 =	vld [tilespmem:s1+$0x199C0]  }
0x249: {  	v3 =	vmax.f32 v3, $0.0e+00;
	v61 =	vld [tilespmem:s1+$0x199D0]  }
0x24a: {  	v62 =	vld [tilespmem:s1+$0x1B9D0];
	[tilespmem:s1+$0x1D9F0] =	vst v3;
	v3 =	vmax.f32 v7, $0.0e+00;
	v1 =	vadd.f32 v58, v1  }
0x24b: {  	[tilespmem:s1+$0x1D980] =	vst v3;
	v3 =	vld [tilespmem:s1+$0x1B9C0]  }
0x24c: {  	v63 =	vld [tilespmem:s1+$0x199E0];
	v1 =	vmax.f32 v1, $0.0e+00  }
0x24d: {  	[tilespmem:s1+$0x1D9A0] =	vst v1;
	v1 =	vld [tilespmem:s1+$0x1B9E0]  }
0x24e: {  	v4 =	vadd.f32 v6, v57  }
0x24f: {  	v2 =	vadd.f32 v59, v2  }
0x250: {  	v4 =	vmax.f32 v4, $0.0e+00;
	v3 =	vadd.f32 v3, v60  }
.Ltmp13:
0x251: {  	[tilespmem:s1+$0x1D990] =	vst v4;
	v4 =	vadd.f32 v62, v61;
	v2 =	vmax.f32 v2, $0.0e+00;
	(pc) =	sbr.rel .LBB2_21-.Ltmp13, $4  }
0x252: {  	[tilespmem:s1+$0x1D9B0] =	vst v2;
	v2 =	vmax.f32 v3, $0.0e+00;
	v1 =	vadd.f32 v1, v63  }
0x253: {  	[tilespmem:s1+$0x1D9C0] =	vst v2;
	v2 =	vmax.f32 v4, $0.0e+00  }
0x254: {  	[tilespmem:s1+$0x1D9D0] =	vst v2;
	v1 =	vmax.f32 v1, $0.0e+00  }
0x255: {  	[tilespmem:s1+$0x1D9E0] =	vst v1  }
.LBB2_18:
0x256: {  	s1 =	sshra.s32 s12, $0x2;
	s12 =	sadd.s32 $0x200, s12  }
.LBB2_19:
0x257: {  	p2 =	sne.s32 s12, $0x3E00;
	[tilespmem:s1+$0x1D9F0] =	vst v0  }
0x258: {  	[tilespmem:s1+$0x1D980] =	vst v0  }
0x259: {  	[tilespmem:s1+$0x1D990] =	vst v0  }
.Ltmp14:
0x25a: {  	[tilespmem:s1+$0x1D9A0] =	vst v0;
	(pc) =	sbr.rel @p2 .LBB2_19-.Ltmp14, $4  }
0x25b: {  	[tilespmem:s1+$0x1D9B0] =	vst v0  }
0x25c: {  	[tilespmem:s1+$0x1D9C0] =	vst v0  }
0x25d: {  	[tilespmem:s1+$0x1D9D0] =	vst v0  }
0x25e: {  	[tilespmem:s1+$0x1D9E0] =	vst v0;
	s1 =	sshra.s32 s12, $0x2;
	s12 =	sadd.s32 $0x200, s12  }
.Ltmp15:
0x25f: {  	_ = 	snop;
	(pc) =	sbr.rel .LBB2_20-.Ltmp15, $1  }
0x260: {  	_ =	sdelay $0x3  }
.LBB2_23:
0x261: {  	_ =	sfence.sel $0x180000  }
0x262: {  	[bflag:$0x0] =	sbarrier.arrive $0xFFFF  }
0x263: {  	_ =	strace $0x90000047  }
0x264: {  	s0 =	stileid.u32;
	[bflag:$0x2] =	sbarrier.arrive $0xFFFF  }
0x265: {  	p0 =	sne.s32 s0, $0x0;
	s0 =	rddreg [dreg:$0x5]  }
0x266: {  	s0 =	sadd.s32 @!p0 $0x100000, s0  }
0x267: {  	[sflag:s0] =	ssyncadd.tile.s32 @!p0 $0x1;
	_ =	shalt  }
.Lfunc_end2:
_tile_overlayer_lowered:
.L_overlay_start_2:
0x268: {  	(tag) =	ssettag $0x2  }
0x269: {  	s0 =	rddreg [dreg:$0x0];
	s2 =	stileid.u32  }
0x26a: {  	s1 =	rddreg [dreg:$0x1];
	p0 =	sne.s32 s2, $0x0  }
0x26b: {  	s3 =	rddreg [dreg:$0x2];
	[bflag:$0x3] =	sbarrier.arrive $0xFFFF;
	s2 =	simm.s32 @!p0 $0x1C08  }
0x26c: {  	[timem:s3], [sflag:s2] =	dma.local @!p0 [hbm:s0], s1  }
0x26d: {  	s0 =	simm.s32 @!p0 $0x8  }
0x26e: {  	_ =	swait.ge @!p0 [sflag:s0], s1  }
0x26f: {  	s1 =	ssub.s32 @!p0 $0x0, s1;
	[sflag:s0] =	ssyncset.done @!p0 $0x0  }
0x270: {  	[sflag:s0] =	ssyncadd.s32 @!p0 s1  }
0x271: {  	[bflag:$0x3] =	sbarrier.arrive $0xFFFF  }
0x272: {  	_ =	shalt  }

</sc_bundles>
